<compile_context>
chip_gen: v7x
topology: tpu7x:2x2x1
jax: 0.10.2.dev20260603
libtpu: 0.0.44.dev20260713+nightly
codegen_flags: <defaults>
</compile_context>

<pallas_src>
import functools

import jax
import jax.numpy as jnp
from jax import lax
from jax.experimental import pallas as pl
from jax.experimental.pallas import tpu as pltpu
from jax.experimental.pallas import tpu_sc as plsc

B = 16384
N_NUM = 128
N_CAT = 26
VOCAB = 100000

NW = 32
BPW = B // NW
LANES = 16
NVEC = BPW // LANES
CHUNK = 128
NCH = BPW // CHUNK


def _sc_embed_sum(xcat_t, tabs, off, ncat):
    mesh = plsc.VectorSubcoreMesh(core_axis_name="c", subcore_axis_name="s")

    @functools.partial(
        pl.kernel,
        mesh=mesh,
        out_type=jax.ShapeDtypeStruct((B,), jnp.float32),
        scratch_types=[
            pltpu.VMEM((ncat, BPW), jnp.int32),
            pltpu.VMEM((ncat, BPW), jnp.float32),
            pltpu.VMEM((BPW,), jnp.float32),
            pltpu.SemaphoreType.DMA,
        ],
    )
    def k(xcat_hbm, *rest):
        tab_hbms = rest[:ncat]
        out_hbm, idx_v, g_v, acc_v, sem = rest[ncat:]
        wid = lax.axis_index("s") * 2 + lax.axis_index("c")
        base = wid * BPW
        pltpu.sync_copy(
            xcat_hbm.at[pl.ds(off, ncat), pl.ds(base, BPW)], idx_v
        )

        copies = []
        for i in range(ncat):
            for c in range(NCH):
                sl = pl.ds(c * CHUNK, CHUNK)
                copies.append(
                    pltpu.async_copy(
                        tab_hbms[i].at[idx_v.at[i, sl]], g_v.at[i, sl], sem
                    )
                )
        for cp in copies:
            cp.wait()

        def rbody(j, _):
            sl = pl.ds(j * LANES, LANES)
            acc = g_v[0, sl]
            for i in range(1, ncat):
                acc = acc + g_v[i, sl]
            acc_v[sl] = acc
            return 0
        lax.fori_loop(0, NVEC, rbody, 0)

        pltpu.sync_copy(acc_v, out_hbm.at[pl.ds(base, BPW)])

    return k(xcat_t, *tabs)


def _tc_linear_plus(x, w, b):
    blk = 2048

    def body(x_ref, w_ref, b_ref, o_ref):
        mv = jnp.dot(x_ref[...], w_ref[...], preferred_element_type=jnp.float32)
        o_ref[...] = mv.reshape(blk) + b_ref[0]

    return pl.pallas_call(
        body,
        grid=(B // blk,),
        in_specs=[
            pl.BlockSpec((blk, N_NUM), lambda i: (i, 0)),
            pl.BlockSpec((N_NUM, 1), lambda i: (0, 0)),
            pl.BlockSpec((1,), lambda i: (0,)),
        ],
        out_specs=pl.BlockSpec((blk,), lambda i: (i,)),
        out_shape=jax.ShapeDtypeStruct((B,), jnp.float32),
    )(x, w, b)


GROUPS = ((0, 16), (16, 10))


def kernel(x_num, x_cat, W, b, tables):
    xcat_t = x_cat.T
    embs = []
    for off, n in GROUPS:
        g = [
            lax.slice(tables, (i, 0, 0), (i + 1, VOCAB, 1)).reshape(VOCAB)
            for i in range(off, off + n)
        ]
        embs.append(_sc_embed_sum(xcat_t, g, off, n))
    lin = _tc_linear_plus(x_num, W, b)
    out = lin + embs[0] + embs[1]
    return out[:, None]

# --- scband reference (transcript-rebuilt; emitter-appended) ---
"""Pipeline reference for scband-hedonic-linear-2095944041105 (READ-ONLY COPY).

The authoritative reference and input builder live on the scoring server;
editing this copy changes nothing except your own understanding.
"""

import jax, jax.numpy as jnp
import numpy as np

B = 16384
N_NUM = 128
N_CAT = 26
VOCAB = 100000


def setup_inputs(seed: int = 0) -> dict:
    key = jax.random.key(seed)
    k1, k2, k3 = jax.random.split(key, 3)
    x_num = jax.random.normal(k1, (B, N_NUM), dtype=jnp.float32)
    x_cat = jax.random.randint(k2, (B, N_CAT), 0, VOCAB, dtype=jnp.int32)
    # nn.Linear(n_num, 1) params: weight [1, n_num] -> use W [n_num, 1], bias [1]
    bound = 1.0 / np.sqrt(N_NUM)
    W = jax.random.uniform(k3, (N_NUM, 1), dtype=jnp.float32, minval=-bound, maxval=bound)
    b = jnp.zeros((1,), dtype=jnp.float32)
    # 26 embedding tables of shape [VOCAB, 1], zero-initialized (per module init), stacked
    tables = jnp.zeros((N_CAT, VOCAB, 1), dtype=jnp.float32)
    return {"x_num": x_num, "x_cat": x_cat, "W": W, "b": b, "tables": tables}


def reference(x_num, x_cat, W, b, tables):
    # y_hat = b + x_num @ W + sum_i beta_i[x_cat[:, i]]
    out = x_num @ W + b
    for i in range(N_CAT):
        out = out + jnp.take(tables[i], x_cat[:, i], axis=0)
    return out

if __name__ == "__main__":
    import jax
    _d = setup_inputs()
    print(jax.jit(kernel)(*tuple(_d.values())))

</pallas_src>

<mosaic_0001>
#map = affine_map<(d0, d1) -> (0, 0)>
#map1 = affine_map<(d0, d1) -> (0)>
module attributes {stable_mosaic.version = 14 : i64} {
  func.func @k(%arg0: i32, %arg1: i32, %arg2: memref<26x16384xi32, #tpu.memory_space<hbm>>, %arg3: memref<100000xf32, #tpu.memory_space<hbm>>, %arg4: memref<100000xf32, #tpu.memory_space<hbm>>, %arg5: memref<100000xf32, #tpu.memory_space<hbm>>, %arg6: memref<100000xf32, #tpu.memory_space<hbm>>, %arg7: memref<100000xf32, #tpu.memory_space<hbm>>, %arg8: memref<100000xf32, #tpu.memory_space<hbm>>, %arg9: memref<100000xf32, #tpu.memory_space<hbm>>, %arg10: memref<100000xf32, #tpu.memory_space<hbm>>, %arg11: memref<100000xf32, #tpu.memory_space<hbm>>, %arg12: memref<100000xf32, #tpu.memory_space<hbm>>, %arg13: memref<16384xf32, #tpu.memory_space<hbm>>, %arg14: memref<10x512xi32, #tpu.memory_space<vmem>>, %arg15: memref<10x512xf32, #tpu.memory_space<vmem>>, %arg16: memref<512xf32, #tpu.memory_space<vmem>>, %arg17: memref<!tpu.dma_semaphore, #tpu.memory_space<semaphore_mem>>) attributes {dimension_semantics = [#tpu.dimension_semantics<core_parallel>, #tpu.dimension_semantics<subcore_parallel>], iteration_bounds = array<i64: 2, 16>, scalar_prefetch = 0 : i64, scratch_operands = 4 : i64, tpu.core_type = #tpu.core_type<sc_vector_subcore>, window_params = [{transform_indices = #map}, {transform_indices = #map1}, {transform_indices = #map1}, {transform_indices = #map1}, {transform_indices = #map1}, {transform_indices = #map1}, {transform_indices = #map1}, {transform_indices = #map1}, {transform_indices = #map1}, {transform_indices = #map1}, {transform_indices = #map1}, {transform_indices = #map1}]} {
    %mul3A = arith.constant 2 : i32
    %mul3A_0 = arith.muli %arg1, %mul3A : i32
    %add3A = arith.addi %mul3A_0, %arg0 : i32
    %mul3A_1 = arith.constant 512 : i32
    %mul3A_2 = arith.muli %add3A, %mul3A_1 : i32
    "tpu.region"() ({
      %run_scoped3A = tpu.sem_alloc : memref<!tpu.dma_semaphore, #tpu.memory_space<semaphore_mem>>
      %dma_start3A_807 = arith.constant 16 : i32
      %dma_start3A_808 = tpu.memref_slice %arg2[%dma_start3A_807, %mul3A_2] : memref<26x16384xi32, #tpu.memory_space<hbm>> -> memref<10x512xi32, #tpu.memory_space<hbm>>
      %dma_start3A_809 = arith.constant 16 : i32
      %dma_start3A_810 = tpu.memref_slice %arg2[%dma_start3A_809, %mul3A_2] : memref<26x16384xi32, #tpu.memory_space<hbm>> -> memref<10x512xi32, #tpu.memory_space<hbm>>
      tpu.enqueue_dma source(%dma_start3A_810 : memref<10x512xi32, #tpu.memory_space<hbm>>) target(%arg14 : memref<10x512xi32, #tpu.memory_space<vmem>>) target_semaphore(%run_scoped3A : memref<!tpu.dma_semaphore, #tpu.memory_space<semaphore_mem>>)
      %dma_wait3A_811 = arith.constant 16 : i32
      %dma_wait3A_812 = tpu.memref_slice %arg2[%dma_wait3A_811, %mul3A_2] : memref<26x16384xi32, #tpu.memory_space<hbm>> -> memref<10x512xi32, #tpu.memory_space<hbm>>
      %dma_wait3A_813 = arith.constant 16 : i32
      %dma_wait3A_814 = tpu.memref_slice %arg2[%dma_wait3A_813, %mul3A_2] : memref<26x16384xi32, #tpu.memory_space<hbm>> -> memref<10x512xi32, #tpu.memory_space<hbm>>
      tpu.wait_dma2 semaphore(%run_scoped3A : memref<!tpu.dma_semaphore, #tpu.memory_space<semaphore_mem>>) src(%dma_wait3A_814 : memref<10x512xi32, #tpu.memory_space<hbm>>) dst(%arg14 : memref<10x512xi32, #tpu.memory_space<vmem>>)
      tpu.yield
    }) : () -> ()
    %dma_start3A = arith.constant 0 : i32
    %dma_start3A_3 = arith.constant 0 : i32
    %dma_start3A_4 = arith.constant 0 : i32
    %dma_start3A_5 = tpu.memref_slice %arg15[%dma_start3A_3, %dma_start3A_4] : memref<10x512xf32, #tpu.memory_space<vmem>> -> memref<1x128xf32, #tpu.memory_space<vmem>>
    %dma_start3A_6 = tpu.memref_squeeze %dma_start3A_5 : memref<1x128xf32, #tpu.memory_space<vmem>> -> memref<128xf32, #tpu.memory_space<vmem>>
    %dma_start3A_7 = arith.constant 0 : i32
    %dma_start3A_8 = tpu.memref_slice %arg14[%dma_start3A, %dma_start3A_7] : memref<10x512xi32, #tpu.memory_space<vmem>> -> memref<1x128xi32, #tpu.memory_space<vmem>>
    %dma_start3A_9 = tpu.memref_squeeze %dma_start3A_8 : memref<1x128xi32, #tpu.memory_space<vmem>> -> memref<128xi32, #tpu.memory_space<vmem>>
    %dma_start3A_10 = arith.constant 0 : i32
    %dma_start3A_11 = tpu.memref_slice %arg3[%dma_start3A_10] : memref<100000xf32, #tpu.memory_space<hbm>> -> memref<100000xf32, #tpu.memory_space<hbm>>
    tpu.enqueue_indirect_dma source(%dma_start3A_11 : memref<100000xf32, #tpu.memory_space<hbm>>) target(%dma_start3A_6 : memref<128xf32, #tpu.memory_space<vmem>>) offsets(%dma_start3A_9 : memref<128xi32, #tpu.memory_space<vmem>>) semaphore(%arg17 : memref<!tpu.dma_semaphore, #tpu.memory_space<semaphore_mem>>)
    %dma_start3A_12 = arith.constant 0 : i32
    %dma_start3A_13 = arith.constant 0 : i32
    %dma_start3A_14 = arith.constant 128 : i32
    %dma_start3A_15 = tpu.memref_slice %arg15[%dma_start3A_13, %dma_start3A_14] : memref<10x512xf32, #tpu.memory_space<vmem>> -> memref<1x128xf32, #tpu.memory_space<vmem>>
    %dma_start3A_16 = tpu.memref_squeeze %dma_start3A_15 : memref<1x128xf32, #tpu.memory_space<vmem>> -> memref<128xf32, #tpu.memory_space<vmem>>
    %dma_start3A_17 = arith.constant 128 : i32
    %dma_start3A_18 = tpu.memref_slice %arg14[%dma_start3A_12, %dma_start3A_17] : memref<10x512xi32, #tpu.memory_space<vmem>> -> memref<1x128xi32, #tpu.memory_space<vmem>>
    %dma_start3A_19 = tpu.memref_squeeze %dma_start3A_18 : memref<1x128xi32, #tpu.memory_space<vmem>> -> memref<128xi32, #tpu.memory_space<vmem>>
    %dma_start3A_20 = arith.constant 0 : i32
    %dma_start3A_21 = tpu.memref_slice %arg3[%dma_start3A_20] : memref<100000xf32, #tpu.memory_space<hbm>> -> memref<100000xf32, #tpu.memory_space<hbm>>
    tpu.enqueue_indirect_dma source(%dma_start3A_21 : memref<100000xf32, #tpu.memory_space<hbm>>) target(%dma_start3A_16 : memref<128xf32, #tpu.memory_space<vmem>>) offsets(%dma_start3A_19 : memref<128xi32, #tpu.memory_space<vmem>>) semaphore(%arg17 : memref<!tpu.dma_semaphore, #tpu.memory_space<semaphore_mem>>)
    %dma_start3A_22 = arith.constant 0 : i32
    %dma_start3A_23 = arith.constant 0 : i32
    %dma_start3A_24 = arith.constant 256 : i32
    %dma_start3A_25 = tpu.memref_slice %arg15[%dma_start3A_23, %dma_start3A_24] : memref<10x512xf32, #tpu.memory_space<vmem>> -> memref<1x128xf32, #tpu.memory_space<vmem>>
    %dma_start3A_26 = tpu.memref_squeeze %dma_start3A_25 : memref<1x128xf32, #tpu.memory_space<vmem>> -> memref<128xf32, #tpu.memory_space<vmem>>
    %dma_start3A_27 = arith.constant 256 : i32
    %dma_start3A_28 = tpu.memref_slice %arg14[%dma_start3A_22, %dma_start3A_27] : memref<10x512xi32, #tpu.memory_space<vmem>> -> memref<1x128xi32, #tpu.memory_space<vmem>>
    %dma_start3A_29 = tpu.memref_squeeze %dma_start3A_28 : memref<1x128xi32, #tpu.memory_space<vmem>> -> memref<128xi32, #tpu.memory_space<vmem>>
    %dma_start3A_30 = arith.constant 0 : i32
    %dma_start3A_31 = tpu.memref_slice %arg3[%dma_start3A_30] : memref<100000xf32, #tpu.memory_space<hbm>> -> memref<100000xf32, #tpu.memory_space<hbm>>
    tpu.enqueue_indirect_dma source(%dma_start3A_31 : memref<100000xf32, #tpu.memory_space<hbm>>) target(%dma_start3A_26 : memref<128xf32, #tpu.memory_space<vmem>>) offsets(%dma_start3A_29 : memref<128xi32, #tpu.memory_space<vmem>>) semaphore(%arg17 : memref<!tpu.dma_semaphore, #tpu.memory_space<semaphore_mem>>)
    %dma_start3A_32 = arith.constant 0 : i32
    %dma_start3A_33 = arith.constant 0 : i32
    %dma_start3A_34 = arith.constant 384 : i32
    %dma_start3A_35 = tpu.memref_slice %arg15[%dma_start3A_33, %dma_start3A_34] : memref<10x512xf32, #tpu.memory_space<vmem>> -> memref<1x128xf32, #tpu.memory_space<vmem>>
    %dma_start3A_36 = tpu.memref_squeeze %dma_start3A_35 : memref<1x128xf32, #tpu.memory_space<vmem>> -> memref<128xf32, #tpu.memory_space<vmem>>
    %dma_start3A_37 = arith.constant 384 : i32
    %dma_start3A_38 = tpu.memref_slice %arg14[%dma_start3A_32, %dma_start3A_37] : memref<10x512xi32, #tpu.memory_space<vmem>> -> memref<1x128xi32, #tpu.memory_space<vmem>>
    %dma_start3A_39 = tpu.memref_squeeze %dma_start3A_38 : memref<1x128xi32, #tpu.memory_space<vmem>> -> memref<128xi32, #tpu.memory_space<vmem>>
    %dma_start3A_40 = arith.constant 0 : i32
    %dma_start3A_41 = tpu.memref_slice %arg3[%dma_start3A_40] : memref<100000xf32, #tpu.memory_space<hbm>> -> memref<100000xf32, #tpu.memory_space<hbm>>
    tpu.enqueue_indirect_dma source(%dma_start3A_41 : memref<100000xf32, #tpu.memory_space<hbm>>) target(%dma_start3A_36 : memref<128xf32, #tpu.memory_space<vmem>>) offsets(%dma_start3A_39 : memref<128xi32, #tpu.memory_space<vmem>>) semaphore(%arg17 : memref<!tpu.dma_semaphore, #tpu.memory_space<semaphore_mem>>)
    %dma_start3A_42 = arith.constant 1 : i32
    %dma_start3A_43 = arith.constant 1 : i32
    %dma_start3A_44 = arith.constant 0 : i32
    %dma_start3A_45 = tpu.memref_slice %arg15[%dma_start3A_43, %dma_start3A_44] : memref<10x512xf32, #tpu.memory_space<vmem>> -> memref<1x128xf32, #tpu.memory_space<vmem>>
    %dma_start3A_46 = tpu.memref_squeeze %dma_start3A_45 : memref<1x128xf32, #tpu.memory_space<vmem>> -> memref<128xf32, #tpu.memory_space<vmem>>
    %dma_start3A_47 = arith.constant 0 : i32
    %dma_start3A_48 = tpu.memref_slice %arg14[%dma_start3A_42, %dma_start3A_47] : memref<10x512xi32, #tpu.memory_space<vmem>> -> memref<1x128xi32, #tpu.memory_space<vmem>>
    %dma_start3A_49 = tpu.memref_squeeze %dma_start3A_48 : memref<1x128xi32, #tpu.memory_space<vmem>> -> memref<128xi32, #tpu.memory_space<vmem>>
    %dma_start3A_50 = arith.constant 0 : i32
    %dma_start3A_51 = tpu.memref_slice %arg4[%dma_start3A_50] : memref<100000xf32, #tpu.memory_space<hbm>> -> memref<100000xf32, #tpu.memory_space<hbm>>
    tpu.enqueue_indirect_dma source(%dma_start3A_51 : memref<100000xf32, #tpu.memory_space<hbm>>) target(%dma_start3A_46 : memref<128xf32, #tpu.memory_space<vmem>>) offsets(%dma_start3A_49 : memref<128xi32, #tpu.memory_space<vmem>>) semaphore(%arg17 : memref<!tpu.dma_semaphore, #tpu.memory_space<semaphore_mem>>)
    %dma_start3A_52 = arith.constant 1 : i32
    %dma_start3A_53 = arith.constant 1 : i32
    %dma_start3A_54 = arith.constant 128 : i32
    %dma_start3A_55 = tpu.memref_slice %arg15[%dma_start3A_53, %dma_start3A_54] : memref<10x512xf32, #tpu.memory_space<vmem>> -> memref<1x128xf32, #tpu.memory_space<vmem>>
    %dma_start3A_56 = tpu.memref_squeeze %dma_start3A_55 : memref<1x128xf32, #tpu.memory_space<vmem>> -> memref<128xf32, #tpu.memory_space<vmem>>
    %dma_start3A_57 = arith.constant 128 : i32
    %dma_start3A_58 = tpu.memref_slice %arg14[%dma_start3A_52, %dma_start3A_57] : memref<10x512xi32, #tpu.memory_space<vmem>> -> memref<1x128xi32, #tpu.memory_space<vmem>>
    %dma_start3A_59 = tpu.memref_squeeze %dma_start3A_58 : memref<1x128xi32, #tpu.memory_space<vmem>> -> memref<128xi32, #tpu.memory_space<vmem>>
    %dma_start3A_60 = arith.constant 0 : i32
    %dma_start3A_61 = tpu.memref_slice %arg4[%dma_start3A_60] : memref<100000xf32, #tpu.memory_space<hbm>> -> memref<100000xf32, #tpu.memory_space<hbm>>
    tpu.enqueue_indirect_dma source(%dma_start3A_61 : memref<100000xf32, #tpu.memory_space<hbm>>) target(%dma_start3A_56 : memref<128xf32, #tpu.memory_space<vmem>>) offsets(%dma_start3A_59 : memref<128xi32, #tpu.memory_space<vmem>>) semaphore(%arg17 : memref<!tpu.dma_semaphore, #tpu.memory_space<semaphore_mem>>)
    %dma_start3A_62 = arith.constant 1 : i32
    %dma_start3A_63 = arith.constant 1 : i32
    %dma_start3A_64 = arith.constant 256 : i32
    %dma_start3A_65 = tpu.memref_slice %arg15[%dma_start3A_63, %dma_start3A_64] : memref<10x512xf32, #tpu.memory_space<vmem>> -> memref<1x128xf32, #tpu.memory_space<vmem>>
    %dma_start3A_66 = tpu.memref_squeeze %dma_start3A_65 : memref<1x128xf32, #tpu.memory_space<vmem>> -> memref<128xf32, #tpu.memory_space<vmem>>
    %dma_start3A_67 = arith.constant 256 : i32
    %dma_start3A_68 = tpu.memref_slice %arg14[%dma_start3A_62, %dma_start3A_67] : memref<10x512xi32, #tpu.memory_space<vmem>> -> memref<1x128xi32, #tpu.memory_space<vmem>>
    %dma_start3A_69 = tpu.memref_squeeze %dma_start3A_68 : memref<1x128xi32, #tpu.memory_space<vmem>> -> memref<128xi32, #tpu.memory_space<vmem>>
    %dma_start3A_70 = arith.constant 0 : i32
    %dma_start3A_71 = tpu.memref_slice %arg4[%dma_start3A_70] : memref<100000xf32, #tpu.memory_space<hbm>> -> memref<100000xf32, #tpu.memory_space<hbm>>
    tpu.enqueue_indirect_dma source(%dma_start3A_71 : memref<100000xf32, #tpu.memory_space<hbm>>) target(%dma_start3A_66 : memref<128xf32, #tpu.memory_space<vmem>>) offsets(%dma_start3A_69 : memref<128xi32, #tpu.memory_space<vmem>>) semaphore(%arg17 : memref<!tpu.dma_semaphore, #tpu.memory_space<semaphore_mem>>)
    %dma_start3A_72 = arith.constant 1 : i32
    %dma_start3A_73 = arith.constant 1 : i32
    %dma_start3A_74 = arith.constant 384 : i32
    %dma_start3A_75 = tpu.memref_slice %arg15[%dma_start3A_73, %dma_start3A_74] : memref<10x512xf32, #tpu.memory_space<vmem>> -> memref<1x128xf32, #tpu.memory_space<vmem>>
    %dma_start3A_76 = tpu.memref_squeeze %dma_start3A_75 : memref<1x128xf32, #tpu.memory_space<vmem>> -> memref<128xf32, #tpu.memory_space<vmem>>
    %dma_start3A_77 = arith.constant 384 : i32
    %dma_start3A_78 = tpu.memref_slice %arg14[%dma_start3A_72, %dma_start3A_77] : memref<10x512xi32, #tpu.memory_space<vmem>> -> memref<1x128xi32, #tpu.memory_space<vmem>>
    %dma_start3A_79 = tpu.memref_squeeze %dma_start3A_78 : memref<1x128xi32, #tpu.memory_space<vmem>> -> memref<128xi32, #tpu.memory_space<vmem>>
    %dma_start3A_80 = arith.constant 0 : i32
    %dma_start3A_81 = tpu.memref_slice %arg4[%dma_start3A_80] : memref<100000xf32, #tpu.memory_space<hbm>> -> memref<100000xf32, #tpu.memory_space<hbm>>
    tpu.enqueue_indirect_dma source(%dma_start3A_81 : memref<100000xf32, #tpu.memory_space<hbm>>) target(%dma_start3A_76 : memref<128xf32, #tpu.memory_space<vmem>>) offsets(%dma_start3A_79 : memref<128xi32, #tpu.memory_space<vmem>>) semaphore(%arg17 : memref<!tpu.dma_semaphore, #tpu.memory_space<semaphore_mem>>)
    %dma_start3A_82 = arith.constant 2 : i32
    %dma_start3A_83 = arith.constant 2 : i32
    %dma_start3A_84 = arith.constant 0 : i32
    %dma_start3A_85 = tpu.memref_slice %arg15[%dma_start3A_83, %dma_start3A_84] : memref<10x512xf32, #tpu.memory_space<vmem>> -> memref<1x128xf32, #tpu.memory_space<vmem>>
    %dma_start3A_86 = tpu.memref_squeeze %dma_start3A_85 : memref<1x128xf32, #tpu.memory_space<vmem>> -> memref<128xf32, #tpu.memory_space<vmem>>
    %dma_start3A_87 = arith.constant 0 : i32
    %dma_start3A_88 = tpu.memref_slice %arg14[%dma_start3A_82, %dma_start3A_87] : memref<10x512xi32, #tpu.memory_space<vmem>> -> memref<1x128xi32, #tpu.memory_space<vmem>>
    %dma_start3A_89 = tpu.memref_squeeze %dma_start3A_88 : memref<1x128xi32, #tpu.memory_space<vmem>> -> memref<128xi32, #tpu.memory_space<vmem>>
    %dma_start3A_90 = arith.constant 0 : i32
    %dma_start3A_91 = tpu.memref_slice %arg5[%dma_start3A_90] : memref<100000xf32, #tpu.memory_space<hbm>> -> memref<100000xf32, #tpu.memory_space<hbm>>
    tpu.enqueue_indirect_dma source(%dma_start3A_91 : memref<100000xf32, #tpu.memory_space<hbm>>) target(%dma_start3A_86 : memref<128xf32, #tpu.memory_space<vmem>>) offsets(%dma_start3A_89 : memref<128xi32, #tpu.memory_space<vmem>>) semaphore(%arg17 : memref<!tpu.dma_semaphore, #tpu.memory_space<semaphore_mem>>)
    %dma_start3A_92 = arith.constant 2 : i32
    %dma_start3A_93 = arith.constant 2 : i32
    %dma_start3A_94 = arith.constant 128 : i32
    %dma_start3A_95 = tpu.memref_slice %arg15[%dma_start3A_93, %dma_start3A_94] : memref<10x512xf32, #tpu.memory_space<vmem>> -> memref<1x128xf32, #tpu.memory_space<vmem>>
    %dma_start3A_96 = tpu.memref_squeeze %dma_start3A_95 : memref<1x128xf32, #tpu.memory_space<vmem>> -> memref<128xf32, #tpu.memory_space<vmem>>
    %dma_start3A_97 = arith.constant 128 : i32
    %dma_start3A_98 = tpu.memref_slice %arg14[%dma_start3A_92, %dma_start3A_97] : memref<10x512xi32, #tpu.memory_space<vmem>> -> memref<1x128xi32, #tpu.memory_space<vmem>>
    %dma_start3A_99 = tpu.memref_squeeze %dma_start3A_98 : memref<1x128xi32, #tpu.memory_space<vmem>> -> memref<128xi32, #tpu.memory_space<vmem>>
    %dma_start3A_100 = arith.constant 0 : i32
    %dma_start3A_101 = tpu.memref_slice %arg5[%dma_start3A_100] : memref<100000xf32, #tpu.memory_space<hbm>> -> memref<100000xf32, #tpu.memory_space<hbm>>
    tpu.enqueue_indirect_dma source(%dma_start3A_101 : memref<100000xf32, #tpu.memory_space<hbm>>) target(%dma_start3A_96 : memref<128xf32, #tpu.memory_space<vmem>>) offsets(%dma_start3A_99 : memref<128xi32, #tpu.memory_space<vmem>>) semaphore(%arg17 : memref<!tpu.dma_semaphore, #tpu.memory_space<semaphore_mem>>)
    %dma_start3A_102 = arith.constant 2 : i32
    %dma_start3A_103 = arith.constant 2 : i32
    %dma_start3A_104 = arith.constant 256 : i32
    %dma_start3A_105 = tpu.memref_slice %arg15[%dma_start3A_103, %dma_start3A_104] : memref<10x512xf32, #tpu.memory_space<vmem>> -> memref<1x128xf32, #tpu.memory_space<vmem>>
    %dma_start3A_106 = tpu.memref_squeeze %dma_start3A_105 : memref<1x128xf32, #tpu.memory_space<vmem>> -> memref<128xf32, #tpu.memory_space<vmem>>
    %dma_start3A_107 = arith.constant 256 : i32
    %dma_start3A_108 = tpu.memref_slice %arg14[%dma_start3A_102, %dma_start3A_107] : memref<10x512xi32, #tpu.memory_space<vmem>> -> memref<1x128xi32, #tpu.memory_space<vmem>>
    %dma_start3A_109 = tpu.memref_squeeze %dma_start3A_108 : memref<1x128xi32, #tpu.memory_space<vmem>> -> memref<128xi32, #tpu.memory_space<vmem>>
    %dma_start3A_110 = arith.constant 0 : i32
    %dma_start3A_111 = tpu.memref_slice %arg5[%dma_start3A_110] : memref<100000xf32, #tpu.memory_space<hbm>> -> memref<100000xf32, #tpu.memory_space<hbm>>
    tpu.enqueue_indirect_dma source(%dma_start3A_111 : memref<100000xf32, #tpu.memory_space<hbm>>) target(%dma_start3A_106 : memref<128xf32, #tpu.memory_space<vmem>>) offsets(%dma_start3A_109 : memref<128xi32, #tpu.memory_space<vmem>>) semaphore(%arg17 : memref<!tpu.dma_semaphore, #tpu.memory_space<semaphore_mem>>)
    %dma_start3A_112 = arith.constant 2 : i32
    %dma_start3A_113 = arith.constant 2 : i32
    %dma_start3A_114 = arith.constant 384 : i32
    %dma_start3A_115 = tpu.memref_slice %arg15[%dma_start3A_113, %dma_start3A_114] : memref<10x512xf32, #tpu.memory_space<vmem>> -> memref<1x128xf32, #tpu.memory_space<vmem>>
    %dma_start3A_116 = tpu.memref_squeeze %dma_start3A_115 : memref<1x128xf32, #tpu.memory_space<vmem>> -> memref<128xf32, #tpu.memory_space<vmem>>
    %dma_start3A_117 = arith.constant 384 : i32
    %dma_start3A_118 = tpu.memref_slice %arg14[%dma_start3A_112, %dma_start3A_117] : memref<10x512xi32, #tpu.memory_space<vmem>> -> memref<1x128xi32, #tpu.memory_space<vmem>>
    %dma_start3A_119 = tpu.memref_squeeze %dma_start3A_118 : memref<1x128xi32, #tpu.memory_space<vmem>> -> memref<128xi32, #tpu.memory_space<vmem>>
    %dma_start3A_120 = arith.constant 0 : i32
    %dma_start3A_121 = tpu.memref_slice %arg5[%dma_start3A_120] : memref<100000xf32, #tpu.memory_space<hbm>> -> memref<100000xf32, #tpu.memory_space<hbm>>
    tpu.enqueue_indirect_dma source(%dma_start3A_121 : memref<100000xf32, #tpu.memory_space<hbm>>) target(%dma_start3A_116 : memref<128xf32, #tpu.memory_space<vmem>>) offsets(%dma_start3A_119 : memref<128xi32, #tpu.memory_space<vmem>>) semaphore(%arg17 : memref<!tpu.dma_semaphore, #tpu.memory_space<semaphore_mem>>)
    %dma_start3A_122 = arith.constant 3 : i32
    %dma_start3A_123 = arith.constant 3 : i32
    %dma_start3A_124 = arith.constant 0 : i32
    %dma_start3A_125 = tpu.memref_slice %arg15[%dma_start3A_123, %dma_start3A_124] : memref<10x512xf32, #tpu.memory_space<vmem>> -> memref<1x128xf32, #tpu.memory_space<vmem>>
    %dma_start3A_126 = tpu.memref_squeeze %dma_start3A_125 : memref<1x128xf32, #tpu.memory_space<vmem>> -> memref<128xf32, #tpu.memory_space<vmem>>
    %dma_start3A_127 = arith.constant 0 : i32
    %dma_start3A_128 = tpu.memref_slice %arg14[%dma_start3A_122, %dma_start3A_127] : memref<10x512xi32, #tpu.memory_space<vmem>> -> memref<1x128xi32, #tpu.memory_space<vmem>>
    %dma_start3A_129 = tpu.memref_squeeze %dma_start3A_128 : memref<1x128xi32, #tpu.memory_space<vmem>> -> memref<128xi32, #tpu.memory_space<vmem>>
    %dma_start3A_130 = arith.constant 0 : i32
    %dma_start3A_131 = tpu.memref_slice %arg6[%dma_start3A_130] : memref<100000xf32, #tpu.memory_space<hbm>> -> memref<100000xf32, #tpu.memory_space<hbm>>
    tpu.enqueue_indirect_dma source(%dma_start3A_131 : memref<100000xf32, #tpu.memory_space<hbm>>) target(%dma_start3A_126 : memref<128xf32, #tpu.memory_space<vmem>>) offsets(%dma_start3A_129 : memref<128xi32, #tpu.memory_space<vmem>>) semaphore(%arg17 : memref<!tpu.dma_semaphore, #tpu.memory_space<semaphore_mem>>)
    %dma_start3A_132 = arith.constant 3 : i32
    %dma_start3A_133 = arith.constant 3 : i32
    %dma_start3A_134 = arith.constant 128 : i32
    %dma_start3A_135 = tpu.memref_slice %arg15[%dma_start3A_133, %dma_start3A_134] : memref<10x512xf32, #tpu.memory_space<vmem>> -> memref<1x128xf32, #tpu.memory_space<vmem>>
    %dma_start3A_136 = tpu.memref_squeeze %dma_start3A_135 : memref<1x128xf32, #tpu.memory_space<vmem>> -> memref<128xf32, #tpu.memory_space<vmem>>
    %dma_start3A_137 = arith.constant 128 : i32
    %dma_start3A_138 = tpu.memref_slice %arg14[%dma_start3A_132, %dma_start3A_137] : memref<10x512xi32, #tpu.memory_space<vmem>> -> memref<1x128xi32, #tpu.memory_space<vmem>>
    %dma_start3A_139 = tpu.memref_squeeze %dma_start3A_138 : memref<1x128xi32, #tpu.memory_space<vmem>> -> memref<128xi32, #tpu.memory_space<vmem>>
    %dma_start3A_140 = arith.constant 0 : i32
    %dma_start3A_141 = tpu.memref_slice %arg6[%dma_start3A_140] : memref<100000xf32, #tpu.memory_space<hbm>> -> memref<100000xf32, #tpu.memory_space<hbm>>
    tpu.enqueue_indirect_dma source(%dma_start3A_141 : memref<100000xf32, #tpu.memory_space<hbm>>) target(%dma_start3A_136 : memref<128xf32, #tpu.memory_space<vmem>>) offsets(%dma_start3A_139 : memref<128xi32, #tpu.memory_space<vmem>>) semaphore(%arg17 : memref<!tpu.dma_semaphore, #tpu.memory_space<semaphore_mem>>)
    %dma_start3A_142 = arith.constant 3 : i32
    %dma_start3A_143 = arith.constant 3 : i32
    %dma_start3A_144 = arith.constant 256 : i32
    %dma_start3A_145 = tpu.memref_slice %arg15[%dma_start3A_143, %dma_start3A_144] : memref<10x512xf32, #tpu.memory_space<vmem>> -> memref<1x128xf32, #tpu.memory_space<vmem>>
    %dma_start3A_146 = tpu.memref_squeeze %dma_start3A_145 : memref<1x128xf32, #tpu.memory_space<vmem>> -> memref<128xf32, #tpu.memory_space<vmem>>
    %dma_start3A_147 = arith.constant 256 : i32
    %dma_start3A_148 = tpu.memref_slice %arg14[%dma_start3A_142, %dma_start3A_147] : memref<10x512xi32, #tpu.memory_space<vmem>> -> memref<1x128xi32, #tpu.memory_space<vmem>>
    %dma_start3A_149 = tpu.memref_squeeze %dma_start3A_148 : memref<1x128xi32, #tpu.memory_space<vmem>> -> memref<128xi32, #tpu.memory_space<vmem>>
    %dma_start3A_150 = arith.constant 0 : i32
    %dma_start3A_151 = tpu.memref_slice %arg6[%dma_start3A_150] : memref<100000xf32, #tpu.memory_space<hbm>> -> memref<100000xf32, #tpu.memory_space<hbm>>
    tpu.enqueue_indirect_dma source(%dma_start3A_151 : memref<100000xf32, #tpu.memory_space<hbm>>) target(%dma_start3A_146 : memref<128xf32, #tpu.memory_space<vmem>>) offsets(%dma_start3A_149 : memref<128xi32, #tpu.memory_space<vmem>>) semaphore(%arg17 : memref<!tpu.dma_semaphore, #tpu.memory_space<semaphore_mem>>)
    %dma_start3A_152 = arith.constant 3 : i32
    %dma_start3A_153 = arith.constant 3 : i32
    %dma_start3A_154 = arith.constant 384 : i32
    %dma_start3A_155 = tpu.memref_slice %arg15[%dma_start3A_153, %dma_start3A_154] : memref<10x512xf32, #tpu.memory_space<vmem>> -> memref<1x128xf32, #tpu.memory_space<vmem>>
    %dma_start3A_156 = tpu.memref_squeeze %dma_start3A_155 : memref<1x128xf32, #tpu.memory_space<vmem>> -> memref<128xf32, #tpu.memory_space<vmem>>
    %dma_start3A_157 = arith.constant 384 : i32
    %dma_start3A_158 = tpu.memref_slice %arg14[%dma_start3A_152, %dma_start3A_157] : memref<10x512xi32, #tpu.memory_space<vmem>> -> memref<1x128xi32, #tpu.memory_space<vmem>>
    %dma_start3A_159 = tpu.memref_squeeze %dma_start3A_158 : memref<1x128xi32, #tpu.memory_space<vmem>> -> memref<128xi32, #tpu.memory_space<vmem>>
    %dma_start3A_160 = arith.constant 0 : i32
    %dma_start3A_161 = tpu.memref_slice %arg6[%dma_start3A_160] : memref<100000xf32, #tpu.memory_space<hbm>> -> memref<100000xf32, #tpu.memory_space<hbm>>
    tpu.enqueue_indirect_dma source(%dma_start3A_161 : memref<100000xf32, #tpu.memory_space<hbm>>) target(%dma_start3A_156 : memref<128xf32, #tpu.memory_space<vmem>>) offsets(%dma_start3A_159 : memref<128xi32, #tpu.memory_space<vmem>>) semaphore(%arg17 : memref<!tpu.dma_semaphore, #tpu.memory_space<semaphore_mem>>)
    %dma_start3A_162 = arith.constant 4 : i32
    %dma_start3A_163 = arith.constant 4 : i32
    %dma_start3A_164 = arith.constant 0 : i32
    %dma_start3A_165 = tpu.memref_slice %arg15[%dma_start3A_163, %dma_start3A_164] : memref<10x512xf32, #tpu.memory_space<vmem>> -> memref<1x128xf32, #tpu.memory_space<vmem>>
    %dma_start3A_166 = tpu.memref_squeeze %dma_start3A_165 : memref<1x128xf32, #tpu.memory_space<vmem>> -> memref<128xf32, #tpu.memory_space<vmem>>
    %dma_start3A_167 = arith.constant 0 : i32
    %dma_start3A_168 = tpu.memref_slice %arg14[%dma_start3A_162, %dma_start3A_167] : memref<10x512xi32, #tpu.memory_space<vmem>> -> memref<1x128xi32, #tpu.memory_space<vmem>>
    %dma_start3A_169 = tpu.memref_squeeze %dma_start3A_168 : memref<1x128xi32, #tpu.memory_space<vmem>> -> memref<128xi32, #tpu.memory_space<vmem>>
    %dma_start3A_170 = arith.constant 0 : i32
    %dma_start3A_171 = tpu.memref_slice %arg7[%dma_start3A_170] : memref<100000xf32, #tpu.memory_space<hbm>> -> memref<100000xf32, #tpu.memory_space<hbm>>
    tpu.enqueue_indirect_dma source(%dma_start3A_171 : memref<100000xf32, #tpu.memory_space<hbm>>) target(%dma_start3A_166 : memref<128xf32, #tpu.memory_space<vmem>>) offsets(%dma_start3A_169 : memref<128xi32, #tpu.memory_space<vmem>>) semaphore(%arg17 : memref<!tpu.dma_semaphore, #tpu.memory_space<semaphore_mem>>)
    %dma_start3A_172 = arith.constant 4 : i32
    %dma_start3A_173 = arith.constant 4 : i32
    %dma_start3A_174 = arith.constant 128 : i32
    %dma_start3A_175 = tpu.memref_slice %arg15[%dma_start3A_173, %dma_start3A_174] : memref<10x512xf32, #tpu.memory_space<vmem>> -> memref<1x128xf32, #tpu.memory_space<vmem>>
    %dma_start3A_176 = tpu.memref_squeeze %dma_start3A_175 : memref<1x128xf32, #tpu.memory_space<vmem>> -> memref<128xf32, #tpu.memory_space<vmem>>
    %dma_start3A_177 = arith.constant 128 : i32
    %dma_start3A_178 = tpu.memref_slice %arg14[%dma_start3A_172, %dma_start3A_177] : memref<10x512xi32, #tpu.memory_space<vmem>> -> memref<1x128xi32, #tpu.memory_space<vmem>>
    %dma_start3A_179 = tpu.memref_squeeze %dma_start3A_178 : memref<1x128xi32, #tpu.memory_space<vmem>> -> memref<128xi32, #tpu.memory_space<vmem>>
    %dma_start3A_180 = arith.constant 0 : i32
    %dma_start3A_181 = tpu.memref_slice %arg7[%dma_start3A_180] : memref<100000xf32, #tpu.memory_space<hbm>> -> memref<100000xf32, #tpu.memory_space<hbm>>
    tpu.enqueue_indirect_dma source(%dma_start3A_181 : memref<100000xf32, #tpu.memory_space<hbm>>) target(%dma_start3A_176 : memref<128xf32, #tpu.memory_space<vmem>>) offsets(%dma_start3A_179 : memref<128xi32, #tpu.memory_space<vmem>>) semaphore(%arg17 : memref<!tpu.dma_semaphore, #tpu.memory_space<semaphore_mem>>)
    %dma_start3A_182 = arith.constant 4 : i32
    %dma_start3A_183 = arith.constant 4 : i32
    %dma_start3A_184 = arith.constant 256 : i32
    %dma_start3A_185 = tpu.memref_slice %arg15[%dma_start3A_183, %dma_start3A_184] : memref<10x512xf32, #tpu.memory_space<vmem>> -> memref<1x128xf32, #tpu.memory_space<vmem>>
    %dma_start3A_186 = tpu.memref_squeeze %dma_start3A_185 : memref<1x128xf32, #tpu.memory_space<vmem>> -> memref<128xf32, #tpu.memory_space<vmem>>
    %dma_start3A_187 = arith.constant 256 : i32
    %dma_start3A_188 = tpu.memref_slice %arg14[%dma_start3A_182, %dma_start3A_187] : memref<10x512xi32, #tpu.memory_space<vmem>> -> memref<1x128xi32, #tpu.memory_space<vmem>>
    %dma_start3A_189 = tpu.memref_squeeze %dma_start3A_188 : memref<1x128xi32, #tpu.memory_space<vmem>> -> memref<128xi32, #tpu.memory_space<vmem>>
    %dma_start3A_190 = arith.constant 0 : i32
    %dma_start3A_191 = tpu.memref_slice %arg7[%dma_start3A_190] : memref<100000xf32, #tpu.memory_space<hbm>> -> memref<100000xf32, #tpu.memory_space<hbm>>
    tpu.enqueue_indirect_dma source(%dma_start3A_191 : memref<100000xf32, #tpu.memory_space<hbm>>) target(%dma_start3A_186 : memref<128xf32, #tpu.memory_space<vmem>>) offsets(%dma_start3A_189 : memref<128xi32, #tpu.memory_space<vmem>>) semaphore(%arg17 : memref<!tpu.dma_semaphore, #tpu.memory_space<semaphore_mem>>)
    %dma_start3A_192 = arith.constant 4 : i32
    %dma_start3A_193 = arith.constant 4 : i32
    %dma_start3A_194 = arith.constant 384 : i32
    %dma_start3A_195 = tpu.memref_slice %arg15[%dma_start3A_193, %dma_start3A_194] : memref<10x512xf32, #tpu.memory_space<vmem>> -> memref<1x128xf32, #tpu.memory_space<vmem>>
    %dma_start3A_196 = tpu.memref_squeeze %dma_start3A_195 : memref<1x128xf32, #tpu.memory_space<vmem>> -> memref<128xf32, #tpu.memory_space<vmem>>
    %dma_start3A_197 = arith.constant 384 : i32
    %dma_start3A_198 = tpu.memref_slice %arg14[%dma_start3A_192, %dma_start3A_197] : memref<10x512xi32, #tpu.memory_space<vmem>> -> memref<1x128xi32, #tpu.memory_space<vmem>>
    %dma_start3A_199 = tpu.memref_squeeze %dma_start3A_198 : memref<1x128xi32, #tpu.memory_space<vmem>> -> memref<128xi32, #tpu.memory_space<vmem>>
    %dma_start3A_200 = arith.constant 0 : i32
    %dma_start3A_201 = tpu.memref_slice %arg7[%dma_start3A_200] : memref<100000xf32, #tpu.memory_space<hbm>> -> memref<100000xf32, #tpu.memory_space<hbm>>
    tpu.enqueue_indirect_dma source(%dma_start3A_201 : memref<100000xf32, #tpu.memory_space<hbm>>) target(%dma_start3A_196 : memref<128xf32, #tpu.memory_space<vmem>>) offsets(%dma_start3A_199 : memref<128xi32, #tpu.memory_space<vmem>>) semaphore(%arg17 : memref<!tpu.dma_semaphore, #tpu.memory_space<semaphore_mem>>)
    %dma_start3A_202 = arith.constant 5 : i32
    %dma_start3A_203 = arith.constant 5 : i32
    %dma_start3A_204 = arith.constant 0 : i32
    %dma_start3A_205 = tpu.memref_slice %arg15[%dma_start3A_203, %dma_start3A_204] : memref<10x512xf32, #tpu.memory_space<vmem>> -> memref<1x128xf32, #tpu.memory_space<vmem>>
    %dma_start3A_206 = tpu.memref_squeeze %dma_start3A_205 : memref<1x128xf32, #tpu.memory_space<vmem>> -> memref<128xf32, #tpu.memory_space<vmem>>
    %dma_start3A_207 = arith.constant 0 : i32
    %dma_start3A_208 = tpu.memref_slice %arg14[%dma_start3A_202, %dma_start3A_207] : memref<10x512xi32, #tpu.memory_space<vmem>> -> memref<1x128xi32, #tpu.memory_space<vmem>>
    %dma_start3A_209 = tpu.memref_squeeze %dma_start3A_208 : memref<1x128xi32, #tpu.memory_space<vmem>> -> memref<128xi32, #tpu.memory_space<vmem>>
    %dma_start3A_210 = arith.constant 0 : i32
    %dma_start3A_211 = tpu.memref_slice %arg8[%dma_start3A_210] : memref<100000xf32, #tpu.memory_space<hbm>> -> memref<100000xf32, #tpu.memory_space<hbm>>
    tpu.enqueue_indirect_dma source(%dma_start3A_211 : memref<100000xf32, #tpu.memory_space<hbm>>) target(%dma_start3A_206 : memref<128xf32, #tpu.memory_space<vmem>>) offsets(%dma_start3A_209 : memref<128xi32, #tpu.memory_space<vmem>>) semaphore(%arg17 : memref<!tpu.dma_semaphore, #tpu.memory_space<semaphore_mem>>)
    %dma_start3A_212 = arith.constant 5 : i32
    %dma_start3A_213 = arith.constant 5 : i32
    %dma_start3A_214 = arith.constant 128 : i32
    %dma_start3A_215 = tpu.memref_slice %arg15[%dma_start3A_213, %dma_start3A_214] : memref<10x512xf32, #tpu.memory_space<vmem>> -> memref<1x128xf32, #tpu.memory_space<vmem>>
    %dma_start3A_216 = tpu.memref_squeeze %dma_start3A_215 : memref<1x128xf32, #tpu.memory_space<vmem>> -> memref<128xf32, #tpu.memory_space<vmem>>
    %dma_start3A_217 = arith.constant 128 : i32
    %dma_start3A_218 = tpu.memref_slice %arg14[%dma_start3A_212, %dma_start3A_217] : memref<10x512xi32, #tpu.memory_space<vmem>> -> memref<1x128xi32, #tpu.memory_space<vmem>>
    %dma_start3A_219 = tpu.memref_squeeze %dma_start3A_218 : memref<1x128xi32, #tpu.memory_space<vmem>> -> memref<128xi32, #tpu.memory_space<vmem>>
    %dma_start3A_220 = arith.constant 0 : i32
    %dma_start3A_221 = tpu.memref_slice %arg8[%dma_start3A_220] : memref<100000xf32, #tpu.memory_space<hbm>> -> memref<100000xf32, #tpu.memory_space<hbm>>
    tpu.enqueue_indirect_dma source(%dma_start3A_221 : memref<100000xf32, #tpu.memory_space<hbm>>) target(%dma_start3A_216 : memref<128xf32, #tpu.memory_space<vmem>>) offsets(%dma_start3A_219 : memref<128xi32, #tpu.memory_space<vmem>>) semaphore(%arg17 : memref<!tpu.dma_semaphore, #tpu.memory_space<semaphore_mem>>)
    %dma_start3A_222 = arith.constant 5 : i32
    %dma_start3A_223 = arith.constant 5 : i32
    %dma_start3A_224 = arith.constant 256 : i32
    %dma_start3A_225 = tpu.memref_slice %arg15[%dma_start3A_223, %dma_start3A_224] : memref<10x512xf32, #tpu.memory_space<vmem>> -> memref<1x128xf32, #tpu.memory_space<vmem>>
    %dma_start3A_226 = tpu.memref_squeeze %dma_start3A_225 : memref<1x128xf32, #tpu.memory_space<vmem>> -> memref<128xf32, #tpu.memory_space<vmem>>
    %dma_start3A_227 = arith.constant 256 : i32
    %dma_start3A_228 = tpu.memref_slice %arg14[%dma_start3A_222, %dma_start3A_227] : memref<10x512xi32, #tpu.memory_space<vmem>> -> memref<1x128xi32, #tpu.memory_space<vmem>>
    %dma_start3A_229 = tpu.memref_squeeze %dma_start3A_228 : memref<1x128xi32, #tpu.memory_space<vmem>> -> memref<128xi32, #tpu.memory_space<vmem>>
    %dma_start3A_230 = arith.constant 0 : i32
    %dma_start3A_231 = tpu.memref_slice %arg8[%dma_start3A_230] : memref<100000xf32, #tpu.memory_space<hbm>> -> memref<100000xf32, #tpu.memory_space<hbm>>
    tpu.enqueue_indirect_dma source(%dma_start3A_231 : memref<100000xf32, #tpu.memory_space<hbm>>) target(%dma_start3A_226 : memref<128xf32, #tpu.memory_space<vmem>>) offsets(%dma_start3A_229 : memref<128xi32, #tpu.memory_space<vmem>>) semaphore(%arg17 : memref<!tpu.dma_semaphore, #tpu.memory_space<semaphore_mem>>)
    %dma_start3A_232 = arith.constant 5 : i32
    %dma_start3A_233 = arith.constant 5 : i32
    %dma_start3A_234 = arith.constant 384 : i32
    %dma_start3A_235 = tpu.memref_slice %arg15[%dma_start3A_233, %dma_start3A_234] : memref<10x512xf32, #tpu.memory_space<vmem>> -> memref<1x128xf32, #tpu.memory_space<vmem>>
    %dma_start3A_236 = tpu.memref_squeeze %dma_start3A_235 : memref<1x128xf32, #tpu.memory_space<vmem>> -> memref<128xf32, #tpu.memory_space<vmem>>
    %dma_start3A_237 = arith.constant 384 : i32
    %dma_start3A_238 = tpu.memref_slice %arg14[%dma_start3A_232, %dma_start3A_237] : memref<10x512xi32, #tpu.memory_space<vmem>> -> memref<1x128xi32, #tpu.memory_space<vmem>>
    %dma_start3A_239 = tpu.memref_squeeze %dma_start3A_238 : memref<1x128xi32, #tpu.memory_space<vmem>> -> memref<128xi32, #tpu.memory_space<vmem>>
    %dma_start3A_240 = arith.constant 0 : i32
    %dma_start3A_241 = tpu.memref_slice %arg8[%dma_start3A_240] : memref<100000xf32, #tpu.memory_space<hbm>> -> memref<100000xf32, #tpu.memory_space<hbm>>
    tpu.enqueue_indirect_dma source(%dma_start3A_241 : memref<100000xf32, #tpu.memory_space<hbm>>) target(%dma_start3A_236 : memref<128xf32, #tpu.memory_space<vmem>>) offsets(%dma_start3A_239 : memref<128xi32, #tpu.memory_space<vmem>>) semaphore(%arg17 : memref<!tpu.dma_semaphore, #tpu.memory_space<semaphore_mem>>)
    %dma_start3A_242 = arith.constant 6 : i32
    %dma_start3A_243 = arith.constant 6 : i32
    %dma_start3A_244 = arith.constant 0 : i32
    %dma_start3A_245 = tpu.memref_slice %arg15[%dma_start3A_243, %dma_start3A_244] : memref<10x512xf32, #tpu.memory_space<vmem>> -> memref<1x128xf32, #tpu.memory_space<vmem>>
    %dma_start3A_246 = tpu.memref_squeeze %dma_start3A_245 : memref<1x128xf32, #tpu.memory_space<vmem>> -> memref<128xf32, #tpu.memory_space<vmem>>
    %dma_start3A_247 = arith.constant 0 : i32
    %dma_start3A_248 = tpu.memref_slice %arg14[%dma_start3A_242, %dma_start3A_247] : memref<10x512xi32, #tpu.memory_space<vmem>> -> memref<1x128xi32, #tpu.memory_space<vmem>>
    %dma_start3A_249 = tpu.memref_squeeze %dma_start3A_248 : memref<1x128xi32, #tpu.memory_space<vmem>> -> memref<128xi32, #tpu.memory_space<vmem>>
    %dma_start3A_250 = arith.constant 0 : i32
    %dma_start3A_251 = tpu.memref_slice %arg9[%dma_start3A_250] : memref<100000xf32, #tpu.memory_space<hbm>> -> memref<100000xf32, #tpu.memory_space<hbm>>
    tpu.enqueue_indirect_dma source(%dma_start3A_251 : memref<100000xf32, #tpu.memory_space<hbm>>) target(%dma_start3A_246 : memref<128xf32, #tpu.memory_space<vmem>>) offsets(%dma_start3A_249 : memref<128xi32, #tpu.memory_space<vmem>>) semaphore(%arg17 : memref<!tpu.dma_semaphore, #tpu.memory_space<semaphore_mem>>)
    %dma_start3A_252 = arith.constant 6 : i32
    %dma_start3A_253 = arith.constant 6 : i32
    %dma_start3A_254 = arith.constant 128 : i32
    %dma_start3A_255 = tpu.memref_slice %arg15[%dma_start3A_253, %dma_start3A_254] : memref<10x512xf32, #tpu.memory_space<vmem>> -> memref<1x128xf32, #tpu.memory_space<vmem>>
    %dma_start3A_256 = tpu.memref_squeeze %dma_start3A_255 : memref<1x128xf32, #tpu.memory_space<vmem>> -> memref<128xf32, #tpu.memory_space<vmem>>
    %dma_start3A_257 = arith.constant 128 : i32
    %dma_start3A_258 = tpu.memref_slice %arg14[%dma_start3A_252, %dma_start3A_257] : memref<10x512xi32, #tpu.memory_space<vmem>> -> memref<1x128xi32, #tpu.memory_space<vmem>>
    %dma_start3A_259 = tpu.memref_squeeze %dma_start3A_258 : memref<1x128xi32, #tpu.memory_space<vmem>> -> memref<128xi32, #tpu.memory_space<vmem>>
    %dma_start3A_260 = arith.constant 0 : i32
    %dma_start3A_261 = tpu.memref_slice %arg9[%dma_start3A_260] : memref<100000xf32, #tpu.memory_space<hbm>> -> memref<100000xf32, #tpu.memory_space<hbm>>
    tpu.enqueue_indirect_dma source(%dma_start3A_261 : memref<100000xf32, #tpu.memory_space<hbm>>) target(%dma_start3A_256 : memref<128xf32, #tpu.memory_space<vmem>>) offsets(%dma_start3A_259 : memref<128xi32, #tpu.memory_space<vmem>>) semaphore(%arg17 : memref<!tpu.dma_semaphore, #tpu.memory_space<semaphore_mem>>)
    %dma_start3A_262 = arith.constant 6 : i32
    %dma_start3A_263 = arith.constant 6 : i32
    %dma_start3A_264 = arith.constant 256 : i32
    %dma_start3A_265 = tpu.memref_slice %arg15[%dma_start3A_263, %dma_start3A_264] : memref<10x512xf32, #tpu.memory_space<vmem>> -> memref<1x128xf32, #tpu.memory_space<vmem>>
    %dma_start3A_266 = tpu.memref_squeeze %dma_start3A_265 : memref<1x128xf32, #tpu.memory_space<vmem>> -> memref<128xf32, #tpu.memory_space<vmem>>
    %dma_start3A_267 = arith.constant 256 : i32
    %dma_start3A_268 = tpu.memref_slice %arg14[%dma_start3A_262, %dma_start3A_267] : memref<10x512xi32, #tpu.memory_space<vmem>> -> memref<1x128xi32, #tpu.memory_space<vmem>>
    %dma_start3A_269 = tpu.memref_squeeze %dma_start3A_268 : memref<1x128xi32, #tpu.memory_space<vmem>> -> memref<128xi32, #tpu.memory_space<vmem>>
    %dma_start3A_270 = arith.constant 0 : i32
    %dma_start3A_271 = tpu.memref_slice %arg9[%dma_start3A_270] : memref<100000xf32, #tpu.memory_space<hbm>> -> memref<100000xf32, #tpu.memory_space<hbm>>
    tpu.enqueue_indirect_dma source(%dma_start3A_271 : memref<100000xf32, #tpu.memory_space<hbm>>) target(%dma_start3A_266 : memref<128xf32, #tpu.memory_space<vmem>>) offsets(%dma_start3A_269 : memref<128xi32, #tpu.memory_space<vmem>>) semaphore(%arg17 : memref<!tpu.dma_semaphore, #tpu.memory_space<semaphore_mem>>)
    %dma_start3A_272 = arith.constant 6 : i32
    %dma_start3A_273 = arith.constant 6 : i32
    %dma_start3A_274 = arith.constant 384 : i32
    %dma_start3A_275 = tpu.memref_slice %arg15[%dma_start3A_273, %dma_start3A_274] : memref<10x512xf32, #tpu.memory_space<vmem>> -> memref<1x128xf32, #tpu.memory_space<vmem>>
    %dma_start3A_276 = tpu.memref_squeeze %dma_start3A_275 : memref<1x128xf32, #tpu.memory_space<vmem>> -> memref<128xf32, #tpu.memory_space<vmem>>
    %dma_start3A_277 = arith.constant 384 : i32
    %dma_start3A_278 = tpu.memref_slice %arg14[%dma_start3A_272, %dma_start3A_277] : memref<10x512xi32, #tpu.memory_space<vmem>> -> memref<1x128xi32, #tpu.memory_space<vmem>>
    %dma_start3A_279 = tpu.memref_squeeze %dma_start3A_278 : memref<1x128xi32, #tpu.memory_space<vmem>> -> memref<128xi32, #tpu.memory_space<vmem>>
    %dma_start3A_280 = arith.constant 0 : i32
    %dma_start3A_281 = tpu.memref_slice %arg9[%dma_start3A_280] : memref<100000xf32, #tpu.memory_space<hbm>> -> memref<100000xf32, #tpu.memory_space<hbm>>
    tpu.enqueue_indirect_dma source(%dma_start3A_281 : memref<100000xf32, #tpu.memory_space<hbm>>) target(%dma_start3A_276 : memref<128xf32, #tpu.memory_space<vmem>>) offsets(%dma_start3A_279 : memref<128xi32, #tpu.memory_space<vmem>>) semaphore(%arg17 : memref<!tpu.dma_semaphore, #tpu.memory_space<semaphore_mem>>)
    %dma_start3A_282 = arith.constant 7 : i32
    %dma_start3A_283 = arith.constant 7 : i32
    %dma_start3A_284 = arith.constant 0 : i32
    %dma_start3A_285 = tpu.memref_slice %arg15[%dma_start3A_283, %dma_start3A_284] : memref<10x512xf32, #tpu.memory_space<vmem>> -> memref<1x128xf32, #tpu.memory_space<vmem>>
    %dma_start3A_286 = tpu.memref_squeeze %dma_start3A_285 : memref<1x128xf32, #tpu.memory_space<vmem>> -> memref<128xf32, #tpu.memory_space<vmem>>
    %dma_start3A_287 = arith.constant 0 : i32
    %dma_start3A_288 = tpu.memref_slice %arg14[%dma_start3A_282, %dma_start3A_287] : memref<10x512xi32, #tpu.memory_space<vmem>> -> memref<1x128xi32, #tpu.memory_space<vmem>>
    %dma_start3A_289 = tpu.memref_squeeze %dma_start3A_288 : memref<1x128xi32, #tpu.memory_space<vmem>> -> memref<128xi32, #tpu.memory_space<vmem>>
    %dma_start3A_290 = arith.constant 0 : i32
    %dma_start3A_291 = tpu.memref_slice %arg10[%dma_start3A_290] : memref<100000xf32, #tpu.memory_space<hbm>> -> memref<100000xf32, #tpu.memory_space<hbm>>
    tpu.enqueue_indirect_dma source(%dma_start3A_291 : memref<100000xf32, #tpu.memory_space<hbm>>) target(%dma_start3A_286 : memref<128xf32, #tpu.memory_space<vmem>>) offsets(%dma_start3A_289 : memref<128xi32, #tpu.memory_space<vmem>>) semaphore(%arg17 : memref<!tpu.dma_semaphore, #tpu.memory_space<semaphore_mem>>)
    %dma_start3A_292 = arith.constant 7 : i32
    %dma_start3A_293 = arith.constant 7 : i32
    %dma_start3A_294 = arith.constant 128 : i32
    %dma_start3A_295 = tpu.memref_slice %arg15[%dma_start3A_293, %dma_start3A_294] : memref<10x512xf32, #tpu.memory_space<vmem>> -> memref<1x128xf32, #tpu.memory_space<vmem>>
    %dma_start3A_296 = tpu.memref_squeeze %dma_start3A_295 : memref<1x128xf32, #tpu.memory_space<vmem>> -> memref<128xf32, #tpu.memory_space<vmem>>
    %dma_start3A_297 = arith.constant 128 : i32
    %dma_start3A_298 = tpu.memref_slice %arg14[%dma_start3A_292, %dma_start3A_297] : memref<10x512xi32, #tpu.memory_space<vmem>> -> memref<1x128xi32, #tpu.memory_space<vmem>>
    %dma_start3A_299 = tpu.memref_squeeze %dma_start3A_298 : memref<1x128xi32, #tpu.memory_space<vmem>> -> memref<128xi32, #tpu.memory_space<vmem>>
    %dma_start3A_300 = arith.constant 0 : i32
    %dma_start3A_301 = tpu.memref_slice %arg10[%dma_start3A_300] : memref<100000xf32, #tpu.memory_space<hbm>> -> memref<100000xf32, #tpu.memory_space<hbm>>
    tpu.enqueue_indirect_dma source(%dma_start3A_301 : memref<100000xf32, #tpu.memory_space<hbm>>) target(%dma_start3A_296 : memref<128xf32, #tpu.memory_space<vmem>>) offsets(%dma_start3A_299 : memref<128xi32, #tpu.memory_space<vmem>>) semaphore(%arg17 : memref<!tpu.dma_semaphore, #tpu.memory_space<semaphore_mem>>)
    %dma_start3A_302 = arith.constant 7 : i32
    %dma_start3A_303 = arith.constant 7 : i32
    %dma_start3A_304 = arith.constant 256 : i32
    %dma_start3A_305 = tpu.memref_slice %arg15[%dma_start3A_303, %dma_start3A_304] : memref<10x512xf32, #tpu.memory_space<vmem>> -> memref<1x128xf32, #tpu.memory_space<vmem>>
    %dma_start3A_306 = tpu.memref_squeeze %dma_start3A_305 : memref<1x128xf32, #tpu.memory_space<vmem>> -> memref<128xf32, #tpu.memory_space<vmem>>
    %dma_start3A_307 = arith.constant 256 : i32
    %dma_start3A_308 = tpu.memref_slice %arg14[%dma_start3A_302, %dma_start3A_307] : memref<10x512xi32, #tpu.memory_space<vmem>> -> memref<1x128xi32, #tpu.memory_space<vmem>>
    %dma_start3A_309 = tpu.memref_squeeze %dma_start3A_308 : memref<1x128xi32, #tpu.memory_space<vmem>> -> memref<128xi32, #tpu.memory_space<vmem>>
    %dma_start3A_310 = arith.constant 0 : i32
    %dma_start3A_311 = tpu.memref_slice %arg10[%dma_start3A_310] : memref<100000xf32, #tpu.memory_space<hbm>> -> memref<100000xf32, #tpu.memory_space<hbm>>
    tpu.enqueue_indirect_dma source(%dma_start3A_311 : memref<100000xf32, #tpu.memory_space<hbm>>) target(%dma_start3A_306 : memref<128xf32, #tpu.memory_space<vmem>>) offsets(%dma_start3A_309 : memref<128xi32, #tpu.memory_space<vmem>>) semaphore(%arg17 : memref<!tpu.dma_semaphore, #tpu.memory_space<semaphore_mem>>)
    %dma_start3A_312 = arith.constant 7 : i32
    %dma_start3A_313 = arith.constant 7 : i32
    %dma_start3A_314 = arith.constant 384 : i32
    %dma_start3A_315 = tpu.memref_slice %arg15[%dma_start3A_313, %dma_start3A_314] : memref<10x512xf32, #tpu.memory_space<vmem>> -> memref<1x128xf32, #tpu.memory_space<vmem>>
    %dma_start3A_316 = tpu.memref_squeeze %dma_start3A_315 : memref<1x128xf32, #tpu.memory_space<vmem>> -> memref<128xf32, #tpu.memory_space<vmem>>
    %dma_start3A_317 = arith.constant 384 : i32
    %dma_start3A_318 = tpu.memref_slice %arg14[%dma_start3A_312, %dma_start3A_317] : memref<10x512xi32, #tpu.memory_space<vmem>> -> memref<1x128xi32, #tpu.memory_space<vmem>>
    %dma_start3A_319 = tpu.memref_squeeze %dma_start3A_318 : memref<1x128xi32, #tpu.memory_space<vmem>> -> memref<128xi32, #tpu.memory_space<vmem>>
    %dma_start3A_320 = arith.constant 0 : i32
    %dma_start3A_321 = tpu.memref_slice %arg10[%dma_start3A_320] : memref<100000xf32, #tpu.memory_space<hbm>> -> memref<100000xf32, #tpu.memory_space<hbm>>
    tpu.enqueue_indirect_dma source(%dma_start3A_321 : memref<100000xf32, #tpu.memory_space<hbm>>) target(%dma_start3A_316 : memref<128xf32, #tpu.memory_space<vmem>>) offsets(%dma_start3A_319 : memref<128xi32, #tpu.memory_space<vmem>>) semaphore(%arg17 : memref<!tpu.dma_semaphore, #tpu.memory_space<semaphore_mem>>)
    %dma_start3A_322 = arith.constant 8 : i32
    %dma_start3A_323 = arith.constant 8 : i32
    %dma_start3A_324 = arith.constant 0 : i32
    %dma_start3A_325 = tpu.memref_slice %arg15[%dma_start3A_323, %dma_start3A_324] : memref<10x512xf32, #tpu.memory_space<vmem>> -> memref<1x128xf32, #tpu.memory_space<vmem>>
    %dma_start3A_326 = tpu.memref_squeeze %dma_start3A_325 : memref<1x128xf32, #tpu.memory_space<vmem>> -> memref<128xf32, #tpu.memory_space<vmem>>
    %dma_start3A_327 = arith.constant 0 : i32
    %dma_start3A_328 = tpu.memref_slice %arg14[%dma_start3A_322, %dma_start3A_327] : memref<10x512xi32, #tpu.memory_space<vmem>> -> memref<1x128xi32, #tpu.memory_space<vmem>>
    %dma_start3A_329 = tpu.memref_squeeze %dma_start3A_328 : memref<1x128xi32, #tpu.memory_space<vmem>> -> memref<128xi32, #tpu.memory_space<vmem>>
    %dma_start3A_330 = arith.constant 0 : i32
    %dma_start3A_331 = tpu.memref_slice %arg11[%dma_start3A_330] : memref<100000xf32, #tpu.memory_space<hbm>> -> memref<100000xf32, #tpu.memory_space<hbm>>
    tpu.enqueue_indirect_dma source(%dma_start3A_331 : memref<100000xf32, #tpu.memory_space<hbm>>) target(%dma_start3A_326 : memref<128xf32, #tpu.memory_space<vmem>>) offsets(%dma_start3A_329 : memref<128xi32, #tpu.memory_space<vmem>>) semaphore(%arg17 : memref<!tpu.dma_semaphore, #tpu.memory_space<semaphore_mem>>)
    %dma_start3A_332 = arith.constant 8 : i32
    %dma_start3A_333 = arith.constant 8 : i32
    %dma_start3A_334 = arith.constant 128 : i32
    %dma_start3A_335 = tpu.memref_slice %arg15[%dma_start3A_333, %dma_start3A_334] : memref<10x512xf32, #tpu.memory_space<vmem>> -> memref<1x128xf32, #tpu.memory_space<vmem>>
    %dma_start3A_336 = tpu.memref_squeeze %dma_start3A_335 : memref<1x128xf32, #tpu.memory_space<vmem>> -> memref<128xf32, #tpu.memory_space<vmem>>
    %dma_start3A_337 = arith.constant 128 : i32
    %dma_start3A_338 = tpu.memref_slice %arg14[%dma_start3A_332, %dma_start3A_337] : memref<10x512xi32, #tpu.memory_space<vmem>> -> memref<1x128xi32, #tpu.memory_space<vmem>>
    %dma_start3A_339 = tpu.memref_squeeze %dma_start3A_338 : memref<1x128xi32, #tpu.memory_space<vmem>> -> memref<128xi32, #tpu.memory_space<vmem>>
    %dma_start3A_340 = arith.constant 0 : i32
    %dma_start3A_341 = tpu.memref_slice %arg11[%dma_start3A_340] : memref<100000xf32, #tpu.memory_space<hbm>> -> memref<100000xf32, #tpu.memory_space<hbm>>
    tpu.enqueue_indirect_dma source(%dma_start3A_341 : memref<100000xf32, #tpu.memory_space<hbm>>) target(%dma_start3A_336 : memref<128xf32, #tpu.memory_space<vmem>>) offsets(%dma_start3A_339 : memref<128xi32, #tpu.memory_space<vmem>>) semaphore(%arg17 : memref<!tpu.dma_semaphore, #tpu.memory_space<semaphore_mem>>)
    %dma_start3A_342 = arith.constant 8 : i32
    %dma_start3A_343 = arith.constant 8 : i32
    %dma_start3A_344 = arith.constant 256 : i32
    %dma_start3A_345 = tpu.memref_slice %arg15[%dma_start3A_343, %dma_start3A_344] : memref<10x512xf32, #tpu.memory_space<vmem>> -> memref<1x128xf32, #tpu.memory_space<vmem>>
    %dma_start3A_346 = tpu.memref_squeeze %dma_start3A_345 : memref<1x128xf32, #tpu.memory_space<vmem>> -> memref<128xf32, #tpu.memory_space<vmem>>
    %dma_start3A_347 = arith.constant 256 : i32
    %dma_start3A_348 = tpu.memref_slice %arg14[%dma_start3A_342, %dma_start3A_347] : memref<10x512xi32, #tpu.memory_space<vmem>> -> memref<1x128xi32, #tpu.memory_space<vmem>>
    %dma_start3A_349 = tpu.memref_squeeze %dma_start3A_348 : memref<1x128xi32, #tpu.memory_space<vmem>> -> memref<128xi32, #tpu.memory_space<vmem>>
    %dma_start3A_350 = arith.constant 0 : i32
    %dma_start3A_351 = tpu.memref_slice %arg11[%dma_start3A_350] : memref<100000xf32, #tpu.memory_space<hbm>> -> memref<100000xf32, #tpu.memory_space<hbm>>
    tpu.enqueue_indirect_dma source(%dma_start3A_351 : memref<100000xf32, #tpu.memory_space<hbm>>) target(%dma_start3A_346 : memref<128xf32, #tpu.memory_space<vmem>>) offsets(%dma_start3A_349 : memref<128xi32, #tpu.memory_space<vmem>>) semaphore(%arg17 : memref<!tpu.dma_semaphore, #tpu.memory_space<semaphore_mem>>)
    %dma_start3A_352 = arith.constant 8 : i32
    %dma_start3A_353 = arith.constant 8 : i32
    %dma_start3A_354 = arith.constant 384 : i32
    %dma_start3A_355 = tpu.memref_slice %arg15[%dma_start3A_353, %dma_start3A_354] : memref<10x512xf32, #tpu.memory_space<vmem>> -> memref<1x128xf32, #tpu.memory_space<vmem>>
    %dma_start3A_356 = tpu.memref_squeeze %dma_start3A_355 : memref<1x128xf32, #tpu.memory_space<vmem>> -> memref<128xf32, #tpu.memory_space<vmem>>
    %dma_start3A_357 = arith.constant 384 : i32
    %dma_start3A_358 = tpu.memref_slice %arg14[%dma_start3A_352, %dma_start3A_357] : memref<10x512xi32, #tpu.memory_space<vmem>> -> memref<1x128xi32, #tpu.memory_space<vmem>>
    %dma_start3A_359 = tpu.memref_squeeze %dma_start3A_358 : memref<1x128xi32, #tpu.memory_space<vmem>> -> memref<128xi32, #tpu.memory_space<vmem>>
    %dma_start3A_360 = arith.constant 0 : i32
    %dma_start3A_361 = tpu.memref_slice %arg11[%dma_start3A_360] : memref<100000xf32, #tpu.memory_space<hbm>> -> memref<100000xf32, #tpu.memory_space<hbm>>
    tpu.enqueue_indirect_dma source(%dma_start3A_361 : memref<100000xf32, #tpu.memory_space<hbm>>) target(%dma_start3A_356 : memref<128xf32, #tpu.memory_space<vmem>>) offsets(%dma_start3A_359 : memref<128xi32, #tpu.memory_space<vmem>>) semaphore(%arg17 : memref<!tpu.dma_semaphore, #tpu.memory_space<semaphore_mem>>)
    %dma_start3A_362 = arith.constant 9 : i32
    %dma_start3A_363 = arith.constant 9 : i32
    %dma_start3A_364 = arith.constant 0 : i32
    %dma_start3A_365 = tpu.memref_slice %arg15[%dma_start3A_363, %dma_start3A_364] : memref<10x512xf32, #tpu.memory_space<vmem>> -> memref<1x128xf32, #tpu.memory_space<vmem>>
    %dma_start3A_366 = tpu.memref_squeeze %dma_start3A_365 : memref<1x128xf32, #tpu.memory_space<vmem>> -> memref<128xf32, #tpu.memory_space<vmem>>
    %dma_start3A_367 = arith.constant 0 : i32
    %dma_start3A_368 = tpu.memref_slice %arg14[%dma_start3A_362, %dma_start3A_367] : memref<10x512xi32, #tpu.memory_space<vmem>> -> memref<1x128xi32, #tpu.memory_space<vmem>>
    %dma_start3A_369 = tpu.memref_squeeze %dma_start3A_368 : memref<1x128xi32, #tpu.memory_space<vmem>> -> memref<128xi32, #tpu.memory_space<vmem>>
    %dma_start3A_370 = arith.constant 0 : i32
    %dma_start3A_371 = tpu.memref_slice %arg12[%dma_start3A_370] : memref<100000xf32, #tpu.memory_space<hbm>> -> memref<100000xf32, #tpu.memory_space<hbm>>
    tpu.enqueue_indirect_dma source(%dma_start3A_371 : memref<100000xf32, #tpu.memory_space<hbm>>) target(%dma_start3A_366 : memref<128xf32, #tpu.memory_space<vmem>>) offsets(%dma_start3A_369 : memref<128xi32, #tpu.memory_space<vmem>>) semaphore(%arg17 : memref<!tpu.dma_semaphore, #tpu.memory_space<semaphore_mem>>)
    %dma_start3A_372 = arith.constant 9 : i32
    %dma_start3A_373 = arith.constant 9 : i32
    %dma_start3A_374 = arith.constant 128 : i32
    %dma_start3A_375 = tpu.memref_slice %arg15[%dma_start3A_373, %dma_start3A_374] : memref<10x512xf32, #tpu.memory_space<vmem>> -> memref<1x128xf32, #tpu.memory_space<vmem>>
    %dma_start3A_376 = tpu.memref_squeeze %dma_start3A_375 : memref<1x128xf32, #tpu.memory_space<vmem>> -> memref<128xf32, #tpu.memory_space<vmem>>
    %dma_start3A_377 = arith.constant 128 : i32
    %dma_start3A_378 = tpu.memref_slice %arg14[%dma_start3A_372, %dma_start3A_377] : memref<10x512xi32, #tpu.memory_space<vmem>> -> memref<1x128xi32, #tpu.memory_space<vmem>>
    %dma_start3A_379 = tpu.memref_squeeze %dma_start3A_378 : memref<1x128xi32, #tpu.memory_space<vmem>> -> memref<128xi32, #tpu.memory_space<vmem>>
    %dma_start3A_380 = arith.constant 0 : i32
    %dma_start3A_381 = tpu.memref_slice %arg12[%dma_start3A_380] : memref<100000xf32, #tpu.memory_space<hbm>> -> memref<100000xf32, #tpu.memory_space<hbm>>
    tpu.enqueue_indirect_dma source(%dma_start3A_381 : memref<100000xf32, #tpu.memory_space<hbm>>) target(%dma_start3A_376 : memref<128xf32, #tpu.memory_space<vmem>>) offsets(%dma_start3A_379 : memref<128xi32, #tpu.memory_space<vmem>>) semaphore(%arg17 : memref<!tpu.dma_semaphore, #tpu.memory_space<semaphore_mem>>)
    %dma_start3A_382 = arith.constant 9 : i32
    %dma_start3A_383 = arith.constant 9 : i32
    %dma_start3A_384 = arith.constant 256 : i32
    %dma_start3A_385 = tpu.memref_slice %arg15[%dma_start3A_383, %dma_start3A_384] : memref<10x512xf32, #tpu.memory_space<vmem>> -> memref<1x128xf32, #tpu.memory_space<vmem>>
    %dma_start3A_386 = tpu.memref_squeeze %dma_start3A_385 : memref<1x128xf32, #tpu.memory_space<vmem>> -> memref<128xf32, #tpu.memory_space<vmem>>
    %dma_start3A_387 = arith.constant 256 : i32
    %dma_start3A_388 = tpu.memref_slice %arg14[%dma_start3A_382, %dma_start3A_387] : memref<10x512xi32, #tpu.memory_space<vmem>> -> memref<1x128xi32, #tpu.memory_space<vmem>>
    %dma_start3A_389 = tpu.memref_squeeze %dma_start3A_388 : memref<1x128xi32, #tpu.memory_space<vmem>> -> memref<128xi32, #tpu.memory_space<vmem>>
    %dma_start3A_390 = arith.constant 0 : i32
    %dma_start3A_391 = tpu.memref_slice %arg12[%dma_start3A_390] : memref<100000xf32, #tpu.memory_space<hbm>> -> memref<100000xf32, #tpu.memory_space<hbm>>
    tpu.enqueue_indirect_dma source(%dma_start3A_391 : memref<100000xf32, #tpu.memory_space<hbm>>) target(%dma_start3A_386 : memref<128xf32, #tpu.memory_space<vmem>>) offsets(%dma_start3A_389 : memref<128xi32, #tpu.memory_space<vmem>>) semaphore(%arg17 : memref<!tpu.dma_semaphore, #tpu.memory_space<semaphore_mem>>)
    %dma_start3A_392 = arith.constant 9 : i32
    %dma_start3A_393 = arith.constant 9 : i32
    %dma_start3A_394 = arith.constant 384 : i32
    %dma_start3A_395 = tpu.memref_slice %arg15[%dma_start3A_393, %dma_start3A_394] : memref<10x512xf32, #tpu.memory_space<vmem>> -> memref<1x128xf32, #tpu.memory_space<vmem>>
    %dma_start3A_396 = tpu.memref_squeeze %dma_start3A_395 : memref<1x128xf32, #tpu.memory_space<vmem>> -> memref<128xf32, #tpu.memory_space<vmem>>
    %dma_start3A_397 = arith.constant 384 : i32
    %dma_start3A_398 = tpu.memref_slice %arg14[%dma_start3A_392, %dma_start3A_397] : memref<10x512xi32, #tpu.memory_space<vmem>> -> memref<1x128xi32, #tpu.memory_space<vmem>>
    %dma_start3A_399 = tpu.memref_squeeze %dma_start3A_398 : memref<1x128xi32, #tpu.memory_space<vmem>> -> memref<128xi32, #tpu.memory_space<vmem>>
    %dma_start3A_400 = arith.constant 0 : i32
    %dma_start3A_401 = tpu.memref_slice %arg12[%dma_start3A_400] : memref<100000xf32, #tpu.memory_space<hbm>> -> memref<100000xf32, #tpu.memory_space<hbm>>
    tpu.enqueue_indirect_dma source(%dma_start3A_401 : memref<100000xf32, #tpu.memory_space<hbm>>) target(%dma_start3A_396 : memref<128xf32, #tpu.memory_space<vmem>>) offsets(%dma_start3A_399 : memref<128xi32, #tpu.memory_space<vmem>>) semaphore(%arg17 : memref<!tpu.dma_semaphore, #tpu.memory_space<semaphore_mem>>)
    %dma_wait3A = arith.constant 0 : i32
    %dma_wait3A_402 = arith.constant 0 : i32
    %dma_wait3A_403 = arith.constant 0 : i32
    %dma_wait3A_404 = tpu.memref_slice %arg15[%dma_wait3A_402, %dma_wait3A_403] : memref<10x512xf32, #tpu.memory_space<vmem>> -> memref<1x128xf32, #tpu.memory_space<vmem>>
    %dma_wait3A_405 = tpu.memref_squeeze %dma_wait3A_404 : memref<1x128xf32, #tpu.memory_space<vmem>> -> memref<128xf32, #tpu.memory_space<vmem>>
    %dma_wait3A_406 = arith.constant 0 : i32
    %dma_wait3A_407 = tpu.memref_slice %arg14[%dma_wait3A, %dma_wait3A_406] : memref<10x512xi32, #tpu.memory_space<vmem>> -> memref<1x128xi32, #tpu.memory_space<vmem>>
    %dma_wait3A_408 = tpu.memref_squeeze %dma_wait3A_407 : memref<1x128xi32, #tpu.memory_space<vmem>> -> memref<128xi32, #tpu.memory_space<vmem>>
    %dma_wait3A_409 = arith.constant 0 : i32
    %dma_wait3A_410 = tpu.memref_slice %arg3[%dma_wait3A_409] : memref<100000xf32, #tpu.memory_space<hbm>> -> memref<100000xf32, #tpu.memory_space<hbm>>
    tpu.wait_indirect_dma semaphore(%arg17 : memref<!tpu.dma_semaphore, #tpu.memory_space<semaphore_mem>>) src(%dma_wait3A_410 : memref<100000xf32, #tpu.memory_space<hbm>>) dst(%dma_wait3A_405 : memref<128xf32, #tpu.memory_space<vmem>>)
    %dma_wait3A_411 = arith.constant 0 : i32
    %dma_wait3A_412 = arith.constant 0 : i32
    %dma_wait3A_413 = arith.constant 128 : i32
    %dma_wait3A_414 = tpu.memref_slice %arg15[%dma_wait3A_412, %dma_wait3A_413] : memref<10x512xf32, #tpu.memory_space<vmem>> -> memref<1x128xf32, #tpu.memory_space<vmem>>
    %dma_wait3A_415 = tpu.memref_squeeze %dma_wait3A_414 : memref<1x128xf32, #tpu.memory_space<vmem>> -> memref<128xf32, #tpu.memory_space<vmem>>
    %dma_wait3A_416 = arith.constant 128 : i32
    %dma_wait3A_417 = tpu.memref_slice %arg14[%dma_wait3A_411, %dma_wait3A_416] : memref<10x512xi32, #tpu.memory_space<vmem>> -> memref<1x128xi32, #tpu.memory_space<vmem>>
    %dma_wait3A_418 = tpu.memref_squeeze %dma_wait3A_417 : memref<1x128xi32, #tpu.memory_space<vmem>> -> memref<128xi32, #tpu.memory_space<vmem>>
    %dma_wait3A_419 = arith.constant 0 : i32
    %dma_wait3A_420 = tpu.memref_slice %arg3[%dma_wait3A_419] : memref<100000xf32, #tpu.memory_space<hbm>> -> memref<100000xf32, #tpu.memory_space<hbm>>
    tpu.wait_indirect_dma semaphore(%arg17 : memref<!tpu.dma_semaphore, #tpu.memory_space<semaphore_mem>>) src(%dma_wait3A_420 : memref<100000xf32, #tpu.memory_space<hbm>>) dst(%dma_wait3A_415 : memref<128xf32, #tpu.memory_space<vmem>>)
    %dma_wait3A_421 = arith.constant 0 : i32
    %dma_wait3A_422 = arith.constant 0 : i32
    %dma_wait3A_423 = arith.constant 256 : i32
    %dma_wait3A_424 = tpu.memref_slice %arg15[%dma_wait3A_422, %dma_wait3A_423] : memref<10x512xf32, #tpu.memory_space<vmem>> -> memref<1x128xf32, #tpu.memory_space<vmem>>
    %dma_wait3A_425 = tpu.memref_squeeze %dma_wait3A_424 : memref<1x128xf32, #tpu.memory_space<vmem>> -> memref<128xf32, #tpu.memory_space<vmem>>
    %dma_wait3A_426 = arith.constant 256 : i32
    %dma_wait3A_427 = tpu.memref_slice %arg14[%dma_wait3A_421, %dma_wait3A_426] : memref<10x512xi32, #tpu.memory_space<vmem>> -> memref<1x128xi32, #tpu.memory_space<vmem>>
    %dma_wait3A_428 = tpu.memref_squeeze %dma_wait3A_427 : memref<1x128xi32, #tpu.memory_space<vmem>> -> memref<128xi32, #tpu.memory_space<vmem>>
    %dma_wait3A_429 = arith.constant 0 : i32
    %dma_wait3A_430 = tpu.memref_slice %arg3[%dma_wait3A_429] : memref<100000xf32, #tpu.memory_space<hbm>> -> memref<100000xf32, #tpu.memory_space<hbm>>
    tpu.wait_indirect_dma semaphore(%arg17 : memref<!tpu.dma_semaphore, #tpu.memory_space<semaphore_mem>>) src(%dma_wait3A_430 : memref<100000xf32, #tpu.memory_space<hbm>>) dst(%dma_wait3A_425 : memref<128xf32, #tpu.memory_space<vmem>>)
    %dma_wait3A_431 = arith.constant 0 : i32
    %dma_wait3A_432 = arith.constant 0 : i32
    %dma_wait3A_433 = arith.constant 384 : i32
    %dma_wait3A_434 = tpu.memref_slice %arg15[%dma_wait3A_432, %dma_wait3A_433] : memref<10x512xf32, #tpu.memory_space<vmem>> -> memref<1x128xf32, #tpu.memory_space<vmem>>
    %dma_wait3A_435 = tpu.memref_squeeze %dma_wait3A_434 : memref<1x128xf32, #tpu.memory_space<vmem>> -> memref<128xf32, #tpu.memory_space<vmem>>
    %dma_wait3A_436 = arith.constant 384 : i32
    %dma_wait3A_437 = tpu.memref_slice %arg14[%dma_wait3A_431, %dma_wait3A_436] : memref<10x512xi32, #tpu.memory_space<vmem>> -> memref<1x128xi32, #tpu.memory_space<vmem>>
    %dma_wait3A_438 = tpu.memref_squeeze %dma_wait3A_437 : memref<1x128xi32, #tpu.memory_space<vmem>> -> memref<128xi32, #tpu.memory_space<vmem>>
    %dma_wait3A_439 = arith.constant 0 : i32
    %dma_wait3A_440 = tpu.memref_slice %arg3[%dma_wait3A_439] : memref<100000xf32, #tpu.memory_space<hbm>> -> memref<100000xf32, #tpu.memory_space<hbm>>
    tpu.wait_indirect_dma semaphore(%arg17 : memref<!tpu.dma_semaphore, #tpu.memory_space<semaphore_mem>>) src(%dma_wait3A_440 : memref<100000xf32, #tpu.memory_space<hbm>>) dst(%dma_wait3A_435 : memref<128xf32, #tpu.memory_space<vmem>>)
    %dma_wait3A_441 = arith.constant 1 : i32
    %dma_wait3A_442 = arith.constant 1 : i32
    %dma_wait3A_443 = arith.constant 0 : i32
    %dma_wait3A_444 = tpu.memref_slice %arg15[%dma_wait3A_442, %dma_wait3A_443] : memref<10x512xf32, #tpu.memory_space<vmem>> -> memref<1x128xf32, #tpu.memory_space<vmem>>
    %dma_wait3A_445 = tpu.memref_squeeze %dma_wait3A_444 : memref<1x128xf32, #tpu.memory_space<vmem>> -> memref<128xf32, #tpu.memory_space<vmem>>
    %dma_wait3A_446 = arith.constant 0 : i32
    %dma_wait3A_447 = tpu.memref_slice %arg14[%dma_wait3A_441, %dma_wait3A_446] : memref<10x512xi32, #tpu.memory_space<vmem>> -> memref<1x128xi32, #tpu.memory_space<vmem>>
    %dma_wait3A_448 = tpu.memref_squeeze %dma_wait3A_447 : memref<1x128xi32, #tpu.memory_space<vmem>> -> memref<128xi32, #tpu.memory_space<vmem>>
    %dma_wait3A_449 = arith.constant 0 : i32
    %dma_wait3A_450 = tpu.memref_slice %arg4[%dma_wait3A_449] : memref<100000xf32, #tpu.memory_space<hbm>> -> memref<100000xf32, #tpu.memory_space<hbm>>
    tpu.wait_indirect_dma semaphore(%arg17 : memref<!tpu.dma_semaphore, #tpu.memory_space<semaphore_mem>>) src(%dma_wait3A_450 : memref<100000xf32, #tpu.memory_space<hbm>>) dst(%dma_wait3A_445 : memref<128xf32, #tpu.memory_space<vmem>>)
    %dma_wait3A_451 = arith.constant 1 : i32
    %dma_wait3A_452 = arith.constant 1 : i32
    %dma_wait3A_453 = arith.constant 128 : i32
    %dma_wait3A_454 = tpu.memref_slice %arg15[%dma_wait3A_452, %dma_wait3A_453] : memref<10x512xf32, #tpu.memory_space<vmem>> -> memref<1x128xf32, #tpu.memory_space<vmem>>
    %dma_wait3A_455 = tpu.memref_squeeze %dma_wait3A_454 : memref<1x128xf32, #tpu.memory_space<vmem>> -> memref<128xf32, #tpu.memory_space<vmem>>
    %dma_wait3A_456 = arith.constant 128 : i32
    %dma_wait3A_457 = tpu.memref_slice %arg14[%dma_wait3A_451, %dma_wait3A_456] : memref<10x512xi32, #tpu.memory_space<vmem>> -> memref<1x128xi32, #tpu.memory_space<vmem>>
    %dma_wait3A_458 = tpu.memref_squeeze %dma_wait3A_457 : memref<1x128xi32, #tpu.memory_space<vmem>> -> memref<128xi32, #tpu.memory_space<vmem>>
    %dma_wait3A_459 = arith.constant 0 : i32
    %dma_wait3A_460 = tpu.memref_slice %arg4[%dma_wait3A_459] : memref<100000xf32, #tpu.memory_space<hbm>> -> memref<100000xf32, #tpu.memory_space<hbm>>
    tpu.wait_indirect_dma semaphore(%arg17 : memref<!tpu.dma_semaphore, #tpu.memory_space<semaphore_mem>>) src(%dma_wait3A_460 : memref<100000xf32, #tpu.memory_space<hbm>>) dst(%dma_wait3A_455 : memref<128xf32, #tpu.memory_space<vmem>>)
    %dma_wait3A_461 = arith.constant 1 : i32
    %dma_wait3A_462 = arith.constant 1 : i32
    %dma_wait3A_463 = arith.constant 256 : i32
    %dma_wait3A_464 = tpu.memref_slice %arg15[%dma_wait3A_462, %dma_wait3A_463] : memref<10x512xf32, #tpu.memory_space<vmem>> -> memref<1x128xf32, #tpu.memory_space<vmem>>
    %dma_wait3A_465 = tpu.memref_squeeze %dma_wait3A_464 : memref<1x128xf32, #tpu.memory_space<vmem>> -> memref<128xf32, #tpu.memory_space<vmem>>
    %dma_wait3A_466 = arith.constant 256 : i32
    %dma_wait3A_467 = tpu.memref_slice %arg14[%dma_wait3A_461, %dma_wait3A_466] : memref<10x512xi32, #tpu.memory_space<vmem>> -> memref<1x128xi32, #tpu.memory_space<vmem>>
    %dma_wait3A_468 = tpu.memref_squeeze %dma_wait3A_467 : memref<1x128xi32, #tpu.memory_space<vmem>> -> memref<128xi32, #tpu.memory_space<vmem>>
    %dma_wait3A_469 = arith.constant 0 : i32
    %dma_wait3A_470 = tpu.memref_slice %arg4[%dma_wait3A_469] : memref<100000xf32, #tpu.memory_space<hbm>> -> memref<100000xf32, #tpu.memory_space<hbm>>
    tpu.wait_indirect_dma semaphore(%arg17 : memref<!tpu.dma_semaphore, #tpu.memory_space<semaphore_mem>>) src(%dma_wait3A_470 : memref<100000xf32, #tpu.memory_space<hbm>>) dst(%dma_wait3A_465 : memref<128xf32, #tpu.memory_space<vmem>>)
    %dma_wait3A_471 = arith.constant 1 : i32
    %dma_wait3A_472 = arith.constant 1 : i32
    %dma_wait3A_473 = arith.constant 384 : i32
    %dma_wait3A_474 = tpu.memref_slice %arg15[%dma_wait3A_472, %dma_wait3A_473] : memref<10x512xf32, #tpu.memory_space<vmem>> -> memref<1x128xf32, #tpu.memory_space<vmem>>
    %dma_wait3A_475 = tpu.memref_squeeze %dma_wait3A_474 : memref<1x128xf32, #tpu.memory_space<vmem>> -> memref<128xf32, #tpu.memory_space<vmem>>
    %dma_wait3A_476 = arith.constant 384 : i32
    %dma_wait3A_477 = tpu.memref_slice %arg14[%dma_wait3A_471, %dma_wait3A_476] : memref<10x512xi32, #tpu.memory_space<vmem>> -> memref<1x128xi32, #tpu.memory_space<vmem>>
    %dma_wait3A_478 = tpu.memref_squeeze %dma_wait3A_477 : memref<1x128xi32, #tpu.memory_space<vmem>> -> memref<128xi32, #tpu.memory_space<vmem>>
    %dma_wait3A_479 = arith.constant 0 : i32
    %dma_wait3A_480 = tpu.memref_slice %arg4[%dma_wait3A_479] : memref<100000xf32, #tpu.memory_space<hbm>> -> memref<100000xf32, #tpu.memory_space<hbm>>
    tpu.wait_indirect_dma semaphore(%arg17 : memref<!tpu.dma_semaphore, #tpu.memory_space<semaphore_mem>>) src(%dma_wait3A_480 : memref<100000xf32, #tpu.memory_space<hbm>>) dst(%dma_wait3A_475 : memref<128xf32, #tpu.memory_space<vmem>>)
    %dma_wait3A_481 = arith.constant 2 : i32
    %dma_wait3A_482 = arith.constant 2 : i32
    %dma_wait3A_483 = arith.constant 0 : i32
    %dma_wait3A_484 = tpu.memref_slice %arg15[%dma_wait3A_482, %dma_wait3A_483] : memref<10x512xf32, #tpu.memory_space<vmem>> -> memref<1x128xf32, #tpu.memory_space<vmem>>
    %dma_wait3A_485 = tpu.memref_squeeze %dma_wait3A_484 : memref<1x128xf32, #tpu.memory_space<vmem>> -> memref<128xf32, #tpu.memory_space<vmem>>
    %dma_wait3A_486 = arith.constant 0 : i32
    %dma_wait3A_487 = tpu.memref_slice %arg14[%dma_wait3A_481, %dma_wait3A_486] : memref<10x512xi32, #tpu.memory_space<vmem>> -> memref<1x128xi32, #tpu.memory_space<vmem>>
    %dma_wait3A_488 = tpu.memref_squeeze %dma_wait3A_487 : memref<1x128xi32, #tpu.memory_space<vmem>> -> memref<128xi32, #tpu.memory_space<vmem>>
    %dma_wait3A_489 = arith.constant 0 : i32
    %dma_wait3A_490 = tpu.memref_slice %arg5[%dma_wait3A_489] : memref<100000xf32, #tpu.memory_space<hbm>> -> memref<100000xf32, #tpu.memory_space<hbm>>
    tpu.wait_indirect_dma semaphore(%arg17 : memref<!tpu.dma_semaphore, #tpu.memory_space<semaphore_mem>>) src(%dma_wait3A_490 : memref<100000xf32, #tpu.memory_space<hbm>>) dst(%dma_wait3A_485 : memref<128xf32, #tpu.memory_space<vmem>>)
    %dma_wait3A_491 = arith.constant 2 : i32
    %dma_wait3A_492 = arith.constant 2 : i32
    %dma_wait3A_493 = arith.constant 128 : i32
    %dma_wait3A_494 = tpu.memref_slice %arg15[%dma_wait3A_492, %dma_wait3A_493] : memref<10x512xf32, #tpu.memory_space<vmem>> -> memref<1x128xf32, #tpu.memory_space<vmem>>
    %dma_wait3A_495 = tpu.memref_squeeze %dma_wait3A_494 : memref<1x128xf32, #tpu.memory_space<vmem>> -> memref<128xf32, #tpu.memory_space<vmem>>
    %dma_wait3A_496 = arith.constant 128 : i32
    %dma_wait3A_497 = tpu.memref_slice %arg14[%dma_wait3A_491, %dma_wait3A_496] : memref<10x512xi32, #tpu.memory_space<vmem>> -> memref<1x128xi32, #tpu.memory_space<vmem>>
    %dma_wait3A_498 = tpu.memref_squeeze %dma_wait3A_497 : memref<1x128xi32, #tpu.memory_space<vmem>> -> memref<128xi32, #tpu.memory_space<vmem>>
    %dma_wait3A_499 = arith.constant 0 : i32
    %dma_wait3A_500 = tpu.memref_slice %arg5[%dma_wait3A_499] : memref<100000xf32, #tpu.memory_space<hbm>> -> memref<100000xf32, #tpu.memory_space<hbm>>
    tpu.wait_indirect_dma semaphore(%arg17 : memref<!tpu.dma_semaphore, #tpu.memory_space<semaphore_mem>>) src(%dma_wait3A_500 : memref<100000xf32, #tpu.memory_space<hbm>>) dst(%dma_wait3A_495 : memref<128xf32, #tpu.memory_space<vmem>>)
    %dma_wait3A_501 = arith.constant 2 : i32
    %dma_wait3A_502 = arith.constant 2 : i32
    %dma_wait3A_503 = arith.constant 256 : i32
    %dma_wait3A_504 = tpu.memref_slice %arg15[%dma_wait3A_502, %dma_wait3A_503] : memref<10x512xf32, #tpu.memory_space<vmem>> -> memref<1x128xf32, #tpu.memory_space<vmem>>
    %dma_wait3A_505 = tpu.memref_squeeze %dma_wait3A_504 : memref<1x128xf32, #tpu.memory_space<vmem>> -> memref<128xf32, #tpu.memory_space<vmem>>
    %dma_wait3A_506 = arith.constant 256 : i32
    %dma_wait3A_507 = tpu.memref_slice %arg14[%dma_wait3A_501, %dma_wait3A_506] : memref<10x512xi32, #tpu.memory_space<vmem>> -> memref<1x128xi32, #tpu.memory_space<vmem>>
    %dma_wait3A_508 = tpu.memref_squeeze %dma_wait3A_507 : memref<1x128xi32, #tpu.memory_space<vmem>> -> memref<128xi32, #tpu.memory_space<vmem>>
    %dma_wait3A_509 = arith.constant 0 : i32
    %dma_wait3A_510 = tpu.memref_slice %arg5[%dma_wait3A_509] : memref<100000xf32, #tpu.memory_space<hbm>> -> memref<100000xf32, #tpu.memory_space<hbm>>
    tpu.wait_indirect_dma semaphore(%arg17 : memref<!tpu.dma_semaphore, #tpu.memory_space<semaphore_mem>>) src(%dma_wait3A_510 : memref<100000xf32, #tpu.memory_space<hbm>>) dst(%dma_wait3A_505 : memref<128xf32, #tpu.memory_space<vmem>>)
    %dma_wait3A_511 = arith.constant 2 : i32
    %dma_wait3A_512 = arith.constant 2 : i32
    %dma_wait3A_513 = arith.constant 384 : i32
    %dma_wait3A_514 = tpu.memref_slice %arg15[%dma_wait3A_512, %dma_wait3A_513] : memref<10x512xf32, #tpu.memory_space<vmem>> -> memref<1x128xf32, #tpu.memory_space<vmem>>
    %dma_wait3A_515 = tpu.memref_squeeze %dma_wait3A_514 : memref<1x128xf32, #tpu.memory_space<vmem>> -> memref<128xf32, #tpu.memory_space<vmem>>
    %dma_wait3A_516 = arith.constant 384 : i32
    %dma_wait3A_517 = tpu.memref_slice %arg14[%dma_wait3A_511, %dma_wait3A_516] : memref<10x512xi32, #tpu.memory_space<vmem>> -> memref<1x128xi32, #tpu.memory_space<vmem>>
    %dma_wait3A_518 = tpu.memref_squeeze %dma_wait3A_517 : memref<1x128xi32, #tpu.memory_space<vmem>> -> memref<128xi32, #tpu.memory_space<vmem>>
    %dma_wait3A_519 = arith.constant 0 : i32
    %dma_wait3A_520 = tpu.memref_slice %arg5[%dma_wait3A_519] : memref<100000xf32, #tpu.memory_space<hbm>> -> memref<100000xf32, #tpu.memory_space<hbm>>
    tpu.wait_indirect_dma semaphore(%arg17 : memref<!tpu.dma_semaphore, #tpu.memory_space<semaphore_mem>>) src(%dma_wait3A_520 : memref<100000xf32, #tpu.memory_space<hbm>>) dst(%dma_wait3A_515 : memref<128xf32, #tpu.memory_space<vmem>>)
    %dma_wait3A_521 = arith.constant 3 : i32
    %dma_wait3A_522 = arith.constant 3 : i32
    %dma_wait3A_523 = arith.constant 0 : i32
    %dma_wait3A_524 = tpu.memref_slice %arg15[%dma_wait3A_522, %dma_wait3A_523] : memref<10x512xf32, #tpu.memory_space<vmem>> -> memref<1x128xf32, #tpu.memory_space<vmem>>
    %dma_wait3A_525 = tpu.memref_squeeze %dma_wait3A_524 : memref<1x128xf32, #tpu.memory_space<vmem>> -> memref<128xf32, #tpu.memory_space<vmem>>
    %dma_wait3A_526 = arith.constant 0 : i32
    %dma_wait3A_527 = tpu.memref_slice %arg14[%dma_wait3A_521, %dma_wait3A_526] : memref<10x512xi32, #tpu.memory_space<vmem>> -> memref<1x128xi32, #tpu.memory_space<vmem>>
    %dma_wait3A_528 = tpu.memref_squeeze %dma_wait3A_527 : memref<1x128xi32, #tpu.memory_space<vmem>> -> memref<128xi32, #tpu.memory_space<vmem>>
    %dma_wait3A_529 = arith.constant 0 : i32
    %dma_wait3A_530 = tpu.memref_slice %arg6[%dma_wait3A_529] : memref<100000xf32, #tpu.memory_space<hbm>> -> memref<100000xf32, #tpu.memory_space<hbm>>
    tpu.wait_indirect_dma semaphore(%arg17 : memref<!tpu.dma_semaphore, #tpu.memory_space<semaphore_mem>>) src(%dma_wait3A_530 : memref<100000xf32, #tpu.memory_space<hbm>>) dst(%dma_wait3A_525 : memref<128xf32, #tpu.memory_space<vmem>>)
    %dma_wait3A_531 = arith.constant 3 : i32
    %dma_wait3A_532 = arith.constant 3 : i32
    %dma_wait3A_533 = arith.constant 128 : i32
    %dma_wait3A_534 = tpu.memref_slice %arg15[%dma_wait3A_532, %dma_wait3A_533] : memref<10x512xf32, #tpu.memory_space<vmem>> -> memref<1x128xf32, #tpu.memory_space<vmem>>
    %dma_wait3A_535 = tpu.memref_squeeze %dma_wait3A_534 : memref<1x128xf32, #tpu.memory_space<vmem>> -> memref<128xf32, #tpu.memory_space<vmem>>
    %dma_wait3A_536 = arith.constant 128 : i32
    %dma_wait3A_537 = tpu.memref_slice %arg14[%dma_wait3A_531, %dma_wait3A_536] : memref<10x512xi32, #tpu.memory_space<vmem>> -> memref<1x128xi32, #tpu.memory_space<vmem>>
    %dma_wait3A_538 = tpu.memref_squeeze %dma_wait3A_537 : memref<1x128xi32, #tpu.memory_space<vmem>> -> memref<128xi32, #tpu.memory_space<vmem>>
    %dma_wait3A_539 = arith.constant 0 : i32
    %dma_wait3A_540 = tpu.memref_slice %arg6[%dma_wait3A_539] : memref<100000xf32, #tpu.memory_space<hbm>> -> memref<100000xf32, #tpu.memory_space<hbm>>
    tpu.wait_indirect_dma semaphore(%arg17 : memref<!tpu.dma_semaphore, #tpu.memory_space<semaphore_mem>>) src(%dma_wait3A_540 : memref<100000xf32, #tpu.memory_space<hbm>>) dst(%dma_wait3A_535 : memref<128xf32, #tpu.memory_space<vmem>>)
    %dma_wait3A_541 = arith.constant 3 : i32
    %dma_wait3A_542 = arith.constant 3 : i32
    %dma_wait3A_543 = arith.constant 256 : i32
    %dma_wait3A_544 = tpu.memref_slice %arg15[%dma_wait3A_542, %dma_wait3A_543] : memref<10x512xf32, #tpu.memory_space<vmem>> -> memref<1x128xf32, #tpu.memory_space<vmem>>
    %dma_wait3A_545 = tpu.memref_squeeze %dma_wait3A_544 : memref<1x128xf32, #tpu.memory_space<vmem>> -> memref<128xf32, #tpu.memory_space<vmem>>
    %dma_wait3A_546 = arith.constant 256 : i32
    %dma_wait3A_547 = tpu.memref_slice %arg14[%dma_wait3A_541, %dma_wait3A_546] : memref<10x512xi32, #tpu.memory_space<vmem>> -> memref<1x128xi32, #tpu.memory_space<vmem>>
    %dma_wait3A_548 = tpu.memref_squeeze %dma_wait3A_547 : memref<1x128xi32, #tpu.memory_space<vmem>> -> memref<128xi32, #tpu.memory_space<vmem>>
    %dma_wait3A_549 = arith.constant 0 : i32
    %dma_wait3A_550 = tpu.memref_slice %arg6[%dma_wait3A_549] : memref<100000xf32, #tpu.memory_space<hbm>> -> memref<100000xf32, #tpu.memory_space<hbm>>
    tpu.wait_indirect_dma semaphore(%arg17 : memref<!tpu.dma_semaphore, #tpu.memory_space<semaphore_mem>>) src(%dma_wait3A_550 : memref<100000xf32, #tpu.memory_space<hbm>>) dst(%dma_wait3A_545 : memref<128xf32, #tpu.memory_space<vmem>>)
    %dma_wait3A_551 = arith.constant 3 : i32
    %dma_wait3A_552 = arith.constant 3 : i32
    %dma_wait3A_553 = arith.constant 384 : i32
    %dma_wait3A_554 = tpu.memref_slice %arg15[%dma_wait3A_552, %dma_wait3A_553] : memref<10x512xf32, #tpu.memory_space<vmem>> -> memref<1x128xf32, #tpu.memory_space<vmem>>
    %dma_wait3A_555 = tpu.memref_squeeze %dma_wait3A_554 : memref<1x128xf32, #tpu.memory_space<vmem>> -> memref<128xf32, #tpu.memory_space<vmem>>
    %dma_wait3A_556 = arith.constant 384 : i32
    %dma_wait3A_557 = tpu.memref_slice %arg14[%dma_wait3A_551, %dma_wait3A_556] : memref<10x512xi32, #tpu.memory_space<vmem>> -> memref<1x128xi32, #tpu.memory_space<vmem>>
    %dma_wait3A_558 = tpu.memref_squeeze %dma_wait3A_557 : memref<1x128xi32, #tpu.memory_space<vmem>> -> memref<128xi32, #tpu.memory_space<vmem>>
    %dma_wait3A_559 = arith.constant 0 : i32
    %dma_wait3A_560 = tpu.memref_slice %arg6[%dma_wait3A_559] : memref<100000xf32, #tpu.memory_space<hbm>> -> memref<100000xf32, #tpu.memory_space<hbm>>
    tpu.wait_indirect_dma semaphore(%arg17 : memref<!tpu.dma_semaphore, #tpu.memory_space<semaphore_mem>>) src(%dma_wait3A_560 : memref<100000xf32, #tpu.memory_space<hbm>>) dst(%dma_wait3A_555 : memref<128xf32, #tpu.memory_space<vmem>>)
    %dma_wait3A_561 = arith.constant 4 : i32
    %dma_wait3A_562 = arith.constant 4 : i32
    %dma_wait3A_563 = arith.constant 0 : i32
    %dma_wait3A_564 = tpu.memref_slice %arg15[%dma_wait3A_562, %dma_wait3A_563] : memref<10x512xf32, #tpu.memory_space<vmem>> -> memref<1x128xf32, #tpu.memory_space<vmem>>
    %dma_wait3A_565 = tpu.memref_squeeze %dma_wait3A_564 : memref<1x128xf32, #tpu.memory_space<vmem>> -> memref<128xf32, #tpu.memory_space<vmem>>
    %dma_wait3A_566 = arith.constant 0 : i32
    %dma_wait3A_567 = tpu.memref_slice %arg14[%dma_wait3A_561, %dma_wait3A_566] : memref<10x512xi32, #tpu.memory_space<vmem>> -> memref<1x128xi32, #tpu.memory_space<vmem>>
    %dma_wait3A_568 = tpu.memref_squeeze %dma_wait3A_567 : memref<1x128xi32, #tpu.memory_space<vmem>> -> memref<128xi32, #tpu.memory_space<vmem>>
    %dma_wait3A_569 = arith.constant 0 : i32
    %dma_wait3A_570 = tpu.memref_slice %arg7[%dma_wait3A_569] : memref<100000xf32, #tpu.memory_space<hbm>> -> memref<100000xf32, #tpu.memory_space<hbm>>
    tpu.wait_indirect_dma semaphore(%arg17 : memref<!tpu.dma_semaphore, #tpu.memory_space<semaphore_mem>>) src(%dma_wait3A_570 : memref<100000xf32, #tpu.memory_space<hbm>>) dst(%dma_wait3A_565 : memref<128xf32, #tpu.memory_space<vmem>>)
    %dma_wait3A_571 = arith.constant 4 : i32
    %dma_wait3A_572 = arith.constant 4 : i32
    %dma_wait3A_573 = arith.constant 128 : i32
    %dma_wait3A_574 = tpu.memref_slice %arg15[%dma_wait3A_572, %dma_wait3A_573] : memref<10x512xf32, #tpu.memory_space<vmem>> -> memref<1x128xf32, #tpu.memory_space<vmem>>
    %dma_wait3A_575 = tpu.memref_squeeze %dma_wait3A_574 : memref<1x128xf32, #tpu.memory_space<vmem>> -> memref<128xf32, #tpu.memory_space<vmem>>
    %dma_wait3A_576 = arith.constant 128 : i32
    %dma_wait3A_577 = tpu.memref_slice %arg14[%dma_wait3A_571, %dma_wait3A_576] : memref<10x512xi32, #tpu.memory_space<vmem>> -> memref<1x128xi32, #tpu.memory_space<vmem>>
    %dma_wait3A_578 = tpu.memref_squeeze %dma_wait3A_577 : memref<1x128xi32, #tpu.memory_space<vmem>> -> memref<128xi32, #tpu.memory_space<vmem>>
    %dma_wait3A_579 = arith.constant 0 : i32
    %dma_wait3A_580 = tpu.memref_slice %arg7[%dma_wait3A_579] : memref<100000xf32, #tpu.memory_space<hbm>> -> memref<100000xf32, #tpu.memory_space<hbm>>
    tpu.wait_indirect_dma semaphore(%arg17 : memref<!tpu.dma_semaphore, #tpu.memory_space<semaphore_mem>>) src(%dma_wait3A_580 : memref<100000xf32, #tpu.memory_space<hbm>>) dst(%dma_wait3A_575 : memref<128xf32, #tpu.memory_space<vmem>>)
    %dma_wait3A_581 = arith.constant 4 : i32
    %dma_wait3A_582 = arith.constant 4 : i32
    %dma_wait3A_583 = arith.constant 256 : i32
    %dma_wait3A_584 = tpu.memref_slice %arg15[%dma_wait3A_582, %dma_wait3A_583] : memref<10x512xf32, #tpu.memory_space<vmem>> -> memref<1x128xf32, #tpu.memory_space<vmem>>
    %dma_wait3A_585 = tpu.memref_squeeze %dma_wait3A_584 : memref<1x128xf32, #tpu.memory_space<vmem>> -> memref<128xf32, #tpu.memory_space<vmem>>
    %dma_wait3A_586 = arith.constant 256 : i32
    %dma_wait3A_587 = tpu.memref_slice %arg14[%dma_wait3A_581, %dma_wait3A_586] : memref<10x512xi32, #tpu.memory_space<vmem>> -> memref<1x128xi32, #tpu.memory_space<vmem>>
    %dma_wait3A_588 = tpu.memref_squeeze %dma_wait3A_587 : memref<1x128xi32, #tpu.memory_space<vmem>> -> memref<128xi32, #tpu.memory_space<vmem>>
    %dma_wait3A_589 = arith.constant 0 : i32
    %dma_wait3A_590 = tpu.memref_slice %arg7[%dma_wait3A_589] : memref<100000xf32, #tpu.memory_space<hbm>> -> memref<100000xf32, #tpu.memory_space<hbm>>
    tpu.wait_indirect_dma semaphore(%arg17 : memref<!tpu.dma_semaphore, #tpu.memory_space<semaphore_mem>>) src(%dma_wait3A_590 : memref<100000xf32, #tpu.memory_space<hbm>>) dst(%dma_wait3A_585 : memref<128xf32, #tpu.memory_space<vmem>>)
    %dma_wait3A_591 = arith.constant 4 : i32
    %dma_wait3A_592 = arith.constant 4 : i32
    %dma_wait3A_593 = arith.constant 384 : i32
    %dma_wait3A_594 = tpu.memref_slice %arg15[%dma_wait3A_592, %dma_wait3A_593] : memref<10x512xf32, #tpu.memory_space<vmem>> -> memref<1x128xf32, #tpu.memory_space<vmem>>
    %dma_wait3A_595 = tpu.memref_squeeze %dma_wait3A_594 : memref<1x128xf32, #tpu.memory_space<vmem>> -> memref<128xf32, #tpu.memory_space<vmem>>
    %dma_wait3A_596 = arith.constant 384 : i32
    %dma_wait3A_597 = tpu.memref_slice %arg14[%dma_wait3A_591, %dma_wait3A_596] : memref<10x512xi32, #tpu.memory_space<vmem>> -> memref<1x128xi32, #tpu.memory_space<vmem>>
    %dma_wait3A_598 = tpu.memref_squeeze %dma_wait3A_597 : memref<1x128xi32, #tpu.memory_space<vmem>> -> memref<128xi32, #tpu.memory_space<vmem>>
    %dma_wait3A_599 = arith.constant 0 : i32
    %dma_wait3A_600 = tpu.memref_slice %arg7[%dma_wait3A_599] : memref<100000xf32, #tpu.memory_space<hbm>> -> memref<100000xf32, #tpu.memory_space<hbm>>
    tpu.wait_indirect_dma semaphore(%arg17 : memref<!tpu.dma_semaphore, #tpu.memory_space<semaphore_mem>>) src(%dma_wait3A_600 : memref<100000xf32, #tpu.memory_space<hbm>>) dst(%dma_wait3A_595 : memref<128xf32, #tpu.memory_space<vmem>>)
    %dma_wait3A_601 = arith.constant 5 : i32
    %dma_wait3A_602 = arith.constant 5 : i32
    %dma_wait3A_603 = arith.constant 0 : i32
    %dma_wait3A_604 = tpu.memref_slice %arg15[%dma_wait3A_602, %dma_wait3A_603] : memref<10x512xf32, #tpu.memory_space<vmem>> -> memref<1x128xf32, #tpu.memory_space<vmem>>
    %dma_wait3A_605 = tpu.memref_squeeze %dma_wait3A_604 : memref<1x128xf32, #tpu.memory_space<vmem>> -> memref<128xf32, #tpu.memory_space<vmem>>
    %dma_wait3A_606 = arith.constant 0 : i32
    %dma_wait3A_607 = tpu.memref_slice %arg14[%dma_wait3A_601, %dma_wait3A_606] : memref<10x512xi32, #tpu.memory_space<vmem>> -> memref<1x128xi32, #tpu.memory_space<vmem>>
    %dma_wait3A_608 = tpu.memref_squeeze %dma_wait3A_607 : memref<1x128xi32, #tpu.memory_space<vmem>> -> memref<128xi32, #tpu.memory_space<vmem>>
    %dma_wait3A_609 = arith.constant 0 : i32
    %dma_wait3A_610 = tpu.memref_slice %arg8[%dma_wait3A_609] : memref<100000xf32, #tpu.memory_space<hbm>> -> memref<100000xf32, #tpu.memory_space<hbm>>
    tpu.wait_indirect_dma semaphore(%arg17 : memref<!tpu.dma_semaphore, #tpu.memory_space<semaphore_mem>>) src(%dma_wait3A_610 : memref<100000xf32, #tpu.memory_space<hbm>>) dst(%dma_wait3A_605 : memref<128xf32, #tpu.memory_space<vmem>>)
    %dma_wait3A_611 = arith.constant 5 : i32
    %dma_wait3A_612 = arith.constant 5 : i32
    %dma_wait3A_613 = arith.constant 128 : i32
    %dma_wait3A_614 = tpu.memref_slice %arg15[%dma_wait3A_612, %dma_wait3A_613] : memref<10x512xf32, #tpu.memory_space<vmem>> -> memref<1x128xf32, #tpu.memory_space<vmem>>
    %dma_wait3A_615 = tpu.memref_squeeze %dma_wait3A_614 : memref<1x128xf32, #tpu.memory_space<vmem>> -> memref<128xf32, #tpu.memory_space<vmem>>
    %dma_wait3A_616 = arith.constant 128 : i32
    %dma_wait3A_617 = tpu.memref_slice %arg14[%dma_wait3A_611, %dma_wait3A_616] : memref<10x512xi32, #tpu.memory_space<vmem>> -> memref<1x128xi32, #tpu.memory_space<vmem>>
    %dma_wait3A_618 = tpu.memref_squeeze %dma_wait3A_617 : memref<1x128xi32, #tpu.memory_space<vmem>> -> memref<128xi32, #tpu.memory_space<vmem>>
    %dma_wait3A_619 = arith.constant 0 : i32
    %dma_wait3A_620 = tpu.memref_slice %arg8[%dma_wait3A_619] : memref<100000xf32, #tpu.memory_space<hbm>> -> memref<100000xf32, #tpu.memory_space<hbm>>
    tpu.wait_indirect_dma semaphore(%arg17 : memref<!tpu.dma_semaphore, #tpu.memory_space<semaphore_mem>>) src(%dma_wait3A_620 : memref<100000xf32, #tpu.memory_space<hbm>>) dst(%dma_wait3A_615 : memref<128xf32, #tpu.memory_space<vmem>>)
    %dma_wait3A_621 = arith.constant 5 : i32
    %dma_wait3A_622 = arith.constant 5 : i32
    %dma_wait3A_623 = arith.constant 256 : i32
    %dma_wait3A_624 = tpu.memref_slice %arg15[%dma_wait3A_622, %dma_wait3A_623] : memref<10x512xf32, #tpu.memory_space<vmem>> -> memref<1x128xf32, #tpu.memory_space<vmem>>
    %dma_wait3A_625 = tpu.memref_squeeze %dma_wait3A_624 : memref<1x128xf32, #tpu.memory_space<vmem>> -> memref<128xf32, #tpu.memory_space<vmem>>
    %dma_wait3A_626 = arith.constant 256 : i32
    %dma_wait3A_627 = tpu.memref_slice %arg14[%dma_wait3A_621, %dma_wait3A_626] : memref<10x512xi32, #tpu.memory_space<vmem>> -> memref<1x128xi32, #tpu.memory_space<vmem>>
    %dma_wait3A_628 = tpu.memref_squeeze %dma_wait3A_627 : memref<1x128xi32, #tpu.memory_space<vmem>> -> memref<128xi32, #tpu.memory_space<vmem>>
    %dma_wait3A_629 = arith.constant 0 : i32
    %dma_wait3A_630 = tpu.memref_slice %arg8[%dma_wait3A_629] : memref<100000xf32, #tpu.memory_space<hbm>> -> memref<100000xf32, #tpu.memory_space<hbm>>
    tpu.wait_indirect_dma semaphore(%arg17 : memref<!tpu.dma_semaphore, #tpu.memory_space<semaphore_mem>>) src(%dma_wait3A_630 : memref<100000xf32, #tpu.memory_space<hbm>>) dst(%dma_wait3A_625 : memref<128xf32, #tpu.memory_space<vmem>>)
    %dma_wait3A_631 = arith.constant 5 : i32
    %dma_wait3A_632 = arith.constant 5 : i32
    %dma_wait3A_633 = arith.constant 384 : i32
    %dma_wait3A_634 = tpu.memref_slice %arg15[%dma_wait3A_632, %dma_wait3A_633] : memref<10x512xf32, #tpu.memory_space<vmem>> -> memref<1x128xf32, #tpu.memory_space<vmem>>
    %dma_wait3A_635 = tpu.memref_squeeze %dma_wait3A_634 : memref<1x128xf32, #tpu.memory_space<vmem>> -> memref<128xf32, #tpu.memory_space<vmem>>
    %dma_wait3A_636 = arith.constant 384 : i32
    %dma_wait3A_637 = tpu.memref_slice %arg14[%dma_wait3A_631, %dma_wait3A_636] : memref<10x512xi32, #tpu.memory_space<vmem>> -> memref<1x128xi32, #tpu.memory_space<vmem>>
    %dma_wait3A_638 = tpu.memref_squeeze %dma_wait3A_637 : memref<1x128xi32, #tpu.memory_space<vmem>> -> memref<128xi32, #tpu.memory_space<vmem>>
    %dma_wait3A_639 = arith.constant 0 : i32
    %dma_wait3A_640 = tpu.memref_slice %arg8[%dma_wait3A_639] : memref<100000xf32, #tpu.memory_space<hbm>> -> memref<100000xf32, #tpu.memory_space<hbm>>
    tpu.wait_indirect_dma semaphore(%arg17 : memref<!tpu.dma_semaphore, #tpu.memory_space<semaphore_mem>>) src(%dma_wait3A_640 : memref<100000xf32, #tpu.memory_space<hbm>>) dst(%dma_wait3A_635 : memref<128xf32, #tpu.memory_space<vmem>>)
    %dma_wait3A_641 = arith.constant 6 : i32
    %dma_wait3A_642 = arith.constant 6 : i32
    %dma_wait3A_643 = arith.constant 0 : i32
    %dma_wait3A_644 = tpu.memref_slice %arg15[%dma_wait3A_642, %dma_wait3A_643] : memref<10x512xf32, #tpu.memory_space<vmem>> -> memref<1x128xf32, #tpu.memory_space<vmem>>
    %dma_wait3A_645 = tpu.memref_squeeze %dma_wait3A_644 : memref<1x128xf32, #tpu.memory_space<vmem>> -> memref<128xf32, #tpu.memory_space<vmem>>
    %dma_wait3A_646 = arith.constant 0 : i32
    %dma_wait3A_647 = tpu.memref_slice %arg14[%dma_wait3A_641, %dma_wait3A_646] : memref<10x512xi32, #tpu.memory_space<vmem>> -> memref<1x128xi32, #tpu.memory_space<vmem>>
    %dma_wait3A_648 = tpu.memref_squeeze %dma_wait3A_647 : memref<1x128xi32, #tpu.memory_space<vmem>> -> memref<128xi32, #tpu.memory_space<vmem>>
    %dma_wait3A_649 = arith.constant 0 : i32
    %dma_wait3A_650 = tpu.memref_slice %arg9[%dma_wait3A_649] : memref<100000xf32, #tpu.memory_space<hbm>> -> memref<100000xf32, #tpu.memory_space<hbm>>
    tpu.wait_indirect_dma semaphore(%arg17 : memref<!tpu.dma_semaphore, #tpu.memory_space<semaphore_mem>>) src(%dma_wait3A_650 : memref<100000xf32, #tpu.memory_space<hbm>>) dst(%dma_wait3A_645 : memref<128xf32, #tpu.memory_space<vmem>>)
    %dma_wait3A_651 = arith.constant 6 : i32
    %dma_wait3A_652 = arith.constant 6 : i32
    %dma_wait3A_653 = arith.constant 128 : i32
    %dma_wait3A_654 = tpu.memref_slice %arg15[%dma_wait3A_652, %dma_wait3A_653] : memref<10x512xf32, #tpu.memory_space<vmem>> -> memref<1x128xf32, #tpu.memory_space<vmem>>
    %dma_wait3A_655 = tpu.memref_squeeze %dma_wait3A_654 : memref<1x128xf32, #tpu.memory_space<vmem>> -> memref<128xf32, #tpu.memory_space<vmem>>
    %dma_wait3A_656 = arith.constant 128 : i32
    %dma_wait3A_657 = tpu.memref_slice %arg14[%dma_wait3A_651, %dma_wait3A_656] : memref<10x512xi32, #tpu.memory_space<vmem>> -> memref<1x128xi32, #tpu.memory_space<vmem>>
    %dma_wait3A_658 = tpu.memref_squeeze %dma_wait3A_657 : memref<1x128xi32, #tpu.memory_space<vmem>> -> memref<128xi32, #tpu.memory_space<vmem>>
    %dma_wait3A_659 = arith.constant 0 : i32
    %dma_wait3A_660 = tpu.memref_slice %arg9[%dma_wait3A_659] : memref<100000xf32, #tpu.memory_space<hbm>> -> memref<100000xf32, #tpu.memory_space<hbm>>
    tpu.wait_indirect_dma semaphore(%arg17 : memref<!tpu.dma_semaphore, #tpu.memory_space<semaphore_mem>>) src(%dma_wait3A_660 : memref<100000xf32, #tpu.memory_space<hbm>>) dst(%dma_wait3A_655 : memref<128xf32, #tpu.memory_space<vmem>>)
    %dma_wait3A_661 = arith.constant 6 : i32
    %dma_wait3A_662 = arith.constant 6 : i32
    %dma_wait3A_663 = arith.constant 256 : i32
    %dma_wait3A_664 = tpu.memref_slice %arg15[%dma_wait3A_662, %dma_wait3A_663] : memref<10x512xf32, #tpu.memory_space<vmem>> -> memref<1x128xf32, #tpu.memory_space<vmem>>
    %dma_wait3A_665 = tpu.memref_squeeze %dma_wait3A_664 : memref<1x128xf32, #tpu.memory_space<vmem>> -> memref<128xf32, #tpu.memory_space<vmem>>
    %dma_wait3A_666 = arith.constant 256 : i32
    %dma_wait3A_667 = tpu.memref_slice %arg14[%dma_wait3A_661, %dma_wait3A_666] : memref<10x512xi32, #tpu.memory_space<vmem>> -> memref<1x128xi32, #tpu.memory_space<vmem>>
    %dma_wait3A_668 = tpu.memref_squeeze %dma_wait3A_667 : memref<1x128xi32, #tpu.memory_space<vmem>> -> memref<128xi32, #tpu.memory_space<vmem>>
    %dma_wait3A_669 = arith.constant 0 : i32
    %dma_wait3A_670 = tpu.memref_slice %arg9[%dma_wait3A_669] : memref<100000xf32, #tpu.memory_space<hbm>> -> memref<100000xf32, #tpu.memory_space<hbm>>
    tpu.wait_indirect_dma semaphore(%arg17 : memref<!tpu.dma_semaphore, #tpu.memory_space<semaphore_mem>>) src(%dma_wait3A_670 : memref<100000xf32, #tpu.memory_space<hbm>>) dst(%dma_wait3A_665 : memref<128xf32, #tpu.memory_space<vmem>>)
    %dma_wait3A_671 = arith.constant 6 : i32
    %dma_wait3A_672 = arith.constant 6 : i32
    %dma_wait3A_673 = arith.constant 384 : i32
    %dma_wait3A_674 = tpu.memref_slice %arg15[%dma_wait3A_672, %dma_wait3A_673] : memref<10x512xf32, #tpu.memory_space<vmem>> -> memref<1x128xf32, #tpu.memory_space<vmem>>
    %dma_wait3A_675 = tpu.memref_squeeze %dma_wait3A_674 : memref<1x128xf32, #tpu.memory_space<vmem>> -> memref<128xf32, #tpu.memory_space<vmem>>
    %dma_wait3A_676 = arith.constant 384 : i32
    %dma_wait3A_677 = tpu.memref_slice %arg14[%dma_wait3A_671, %dma_wait3A_676] : memref<10x512xi32, #tpu.memory_space<vmem>> -> memref<1x128xi32, #tpu.memory_space<vmem>>
    %dma_wait3A_678 = tpu.memref_squeeze %dma_wait3A_677 : memref<1x128xi32, #tpu.memory_space<vmem>> -> memref<128xi32, #tpu.memory_space<vmem>>
    %dma_wait3A_679 = arith.constant 0 : i32
    %dma_wait3A_680 = tpu.memref_slice %arg9[%dma_wait3A_679] : memref<100000xf32, #tpu.memory_space<hbm>> -> memref<100000xf32, #tpu.memory_space<hbm>>
    tpu.wait_indirect_dma semaphore(%arg17 : memref<!tpu.dma_semaphore, #tpu.memory_space<semaphore_mem>>) src(%dma_wait3A_680 : memref<100000xf32, #tpu.memory_space<hbm>>) dst(%dma_wait3A_675 : memref<128xf32, #tpu.memory_space<vmem>>)
    %dma_wait3A_681 = arith.constant 7 : i32
    %dma_wait3A_682 = arith.constant 7 : i32
    %dma_wait3A_683 = arith.constant 0 : i32
    %dma_wait3A_684 = tpu.memref_slice %arg15[%dma_wait3A_682, %dma_wait3A_683] : memref<10x512xf32, #tpu.memory_space<vmem>> -> memref<1x128xf32, #tpu.memory_space<vmem>>
    %dma_wait3A_685 = tpu.memref_squeeze %dma_wait3A_684 : memref<1x128xf32, #tpu.memory_space<vmem>> -> memref<128xf32, #tpu.memory_space<vmem>>
    %dma_wait3A_686 = arith.constant 0 : i32
    %dma_wait3A_687 = tpu.memref_slice %arg14[%dma_wait3A_681, %dma_wait3A_686] : memref<10x512xi32, #tpu.memory_space<vmem>> -> memref<1x128xi32, #tpu.memory_space<vmem>>
    %dma_wait3A_688 = tpu.memref_squeeze %dma_wait3A_687 : memref<1x128xi32, #tpu.memory_space<vmem>> -> memref<128xi32, #tpu.memory_space<vmem>>
    %dma_wait3A_689 = arith.constant 0 : i32
    %dma_wait3A_690 = tpu.memref_slice %arg10[%dma_wait3A_689] : memref<100000xf32, #tpu.memory_space<hbm>> -> memref<100000xf32, #tpu.memory_space<hbm>>
    tpu.wait_indirect_dma semaphore(%arg17 : memref<!tpu.dma_semaphore, #tpu.memory_space<semaphore_mem>>) src(%dma_wait3A_690 : memref<100000xf32, #tpu.memory_space<hbm>>) dst(%dma_wait3A_685 : memref<128xf32, #tpu.memory_space<vmem>>)
    %dma_wait3A_691 = arith.constant 7 : i32
    %dma_wait3A_692 = arith.constant 7 : i32
    %dma_wait3A_693 = arith.constant 128 : i32
    %dma_wait3A_694 = tpu.memref_slice %arg15[%dma_wait3A_692, %dma_wait3A_693] : memref<10x512xf32, #tpu.memory_space<vmem>> -> memref<1x128xf32, #tpu.memory_space<vmem>>
    %dma_wait3A_695 = tpu.memref_squeeze %dma_wait3A_694 : memref<1x128xf32, #tpu.memory_space<vmem>> -> memref<128xf32, #tpu.memory_space<vmem>>
    %dma_wait3A_696 = arith.constant 128 : i32
    %dma_wait3A_697 = tpu.memref_slice %arg14[%dma_wait3A_691, %dma_wait3A_696] : memref<10x512xi32, #tpu.memory_space<vmem>> -> memref<1x128xi32, #tpu.memory_space<vmem>>
    %dma_wait3A_698 = tpu.memref_squeeze %dma_wait3A_697 : memref<1x128xi32, #tpu.memory_space<vmem>> -> memref<128xi32, #tpu.memory_space<vmem>>
    %dma_wait3A_699 = arith.constant 0 : i32
    %dma_wait3A_700 = tpu.memref_slice %arg10[%dma_wait3A_699] : memref<100000xf32, #tpu.memory_space<hbm>> -> memref<100000xf32, #tpu.memory_space<hbm>>
    tpu.wait_indirect_dma semaphore(%arg17 : memref<!tpu.dma_semaphore, #tpu.memory_space<semaphore_mem>>) src(%dma_wait3A_700 : memref<100000xf32, #tpu.memory_space<hbm>>) dst(%dma_wait3A_695 : memref<128xf32, #tpu.memory_space<vmem>>)
    %dma_wait3A_701 = arith.constant 7 : i32
    %dma_wait3A_702 = arith.constant 7 : i32
    %dma_wait3A_703 = arith.constant 256 : i32
    %dma_wait3A_704 = tpu.memref_slice %arg15[%dma_wait3A_702, %dma_wait3A_703] : memref<10x512xf32, #tpu.memory_space<vmem>> -> memref<1x128xf32, #tpu.memory_space<vmem>>
    %dma_wait3A_705 = tpu.memref_squeeze %dma_wait3A_704 : memref<1x128xf32, #tpu.memory_space<vmem>> -> memref<128xf32, #tpu.memory_space<vmem>>
    %dma_wait3A_706 = arith.constant 256 : i32
    %dma_wait3A_707 = tpu.memref_slice %arg14[%dma_wait3A_701, %dma_wait3A_706] : memref<10x512xi32, #tpu.memory_space<vmem>> -> memref<1x128xi32, #tpu.memory_space<vmem>>
    %dma_wait3A_708 = tpu.memref_squeeze %dma_wait3A_707 : memref<1x128xi32, #tpu.memory_space<vmem>> -> memref<128xi32, #tpu.memory_space<vmem>>
    %dma_wait3A_709 = arith.constant 0 : i32
    %dma_wait3A_710 = tpu.memref_slice %arg10[%dma_wait3A_709] : memref<100000xf32, #tpu.memory_space<hbm>> -> memref<100000xf32, #tpu.memory_space<hbm>>
    tpu.wait_indirect_dma semaphore(%arg17 : memref<!tpu.dma_semaphore, #tpu.memory_space<semaphore_mem>>) src(%dma_wait3A_710 : memref<100000xf32, #tpu.memory_space<hbm>>) dst(%dma_wait3A_705 : memref<128xf32, #tpu.memory_space<vmem>>)
    %dma_wait3A_711 = arith.constant 7 : i32
    %dma_wait3A_712 = arith.constant 7 : i32
    %dma_wait3A_713 = arith.constant 384 : i32
    %dma_wait3A_714 = tpu.memref_slice %arg15[%dma_wait3A_712, %dma_wait3A_713] : memref<10x512xf32, #tpu.memory_space<vmem>> -> memref<1x128xf32, #tpu.memory_space<vmem>>
    %dma_wait3A_715 = tpu.memref_squeeze %dma_wait3A_714 : memref<1x128xf32, #tpu.memory_space<vmem>> -> memref<128xf32, #tpu.memory_space<vmem>>
    %dma_wait3A_716 = arith.constant 384 : i32
    %dma_wait3A_717 = tpu.memref_slice %arg14[%dma_wait3A_711, %dma_wait3A_716] : memref<10x512xi32, #tpu.memory_space<vmem>> -> memref<1x128xi32, #tpu.memory_space<vmem>>
    %dma_wait3A_718 = tpu.memref_squeeze %dma_wait3A_717 : memref<1x128xi32, #tpu.memory_space<vmem>> -> memref<128xi32, #tpu.memory_space<vmem>>
    %dma_wait3A_719 = arith.constant 0 : i32
    %dma_wait3A_720 = tpu.memref_slice %arg10[%dma_wait3A_719] : memref<100000xf32, #tpu.memory_space<hbm>> -> memref<100000xf32, #tpu.memory_space<hbm>>
    tpu.wait_indirect_dma semaphore(%arg17 : memref<!tpu.dma_semaphore, #tpu.memory_space<semaphore_mem>>) src(%dma_wait3A_720 : memref<100000xf32, #tpu.memory_space<hbm>>) dst(%dma_wait3A_715 : memref<128xf32, #tpu.memory_space<vmem>>)
    %dma_wait3A_721 = arith.constant 8 : i32
    %dma_wait3A_722 = arith.constant 8 : i32
    %dma_wait3A_723 = arith.constant 0 : i32
    %dma_wait3A_724 = tpu.memref_slice %arg15[%dma_wait3A_722, %dma_wait3A_723] : memref<10x512xf32, #tpu.memory_space<vmem>> -> memref<1x128xf32, #tpu.memory_space<vmem>>
    %dma_wait3A_725 = tpu.memref_squeeze %dma_wait3A_724 : memref<1x128xf32, #tpu.memory_space<vmem>> -> memref<128xf32, #tpu.memory_space<vmem>>
    %dma_wait3A_726 = arith.constant 0 : i32
    %dma_wait3A_727 = tpu.memref_slice %arg14[%dma_wait3A_721, %dma_wait3A_726] : memref<10x512xi32, #tpu.memory_space<vmem>> -> memref<1x128xi32, #tpu.memory_space<vmem>>
    %dma_wait3A_728 = tpu.memref_squeeze %dma_wait3A_727 : memref<1x128xi32, #tpu.memory_space<vmem>> -> memref<128xi32, #tpu.memory_space<vmem>>
    %dma_wait3A_729 = arith.constant 0 : i32
    %dma_wait3A_730 = tpu.memref_slice %arg11[%dma_wait3A_729] : memref<100000xf32, #tpu.memory_space<hbm>> -> memref<100000xf32, #tpu.memory_space<hbm>>
    tpu.wait_indirect_dma semaphore(%arg17 : memref<!tpu.dma_semaphore, #tpu.memory_space<semaphore_mem>>) src(%dma_wait3A_730 : memref<100000xf32, #tpu.memory_space<hbm>>) dst(%dma_wait3A_725 : memref<128xf32, #tpu.memory_space<vmem>>)
    %dma_wait3A_731 = arith.constant 8 : i32
    %dma_wait3A_732 = arith.constant 8 : i32
    %dma_wait3A_733 = arith.constant 128 : i32
    %dma_wait3A_734 = tpu.memref_slice %arg15[%dma_wait3A_732, %dma_wait3A_733] : memref<10x512xf32, #tpu.memory_space<vmem>> -> memref<1x128xf32, #tpu.memory_space<vmem>>
    %dma_wait3A_735 = tpu.memref_squeeze %dma_wait3A_734 : memref<1x128xf32, #tpu.memory_space<vmem>> -> memref<128xf32, #tpu.memory_space<vmem>>
    %dma_wait3A_736 = arith.constant 128 : i32
    %dma_wait3A_737 = tpu.memref_slice %arg14[%dma_wait3A_731, %dma_wait3A_736] : memref<10x512xi32, #tpu.memory_space<vmem>> -> memref<1x128xi32, #tpu.memory_space<vmem>>
    %dma_wait3A_738 = tpu.memref_squeeze %dma_wait3A_737 : memref<1x128xi32, #tpu.memory_space<vmem>> -> memref<128xi32, #tpu.memory_space<vmem>>
    %dma_wait3A_739 = arith.constant 0 : i32
    %dma_wait3A_740 = tpu.memref_slice %arg11[%dma_wait3A_739] : memref<100000xf32, #tpu.memory_space<hbm>> -> memref<100000xf32, #tpu.memory_space<hbm>>
    tpu.wait_indirect_dma semaphore(%arg17 : memref<!tpu.dma_semaphore, #tpu.memory_space<semaphore_mem>>) src(%dma_wait3A_740 : memref<100000xf32, #tpu.memory_space<hbm>>) dst(%dma_wait3A_735 : memref<128xf32, #tpu.memory_space<vmem>>)
    %dma_wait3A_741 = arith.constant 8 : i32
    %dma_wait3A_742 = arith.constant 8 : i32
    %dma_wait3A_743 = arith.constant 256 : i32
    %dma_wait3A_744 = tpu.memref_slice %arg15[%dma_wait3A_742, %dma_wait3A_743] : memref<10x512xf32, #tpu.memory_space<vmem>> -> memref<1x128xf32, #tpu.memory_space<vmem>>
    %dma_wait3A_745 = tpu.memref_squeeze %dma_wait3A_744 : memref<1x128xf32, #tpu.memory_space<vmem>> -> memref<128xf32, #tpu.memory_space<vmem>>
    %dma_wait3A_746 = arith.constant 256 : i32
    %dma_wait3A_747 = tpu.memref_slice %arg14[%dma_wait3A_741, %dma_wait3A_746] : memref<10x512xi32, #tpu.memory_space<vmem>> -> memref<1x128xi32, #tpu.memory_space<vmem>>
    %dma_wait3A_748 = tpu.memref_squeeze %dma_wait3A_747 : memref<1x128xi32, #tpu.memory_space<vmem>> -> memref<128xi32, #tpu.memory_space<vmem>>
    %dma_wait3A_749 = arith.constant 0 : i32
    %dma_wait3A_750 = tpu.memref_slice %arg11[%dma_wait3A_749] : memref<100000xf32, #tpu.memory_space<hbm>> -> memref<100000xf32, #tpu.memory_space<hbm>>
    tpu.wait_indirect_dma semaphore(%arg17 : memref<!tpu.dma_semaphore, #tpu.memory_space<semaphore_mem>>) src(%dma_wait3A_750 : memref<100000xf32, #tpu.memory_space<hbm>>) dst(%dma_wait3A_745 : memref<128xf32, #tpu.memory_space<vmem>>)
    %dma_wait3A_751 = arith.constant 8 : i32
    %dma_wait3A_752 = arith.constant 8 : i32
    %dma_wait3A_753 = arith.constant 384 : i32
    %dma_wait3A_754 = tpu.memref_slice %arg15[%dma_wait3A_752, %dma_wait3A_753] : memref<10x512xf32, #tpu.memory_space<vmem>> -> memref<1x128xf32, #tpu.memory_space<vmem>>
    %dma_wait3A_755 = tpu.memref_squeeze %dma_wait3A_754 : memref<1x128xf32, #tpu.memory_space<vmem>> -> memref<128xf32, #tpu.memory_space<vmem>>
    %dma_wait3A_756 = arith.constant 384 : i32
    %dma_wait3A_757 = tpu.memref_slice %arg14[%dma_wait3A_751, %dma_wait3A_756] : memref<10x512xi32, #tpu.memory_space<vmem>> -> memref<1x128xi32, #tpu.memory_space<vmem>>
    %dma_wait3A_758 = tpu.memref_squeeze %dma_wait3A_757 : memref<1x128xi32, #tpu.memory_space<vmem>> -> memref<128xi32, #tpu.memory_space<vmem>>
    %dma_wait3A_759 = arith.constant 0 : i32
    %dma_wait3A_760 = tpu.memref_slice %arg11[%dma_wait3A_759] : memref<100000xf32, #tpu.memory_space<hbm>> -> memref<100000xf32, #tpu.memory_space<hbm>>
    tpu.wait_indirect_dma semaphore(%arg17 : memref<!tpu.dma_semaphore, #tpu.memory_space<semaphore_mem>>) src(%dma_wait3A_760 : memref<100000xf32, #tpu.memory_space<hbm>>) dst(%dma_wait3A_755 : memref<128xf32, #tpu.memory_space<vmem>>)
    %dma_wait3A_761 = arith.constant 9 : i32
    %dma_wait3A_762 = arith.constant 9 : i32
    %dma_wait3A_763 = arith.constant 0 : i32
    %dma_wait3A_764 = tpu.memref_slice %arg15[%dma_wait3A_762, %dma_wait3A_763] : memref<10x512xf32, #tpu.memory_space<vmem>> -> memref<1x128xf32, #tpu.memory_space<vmem>>
    %dma_wait3A_765 = tpu.memref_squeeze %dma_wait3A_764 : memref<1x128xf32, #tpu.memory_space<vmem>> -> memref<128xf32, #tpu.memory_space<vmem>>
    %dma_wait3A_766 = arith.constant 0 : i32
    %dma_wait3A_767 = tpu.memref_slice %arg14[%dma_wait3A_761, %dma_wait3A_766] : memref<10x512xi32, #tpu.memory_space<vmem>> -> memref<1x128xi32, #tpu.memory_space<vmem>>
    %dma_wait3A_768 = tpu.memref_squeeze %dma_wait3A_767 : memref<1x128xi32, #tpu.memory_space<vmem>> -> memref<128xi32, #tpu.memory_space<vmem>>
    %dma_wait3A_769 = arith.constant 0 : i32
    %dma_wait3A_770 = tpu.memref_slice %arg12[%dma_wait3A_769] : memref<100000xf32, #tpu.memory_space<hbm>> -> memref<100000xf32, #tpu.memory_space<hbm>>
    tpu.wait_indirect_dma semaphore(%arg17 : memref<!tpu.dma_semaphore, #tpu.memory_space<semaphore_mem>>) src(%dma_wait3A_770 : memref<100000xf32, #tpu.memory_space<hbm>>) dst(%dma_wait3A_765 : memref<128xf32, #tpu.memory_space<vmem>>)
    %dma_wait3A_771 = arith.constant 9 : i32
    %dma_wait3A_772 = arith.constant 9 : i32
    %dma_wait3A_773 = arith.constant 128 : i32
    %dma_wait3A_774 = tpu.memref_slice %arg15[%dma_wait3A_772, %dma_wait3A_773] : memref<10x512xf32, #tpu.memory_space<vmem>> -> memref<1x128xf32, #tpu.memory_space<vmem>>
    %dma_wait3A_775 = tpu.memref_squeeze %dma_wait3A_774 : memref<1x128xf32, #tpu.memory_space<vmem>> -> memref<128xf32, #tpu.memory_space<vmem>>
    %dma_wait3A_776 = arith.constant 128 : i32
    %dma_wait3A_777 = tpu.memref_slice %arg14[%dma_wait3A_771, %dma_wait3A_776] : memref<10x512xi32, #tpu.memory_space<vmem>> -> memref<1x128xi32, #tpu.memory_space<vmem>>
    %dma_wait3A_778 = tpu.memref_squeeze %dma_wait3A_777 : memref<1x128xi32, #tpu.memory_space<vmem>> -> memref<128xi32, #tpu.memory_space<vmem>>
    %dma_wait3A_779 = arith.constant 0 : i32
    %dma_wait3A_780 = tpu.memref_slice %arg12[%dma_wait3A_779] : memref<100000xf32, #tpu.memory_space<hbm>> -> memref<100000xf32, #tpu.memory_space<hbm>>
    tpu.wait_indirect_dma semaphore(%arg17 : memref<!tpu.dma_semaphore, #tpu.memory_space<semaphore_mem>>) src(%dma_wait3A_780 : memref<100000xf32, #tpu.memory_space<hbm>>) dst(%dma_wait3A_775 : memref<128xf32, #tpu.memory_space<vmem>>)
    %dma_wait3A_781 = arith.constant 9 : i32
    %dma_wait3A_782 = arith.constant 9 : i32
    %dma_wait3A_783 = arith.constant 256 : i32
    %dma_wait3A_784 = tpu.memref_slice %arg15[%dma_wait3A_782, %dma_wait3A_783] : memref<10x512xf32, #tpu.memory_space<vmem>> -> memref<1x128xf32, #tpu.memory_space<vmem>>
    %dma_wait3A_785 = tpu.memref_squeeze %dma_wait3A_784 : memref<1x128xf32, #tpu.memory_space<vmem>> -> memref<128xf32, #tpu.memory_space<vmem>>
    %dma_wait3A_786 = arith.constant 256 : i32
    %dma_wait3A_787 = tpu.memref_slice %arg14[%dma_wait3A_781, %dma_wait3A_786] : memref<10x512xi32, #tpu.memory_space<vmem>> -> memref<1x128xi32, #tpu.memory_space<vmem>>
    %dma_wait3A_788 = tpu.memref_squeeze %dma_wait3A_787 : memref<1x128xi32, #tpu.memory_space<vmem>> -> memref<128xi32, #tpu.memory_space<vmem>>
    %dma_wait3A_789 = arith.constant 0 : i32
    %dma_wait3A_790 = tpu.memref_slice %arg12[%dma_wait3A_789] : memref<100000xf32, #tpu.memory_space<hbm>> -> memref<100000xf32, #tpu.memory_space<hbm>>
    tpu.wait_indirect_dma semaphore(%arg17 : memref<!tpu.dma_semaphore, #tpu.memory_space<semaphore_mem>>) src(%dma_wait3A_790 : memref<100000xf32, #tpu.memory_space<hbm>>) dst(%dma_wait3A_785 : memref<128xf32, #tpu.memory_space<vmem>>)
    %dma_wait3A_791 = arith.constant 9 : i32
    %dma_wait3A_792 = arith.constant 9 : i32
    %dma_wait3A_793 = arith.constant 384 : i32
    %dma_wait3A_794 = tpu.memref_slice %arg15[%dma_wait3A_792, %dma_wait3A_793] : memref<10x512xf32, #tpu.memory_space<vmem>> -> memref<1x128xf32, #tpu.memory_space<vmem>>
    %dma_wait3A_795 = tpu.memref_squeeze %dma_wait3A_794 : memref<1x128xf32, #tpu.memory_space<vmem>> -> memref<128xf32, #tpu.memory_space<vmem>>
    %dma_wait3A_796 = arith.constant 384 : i32
    %dma_wait3A_797 = tpu.memref_slice %arg14[%dma_wait3A_791, %dma_wait3A_796] : memref<10x512xi32, #tpu.memory_space<vmem>> -> memref<1x128xi32, #tpu.memory_space<vmem>>
    %dma_wait3A_798 = tpu.memref_squeeze %dma_wait3A_797 : memref<1x128xi32, #tpu.memory_space<vmem>> -> memref<128xi32, #tpu.memory_space<vmem>>
    %dma_wait3A_799 = arith.constant 0 : i32
    %dma_wait3A_800 = tpu.memref_slice %arg12[%dma_wait3A_799] : memref<100000xf32, #tpu.memory_space<hbm>> -> memref<100000xf32, #tpu.memory_space<hbm>>
    tpu.wait_indirect_dma semaphore(%arg17 : memref<!tpu.dma_semaphore, #tpu.memory_space<semaphore_mem>>) src(%dma_wait3A_800 : memref<100000xf32, #tpu.memory_space<hbm>>) dst(%dma_wait3A_795 : memref<128xf32, #tpu.memory_space<vmem>>)
    %scan3A = arith.constant 0 : i32
    %scan3A_801 = arith.constant 0 : i32
    %scan3A_802 = arith.constant 32 : i32
    %scan3A_803 = arith.addi %scan3A_801, %scan3A_802 : i32
    %scan3A_804 = arith.constant 1 : i32
    %scan3A_805 = scf.for %scan3A_807 = %scan3A_801 to %scan3A_803 step %scan3A_804 iter_args(%scan3A_808 = %scan3A) -> (i32)  : i32 {
      %mul3A_809 = arith.constant 16 : i32
      %mul3A_810 = arith.muli %scan3A_807, %mul3A_809 : i32
      %get3A = arith.constant 0 : i32
      %get3A_811 = arith.index_cast %get3A : i32 to index
      %get3A_812 = arith.index_cast %mul3A_810 : i32 to index
      %get3A_813 = tpu.vector_load %arg15[%get3A_811, %get3A_812] {strides = array<i32>} : memref<10x512xf32, #tpu.memory_space<vmem>>, vector<1x16xf32>,
      %get3A_814 = vector.shape_cast %get3A_813 : vector<1x16xf32> to vector<16xf32>
      %get3A_815 = arith.constant 1 : i32
      %get3A_816 = arith.index_cast %get3A_815 : i32 to index
      %get3A_817 = arith.index_cast %mul3A_810 : i32 to index
      %get3A_818 = tpu.vector_load %arg15[%get3A_816, %get3A_817] {strides = array<i32>} : memref<10x512xf32, #tpu.memory_space<vmem>>, vector<1x16xf32>,
      %get3A_819 = vector.shape_cast %get3A_818 : vector<1x16xf32> to vector<16xf32>
      %add3A_820 = arith.addf %get3A_814, %get3A_819 : vector<16xf32>
      %get3A_821 = arith.constant 2 : i32
      %get3A_822 = arith.index_cast %get3A_821 : i32 to index
      %get3A_823 = arith.index_cast %mul3A_810 : i32 to index
      %get3A_824 = tpu.vector_load %arg15[%get3A_822, %get3A_823] {strides = array<i32>} : memref<10x512xf32, #tpu.memory_space<vmem>>, vector<1x16xf32>,
      %get3A_825 = vector.shape_cast %get3A_824 : vector<1x16xf32> to vector<16xf32>
      %add3A_826 = arith.addf %add3A_820, %get3A_825 : vector<16xf32>
      %get3A_827 = arith.constant 3 : i32
      %get3A_828 = arith.index_cast %get3A_827 : i32 to index
      %get3A_829 = arith.index_cast %mul3A_810 : i32 to index
      %get3A_830 = tpu.vector_load %arg15[%get3A_828, %get3A_829] {strides = array<i32>} : memref<10x512xf32, #tpu.memory_space<vmem>>, vector<1x16xf32>,
      %get3A_831 = vector.shape_cast %get3A_830 : vector<1x16xf32> to vector<16xf32>
      %add3A_832 = arith.addf %add3A_826, %get3A_831 : vector<16xf32>
      %get3A_833 = arith.constant 4 : i32
      %get3A_834 = arith.index_cast %get3A_833 : i32 to index
      %get3A_835 = arith.index_cast %mul3A_810 : i32 to index
      %get3A_836 = tpu.vector_load %arg15[%get3A_834, %get3A_835] {strides = array<i32>} : memref<10x512xf32, #tpu.memory_space<vmem>>, vector<1x16xf32>,
      %get3A_837 = vector.shape_cast %get3A_836 : vector<1x16xf32> to vector<16xf32>
      %add3A_838 = arith.addf %add3A_832, %get3A_837 : vector<16xf32>
      %get3A_839 = arith.constant 5 : i32
      %get3A_840 = arith.index_cast %get3A_839 : i32 to index
      %get3A_841 = arith.index_cast %mul3A_810 : i32 to index
      %get3A_842 = tpu.vector_load %arg15[%get3A_840, %get3A_841] {strides = array<i32>} : memref<10x512xf32, #tpu.memory_space<vmem>>, vector<1x16xf32>,
      %get3A_843 = vector.shape_cast %get3A_842 : vector<1x16xf32> to vector<16xf32>
      %add3A_844 = arith.addf %add3A_838, %get3A_843 : vector<16xf32>
      %get3A_845 = arith.constant 6 : i32
      %get3A_846 = arith.index_cast %get3A_845 : i32 to index
      %get3A_847 = arith.index_cast %mul3A_810 : i32 to index
      %get3A_848 = tpu.vector_load %arg15[%get3A_846, %get3A_847] {strides = array<i32>} : memref<10x512xf32, #tpu.memory_space<vmem>>, vector<1x16xf32>,
      %get3A_849 = vector.shape_cast %get3A_848 : vector<1x16xf32> to vector<16xf32>
      %add3A_850 = arith.addf %add3A_844, %get3A_849 : vector<16xf32>
      %get3A_851 = arith.constant 7 : i32
      %get3A_852 = arith.index_cast %get3A_851 : i32 to index
      %get3A_853 = arith.index_cast %mul3A_810 : i32 to index
      %get3A_854 = tpu.vector_load %arg15[%get3A_852, %get3A_853] {strides = array<i32>} : memref<10x512xf32, #tpu.memory_space<vmem>>, vector<1x16xf32>,
      %get3A_855 = vector.shape_cast %get3A_854 : vector<1x16xf32> to vector<16xf32>
      %add3A_856 = arith.addf %add3A_850, %get3A_855 : vector<16xf32>
      %get3A_857 = arith.constant 8 : i32
      %get3A_858 = arith.index_cast %get3A_857 : i32 to index
      %get3A_859 = arith.index_cast %mul3A_810 : i32 to index
      %get3A_860 = tpu.vector_load %arg15[%get3A_858, %get3A_859] {strides = array<i32>} : memref<10x512xf32, #tpu.memory_space<vmem>>, vector<1x16xf32>,
      %get3A_861 = vector.shape_cast %get3A_860 : vector<1x16xf32> to vector<16xf32>
      %add3A_862 = arith.addf %add3A_856, %get3A_861 : vector<16xf32>
      %get3A_863 = arith.constant 9 : i32
      %get3A_864 = arith.index_cast %get3A_863 : i32 to index
      %get3A_865 = arith.index_cast %mul3A_810 : i32 to index
      %get3A_866 = tpu.vector_load %arg15[%get3A_864, %get3A_865] {strides = array<i32>} : memref<10x512xf32, #tpu.memory_space<vmem>>, vector<1x16xf32>,
      %get3A_867 = vector.shape_cast %get3A_866 : vector<1x16xf32> to vector<16xf32>
      %add3A_868 = arith.addf %add3A_862, %get3A_867 : vector<16xf32>
      %swap3A = arith.index_cast %mul3A_810 : i32 to index
      %swap3A_869 = tpu.vector_load %arg16[%swap3A] {strides = array<i32>} : memref<512xf32, #tpu.memory_space<vmem>>, vector<16xf32>,
      %swap3A_870 = vector.shape_cast %swap3A_869 : vector<16xf32> to vector<16xf32>
      %swap3A_871 = vector.shape_cast %add3A_868 : vector<16xf32> to vector<16xf32>
      tpu.vector_store %arg16[%swap3A], %swap3A_871 {strides = array<i32>} : memref<512xf32, #tpu.memory_space<vmem>>, vector<16xf32>,
      %scan3A_872 = arith.constant 0 : i32
      scf.yield %scan3A_872 : i32
    }
    %scan3A_806 = arith.constant 32 : i32
    "tpu.region"() ({
      %run_scoped3A = tpu.sem_alloc : memref<!tpu.dma_semaphore, #tpu.memory_space<semaphore_mem>>
      %dma_start3A_807 = tpu.memref_slice %arg13[%mul3A_2] : memref<16384xf32, #tpu.memory_space<hbm>> -> memref<512xf32, #tpu.memory_space<hbm>>
      %dma_start3A_808 = tpu.memref_slice %arg13[%mul3A_2] : memref<16384xf32, #tpu.memory_space<hbm>> -> memref<512xf32, #tpu.memory_space<hbm>>
      tpu.enqueue_dma source(%arg16 : memref<512xf32, #tpu.memory_space<vmem>>) target(%dma_start3A_808 : memref<512xf32, #tpu.memory_space<hbm>>) target_semaphore(%run_scoped3A : memref<!tpu.dma_semaphore, #tpu.memory_space<semaphore_mem>>)
      %dma_wait3A_809 = tpu.memref_slice %arg13[%mul3A_2] : memref<16384xf32, #tpu.memory_space<hbm>> -> memref<512xf32, #tpu.memory_space<hbm>>
      %dma_wait3A_810 = tpu.memref_slice %arg13[%mul3A_2] : memref<16384xf32, #tpu.memory_space<hbm>> -> memref<512xf32, #tpu.memory_space<hbm>>
      tpu.wait_dma2 semaphore(%run_scoped3A : memref<!tpu.dma_semaphore, #tpu.memory_space<semaphore_mem>>) src(%arg16 : memref<512xf32, #tpu.memory_space<vmem>>) dst(%dma_wait3A_810 : memref<512xf32, #tpu.memory_space<hbm>>)
      tpu.yield
    }) : () -> ()
    return
  }
}

#map = affine_map<(d0, d1) -> (0, 0)>
#map1 = affine_map<(d0, d1) -> (0)>
module attributes {stable_mosaic.version = 14 : i64} {
  func.func @k(%arg0: i32, %arg1: i32, %arg2: memref<26x16384xi32, #tpu.memory_space<hbm>>, %arg3: memref<100000xf32, #tpu.memory_space<hbm>>, %arg4: memref<100000xf32, #tpu.memory_space<hbm>>, %arg5: memref<100000xf32, #tpu.memory_space<hbm>>, %arg6: memref<100000xf32, #tpu.memory_space<hbm>>, %arg7: memref<100000xf32, #tpu.memory_space<hbm>>, %arg8: memref<100000xf32, #tpu.memory_space<hbm>>, %arg9: memref<100000xf32, #tpu.memory_space<hbm>>, %arg10: memref<100000xf32, #tpu.memory_space<hbm>>, %arg11: memref<100000xf32, #tpu.memory_space<hbm>>, %arg12: memref<100000xf32, #tpu.memory_space<hbm>>, %arg13: memref<100000xf32, #tpu.memory_space<hbm>>, %arg14: memref<100000xf32, #tpu.memory_space<hbm>>, %arg15: memref<100000xf32, #tpu.memory_space<hbm>>, %arg16: memref<100000xf32, #tpu.memory_space<hbm>>, %arg17: memref<100000xf32, #tpu.memory_space<hbm>>, %arg18: memref<100000xf32, #tpu.memory_space<hbm>>, %arg19: memref<16384xf32, #tpu.memory_space<hbm>>, %arg20: memref<16x512xi32, #tpu.memory_space<vmem>>, %arg21: memref<16x512xf32, #tpu.memory_space<vmem>>, %arg22: memref<512xf32, #tpu.memory_space<vmem>>, %arg23: memref<!tpu.dma_semaphore, #tpu.memory_space<semaphore_mem>>) attributes {dimension_semantics = [#tpu.dimension_semantics<core_parallel>, #tpu.dimension_semantics<subcore_parallel>], iteration_bounds = array<i64: 2, 16>, scalar_prefetch = 0 : i64, scratch_operands = 4 : i64, tpu.core_type = #tpu.core_type<sc_vector_subcore>, window_params = [{transform_indices = #map}, {transform_indices = #map1}, {transform_indices = #map1}, {transform_indices = #map1}, {transform_indices = #map1}, {transform_indices = #map1}, {transform_indices = #map1}, {transform_indices = #map1}, {transform_indices = #map1}, {transform_indices = #map1}, {transform_indices = #map1}, {transform_indices = #map1}, {transform_indices = #map1}, {transform_indices = #map1}, {transform_indices = #map1}, {transform_indices = #map1}, {transform_indices = #map1}, {transform_indices = #map1}]} {
    %mul3A = arith.constant 2 : i32
    %mul3A_0 = arith.muli %arg1, %mul3A : i32
    %add3A = arith.addi %mul3A_0, %arg0 : i32
    %mul3A_1 = arith.constant 512 : i32
    %mul3A_2 = arith.muli %add3A, %mul3A_1 : i32
    "tpu.region"() ({
      %run_scoped3A = tpu.sem_alloc : memref<!tpu.dma_semaphore, #tpu.memory_space<semaphore_mem>>
      %dma_start3A_1287 = arith.constant 0 : i32
      %dma_start3A_1288 = tpu.memref_slice %arg2[%dma_start3A_1287, %mul3A_2] : memref<26x16384xi32, #tpu.memory_space<hbm>> -> memref<16x512xi32, #tpu.memory_space<hbm>>
      %dma_start3A_1289 = arith.constant 0 : i32
      %dma_start3A_1290 = tpu.memref_slice %arg2[%dma_start3A_1289, %mul3A_2] : memref<26x16384xi32, #tpu.memory_space<hbm>> -> memref<16x512xi32, #tpu.memory_space<hbm>>
      tpu.enqueue_dma source(%dma_start3A_1290 : memref<16x512xi32, #tpu.memory_space<hbm>>) target(%arg20 : memref<16x512xi32, #tpu.memory_space<vmem>>) target_semaphore(%run_scoped3A : memref<!tpu.dma_semaphore, #tpu.memory_space<semaphore_mem>>)
      %dma_wait3A_1291 = arith.constant 0 : i32
      %dma_wait3A_1292 = tpu.memref_slice %arg2[%dma_wait3A_1291, %mul3A_2] : memref<26x16384xi32, #tpu.memory_space<hbm>> -> memref<16x512xi32, #tpu.memory_space<hbm>>
      %dma_wait3A_1293 = arith.constant 0 : i32
      %dma_wait3A_1294 = tpu.memref_slice %arg2[%dma_wait3A_1293, %mul3A_2] : memref<26x16384xi32, #tpu.memory_space<hbm>> -> memref<16x512xi32, #tpu.memory_space<hbm>>
      tpu.wait_dma2 semaphore(%run_scoped3A : memref<!tpu.dma_semaphore, #tpu.memory_space<semaphore_mem>>) src(%dma_wait3A_1294 : memref<16x512xi32, #tpu.memory_space<hbm>>) dst(%arg20 : memref<16x512xi32, #tpu.memory_space<vmem>>)
      tpu.yield
    }) : () -> ()
    %dma_start3A = arith.constant 0 : i32
    %dma_start3A_3 = arith.constant 0 : i32
    %dma_start3A_4 = arith.constant 0 : i32
    %dma_start3A_5 = tpu.memref_slice %arg21[%dma_start3A_3, %dma_start3A_4] : memref<16x512xf32, #tpu.memory_space<vmem>> -> memref<1x128xf32, #tpu.memory_space<vmem>>
    %dma_start3A_6 = tpu.memref_squeeze %dma_start3A_5 : memref<1x128xf32, #tpu.memory_space<vmem>> -> memref<128xf32, #tpu.memory_space<vmem>>
    %dma_start3A_7 = arith.constant 0 : i32
    %dma_start3A_8 = tpu.memref_slice %arg20[%dma_start3A, %dma_start3A_7] : memref<16x512xi32, #tpu.memory_space<vmem>> -> memref<1x128xi32, #tpu.memory_space<vmem>>
    %dma_start3A_9 = tpu.memref_squeeze %dma_start3A_8 : memref<1x128xi32, #tpu.memory_space<vmem>> -> memref<128xi32, #tpu.memory_space<vmem>>
    %dma_start3A_10 = arith.constant 0 : i32
    %dma_start3A_11 = tpu.memref_slice %arg3[%dma_start3A_10] : memref<100000xf32, #tpu.memory_space<hbm>> -> memref<100000xf32, #tpu.memory_space<hbm>>
    tpu.enqueue_indirect_dma source(%dma_start3A_11 : memref<100000xf32, #tpu.memory_space<hbm>>) target(%dma_start3A_6 : memref<128xf32, #tpu.memory_space<vmem>>) offsets(%dma_start3A_9 : memref<128xi32, #tpu.memory_space<vmem>>) semaphore(%arg23 : memref<!tpu.dma_semaphore, #tpu.memory_space<semaphore_mem>>)
    %dma_start3A_12 = arith.constant 0 : i32
    %dma_start3A_13 = arith.constant 0 : i32
    %dma_start3A_14 = arith.constant 128 : i32
    %dma_start3A_15 = tpu.memref_slice %arg21[%dma_start3A_13, %dma_start3A_14] : memref<16x512xf32, #tpu.memory_space<vmem>> -> memref<1x128xf32, #tpu.memory_space<vmem>>
    %dma_start3A_16 = tpu.memref_squeeze %dma_start3A_15 : memref<1x128xf32, #tpu.memory_space<vmem>> -> memref<128xf32, #tpu.memory_space<vmem>>
    %dma_start3A_17 = arith.constant 128 : i32
    %dma_start3A_18 = tpu.memref_slice %arg20[%dma_start3A_12, %dma_start3A_17] : memref<16x512xi32, #tpu.memory_space<vmem>> -> memref<1x128xi32, #tpu.memory_space<vmem>>
    %dma_start3A_19 = tpu.memref_squeeze %dma_start3A_18 : memref<1x128xi32, #tpu.memory_space<vmem>> -> memref<128xi32, #tpu.memory_space<vmem>>
    %dma_start3A_20 = arith.constant 0 : i32
    %dma_start3A_21 = tpu.memref_slice %arg3[%dma_start3A_20] : memref<100000xf32, #tpu.memory_space<hbm>> -> memref<100000xf32, #tpu.memory_space<hbm>>
    tpu.enqueue_indirect_dma source(%dma_start3A_21 : memref<100000xf32, #tpu.memory_space<hbm>>) target(%dma_start3A_16 : memref<128xf32, #tpu.memory_space<vmem>>) offsets(%dma_start3A_19 : memref<128xi32, #tpu.memory_space<vmem>>) semaphore(%arg23 : memref<!tpu.dma_semaphore, #tpu.memory_space<semaphore_mem>>)
    %dma_start3A_22 = arith.constant 0 : i32
    %dma_start3A_23 = arith.constant 0 : i32
    %dma_start3A_24 = arith.constant 256 : i32
    %dma_start3A_25 = tpu.memref_slice %arg21[%dma_start3A_23, %dma_start3A_24] : memref<16x512xf32, #tpu.memory_space<vmem>> -> memref<1x128xf32, #tpu.memory_space<vmem>>
    %dma_start3A_26 = tpu.memref_squeeze %dma_start3A_25 : memref<1x128xf32, #tpu.memory_space<vmem>> -> memref<128xf32, #tpu.memory_space<vmem>>
    %dma_start3A_27 = arith.constant 256 : i32
    %dma_start3A_28 = tpu.memref_slice %arg20[%dma_start3A_22, %dma_start3A_27] : memref<16x512xi32, #tpu.memory_space<vmem>> -> memref<1x128xi32, #tpu.memory_space<vmem>>
    %dma_start3A_29 = tpu.memref_squeeze %dma_start3A_28 : memref<1x128xi32, #tpu.memory_space<vmem>> -> memref<128xi32, #tpu.memory_space<vmem>>
    %dma_start3A_30 = arith.constant 0 : i32
    %dma_start3A_31 = tpu.memref_slice %arg3[%dma_start3A_30] : memref<100000xf32, #tpu.memory_space<hbm>> -> memref<100000xf32, #tpu.memory_space<hbm>>
    tpu.enqueue_indirect_dma source(%dma_start3A_31 : memref<100000xf32, #tpu.memory_space<hbm>>) target(%dma_start3A_26 : memref<128xf32, #tpu.memory_space<vmem>>) offsets(%dma_start3A_29 : memref<128xi32, #tpu.memory_space<vmem>>) semaphore(%arg23 : memref<!tpu.dma_semaphore, #tpu.memory_space<semaphore_mem>>)
    %dma_start3A_32 = arith.constant 0 : i32
    %dma_start3A_33 = arith.constant 0 : i32
    %dma_start3A_34 = arith.constant 384 : i32
    %dma_start3A_35 = tpu.memref_slice %arg21[%dma_start3A_33, %dma_start3A_34] : memref<16x512xf32, #tpu.memory_space<vmem>> -> memref<1x128xf32, #tpu.memory_space<vmem>>
    %dma_start3A_36 = tpu.memref_squeeze %dma_start3A_35 : memref<1x128xf32, #tpu.memory_space<vmem>> -> memref<128xf32, #tpu.memory_space<vmem>>
    %dma_start3A_37 = arith.constant 384 : i32
    %dma_start3A_38 = tpu.memref_slice %arg20[%dma_start3A_32, %dma_start3A_37] : memref<16x512xi32, #tpu.memory_space<vmem>> -> memref<1x128xi32, #tpu.memory_space<vmem>>
    %dma_start3A_39 = tpu.memref_squeeze %dma_start3A_38 : memref<1x128xi32, #tpu.memory_space<vmem>> -> memref<128xi32, #tpu.memory_space<vmem>>
    %dma_start3A_40 = arith.constant 0 : i32
    %dma_start3A_41 = tpu.memref_slice %arg3[%dma_start3A_40] : memref<100000xf32, #tpu.memory_space<hbm>> -> memref<100000xf32, #tpu.memory_space<hbm>>
    tpu.enqueue_indirect_dma source(%dma_start3A_41 : memref<100000xf32, #tpu.memory_space<hbm>>) target(%dma_start3A_36 : memref<128xf32, #tpu.memory_space<vmem>>) offsets(%dma_start3A_39 : memref<128xi32, #tpu.memory_space<vmem>>) semaphore(%arg23 : memref<!tpu.dma_semaphore, #tpu.memory_space<semaphore_mem>>)
    %dma_start3A_42 = arith.constant 1 : i32
    %dma_start3A_43 = arith.constant 1 : i32
    %dma_start3A_44 = arith.constant 0 : i32
    %dma_start3A_45 = tpu.memref_slice %arg21[%dma_start3A_43, %dma_start3A_44] : memref<16x512xf32, #tpu.memory_space<vmem>> -> memref<1x128xf32, #tpu.memory_space<vmem>>
    %dma_start3A_46 = tpu.memref_squeeze %dma_start3A_45 : memref<1x128xf32, #tpu.memory_space<vmem>> -> memref<128xf32, #tpu.memory_space<vmem>>
    %dma_start3A_47 = arith.constant 0 : i32
    %dma_start3A_48 = tpu.memref_slice %arg20[%dma_start3A_42, %dma_start3A_47] : memref<16x512xi32, #tpu.memory_space<vmem>> -> memref<1x128xi32, #tpu.memory_space<vmem>>
    %dma_start3A_49 = tpu.memref_squeeze %dma_start3A_48 : memref<1x128xi32, #tpu.memory_space<vmem>> -> memref<128xi32, #tpu.memory_space<vmem>>
    %dma_start3A_50 = arith.constant 0 : i32
    %dma_start3A_51 = tpu.memref_slice %arg4[%dma_start3A_50] : memref<100000xf32, #tpu.memory_space<hbm>> -> memref<100000xf32, #tpu.memory_space<hbm>>
    tpu.enqueue_indirect_dma source(%dma_start3A_51 : memref<100000xf32, #tpu.memory_space<hbm>>) target(%dma_start3A_46 : memref<128xf32, #tpu.memory_space<vmem>>) offsets(%dma_start3A_49 : memref<128xi32, #tpu.memory_space<vmem>>) semaphore(%arg23 : memref<!tpu.dma_semaphore, #tpu.memory_space<semaphore_mem>>)
    %dma_start3A_52 = arith.constant 1 : i32
    %dma_start3A_53 = arith.constant 1 : i32
    %dma_start3A_54 = arith.constant 128 : i32
    %dma_start3A_55 = tpu.memref_slice %arg21[%dma_start3A_53, %dma_start3A_54] : memref<16x512xf32, #tpu.memory_space<vmem>> -> memref<1x128xf32, #tpu.memory_space<vmem>>
    %dma_start3A_56 = tpu.memref_squeeze %dma_start3A_55 : memref<1x128xf32, #tpu.memory_space<vmem>> -> memref<128xf32, #tpu.memory_space<vmem>>
    %dma_start3A_57 = arith.constant 128 : i32
    %dma_start3A_58 = tpu.memref_slice %arg20[%dma_start3A_52, %dma_start3A_57] : memref<16x512xi32, #tpu.memory_space<vmem>> -> memref<1x128xi32, #tpu.memory_space<vmem>>
    %dma_start3A_59 = tpu.memref_squeeze %dma_start3A_58 : memref<1x128xi32, #tpu.memory_space<vmem>> -> memref<128xi32, #tpu.memory_space<vmem>>
    %dma_start3A_60 = arith.constant 0 : i32
    %dma_start3A_61 = tpu.memref_slice %arg4[%dma_start3A_60] : memref<100000xf32, #tpu.memory_space<hbm>> -> memref<100000xf32, #tpu.memory_space<hbm>>
    tpu.enqueue_indirect_dma source(%dma_start3A_61 : memref<100000xf32, #tpu.memory_space<hbm>>) target(%dma_start3A_56 : memref<128xf32, #tpu.memory_space<vmem>>) offsets(%dma_start3A_59 : memref<128xi32, #tpu.memory_space<vmem>>) semaphore(%arg23 : memref<!tpu.dma_semaphore, #tpu.memory_space<semaphore_mem>>)
    %dma_start3A_62 = arith.constant 1 : i32
    %dma_start3A_63 = arith.constant 1 : i32
    %dma_start3A_64 = arith.constant 256 : i32
    %dma_start3A_65 = tpu.memref_slice %arg21[%dma_start3A_63, %dma_start3A_64] : memref<16x512xf32, #tpu.memory_space<vmem>> -> memref<1x128xf32, #tpu.memory_space<vmem>>
    %dma_start3A_66 = tpu.memref_squeeze %dma_start3A_65 : memref<1x128xf32, #tpu.memory_space<vmem>> -> memref<128xf32, #tpu.memory_space<vmem>>
    %dma_start3A_67 = arith.constant 256 : i32
    %dma_start3A_68 = tpu.memref_slice %arg20[%dma_start3A_62, %dma_start3A_67] : memref<16x512xi32, #tpu.memory_space<vmem>> -> memref<1x128xi32, #tpu.memory_space<vmem>>
    %dma_start3A_69 = tpu.memref_squeeze %dma_start3A_68 : memref<1x128xi32, #tpu.memory_space<vmem>> -> memref<128xi32, #tpu.memory_space<vmem>>
    %dma_start3A_70 = arith.constant 0 : i32
    %dma_start3A_71 = tpu.memref_slice %arg4[%dma_start3A_70] : memref<100000xf32, #tpu.memory_space<hbm>> -> memref<100000xf32, #tpu.memory_space<hbm>>
    tpu.enqueue_indirect_dma source(%dma_start3A_71 : memref<100000xf32, #tpu.memory_space<hbm>>) target(%dma_start3A_66 : memref<128xf32, #tpu.memory_space<vmem>>) offsets(%dma_start3A_69 : memref<128xi32, #tpu.memory_space<vmem>>) semaphore(%arg23 : memref<!tpu.dma_semaphore, #tpu.memory_space<semaphore_mem>>)
    %dma_start3A_72 = arith.constant 1 : i32
    %dma_start3A_73 = arith.constant 1 : i32
    %dma_start3A_74 = arith.constant 384 : i32
    %dma_start3A_75 = tpu.memref_slice %arg21[%dma_start3A_73, %dma_start3A_74] : memref<16x512xf32, #tpu.memory_space<vmem>> -> memref<1x128xf32, #tpu.memory_space<vmem>>
    %dma_start3A_76 = tpu.memref_squeeze %dma_start3A_75 : memref<1x128xf32, #tpu.memory_space<vmem>> -> memref<128xf32, #tpu.memory_space<vmem>>
    %dma_start3A_77 = arith.constant 384 : i32
    %dma_start3A_78 = tpu.memref_slice %arg20[%dma_start3A_72, %dma_start3A_77] : memref<16x512xi32, #tpu.memory_space<vmem>> -> memref<1x128xi32, #tpu.memory_space<vmem>>
    %dma_start3A_79 = tpu.memref_squeeze %dma_start3A_78 : memref<1x128xi32, #tpu.memory_space<vmem>> -> memref<128xi32, #tpu.memory_space<vmem>>
    %dma_start3A_80 = arith.constant 0 : i32
    %dma_start3A_81 = tpu.memref_slice %arg4[%dma_start3A_80] : memref<100000xf32, #tpu.memory_space<hbm>> -> memref<100000xf32, #tpu.memory_space<hbm>>
    tpu.enqueue_indirect_dma source(%dma_start3A_81 : memref<100000xf32, #tpu.memory_space<hbm>>) target(%dma_start3A_76 : memref<128xf32, #tpu.memory_space<vmem>>) offsets(%dma_start3A_79 : memref<128xi32, #tpu.memory_space<vmem>>) semaphore(%arg23 : memref<!tpu.dma_semaphore, #tpu.memory_space<semaphore_mem>>)
    %dma_start3A_82 = arith.constant 2 : i32
    %dma_start3A_83 = arith.constant 2 : i32
    %dma_start3A_84 = arith.constant 0 : i32
    %dma_start3A_85 = tpu.memref_slice %arg21[%dma_start3A_83, %dma_start3A_84] : memref<16x512xf32, #tpu.memory_space<vmem>> -> memref<1x128xf32, #tpu.memory_space<vmem>>
    %dma_start3A_86 = tpu.memref_squeeze %dma_start3A_85 : memref<1x128xf32, #tpu.memory_space<vmem>> -> memref<128xf32, #tpu.memory_space<vmem>>
    %dma_start3A_87 = arith.constant 0 : i32
    %dma_start3A_88 = tpu.memref_slice %arg20[%dma_start3A_82, %dma_start3A_87] : memref<16x512xi32, #tpu.memory_space<vmem>> -> memref<1x128xi32, #tpu.memory_space<vmem>>
    %dma_start3A_89 = tpu.memref_squeeze %dma_start3A_88 : memref<1x128xi32, #tpu.memory_space<vmem>> -> memref<128xi32, #tpu.memory_space<vmem>>
    %dma_start3A_90 = arith.constant 0 : i32
    %dma_start3A_91 = tpu.memref_slice %arg5[%dma_start3A_90] : memref<100000xf32, #tpu.memory_space<hbm>> -> memref<100000xf32, #tpu.memory_space<hbm>>
    tpu.enqueue_indirect_dma source(%dma_start3A_91 : memref<100000xf32, #tpu.memory_space<hbm>>) target(%dma_start3A_86 : memref<128xf32, #tpu.memory_space<vmem>>) offsets(%dma_start3A_89 : memref<128xi32, #tpu.memory_space<vmem>>) semaphore(%arg23 : memref<!tpu.dma_semaphore, #tpu.memory_space<semaphore_mem>>)
    %dma_start3A_92 = arith.constant 2 : i32
    %dma_start3A_93 = arith.constant 2 : i32
    %dma_start3A_94 = arith.constant 128 : i32
    %dma_start3A_95 = tpu.memref_slice %arg21[%dma_start3A_93, %dma_start3A_94] : memref<16x512xf32, #tpu.memory_space<vmem>> -> memref<1x128xf32, #tpu.memory_space<vmem>>
    %dma_start3A_96 = tpu.memref_squeeze %dma_start3A_95 : memref<1x128xf32, #tpu.memory_space<vmem>> -> memref<128xf32, #tpu.memory_space<vmem>>
    %dma_start3A_97 = arith.constant 128 : i32
    %dma_start3A_98 = tpu.memref_slice %arg20[%dma_start3A_92, %dma_start3A_97] : memref<16x512xi32, #tpu.memory_space<vmem>> -> memref<1x128xi32, #tpu.memory_space<vmem>>
    %dma_start3A_99 = tpu.memref_squeeze %dma_start3A_98 : memref<1x128xi32, #tpu.memory_space<vmem>> -> memref<128xi32, #tpu.memory_space<vmem>>
    %dma_start3A_100 = arith.constant 0 : i32
    %dma_start3A_101 = tpu.memref_slice %arg5[%dma_start3A_100] : memref<100000xf32, #tpu.memory_space<hbm>> -> memref<100000xf32, #tpu.memory_space<hbm>>
    tpu.enqueue_indirect_dma source(%dma_start3A_101 : memref<100000xf32, #tpu.memory_space<hbm>>) target(%dma_start3A_96 : memref<128xf32, #tpu.memory_space<vmem>>) offsets(%dma_start3A_99 : memref<128xi32, #tpu.memory_space<vmem>>) semaphore(%arg23 : memref<!tpu.dma_semaphore, #tpu.memory_space<semaphore_mem>>)
    %dma_start3A_102 = arith.constant 2 : i32
    %dma_start3A_103 = arith.constant 2 : i32
    %dma_start3A_104 = arith.constant 256 : i32
    %dma_start3A_105 = tpu.memref_slice %arg21[%dma_start3A_103, %dma_start3A_104] : memref<16x512xf32, #tpu.memory_space<vmem>> -> memref<1x128xf32, #tpu.memory_space<vmem>>
    %dma_start3A_106 = tpu.memref_squeeze %dma_start3A_105 : memref<1x128xf32, #tpu.memory_space<vmem>> -> memref<128xf32, #tpu.memory_space<vmem>>
    %dma_start3A_107 = arith.constant 256 : i32
    %dma_start3A_108 = tpu.memref_slice %arg20[%dma_start3A_102, %dma_start3A_107] : memref<16x512xi32, #tpu.memory_space<vmem>> -> memref<1x128xi32, #tpu.memory_space<vmem>>
    %dma_start3A_109 = tpu.memref_squeeze %dma_start3A_108 : memref<1x128xi32, #tpu.memory_space<vmem>> -> memref<128xi32, #tpu.memory_space<vmem>>
    %dma_start3A_110 = arith.constant 0 : i32
    %dma_start3A_111 = tpu.memref_slice %arg5[%dma_start3A_110] : memref<100000xf32, #tpu.memory_space<hbm>> -> memref<100000xf32, #tpu.memory_space<hbm>>
    tpu.enqueue_indirect_dma source(%dma_start3A_111 : memref<100000xf32, #tpu.memory_space<hbm>>) target(%dma_start3A_106 : memref<128xf32, #tpu.memory_space<vmem>>) offsets(%dma_start3A_109 : memref<128xi32, #tpu.memory_space<vmem>>) semaphore(%arg23 : memref<!tpu.dma_semaphore, #tpu.memory_space<semaphore_mem>>)
    %dma_start3A_112 = arith.constant 2 : i32
    %dma_start3A_113 = arith.constant 2 : i32
    %dma_start3A_114 = arith.constant 384 : i32
    %dma_start3A_115 = tpu.memref_slice %arg21[%dma_start3A_113, %dma_start3A_114] : memref<16x512xf32, #tpu.memory_space<vmem>> -> memref<1x128xf32, #tpu.memory_space<vmem>>
    %dma_start3A_116 = tpu.memref_squeeze %dma_start3A_115 : memref<1x128xf32, #tpu.memory_space<vmem>> -> memref<128xf32, #tpu.memory_space<vmem>>
    %dma_start3A_117 = arith.constant 384 : i32
    %dma_start3A_118 = tpu.memref_slice %arg20[%dma_start3A_112, %dma_start3A_117] : memref<16x512xi32, #tpu.memory_space<vmem>> -> memref<1x128xi32, #tpu.memory_space<vmem>>
    %dma_start3A_119 = tpu.memref_squeeze %dma_start3A_118 : memref<1x128xi32, #tpu.memory_space<vmem>> -> memref<128xi32, #tpu.memory_space<vmem>>
    %dma_start3A_120 = arith.constant 0 : i32
    %dma_start3A_121 = tpu.memref_slice %arg5[%dma_start3A_120] : memref<100000xf32, #tpu.memory_space<hbm>> -> memref<100000xf32, #tpu.memory_space<hbm>>
    tpu.enqueue_indirect_dma source(%dma_start3A_121 : memref<100000xf32, #tpu.memory_space<hbm>>) target(%dma_start3A_116 : memref<128xf32, #tpu.memory_space<vmem>>) offsets(%dma_start3A_119 : memref<128xi32, #tpu.memory_space<vmem>>) semaphore(%arg23 : memref<!tpu.dma_semaphore, #tpu.memory_space<semaphore_mem>>)
    %dma_start3A_122 = arith.constant 3 : i32
    %dma_start3A_123 = arith.constant 3 : i32
    %dma_start3A_124 = arith.constant 0 : i32
    %dma_start3A_125 = tpu.memref_slice %arg21[%dma_start3A_123, %dma_start3A_124] : memref<16x512xf32, #tpu.memory_space<vmem>> -> memref<1x128xf32, #tpu.memory_space<vmem>>
    %dma_start3A_126 = tpu.memref_squeeze %dma_start3A_125 : memref<1x128xf32, #tpu.memory_space<vmem>> -> memref<128xf32, #tpu.memory_space<vmem>>
    %dma_start3A_127 = arith.constant 0 : i32
    %dma_start3A_128 = tpu.memref_slice %arg20[%dma_start3A_122, %dma_start3A_127] : memref<16x512xi32, #tpu.memory_space<vmem>> -> memref<1x128xi32, #tpu.memory_space<vmem>>
    %dma_start3A_129 = tpu.memref_squeeze %dma_start3A_128 : memref<1x128xi32, #tpu.memory_space<vmem>> -> memref<128xi32, #tpu.memory_space<vmem>>
    %dma_start3A_130 = arith.constant 0 : i32
    %dma_start3A_131 = tpu.memref_slice %arg6[%dma_start3A_130] : memref<100000xf32, #tpu.memory_space<hbm>> -> memref<100000xf32, #tpu.memory_space<hbm>>
    tpu.enqueue_indirect_dma source(%dma_start3A_131 : memref<100000xf32, #tpu.memory_space<hbm>>) target(%dma_start3A_126 : memref<128xf32, #tpu.memory_space<vmem>>) offsets(%dma_start3A_129 : memref<128xi32, #tpu.memory_space<vmem>>) semaphore(%arg23 : memref<!tpu.dma_semaphore, #tpu.memory_space<semaphore_mem>>)
    %dma_start3A_132 = arith.constant 3 : i32
    %dma_start3A_133 = arith.constant 3 : i32
    %dma_start3A_134 = arith.constant 128 : i32
    %dma_start3A_135 = tpu.memref_slice %arg21[%dma_start3A_133, %dma_start3A_134] : memref<16x512xf32, #tpu.memory_space<vmem>> -> memref<1x128xf32, #tpu.memory_space<vmem>>
    %dma_start3A_136 = tpu.memref_squeeze %dma_start3A_135 : memref<1x128xf32, #tpu.memory_space<vmem>> -> memref<128xf32, #tpu.memory_space<vmem>>
    %dma_start3A_137 = arith.constant 128 : i32
    %dma_start3A_138 = tpu.memref_slice %arg20[%dma_start3A_132, %dma_start3A_137] : memref<16x512xi32, #tpu.memory_space<vmem>> -> memref<1x128xi32, #tpu.memory_space<vmem>>
    %dma_start3A_139 = tpu.memref_squeeze %dma_start3A_138 : memref<1x128xi32, #tpu.memory_space<vmem>> -> memref<128xi32, #tpu.memory_space<vmem>>
    %dma_start3A_140 = arith.constant 0 : i32
    %dma_start3A_141 = tpu.memref_slice %arg6[%dma_start3A_140] : memref<100000xf32, #tpu.memory_space<hbm>> -> memref<100000xf32, #tpu.memory_space<hbm>>
    tpu.enqueue_indirect_dma source(%dma_start3A_141 : memref<100000xf32, #tpu.memory_space<hbm>>) target(%dma_start3A_136 : memref<128xf32, #tpu.memory_space<vmem>>) offsets(%dma_start3A_139 : memref<128xi32, #tpu.memory_space<vmem>>) semaphore(%arg23 : memref<!tpu.dma_semaphore, #tpu.memory_space<semaphore_mem>>)
    %dma_start3A_142 = arith.constant 3 : i32
    %dma_start3A_143 = arith.constant 3 : i32
    %dma_start3A_144 = arith.constant 256 : i32
    %dma_start3A_145 = tpu.memref_slice %arg21[%dma_start3A_143, %dma_start3A_144] : memref<16x512xf32, #tpu.memory_space<vmem>> -> memref<1x128xf32, #tpu.memory_space<vmem>>
    %dma_start3A_146 = tpu.memref_squeeze %dma_start3A_145 : memref<1x128xf32, #tpu.memory_space<vmem>> -> memref<128xf32, #tpu.memory_space<vmem>>
    %dma_start3A_147 = arith.constant 256 : i32
    %dma_start3A_148 = tpu.memref_slice %arg20[%dma_start3A_142, %dma_start3A_147] : memref<16x512xi32, #tpu.memory_space<vmem>> -> memref<1x128xi32, #tpu.memory_space<vmem>>
    %dma_start3A_149 = tpu.memref_squeeze %dma_start3A_148 : memref<1x128xi32, #tpu.memory_space<vmem>> -> memref<128xi32, #tpu.memory_space<vmem>>
    %dma_start3A_150 = arith.constant 0 : i32
    %dma_start3A_151 = tpu.memref_slice %arg6[%dma_start3A_150] : memref<100000xf32, #tpu.memory_space<hbm>> -> memref<100000xf32, #tpu.memory_space<hbm>>
    tpu.enqueue_indirect_dma source(%dma_start3A_151 : memref<100000xf32, #tpu.memory_space<hbm>>) target(%dma_start3A_146 : memref<128xf32, #tpu.memory_space<vmem>>) offsets(%dma_start3A_149 : memref<128xi32, #tpu.memory_space<vmem>>) semaphore(%arg23 : memref<!tpu.dma_semaphore, #tpu.memory_space<semaphore_mem>>)
    %dma_start3A_152 = arith.constant 3 : i32
    %dma_start3A_153 = arith.constant 3 : i32
    %dma_start3A_154 = arith.constant 384 : i32
    %dma_start3A_155 = tpu.memref_slice %arg21[%dma_start3A_153, %dma_start3A_154] : memref<16x512xf32, #tpu.memory_space<vmem>> -> memref<1x128xf32, #tpu.memory_space<vmem>>
    %dma_start3A_156 = tpu.memref_squeeze %dma_start3A_155 : memref<1x128xf32, #tpu.memory_space<vmem>> -> memref<128xf32, #tpu.memory_space<vmem>>
    %dma_start3A_157 = arith.constant 384 : i32
    %dma_start3A_158 = tpu.memref_slice %arg20[%dma_start3A_152, %dma_start3A_157] : memref<16x512xi32, #tpu.memory_space<vmem>> -> memref<1x128xi32, #tpu.memory_space<vmem>>
    %dma_start3A_159 = tpu.memref_squeeze %dma_start3A_158 : memref<1x128xi32, #tpu.memory_space<vmem>> -> memref<128xi32, #tpu.memory_space<vmem>>
    %dma_start3A_160 = arith.constant 0 : i32
    %dma_start3A_161 = tpu.memref_slice %arg6[%dma_start3A_160] : memref<100000xf32, #tpu.memory_space<hbm>> -> memref<100000xf32, #tpu.memory_space<hbm>>
    tpu.enqueue_indirect_dma source(%dma_start3A_161 : memref<100000xf32, #tpu.memory_space<hbm>>) target(%dma_start3A_156 : memref<128xf32, #tpu.memory_space<vmem>>) offsets(%dma_start3A_159 : memref<128xi32, #tpu.memory_space<vmem>>) semaphore(%arg23 : memref<!tpu.dma_semaphore, #tpu.memory_space<semaphore_mem>>)
    %dma_start3A_162 = arith.constant 4 : i32
    %dma_start3A_163 = arith.constant 4 : i32
    %dma_start3A_164 = arith.constant 0 : i32
    %dma_start3A_165 = tpu.memref_slice %arg21[%dma_start3A_163, %dma_start3A_164] : memref<16x512xf32, #tpu.memory_space<vmem>> -> memref<1x128xf32, #tpu.memory_space<vmem>>
    %dma_start3A_166 = tpu.memref_squeeze %dma_start3A_165 : memref<1x128xf32, #tpu.memory_space<vmem>> -> memref<128xf32, #tpu.memory_space<vmem>>
    %dma_start3A_167 = arith.constant 0 : i32
    %dma_start3A_168 = tpu.memref_slice %arg20[%dma_start3A_162, %dma_start3A_167] : memref<16x512xi32, #tpu.memory_space<vmem>> -> memref<1x128xi32, #tpu.memory_space<vmem>>
    %dma_start3A_169 = tpu.memref_squeeze %dma_start3A_168 : memref<1x128xi32, #tpu.memory_space<vmem>> -> memref<128xi32, #tpu.memory_space<vmem>>
    %dma_start3A_170 = arith.constant 0 : i32
    %dma_start3A_171 = tpu.memref_slice %arg7[%dma_start3A_170] : memref<100000xf32, #tpu.memory_space<hbm>> -> memref<100000xf32, #tpu.memory_space<hbm>>
    tpu.enqueue_indirect_dma source(%dma_start3A_171 : memref<100000xf32, #tpu.memory_space<hbm>>) target(%dma_start3A_166 : memref<128xf32, #tpu.memory_space<vmem>>) offsets(%dma_start3A_169 : memref<128xi32, #tpu.memory_space<vmem>>) semaphore(%arg23 : memref<!tpu.dma_semaphore, #tpu.memory_space<semaphore_mem>>)
    %dma_start3A_172 = arith.constant 4 : i32
    %dma_start3A_173 = arith.constant 4 : i32
    %dma_start3A_174 = arith.constant 128 : i32
    %dma_start3A_175 = tpu.memref_slice %arg21[%dma_start3A_173, %dma_start3A_174] : memref<16x512xf32, #tpu.memory_space<vmem>> -> memref<1x128xf32, #tpu.memory_space<vmem>>
    %dma_start3A_176 = tpu.memref_squeeze %dma_start3A_175 : memref<1x128xf32, #tpu.memory_space<vmem>> -> memref<128xf32, #tpu.memory_space<vmem>>
    %dma_start3A_177 = arith.constant 128 : i32
    %dma_start3A_178 = tpu.memref_slice %arg20[%dma_start3A_172, %dma_start3A_177] : memref<16x512xi32, #tpu.memory_space<vmem>> -> memref<1x128xi32, #tpu.memory_space<vmem>>
    %dma_start3A_179 = tpu.memref_squeeze %dma_start3A_178 : memref<1x128xi32, #tpu.memory_space<vmem>> -> memref<128xi32, #tpu.memory_space<vmem>>
    %dma_start3A_180 = arith.constant 0 : i32
    %dma_start3A_181 = tpu.memref_slice %arg7[%dma_start3A_180] : memref<100000xf32, #tpu.memory_space<hbm>> -> memref<100000xf32, #tpu.memory_space<hbm>>
    tpu.enqueue_indirect_dma source(%dma_start3A_181 : memref<100000xf32, #tpu.memory_space<hbm>>) target(%dma_start3A_176 : memref<128xf32, #tpu.memory_space<vmem>>) offsets(%dma_start3A_179 : memref<128xi32, #tpu.memory_space<vmem>>) semaphore(%arg23 : memref<!tpu.dma_semaphore, #tpu.memory_space<semaphore_mem>>)
    %dma_start3A_182 = arith.constant 4 : i32
    %dma_start3A_183 = arith.constant 4 : i32
    %dma_start3A_184 = arith.constant 256 : i32
    %dma_start3A_185 = tpu.memref_slice %arg21[%dma_start3A_183, %dma_start3A_184] : memref<16x512xf32, #tpu.memory_space<vmem>> -> memref<1x128xf32, #tpu.memory_space<vmem>>
    %dma_start3A_186 = tpu.memref_squeeze %dma_start3A_185 : memref<1x128xf32, #tpu.memory_space<vmem>> -> memref<128xf32, #tpu.memory_space<vmem>>
    %dma_start3A_187 = arith.constant 256 : i32
    %dma_start3A_188 = tpu.memref_slice %arg20[%dma_start3A_182, %dma_start3A_187] : memref<16x512xi32, #tpu.memory_space<vmem>> -> memref<1x128xi32, #tpu.memory_space<vmem>>
    %dma_start3A_189 = tpu.memref_squeeze %dma_start3A_188 : memref<1x128xi32, #tpu.memory_space<vmem>> -> memref<128xi32, #tpu.memory_space<vmem>>
    %dma_start3A_190 = arith.constant 0 : i32
    %dma_start3A_191 = tpu.memref_slice %arg7[%dma_start3A_190] : memref<100000xf32, #tpu.memory_space<hbm>> -> memref<100000xf32, #tpu.memory_space<hbm>>
    tpu.enqueue_indirect_dma source(%dma_start3A_191 : memref<100000xf32, #tpu.memory_space<hbm>>) target(%dma_start3A_186 : memref<128xf32, #tpu.memory_space<vmem>>) offsets(%dma_start3A_189 : memref<128xi32, #tpu.memory_space<vmem>>) semaphore(%arg23 : memref<!tpu.dma_semaphore, #tpu.memory_space<semaphore_mem>>)
    %dma_start3A_192 = arith.constant 4 : i32
    %dma_start3A_193 = arith.constant 4 : i32
    %dma_start3A_194 = arith.constant 384 : i32
    %dma_start3A_195 = tpu.memref_slice %arg21[%dma_start3A_193, %dma_start3A_194] : memref<16x512xf32, #tpu.memory_space<vmem>> -> memref<1x128xf32, #tpu.memory_space<vmem>>
    %dma_start3A_196 = tpu.memref_squeeze %dma_start3A_195 : memref<1x128xf32, #tpu.memory_space<vmem>> -> memref<128xf32, #tpu.memory_space<vmem>>
    %dma_start3A_197 = arith.constant 384 : i32
    %dma_start3A_198 = tpu.memref_slice %arg20[%dma_start3A_192, %dma_start3A_197] : memref<16x512xi32, #tpu.memory_space<vmem>> -> memref<1x128xi32, #tpu.memory_space<vmem>>
    %dma_start3A_199 = tpu.memref_squeeze %dma_start3A_198 : memref<1x128xi32, #tpu.memory_space<vmem>> -> memref<128xi32, #tpu.memory_space<vmem>>
    %dma_start3A_200 = arith.constant 0 : i32
    %dma_start3A_201 = tpu.memref_slice %arg7[%dma_start3A_200] : memref<100000xf32, #tpu.memory_space<hbm>> -> memref<100000xf32, #tpu.memory_space<hbm>>
    tpu.enqueue_indirect_dma source(%dma_start3A_201 : memref<100000xf32, #tpu.memory_space<hbm>>) target(%dma_start3A_196 : memref<128xf32, #tpu.memory_space<vmem>>) offsets(%dma_start3A_199 : memref<128xi32, #tpu.memory_space<vmem>>) semaphore(%arg23 : memref<!tpu.dma_semaphore, #tpu.memory_space<semaphore_mem>>)
    %dma_start3A_202 = arith.constant 5 : i32
    %dma_start3A_203 = arith.constant 5 : i32
    %dma_start3A_204 = arith.constant 0 : i32
    %dma_start3A_205 = tpu.memref_slice %arg21[%dma_start3A_203, %dma_start3A_204] : memref<16x512xf32, #tpu.memory_space<vmem>> -> memref<1x128xf32, #tpu.memory_space<vmem>>
    %dma_start3A_206 = tpu.memref_squeeze %dma_start3A_205 : memref<1x128xf32, #tpu.memory_space<vmem>> -> memref<128xf32, #tpu.memory_space<vmem>>
    %dma_start3A_207 = arith.constant 0 : i32
    %dma_start3A_208 = tpu.memref_slice %arg20[%dma_start3A_202, %dma_start3A_207] : memref<16x512xi32, #tpu.memory_space<vmem>> -> memref<1x128xi32, #tpu.memory_space<vmem>>
    %dma_start3A_209 = tpu.memref_squeeze %dma_start3A_208 : memref<1x128xi32, #tpu.memory_space<vmem>> -> memref<128xi32, #tpu.memory_space<vmem>>
    %dma_start3A_210 = arith.constant 0 : i32
    %dma_start3A_211 = tpu.memref_slice %arg8[%dma_start3A_210] : memref<100000xf32, #tpu.memory_space<hbm>> -> memref<100000xf32, #tpu.memory_space<hbm>>
    tpu.enqueue_indirect_dma source(%dma_start3A_211 : memref<100000xf32, #tpu.memory_space<hbm>>) target(%dma_start3A_206 : memref<128xf32, #tpu.memory_space<vmem>>) offsets(%dma_start3A_209 : memref<128xi32, #tpu.memory_space<vmem>>) semaphore(%arg23 : memref<!tpu.dma_semaphore, #tpu.memory_space<semaphore_mem>>)
    %dma_start3A_212 = arith.constant 5 : i32
    %dma_start3A_213 = arith.constant 5 : i32
    %dma_start3A_214 = arith.constant 128 : i32
    %dma_start3A_215 = tpu.memref_slice %arg21[%dma_start3A_213, %dma_start3A_214] : memref<16x512xf32, #tpu.memory_space<vmem>> -> memref<1x128xf32, #tpu.memory_space<vmem>>
    %dma_start3A_216 = tpu.memref_squeeze %dma_start3A_215 : memref<1x128xf32, #tpu.memory_space<vmem>> -> memref<128xf32, #tpu.memory_space<vmem>>
    %dma_start3A_217 = arith.constant 128 : i32
    %dma_start3A_218 = tpu.memref_slice %arg20[%dma_start3A_212, %dma_start3A_217] : memref<16x512xi32, #tpu.memory_space<vmem>> -> memref<1x128xi32, #tpu.memory_space<vmem>>
    %dma_start3A_219 = tpu.memref_squeeze %dma_start3A_218 : memref<1x128xi32, #tpu.memory_space<vmem>> -> memref<128xi32, #tpu.memory_space<vmem>>
    %dma_start3A_220 = arith.constant 0 : i32
    %dma_start3A_221 = tpu.memref_slice %arg8[%dma_start3A_220] : memref<100000xf32, #tpu.memory_space<hbm>> -> memref<100000xf32, #tpu.memory_space<hbm>>
    tpu.enqueue_indirect_dma source(%dma_start3A_221 : memref<100000xf32, #tpu.memory_space<hbm>>) target(%dma_start3A_216 : memref<128xf32, #tpu.memory_space<vmem>>) offsets(%dma_start3A_219 : memref<128xi32, #tpu.memory_space<vmem>>) semaphore(%arg23 : memref<!tpu.dma_semaphore, #tpu.memory_space<semaphore_mem>>)
    %dma_start3A_222 = arith.constant 5 : i32
    %dma_start3A_223 = arith.constant 5 : i32
    %dma_start3A_224 = arith.constant 256 : i32
    %dma_start3A_225 = tpu.memref_slice %arg21[%dma_start3A_223, %dma_start3A_224] : memref<16x512xf32, #tpu.memory_space<vmem>> -> memref<1x128xf32, #tpu.memory_space<vmem>>
    %dma_start3A_226 = tpu.memref_squeeze %dma_start3A_225 : memref<1x128xf32, #tpu.memory_space<vmem>> -> memref<128xf32, #tpu.memory_space<vmem>>
    %dma_start3A_227 = arith.constant 256 : i32
    %dma_start3A_228 = tpu.memref_slice %arg20[%dma_start3A_222, %dma_start3A_227] : memref<16x512xi32, #tpu.memory_space<vmem>> -> memref<1x128xi32, #tpu.memory_space<vmem>>
    %dma_start3A_229 = tpu.memref_squeeze %dma_start3A_228 : memref<1x128xi32, #tpu.memory_space<vmem>> -> memref<128xi32, #tpu.memory_space<vmem>>
    %dma_start3A_230 = arith.constant 0 : i32
    %dma_start3A_231 = tpu.memref_slice %arg8[%dma_start3A_230] : memref<100000xf32, #tpu.memory_space<hbm>> -> memref<100000xf32, #tpu.memory_space<hbm>>
    tpu.enqueue_indirect_dma source(%dma_start3A_231 : memref<100000xf32, #tpu.memory_space<hbm>>) target(%dma_start3A_226 : memref<128xf32, #tpu.memory_space<vmem>>) offsets(%dma_start3A_229 : memref<128xi32, #tpu.memory_space<vmem>>) semaphore(%arg23 : memref<!tpu.dma_semaphore, #tpu.memory_space<semaphore_mem>>)
    %dma_start3A_232 = arith.constant 5 : i32
    %dma_start3A_233 = arith.constant 5 : i32
    %dma_start3A_234 = arith.constant 384 : i32
    %dma_start3A_235 = tpu.memref_slice %arg21[%dma_start3A_233, %dma_start3A_234] : memref<16x512xf32, #tpu.memory_space<vmem>> -> memref<1x128xf32, #tpu.memory_space<vmem>>
    %dma_start3A_236 = tpu.memref_squeeze %dma_start3A_235 : memref<1x128xf32, #tpu.memory_space<vmem>> -> memref<128xf32, #tpu.memory_space<vmem>>
    %dma_start3A_237 = arith.constant 384 : i32
    %dma_start3A_238 = tpu.memref_slice %arg20[%dma_start3A_232, %dma_start3A_237] : memref<16x512xi32, #tpu.memory_space<vmem>> -> memref<1x128xi32, #tpu.memory_space<vmem>>
    %dma_start3A_239 = tpu.memref_squeeze %dma_start3A_238 : memref<1x128xi32, #tpu.memory_space<vmem>> -> memref<128xi32, #tpu.memory_space<vmem>>
    %dma_start3A_240 = arith.constant 0 : i32
    %dma_start3A_241 = tpu.memref_slice %arg8[%dma_start3A_240] : memref<100000xf32, #tpu.memory_space<hbm>> -> memref<100000xf32, #tpu.memory_space<hbm>>
    tpu.enqueue_indirect_dma source(%dma_start3A_241 : memref<100000xf32, #tpu.memory_space<hbm>>) target(%dma_start3A_236 : memref<128xf32, #tpu.memory_space<vmem>>) offsets(%dma_start3A_239 : memref<128xi32, #tpu.memory_space<vmem>>) semaphore(%arg23 : memref<!tpu.dma_semaphore, #tpu.memory_space<semaphore_mem>>)
    %dma_start3A_242 = arith.constant 6 : i32
    %dma_start3A_243 = arith.constant 6 : i32
    %dma_start3A_244 = arith.constant 0 : i32
    %dma_start3A_245 = tpu.memref_slice %arg21[%dma_start3A_243, %dma_start3A_244] : memref<16x512xf32, #tpu.memory_space<vmem>> -> memref<1x128xf32, #tpu.memory_space<vmem>>
    %dma_start3A_246 = tpu.memref_squeeze %dma_start3A_245 : memref<1x128xf32, #tpu.memory_space<vmem>> -> memref<128xf32, #tpu.memory_space<vmem>>
    %dma_start3A_247 = arith.constant 0 : i32
    %dma_start3A_248 = tpu.memref_slice %arg20[%dma_start3A_242, %dma_start3A_247] : memref<16x512xi32, #tpu.memory_space<vmem>> -> memref<1x128xi32, #tpu.memory_space<vmem>>
    %dma_start3A_249 = tpu.memref_squeeze %dma_start3A_248 : memref<1x128xi32, #tpu.memory_space<vmem>> -> memref<128xi32, #tpu.memory_space<vmem>>
    %dma_start3A_250 = arith.constant 0 : i32
    %dma_start3A_251 = tpu.memref_slice %arg9[%dma_start3A_250] : memref<100000xf32, #tpu.memory_space<hbm>> -> memref<100000xf32, #tpu.memory_space<hbm>>
    tpu.enqueue_indirect_dma source(%dma_start3A_251 : memref<100000xf32, #tpu.memory_space<hbm>>) target(%dma_start3A_246 : memref<128xf32, #tpu.memory_space<vmem>>) offsets(%dma_start3A_249 : memref<128xi32, #tpu.memory_space<vmem>>) semaphore(%arg23 : memref<!tpu.dma_semaphore, #tpu.memory_space<semaphore_mem>>)
    %dma_start3A_252 = arith.constant 6 : i32
    %dma_start3A_253 = arith.constant 6 : i32
    %dma_start3A_254 = arith.constant 128 : i32
    %dma_start3A_255 = tpu.memref_slice %arg21[%dma_start3A_253, %dma_start3A_254] : memref<16x512xf32, #tpu.memory_space<vmem>> -> memref<1x128xf32, #tpu.memory_space<vmem>>
    %dma_start3A_256 = tpu.memref_squeeze %dma_start3A_255 : memref<1x128xf32, #tpu.memory_space<vmem>> -> memref<128xf32, #tpu.memory_space<vmem>>
    %dma_start3A_257 = arith.constant 128 : i32
    %dma_start3A_258 = tpu.memref_slice %arg20[%dma_start3A_252, %dma_start3A_257] : memref<16x512xi32, #tpu.memory_space<vmem>> -> memref<1x128xi32, #tpu.memory_space<vmem>>
    %dma_start3A_259 = tpu.memref_squeeze %dma_start3A_258 : memref<1x128xi32, #tpu.memory_space<vmem>> -> memref<128xi32, #tpu.memory_space<vmem>>
    %dma_start3A_260 = arith.constant 0 : i32
    %dma_start3A_261 = tpu.memref_slice %arg9[%dma_start3A_260] : memref<100000xf32, #tpu.memory_space<hbm>> -> memref<100000xf32, #tpu.memory_space<hbm>>
    tpu.enqueue_indirect_dma source(%dma_start3A_261 : memref<100000xf32, #tpu.memory_space<hbm>>) target(%dma_start3A_256 : memref<128xf32, #tpu.memory_space<vmem>>) offsets(%dma_start3A_259 : memref<128xi32, #tpu.memory_space<vmem>>) semaphore(%arg23 : memref<!tpu.dma_semaphore, #tpu.memory_space<semaphore_mem>>)
    %dma_start3A_262 = arith.constant 6 : i32
    %dma_start3A_263 = arith.constant 6 : i32
    %dma_start3A_264 = arith.constant 256 : i32
    %dma_start3A_265 = tpu.memref_slice %arg21[%dma_start3A_263, %dma_start3A_264] : memref<16x512xf32, #tpu.memory_space<vmem>> -> memref<1x128xf32, #tpu.memory_space<vmem>>
    %dma_start3A_266 = tpu.memref_squeeze %dma_start3A_265 : memref<1x128xf32, #tpu.memory_space<vmem>> -> memref<128xf32, #tpu.memory_space<vmem>>
    %dma_start3A_267 = arith.constant 256 : i32
    %dma_start3A_268 = tpu.memref_slice %arg20[%dma_start3A_262, %dma_start3A_267] : memref<16x512xi32, #tpu.memory_space<vmem>> -> memref<1x128xi32, #tpu.memory_space<vmem>>
    %dma_start3A_269 = tpu.memref_squeeze %dma_start3A_268 : memref<1x128xi32, #tpu.memory_space<vmem>> -> memref<128xi32, #tpu.memory_space<vmem>>
    %dma_start3A_270 = arith.constant 0 : i32
    %dma_start3A_271 = tpu.memref_slice %arg9[%dma_start3A_270] : memref<100000xf32, #tpu.memory_space<hbm>> -> memref<100000xf32, #tpu.memory_space<hbm>>
    tpu.enqueue_indirect_dma source(%dma_start3A_271 : memref<100000xf32, #tpu.memory_space<hbm>>) target(%dma_start3A_266 : memref<128xf32, #tpu.memory_space<vmem>>) offsets(%dma_start3A_269 : memref<128xi32, #tpu.memory_space<vmem>>) semaphore(%arg23 : memref<!tpu.dma_semaphore, #tpu.memory_space<semaphore_mem>>)
    %dma_start3A_272 = arith.constant 6 : i32
    %dma_start3A_273 = arith.constant 6 : i32
    %dma_start3A_274 = arith.constant 384 : i32
    %dma_start3A_275 = tpu.memref_slice %arg21[%dma_start3A_273, %dma_start3A_274] : memref<16x512xf32, #tpu.memory_space<vmem>> -> memref<1x128xf32, #tpu.memory_space<vmem>>
    %dma_start3A_276 = tpu.memref_squeeze %dma_start3A_275 : memref<1x128xf32, #tpu.memory_space<vmem>> -> memref<128xf32, #tpu.memory_space<vmem>>
    %dma_start3A_277 = arith.constant 384 : i32
    %dma_start3A_278 = tpu.memref_slice %arg20[%dma_start3A_272, %dma_start3A_277] : memref<16x512xi32, #tpu.memory_space<vmem>> -> memref<1x128xi32, #tpu.memory_space<vmem>>
    %dma_start3A_279 = tpu.memref_squeeze %dma_start3A_278 : memref<1x128xi32, #tpu.memory_space<vmem>> -> memref<128xi32, #tpu.memory_space<vmem>>
    %dma_start3A_280 = arith.constant 0 : i32
    %dma_start3A_281 = tpu.memref_slice %arg9[%dma_start3A_280] : memref<100000xf32, #tpu.memory_space<hbm>> -> memref<100000xf32, #tpu.memory_space<hbm>>
    tpu.enqueue_indirect_dma source(%dma_start3A_281 : memref<100000xf32, #tpu.memory_space<hbm>>) target(%dma_start3A_276 : memref<128xf32, #tpu.memory_space<vmem>>) offsets(%dma_start3A_279 : memref<128xi32, #tpu.memory_space<vmem>>) semaphore(%arg23 : memref<!tpu.dma_semaphore, #tpu.memory_space<semaphore_mem>>)
    %dma_start3A_282 = arith.constant 7 : i32
    %dma_start3A_283 = arith.constant 7 : i32
    %dma_start3A_284 = arith.constant 0 : i32
    %dma_start3A_285 = tpu.memref_slice %arg21[%dma_start3A_283, %dma_start3A_284] : memref<16x512xf32, #tpu.memory_space<vmem>> -> memref<1x128xf32, #tpu.memory_space<vmem>>
    %dma_start3A_286 = tpu.memref_squeeze %dma_start3A_285 : memref<1x128xf32, #tpu.memory_space<vmem>> -> memref<128xf32, #tpu.memory_space<vmem>>
    %dma_start3A_287 = arith.constant 0 : i32
    %dma_start3A_288 = tpu.memref_slice %arg20[%dma_start3A_282, %dma_start3A_287] : memref<16x512xi32, #tpu.memory_space<vmem>> -> memref<1x128xi32, #tpu.memory_space<vmem>>
    %dma_start3A_289 = tpu.memref_squeeze %dma_start3A_288 : memref<1x128xi32, #tpu.memory_space<vmem>> -> memref<128xi32, #tpu.memory_space<vmem>>
    %dma_start3A_290 = arith.constant 0 : i32
    %dma_start3A_291 = tpu.memref_slice %arg10[%dma_start3A_290] : memref<100000xf32, #tpu.memory_space<hbm>> -> memref<100000xf32, #tpu.memory_space<hbm>>
    tpu.enqueue_indirect_dma source(%dma_start3A_291 : memref<100000xf32, #tpu.memory_space<hbm>>) target(%dma_start3A_286 : memref<128xf32, #tpu.memory_space<vmem>>) offsets(%dma_start3A_289 : memref<128xi32, #tpu.memory_space<vmem>>) semaphore(%arg23 : memref<!tpu.dma_semaphore, #tpu.memory_space<semaphore_mem>>)
    %dma_start3A_292 = arith.constant 7 : i32
    %dma_start3A_293 = arith.constant 7 : i32
    %dma_start3A_294 = arith.constant 128 : i32
    %dma_start3A_295 = tpu.memref_slice %arg21[%dma_start3A_293, %dma_start3A_294] : memref<16x512xf32, #tpu.memory_space<vmem>> -> memref<1x128xf32, #tpu.memory_space<vmem>>
    %dma_start3A_296 = tpu.memref_squeeze %dma_start3A_295 : memref<1x128xf32, #tpu.memory_space<vmem>> -> memref<128xf32, #tpu.memory_space<vmem>>
    %dma_start3A_297 = arith.constant 128 : i32
    %dma_start3A_298 = tpu.memref_slice %arg20[%dma_start3A_292, %dma_start3A_297] : memref<16x512xi32, #tpu.memory_space<vmem>> -> memref<1x128xi32, #tpu.memory_space<vmem>>
    %dma_start3A_299 = tpu.memref_squeeze %dma_start3A_298 : memref<1x128xi32, #tpu.memory_space<vmem>> -> memref<128xi32, #tpu.memory_space<vmem>>
    %dma_start3A_300 = arith.constant 0 : i32
    %dma_start3A_301 = tpu.memref_slice %arg10[%dma_start3A_300] : memref<100000xf32, #tpu.memory_space<hbm>> -> memref<100000xf32, #tpu.memory_space<hbm>>
    tpu.enqueue_indirect_dma source(%dma_start3A_301 : memref<100000xf32, #tpu.memory_space<hbm>>) target(%dma_start3A_296 : memref<128xf32, #tpu.memory_space<vmem>>) offsets(%dma_start3A_299 : memref<128xi32, #tpu.memory_space<vmem>>) semaphore(%arg23 : memref<!tpu.dma_semaphore, #tpu.memory_space<semaphore_mem>>)
    %dma_start3A_302 = arith.constant 7 : i32
    %dma_start3A_303 = arith.constant 7 : i32
    %dma_start3A_304 = arith.constant 256 : i32
    %dma_start3A_305 = tpu.memref_slice %arg21[%dma_start3A_303, %dma_start3A_304] : memref<16x512xf32, #tpu.memory_space<vmem>> -> memref<1x128xf32, #tpu.memory_space<vmem>>
    %dma_start3A_306 = tpu.memref_squeeze %dma_start3A_305 : memref<1x128xf32, #tpu.memory_space<vmem>> -> memref<128xf32, #tpu.memory_space<vmem>>
    %dma_start3A_307 = arith.constant 256 : i32
    %dma_start3A_308 = tpu.memref_slice %arg20[%dma_start3A_302, %dma_start3A_307] : memref<16x512xi32, #tpu.memory_space<vmem>> -> memref<1x128xi32, #tpu.memory_space<vmem>>
    %dma_start3A_309 = tpu.memref_squeeze %dma_start3A_308 : memref<1x128xi32, #tpu.memory_space<vmem>> -> memref<128xi32, #tpu.memory_space<vmem>>
    %dma_start3A_310 = arith.constant 0 : i32
    %dma_start3A_311 = tpu.memref_slice %arg10[%dma_start3A_310] : memref<100000xf32, #tpu.memory_space<hbm>> -> memref<100000xf32, #tpu.memory_space<hbm>>
    tpu.enqueue_indirect_dma source(%dma_start3A_311 : memref<100000xf32, #tpu.memory_space<hbm>>) target(%dma_start3A_306 : memref<128xf32, #tpu.memory_space<vmem>>) offsets(%dma_start3A_309 : memref<128xi32, #tpu.memory_space<vmem>>) semaphore(%arg23 : memref<!tpu.dma_semaphore, #tpu.memory_space<semaphore_mem>>)
    %dma_start3A_312 = arith.constant 7 : i32
    %dma_start3A_313 = arith.constant 7 : i32
    %dma_start3A_314 = arith.constant 384 : i32
    %dma_start3A_315 = tpu.memref_slice %arg21[%dma_start3A_313, %dma_start3A_314] : memref<16x512xf32, #tpu.memory_space<vmem>> -> memref<1x128xf32, #tpu.memory_space<vmem>>
    %dma_start3A_316 = tpu.memref_squeeze %dma_start3A_315 : memref<1x128xf32, #tpu.memory_space<vmem>> -> memref<128xf32, #tpu.memory_space<vmem>>
    %dma_start3A_317 = arith.constant 384 : i32
    %dma_start3A_318 = tpu.memref_slice %arg20[%dma_start3A_312, %dma_start3A_317] : memref<16x512xi32, #tpu.memory_space<vmem>> -> memref<1x128xi32, #tpu.memory_space<vmem>>
    %dma_start3A_319 = tpu.memref_squeeze %dma_start3A_318 : memref<1x128xi32, #tpu.memory_space<vmem>> -> memref<128xi32, #tpu.memory_space<vmem>>
    %dma_start3A_320 = arith.constant 0 : i32
    %dma_start3A_321 = tpu.memref_slice %arg10[%dma_start3A_320] : memref<100000xf32, #tpu.memory_space<hbm>> -> memref<100000xf32, #tpu.memory_space<hbm>>
    tpu.enqueue_indirect_dma source(%dma_start3A_321 : memref<100000xf32, #tpu.memory_space<hbm>>) target(%dma_start3A_316 : memref<128xf32, #tpu.memory_space<vmem>>) offsets(%dma_start3A_319 : memref<128xi32, #tpu.memory_space<vmem>>) semaphore(%arg23 : memref<!tpu.dma_semaphore, #tpu.memory_space<semaphore_mem>>)
    %dma_start3A_322 = arith.constant 8 : i32
    %dma_start3A_323 = arith.constant 8 : i32
    %dma_start3A_324 = arith.constant 0 : i32
    %dma_start3A_325 = tpu.memref_slice %arg21[%dma_start3A_323, %dma_start3A_324] : memref<16x512xf32, #tpu.memory_space<vmem>> -> memref<1x128xf32, #tpu.memory_space<vmem>>
    %dma_start3A_326 = tpu.memref_squeeze %dma_start3A_325 : memref<1x128xf32, #tpu.memory_space<vmem>> -> memref<128xf32, #tpu.memory_space<vmem>>
    %dma_start3A_327 = arith.constant 0 : i32
    %dma_start3A_328 = tpu.memref_slice %arg20[%dma_start3A_322, %dma_start3A_327] : memref<16x512xi32, #tpu.memory_space<vmem>> -> memref<1x128xi32, #tpu.memory_space<vmem>>
    %dma_start3A_329 = tpu.memref_squeeze %dma_start3A_328 : memref<1x128xi32, #tpu.memory_space<vmem>> -> memref<128xi32, #tpu.memory_space<vmem>>
    %dma_start3A_330 = arith.constant 0 : i32
    %dma_start3A_331 = tpu.memref_slice %arg11[%dma_start3A_330] : memref<100000xf32, #tpu.memory_space<hbm>> -> memref<100000xf32, #tpu.memory_space<hbm>>
    tpu.enqueue_indirect_dma source(%dma_start3A_331 : memref<100000xf32, #tpu.memory_space<hbm>>) target(%dma_start3A_326 : memref<128xf32, #tpu.memory_space<vmem>>) offsets(%dma_start3A_329 : memref<128xi32, #tpu.memory_space<vmem>>) semaphore(%arg23 : memref<!tpu.dma_semaphore, #tpu.memory_space<semaphore_mem>>)
    %dma_start3A_332 = arith.constant 8 : i32
    %dma_start3A_333 = arith.constant 8 : i32
    %dma_start3A_334 = arith.constant 128 : i32
    %dma_start3A_335 = tpu.memref_slice %arg21[%dma_start3A_333, %dma_start3A_334] : memref<16x512xf32, #tpu.memory_space<vmem>> -> memref<1x128xf32, #tpu.memory_space<vmem>>
    %dma_start3A_336 = tpu.memref_squeeze %dma_start3A_335 : memref<1x128xf32, #tpu.memory_space<vmem>> -> memref<128xf32, #tpu.memory_space<vmem>>
    %dma_start3A_337 = arith.constant 128 : i32
    %dma_start3A_338 = tpu.memref_slice %arg20[%dma_start3A_332, %dma_start3A_337] : memref<16x512xi32, #tpu.memory_space<vmem>> -> memref<1x128xi32, #tpu.memory_space<vmem>>
    %dma_start3A_339 = tpu.memref_squeeze %dma_start3A_338 : memref<1x128xi32, #tpu.memory_space<vmem>> -> memref<128xi32, #tpu.memory_space<vmem>>
    %dma_start3A_340 = arith.constant 0 : i32
    %dma_start3A_341 = tpu.memref_slice %arg11[%dma_start3A_340] : memref<100000xf32, #tpu.memory_space<hbm>> -> memref<100000xf32, #tpu.memory_space<hbm>>
    tpu.enqueue_indirect_dma source(%dma_start3A_341 : memref<100000xf32, #tpu.memory_space<hbm>>) target(%dma_start3A_336 : memref<128xf32, #tpu.memory_space<vmem>>) offsets(%dma_start3A_339 : memref<128xi32, #tpu.memory_space<vmem>>) semaphore(%arg23 : memref<!tpu.dma_semaphore, #tpu.memory_space<semaphore_mem>>)
    %dma_start3A_342 = arith.constant 8 : i32
    %dma_start3A_343 = arith.constant 8 : i32
    %dma_start3A_344 = arith.constant 256 : i32
    %dma_start3A_345 = tpu.memref_slice %arg21[%dma_start3A_343, %dma_start3A_344] : memref<16x512xf32, #tpu.memory_space<vmem>> -> memref<1x128xf32, #tpu.memory_space<vmem>>
    %dma_start3A_346 = tpu.memref_squeeze %dma_start3A_345 : memref<1x128xf32, #tpu.memory_space<vmem>> -> memref<128xf32, #tpu.memory_space<vmem>>
    %dma_start3A_347 = arith.constant 256 : i32
    %dma_start3A_348 = tpu.memref_slice %arg20[%dma_start3A_342, %dma_start3A_347] : memref<16x512xi32, #tpu.memory_space<vmem>> -> memref<1x128xi32, #tpu.memory_space<vmem>>
    %dma_start3A_349 = tpu.memref_squeeze %dma_start3A_348 : memref<1x128xi32, #tpu.memory_space<vmem>> -> memref<128xi32, #tpu.memory_space<vmem>>
    %dma_start3A_350 = arith.constant 0 : i32
    %dma_start3A_351 = tpu.memref_slice %arg11[%dma_start3A_350] : memref<100000xf32, #tpu.memory_space<hbm>> -> memref<100000xf32, #tpu.memory_space<hbm>>
    tpu.enqueue_indirect_dma source(%dma_start3A_351 : memref<100000xf32, #tpu.memory_space<hbm>>) target(%dma_start3A_346 : memref<128xf32, #tpu.memory_space<vmem>>) offsets(%dma_start3A_349 : memref<128xi32, #tpu.memory_space<vmem>>) semaphore(%arg23 : memref<!tpu.dma_semaphore, #tpu.memory_space<semaphore_mem>>)
    %dma_start3A_352 = arith.constant 8 : i32
    %dma_start3A_353 = arith.constant 8 : i32
    %dma_start3A_354 = arith.constant 384 : i32
    %dma_start3A_355 = tpu.memref_slice %arg21[%dma_start3A_353, %dma_start3A_354] : memref<16x512xf32, #tpu.memory_space<vmem>> -> memref<1x128xf32, #tpu.memory_space<vmem>>
    %dma_start3A_356 = tpu.memref_squeeze %dma_start3A_355 : memref<1x128xf32, #tpu.memory_space<vmem>> -> memref<128xf32, #tpu.memory_space<vmem>>
    %dma_start3A_357 = arith.constant 384 : i32
    %dma_start3A_358 = tpu.memref_slice %arg20[%dma_start3A_352, %dma_start3A_357] : memref<16x512xi32, #tpu.memory_space<vmem>> -> memref<1x128xi32, #tpu.memory_space<vmem>>
    %dma_start3A_359 = tpu.memref_squeeze %dma_start3A_358 : memref<1x128xi32, #tpu.memory_space<vmem>> -> memref<128xi32, #tpu.memory_space<vmem>>
    %dma_start3A_360 = arith.constant 0 : i32
    %dma_start3A_361 = tpu.memref_slice %arg11[%dma_start3A_360] : memref<100000xf32, #tpu.memory_space<hbm>> -> memref<100000xf32, #tpu.memory_space<hbm>>
    tpu.enqueue_indirect_dma source(%dma_start3A_361 : memref<100000xf32, #tpu.memory_space<hbm>>) target(%dma_start3A_356 : memref<128xf32, #tpu.memory_space<vmem>>) offsets(%dma_start3A_359 : memref<128xi32, #tpu.memory_space<vmem>>) semaphore(%arg23 : memref<!tpu.dma_semaphore, #tpu.memory_space<semaphore_mem>>)
    %dma_start3A_362 = arith.constant 9 : i32
    %dma_start3A_363 = arith.constant 9 : i32
    %dma_start3A_364 = arith.constant 0 : i32
    %dma_start3A_365 = tpu.memref_slice %arg21[%dma_start3A_363, %dma_start3A_364] : memref<16x512xf32, #tpu.memory_space<vmem>> -> memref<1x128xf32, #tpu.memory_space<vmem>>
    %dma_start3A_366 = tpu.memref_squeeze %dma_start3A_365 : memref<1x128xf32, #tpu.memory_space<vmem>> -> memref<128xf32, #tpu.memory_space<vmem>>
    %dma_start3A_367 = arith.constant 0 : i32
    %dma_start3A_368 = tpu.memref_slice %arg20[%dma_start3A_362, %dma_start3A_367] : memref<16x512xi32, #tpu.memory_space<vmem>> -> memref<1x128xi32, #tpu.memory_space<vmem>>
    %dma_start3A_369 = tpu.memref_squeeze %dma_start3A_368 : memref<1x128xi32, #tpu.memory_space<vmem>> -> memref<128xi32, #tpu.memory_space<vmem>>
    %dma_start3A_370 = arith.constant 0 : i32
    %dma_start3A_371 = tpu.memref_slice %arg12[%dma_start3A_370] : memref<100000xf32, #tpu.memory_space<hbm>> -> memref<100000xf32, #tpu.memory_space<hbm>>
    tpu.enqueue_indirect_dma source(%dma_start3A_371 : memref<100000xf32, #tpu.memory_space<hbm>>) target(%dma_start3A_366 : memref<128xf32, #tpu.memory_space<vmem>>) offsets(%dma_start3A_369 : memref<128xi32, #tpu.memory_space<vmem>>) semaphore(%arg23 : memref<!tpu.dma_semaphore, #tpu.memory_space<semaphore_mem>>)
    %dma_start3A_372 = arith.constant 9 : i32
    %dma_start3A_373 = arith.constant 9 : i32
    %dma_start3A_374 = arith.constant 128 : i32
    %dma_start3A_375 = tpu.memref_slice %arg21[%dma_start3A_373, %dma_start3A_374] : memref<16x512xf32, #tpu.memory_space<vmem>> -> memref<1x128xf32, #tpu.memory_space<vmem>>
    %dma_start3A_376 = tpu.memref_squeeze %dma_start3A_375 : memref<1x128xf32, #tpu.memory_space<vmem>> -> memref<128xf32, #tpu.memory_space<vmem>>
    %dma_start3A_377 = arith.constant 128 : i32
    %dma_start3A_378 = tpu.memref_slice %arg20[%dma_start3A_372, %dma_start3A_377] : memref<16x512xi32, #tpu.memory_space<vmem>> -> memref<1x128xi32, #tpu.memory_space<vmem>>
    %dma_start3A_379 = tpu.memref_squeeze %dma_start3A_378 : memref<1x128xi32, #tpu.memory_space<vmem>> -> memref<128xi32, #tpu.memory_space<vmem>>
    %dma_start3A_380 = arith.constant 0 : i32
    %dma_start3A_381 = tpu.memref_slice %arg12[%dma_start3A_380] : memref<100000xf32, #tpu.memory_space<hbm>> -> memref<100000xf32, #tpu.memory_space<hbm>>
    tpu.enqueue_indirect_dma source(%dma_start3A_381 : memref<100000xf32, #tpu.memory_space<hbm>>) target(%dma_start3A_376 : memref<128xf32, #tpu.memory_space<vmem>>) offsets(%dma_start3A_379 : memref<128xi32, #tpu.memory_space<vmem>>) semaphore(%arg23 : memref<!tpu.dma_semaphore, #tpu.memory_space<semaphore_mem>>)
    %dma_start3A_382 = arith.constant 9 : i32
    %dma_start3A_383 = arith.constant 9 : i32
    %dma_start3A_384 = arith.constant 256 : i32
    %dma_start3A_385 = tpu.memref_slice %arg21[%dma_start3A_383, %dma_start3A_384] : memref<16x512xf32, #tpu.memory_space<vmem>> -> memref<1x128xf32, #tpu.memory_space<vmem>>
    %dma_start3A_386 = tpu.memref_squeeze %dma_start3A_385 : memref<1x128xf32, #tpu.memory_space<vmem>> -> memref<128xf32, #tpu.memory_space<vmem>>
    %dma_start3A_387 = arith.constant 256 : i32
    %dma_start3A_388 = tpu.memref_slice %arg20[%dma_start3A_382, %dma_start3A_387] : memref<16x512xi32, #tpu.memory_space<vmem>> -> memref<1x128xi32, #tpu.memory_space<vmem>>
    %dma_start3A_389 = tpu.memref_squeeze %dma_start3A_388 : memref<1x128xi32, #tpu.memory_space<vmem>> -> memref<128xi32, #tpu.memory_space<vmem>>
    %dma_start3A_390 = arith.constant 0 : i32
    %dma_start3A_391 = tpu.memref_slice %arg12[%dma_start3A_390] : memref<100000xf32, #tpu.memory_space<hbm>> -> memref<100000xf32, #tpu.memory_space<hbm>>
    tpu.enqueue_indirect_dma source(%dma_start3A_391 : memref<100000xf32, #tpu.memory_space<hbm>>) target(%dma_start3A_386 : memref<128xf32, #tpu.memory_space<vmem>>) offsets(%dma_start3A_389 : memref<128xi32, #tpu.memory_space<vmem>>) semaphore(%arg23 : memref<!tpu.dma_semaphore, #tpu.memory_space<semaphore_mem>>)
    %dma_start3A_392 = arith.constant 9 : i32
    %dma_start3A_393 = arith.constant 9 : i32
    %dma_start3A_394 = arith.constant 384 : i32
    %dma_start3A_395 = tpu.memref_slice %arg21[%dma_start3A_393, %dma_start3A_394] : memref<16x512xf32, #tpu.memory_space<vmem>> -> memref<1x128xf32, #tpu.memory_space<vmem>>
    %dma_start3A_396 = tpu.memref_squeeze %dma_start3A_395 : memref<1x128xf32, #tpu.memory_space<vmem>> -> memref<128xf32, #tpu.memory_space<vmem>>
    %dma_start3A_397 = arith.constant 384 : i32
    %dma_start3A_398 = tpu.memref_slice %arg20[%dma_start3A_392, %dma_start3A_397] : memref<16x512xi32, #tpu.memory_space<vmem>> -> memref<1x128xi32, #tpu.memory_space<vmem>>
    %dma_start3A_399 = tpu.memref_squeeze %dma_start3A_398 : memref<1x128xi32, #tpu.memory_space<vmem>> -> memref<128xi32, #tpu.memory_space<vmem>>
    %dma_start3A_400 = arith.constant 0 : i32
    %dma_start3A_401 = tpu.memref_slice %arg12[%dma_start3A_400] : memref<100000xf32, #tpu.memory_space<hbm>> -> memref<100000xf32, #tpu.memory_space<hbm>>
    tpu.enqueue_indirect_dma source(%dma_start3A_401 : memref<100000xf32, #tpu.memory_space<hbm>>) target(%dma_start3A_396 : memref<128xf32, #tpu.memory_space<vmem>>) offsets(%dma_start3A_399 : memref<128xi32, #tpu.memory_space<vmem>>) semaphore(%arg23 : memref<!tpu.dma_semaphore, #tpu.memory_space<semaphore_mem>>)
    %dma_start3A_402 = arith.constant 10 : i32
    %dma_start3A_403 = arith.constant 10 : i32
    %dma_start3A_404 = arith.constant 0 : i32
    %dma_start3A_405 = tpu.memref_slice %arg21[%dma_start3A_403, %dma_start3A_404] : memref<16x512xf32, #tpu.memory_space<vmem>> -> memref<1x128xf32, #tpu.memory_space<vmem>>
    %dma_start3A_406 = tpu.memref_squeeze %dma_start3A_405 : memref<1x128xf32, #tpu.memory_space<vmem>> -> memref<128xf32, #tpu.memory_space<vmem>>
    %dma_start3A_407 = arith.constant 0 : i32
    %dma_start3A_408 = tpu.memref_slice %arg20[%dma_start3A_402, %dma_start3A_407] : memref<16x512xi32, #tpu.memory_space<vmem>> -> memref<1x128xi32, #tpu.memory_space<vmem>>
    %dma_start3A_409 = tpu.memref_squeeze %dma_start3A_408 : memref<1x128xi32, #tpu.memory_space<vmem>> -> memref<128xi32, #tpu.memory_space<vmem>>
    %dma_start3A_410 = arith.constant 0 : i32
    %dma_start3A_411 = tpu.memref_slice %arg13[%dma_start3A_410] : memref<100000xf32, #tpu.memory_space<hbm>> -> memref<100000xf32, #tpu.memory_space<hbm>>
    tpu.enqueue_indirect_dma source(%dma_start3A_411 : memref<100000xf32, #tpu.memory_space<hbm>>) target(%dma_start3A_406 : memref<128xf32, #tpu.memory_space<vmem>>) offsets(%dma_start3A_409 : memref<128xi32, #tpu.memory_space<vmem>>) semaphore(%arg23 : memref<!tpu.dma_semaphore, #tpu.memory_space<semaphore_mem>>)
    %dma_start3A_412 = arith.constant 10 : i32
    %dma_start3A_413 = arith.constant 10 : i32
    %dma_start3A_414 = arith.constant 128 : i32
    %dma_start3A_415 = tpu.memref_slice %arg21[%dma_start3A_413, %dma_start3A_414] : memref<16x512xf32, #tpu.memory_space<vmem>> -> memref<1x128xf32, #tpu.memory_space<vmem>>
    %dma_start3A_416 = tpu.memref_squeeze %dma_start3A_415 : memref<1x128xf32, #tpu.memory_space<vmem>> -> memref<128xf32, #tpu.memory_space<vmem>>
    %dma_start3A_417 = arith.constant 128 : i32
    %dma_start3A_418 = tpu.memref_slice %arg20[%dma_start3A_412, %dma_start3A_417] : memref<16x512xi32, #tpu.memory_space<vmem>> -> memref<1x128xi32, #tpu.memory_space<vmem>>
    %dma_start3A_419 = tpu.memref_squeeze %dma_start3A_418 : memref<1x128xi32, #tpu.memory_space<vmem>> -> memref<128xi32, #tpu.memory_space<vmem>>
    %dma_start3A_420 = arith.constant 0 : i32
    %dma_start3A_421 = tpu.memref_slice %arg13[%dma_start3A_420] : memref<100000xf32, #tpu.memory_space<hbm>> -> memref<100000xf32, #tpu.memory_space<hbm>>
    tpu.enqueue_indirect_dma source(%dma_start3A_421 : memref<100000xf32, #tpu.memory_space<hbm>>) target(%dma_start3A_416 : memref<128xf32, #tpu.memory_space<vmem>>) offsets(%dma_start3A_419 : memref<128xi32, #tpu.memory_space<vmem>>) semaphore(%arg23 : memref<!tpu.dma_semaphore, #tpu.memory_space<semaphore_mem>>)
    %dma_start3A_422 = arith.constant 10 : i32
    %dma_start3A_423 = arith.constant 10 : i32
    %dma_start3A_424 = arith.constant 256 : i32
    %dma_start3A_425 = tpu.memref_slice %arg21[%dma_start3A_423, %dma_start3A_424] : memref<16x512xf32, #tpu.memory_space<vmem>> -> memref<1x128xf32, #tpu.memory_space<vmem>>
    %dma_start3A_426 = tpu.memref_squeeze %dma_start3A_425 : memref<1x128xf32, #tpu.memory_space<vmem>> -> memref<128xf32, #tpu.memory_space<vmem>>
    %dma_start3A_427 = arith.constant 256 : i32
    %dma_start3A_428 = tpu.memref_slice %arg20[%dma_start3A_422, %dma_start3A_427] : memref<16x512xi32, #tpu.memory_space<vmem>> -> memref<1x128xi32, #tpu.memory_space<vmem>>
    %dma_start3A_429 = tpu.memref_squeeze %dma_start3A_428 : memref<1x128xi32, #tpu.memory_space<vmem>> -> memref<128xi32, #tpu.memory_space<vmem>>
    %dma_start3A_430 = arith.constant 0 : i32
    %dma_start3A_431 = tpu.memref_slice %arg13[%dma_start3A_430] : memref<100000xf32, #tpu.memory_space<hbm>> -> memref<100000xf32, #tpu.memory_space<hbm>>
    tpu.enqueue_indirect_dma source(%dma_start3A_431 : memref<100000xf32, #tpu.memory_space<hbm>>) target(%dma_start3A_426 : memref<128xf32, #tpu.memory_space<vmem>>) offsets(%dma_start3A_429 : memref<128xi32, #tpu.memory_space<vmem>>) semaphore(%arg23 : memref<!tpu.dma_semaphore, #tpu.memory_space<semaphore_mem>>)
    %dma_start3A_432 = arith.constant 10 : i32
    %dma_start3A_433 = arith.constant 10 : i32
    %dma_start3A_434 = arith.constant 384 : i32
    %dma_start3A_435 = tpu.memref_slice %arg21[%dma_start3A_433, %dma_start3A_434] : memref<16x512xf32, #tpu.memory_space<vmem>> -> memref<1x128xf32, #tpu.memory_space<vmem>>
    %dma_start3A_436 = tpu.memref_squeeze %dma_start3A_435 : memref<1x128xf32, #tpu.memory_space<vmem>> -> memref<128xf32, #tpu.memory_space<vmem>>
    %dma_start3A_437 = arith.constant 384 : i32
    %dma_start3A_438 = tpu.memref_slice %arg20[%dma_start3A_432, %dma_start3A_437] : memref<16x512xi32, #tpu.memory_space<vmem>> -> memref<1x128xi32, #tpu.memory_space<vmem>>
    %dma_start3A_439 = tpu.memref_squeeze %dma_start3A_438 : memref<1x128xi32, #tpu.memory_space<vmem>> -> memref<128xi32, #tpu.memory_space<vmem>>
    %dma_start3A_440 = arith.constant 0 : i32
    %dma_start3A_441 = tpu.memref_slice %arg13[%dma_start3A_440] : memref<100000xf32, #tpu.memory_space<hbm>> -> memref<100000xf32, #tpu.memory_space<hbm>>
    tpu.enqueue_indirect_dma source(%dma_start3A_441 : memref<100000xf32, #tpu.memory_space<hbm>>) target(%dma_start3A_436 : memref<128xf32, #tpu.memory_space<vmem>>) offsets(%dma_start3A_439 : memref<128xi32, #tpu.memory_space<vmem>>) semaphore(%arg23 : memref<!tpu.dma_semaphore, #tpu.memory_space<semaphore_mem>>)
    %dma_start3A_442 = arith.constant 11 : i32
    %dma_start3A_443 = arith.constant 11 : i32
    %dma_start3A_444 = arith.constant 0 : i32
    %dma_start3A_445 = tpu.memref_slice %arg21[%dma_start3A_443, %dma_start3A_444] : memref<16x512xf32, #tpu.memory_space<vmem>> -> memref<1x128xf32, #tpu.memory_space<vmem>>
    %dma_start3A_446 = tpu.memref_squeeze %dma_start3A_445 : memref<1x128xf32, #tpu.memory_space<vmem>> -> memref<128xf32, #tpu.memory_space<vmem>>
    %dma_start3A_447 = arith.constant 0 : i32
    %dma_start3A_448 = tpu.memref_slice %arg20[%dma_start3A_442, %dma_start3A_447] : memref<16x512xi32, #tpu.memory_space<vmem>> -> memref<1x128xi32, #tpu.memory_space<vmem>>
    %dma_start3A_449 = tpu.memref_squeeze %dma_start3A_448 : memref<1x128xi32, #tpu.memory_space<vmem>> -> memref<128xi32, #tpu.memory_space<vmem>>
    %dma_start3A_450 = arith.constant 0 : i32
    %dma_start3A_451 = tpu.memref_slice %arg14[%dma_start3A_450] : memref<100000xf32, #tpu.memory_space<hbm>> -> memref<100000xf32, #tpu.memory_space<hbm>>
    tpu.enqueue_indirect_dma source(%dma_start3A_451 : memref<100000xf32, #tpu.memory_space<hbm>>) target(%dma_start3A_446 : memref<128xf32, #tpu.memory_space<vmem>>) offsets(%dma_start3A_449 : memref<128xi32, #tpu.memory_space<vmem>>) semaphore(%arg23 : memref<!tpu.dma_semaphore, #tpu.memory_space<semaphore_mem>>)
    %dma_start3A_452 = arith.constant 11 : i32
    %dma_start3A_453 = arith.constant 11 : i32
    %dma_start3A_454 = arith.constant 128 : i32
    %dma_start3A_455 = tpu.memref_slice %arg21[%dma_start3A_453, %dma_start3A_454] : memref<16x512xf32, #tpu.memory_space<vmem>> -> memref<1x128xf32, #tpu.memory_space<vmem>>
    %dma_start3A_456 = tpu.memref_squeeze %dma_start3A_455 : memref<1x128xf32, #tpu.memory_space<vmem>> -> memref<128xf32, #tpu.memory_space<vmem>>
    %dma_start3A_457 = arith.constant 128 : i32
    %dma_start3A_458 = tpu.memref_slice %arg20[%dma_start3A_452, %dma_start3A_457] : memref<16x512xi32, #tpu.memory_space<vmem>> -> memref<1x128xi32, #tpu.memory_space<vmem>>
    %dma_start3A_459 = tpu.memref_squeeze %dma_start3A_458 : memref<1x128xi32, #tpu.memory_space<vmem>> -> memref<128xi32, #tpu.memory_space<vmem>>
    %dma_start3A_460 = arith.constant 0 : i32
    %dma_start3A_461 = tpu.memref_slice %arg14[%dma_start3A_460] : memref<100000xf32, #tpu.memory_space<hbm>> -> memref<100000xf32, #tpu.memory_space<hbm>>
    tpu.enqueue_indirect_dma source(%dma_start3A_461 : memref<100000xf32, #tpu.memory_space<hbm>>) target(%dma_start3A_456 : memref<128xf32, #tpu.memory_space<vmem>>) offsets(%dma_start3A_459 : memref<128xi32, #tpu.memory_space<vmem>>) semaphore(%arg23 : memref<!tpu.dma_semaphore, #tpu.memory_space<semaphore_mem>>)
    %dma_start3A_462 = arith.constant 11 : i32
    %dma_start3A_463 = arith.constant 11 : i32
    %dma_start3A_464 = arith.constant 256 : i32
    %dma_start3A_465 = tpu.memref_slice %arg21[%dma_start3A_463, %dma_start3A_464] : memref<16x512xf32, #tpu.memory_space<vmem>> -> memref<1x128xf32, #tpu.memory_space<vmem>>
    %dma_start3A_466 = tpu.memref_squeeze %dma_start3A_465 : memref<1x128xf32, #tpu.memory_space<vmem>> -> memref<128xf32, #tpu.memory_space<vmem>>
    %dma_start3A_467 = arith.constant 256 : i32
    %dma_start3A_468 = tpu.memref_slice %arg20[%dma_start3A_462, %dma_start3A_467] : memref<16x512xi32, #tpu.memory_space<vmem>> -> memref<1x128xi32, #tpu.memory_space<vmem>>
    %dma_start3A_469 = tpu.memref_squeeze %dma_start3A_468 : memref<1x128xi32, #tpu.memory_space<vmem>> -> memref<128xi32, #tpu.memory_space<vmem>>
    %dma_start3A_470 = arith.constant 0 : i32
    %dma_start3A_471 = tpu.memref_slice %arg14[%dma_start3A_470] : memref<100000xf32, #tpu.memory_space<hbm>> -> memref<100000xf32, #tpu.memory_space<hbm>>
    tpu.enqueue_indirect_dma source(%dma_start3A_471 : memref<100000xf32, #tpu.memory_space<hbm>>) target(%dma_start3A_466 : memref<128xf32, #tpu.memory_space<vmem>>) offsets(%dma_start3A_469 : memref<128xi32, #tpu.memory_space<vmem>>) semaphore(%arg23 : memref<!tpu.dma_semaphore, #tpu.memory_space<semaphore_mem>>)
    %dma_start3A_472 = arith.constant 11 : i32
    %dma_start3A_473 = arith.constant 11 : i32
    %dma_start3A_474 = arith.constant 384 : i32
    %dma_start3A_475 = tpu.memref_slice %arg21[%dma_start3A_473, %dma_start3A_474] : memref<16x512xf32, #tpu.memory_space<vmem>> -> memref<1x128xf32, #tpu.memory_space<vmem>>
    %dma_start3A_476 = tpu.memref_squeeze %dma_start3A_475 : memref<1x128xf32, #tpu.memory_space<vmem>> -> memref<128xf32, #tpu.memory_space<vmem>>
    %dma_start3A_477 = arith.constant 384 : i32
    %dma_start3A_478 = tpu.memref_slice %arg20[%dma_start3A_472, %dma_start3A_477] : memref<16x512xi32, #tpu.memory_space<vmem>> -> memref<1x128xi32, #tpu.memory_space<vmem>>
    %dma_start3A_479 = tpu.memref_squeeze %dma_start3A_478 : memref<1x128xi32, #tpu.memory_space<vmem>> -> memref<128xi32, #tpu.memory_space<vmem>>
    %dma_start3A_480 = arith.constant 0 : i32
    %dma_start3A_481 = tpu.memref_slice %arg14[%dma_start3A_480] : memref<100000xf32, #tpu.memory_space<hbm>> -> memref<100000xf32, #tpu.memory_space<hbm>>
    tpu.enqueue_indirect_dma source(%dma_start3A_481 : memref<100000xf32, #tpu.memory_space<hbm>>) target(%dma_start3A_476 : memref<128xf32, #tpu.memory_space<vmem>>) offsets(%dma_start3A_479 : memref<128xi32, #tpu.memory_space<vmem>>) semaphore(%arg23 : memref<!tpu.dma_semaphore, #tpu.memory_space<semaphore_mem>>)
    %dma_start3A_482 = arith.constant 12 : i32
    %dma_start3A_483 = arith.constant 12 : i32
    %dma_start3A_484 = arith.constant 0 : i32
    %dma_start3A_485 = tpu.memref_slice %arg21[%dma_start3A_483, %dma_start3A_484] : memref<16x512xf32, #tpu.memory_space<vmem>> -> memref<1x128xf32, #tpu.memory_space<vmem>>
    %dma_start3A_486 = tpu.memref_squeeze %dma_start3A_485 : memref<1x128xf32, #tpu.memory_space<vmem>> -> memref<128xf32, #tpu.memory_space<vmem>>
    %dma_start3A_487 = arith.constant 0 : i32
    %dma_start3A_488 = tpu.memref_slice %arg20[%dma_start3A_482, %dma_start3A_487] : memref<16x512xi32, #tpu.memory_space<vmem>> -> memref<1x128xi32, #tpu.memory_space<vmem>>
    %dma_start3A_489 = tpu.memref_squeeze %dma_start3A_488 : memref<1x128xi32, #tpu.memory_space<vmem>> -> memref<128xi32, #tpu.memory_space<vmem>>
    %dma_start3A_490 = arith.constant 0 : i32
    %dma_start3A_491 = tpu.memref_slice %arg15[%dma_start3A_490] : memref<100000xf32, #tpu.memory_space<hbm>> -> memref<100000xf32, #tpu.memory_space<hbm>>
    tpu.enqueue_indirect_dma source(%dma_start3A_491 : memref<100000xf32, #tpu.memory_space<hbm>>) target(%dma_start3A_486 : memref<128xf32, #tpu.memory_space<vmem>>) offsets(%dma_start3A_489 : memref<128xi32, #tpu.memory_space<vmem>>) semaphore(%arg23 : memref<!tpu.dma_semaphore, #tpu.memory_space<semaphore_mem>>)
    %dma_start3A_492 = arith.constant 12 : i32
    %dma_start3A_493 = arith.constant 12 : i32
    %dma_start3A_494 = arith.constant 128 : i32
    %dma_start3A_495 = tpu.memref_slice %arg21[%dma_start3A_493, %dma_start3A_494] : memref<16x512xf32, #tpu.memory_space<vmem>> -> memref<1x128xf32, #tpu.memory_space<vmem>>
    %dma_start3A_496 = tpu.memref_squeeze %dma_start3A_495 : memref<1x128xf32, #tpu.memory_space<vmem>> -> memref<128xf32, #tpu.memory_space<vmem>>
    %dma_start3A_497 = arith.constant 128 : i32
    %dma_start3A_498 = tpu.memref_slice %arg20[%dma_start3A_492, %dma_start3A_497] : memref<16x512xi32, #tpu.memory_space<vmem>> -> memref<1x128xi32, #tpu.memory_space<vmem>>
    %dma_start3A_499 = tpu.memref_squeeze %dma_start3A_498 : memref<1x128xi32, #tpu.memory_space<vmem>> -> memref<128xi32, #tpu.memory_space<vmem>>
    %dma_start3A_500 = arith.constant 0 : i32
    %dma_start3A_501 = tpu.memref_slice %arg15[%dma_start3A_500] : memref<100000xf32, #tpu.memory_space<hbm>> -> memref<100000xf32, #tpu.memory_space<hbm>>
    tpu.enqueue_indirect_dma source(%dma_start3A_501 : memref<100000xf32, #tpu.memory_space<hbm>>) target(%dma_start3A_496 : memref<128xf32, #tpu.memory_space<vmem>>) offsets(%dma_start3A_499 : memref<128xi32, #tpu.memory_space<vmem>>) semaphore(%arg23 : memref<!tpu.dma_semaphore, #tpu.memory_space<semaphore_mem>>)
    %dma_start3A_502 = arith.constant 12 : i32
    %dma_start3A_503 = arith.constant 12 : i32
    %dma_start3A_504 = arith.constant 256 : i32
    %dma_start3A_505 = tpu.memref_slice %arg21[%dma_start3A_503, %dma_start3A_504] : memref<16x512xf32, #tpu.memory_space<vmem>> -> memref<1x128xf32, #tpu.memory_space<vmem>>
    %dma_start3A_506 = tpu.memref_squeeze %dma_start3A_505 : memref<1x128xf32, #tpu.memory_space<vmem>> -> memref<128xf32, #tpu.memory_space<vmem>>
    %dma_start3A_507 = arith.constant 256 : i32
    %dma_start3A_508 = tpu.memref_slice %arg20[%dma_start3A_502, %dma_start3A_507] : memref<16x512xi32, #tpu.memory_space<vmem>> -> memref<1x128xi32, #tpu.memory_space<vmem>>
    %dma_start3A_509 = tpu.memref_squeeze %dma_start3A_508 : memref<1x128xi32, #tpu.memory_space<vmem>> -> memref<128xi32, #tpu.memory_space<vmem>>
    %dma_start3A_510 = arith.constant 0 : i32
    %dma_start3A_511 = tpu.memref_slice %arg15[%dma_start3A_510] : memref<100000xf32, #tpu.memory_space<hbm>> -> memref<100000xf32, #tpu.memory_space<hbm>>
    tpu.enqueue_indirect_dma source(%dma_start3A_511 : memref<100000xf32, #tpu.memory_space<hbm>>) target(%dma_start3A_506 : memref<128xf32, #tpu.memory_space<vmem>>) offsets(%dma_start3A_509 : memref<128xi32, #tpu.memory_space<vmem>>) semaphore(%arg23 : memref<!tpu.dma_semaphore, #tpu.memory_space<semaphore_mem>>)
    %dma_start3A_512 = arith.constant 12 : i32
    %dma_start3A_513 = arith.constant 12 : i32
    %dma_start3A_514 = arith.constant 384 : i32
    %dma_start3A_515 = tpu.memref_slice %arg21[%dma_start3A_513, %dma_start3A_514] : memref<16x512xf32, #tpu.memory_space<vmem>> -> memref<1x128xf32, #tpu.memory_space<vmem>>
    %dma_start3A_516 = tpu.memref_squeeze %dma_start3A_515 : memref<1x128xf32, #tpu.memory_space<vmem>> -> memref<128xf32, #tpu.memory_space<vmem>>
    %dma_start3A_517 = arith.constant 384 : i32
    %dma_start3A_518 = tpu.memref_slice %arg20[%dma_start3A_512, %dma_start3A_517] : memref<16x512xi32, #tpu.memory_space<vmem>> -> memref<1x128xi32, #tpu.memory_space<vmem>>
    %dma_start3A_519 = tpu.memref_squeeze %dma_start3A_518 : memref<1x128xi32, #tpu.memory_space<vmem>> -> memref<128xi32, #tpu.memory_space<vmem>>
    %dma_start3A_520 = arith.constant 0 : i32
    %dma_start3A_521 = tpu.memref_slice %arg15[%dma_start3A_520] : memref<100000xf32, #tpu.memory_space<hbm>> -> memref<100000xf32, #tpu.memory_space<hbm>>
    tpu.enqueue_indirect_dma source(%dma_start3A_521 : memref<100000xf32, #tpu.memory_space<hbm>>) target(%dma_start3A_516 : memref<128xf32, #tpu.memory_space<vmem>>) offsets(%dma_start3A_519 : memref<128xi32, #tpu.memory_space<vmem>>) semaphore(%arg23 : memref<!tpu.dma_semaphore, #tpu.memory_space<semaphore_mem>>)
    %dma_start3A_522 = arith.constant 13 : i32
    %dma_start3A_523 = arith.constant 13 : i32
    %dma_start3A_524 = arith.constant 0 : i32
    %dma_start3A_525 = tpu.memref_slice %arg21[%dma_start3A_523, %dma_start3A_524] : memref<16x512xf32, #tpu.memory_space<vmem>> -> memref<1x128xf32, #tpu.memory_space<vmem>>
    %dma_start3A_526 = tpu.memref_squeeze %dma_start3A_525 : memref<1x128xf32, #tpu.memory_space<vmem>> -> memref<128xf32, #tpu.memory_space<vmem>>
    %dma_start3A_527 = arith.constant 0 : i32
    %dma_start3A_528 = tpu.memref_slice %arg20[%dma_start3A_522, %dma_start3A_527] : memref<16x512xi32, #tpu.memory_space<vmem>> -> memref<1x128xi32, #tpu.memory_space<vmem>>
    %dma_start3A_529 = tpu.memref_squeeze %dma_start3A_528 : memref<1x128xi32, #tpu.memory_space<vmem>> -> memref<128xi32, #tpu.memory_space<vmem>>
    %dma_start3A_530 = arith.constant 0 : i32
    %dma_start3A_531 = tpu.memref_slice %arg16[%dma_start3A_530] : memref<100000xf32, #tpu.memory_space<hbm>> -> memref<100000xf32, #tpu.memory_space<hbm>>
    tpu.enqueue_indirect_dma source(%dma_start3A_531 : memref<100000xf32, #tpu.memory_space<hbm>>) target(%dma_start3A_526 : memref<128xf32, #tpu.memory_space<vmem>>) offsets(%dma_start3A_529 : memref<128xi32, #tpu.memory_space<vmem>>) semaphore(%arg23 : memref<!tpu.dma_semaphore, #tpu.memory_space<semaphore_mem>>)
    %dma_start3A_532 = arith.constant 13 : i32
    %dma_start3A_533 = arith.constant 13 : i32
    %dma_start3A_534 = arith.constant 128 : i32
    %dma_start3A_535 = tpu.memref_slice %arg21[%dma_start3A_533, %dma_start3A_534] : memref<16x512xf32, #tpu.memory_space<vmem>> -> memref<1x128xf32, #tpu.memory_space<vmem>>
    %dma_start3A_536 = tpu.memref_squeeze %dma_start3A_535 : memref<1x128xf32, #tpu.memory_space<vmem>> -> memref<128xf32, #tpu.memory_space<vmem>>
    %dma_start3A_537 = arith.constant 128 : i32
    %dma_start3A_538 = tpu.memref_slice %arg20[%dma_start3A_532, %dma_start3A_537] : memref<16x512xi32, #tpu.memory_space<vmem>> -> memref<1x128xi32, #tpu.memory_space<vmem>>
    %dma_start3A_539 = tpu.memref_squeeze %dma_start3A_538 : memref<1x128xi32, #tpu.memory_space<vmem>> -> memref<128xi32, #tpu.memory_space<vmem>>
    %dma_start3A_540 = arith.constant 0 : i32
    %dma_start3A_541 = tpu.memref_slice %arg16[%dma_start3A_540] : memref<100000xf32, #tpu.memory_space<hbm>> -> memref<100000xf32, #tpu.memory_space<hbm>>
    tpu.enqueue_indirect_dma source(%dma_start3A_541 : memref<100000xf32, #tpu.memory_space<hbm>>) target(%dma_start3A_536 : memref<128xf32, #tpu.memory_space<vmem>>) offsets(%dma_start3A_539 : memref<128xi32, #tpu.memory_space<vmem>>) semaphore(%arg23 : memref<!tpu.dma_semaphore, #tpu.memory_space<semaphore_mem>>)
    %dma_start3A_542 = arith.constant 13 : i32
    %dma_start3A_543 = arith.constant 13 : i32
    %dma_start3A_544 = arith.constant 256 : i32
    %dma_start3A_545 = tpu.memref_slice %arg21[%dma_start3A_543, %dma_start3A_544] : memref<16x512xf32, #tpu.memory_space<vmem>> -> memref<1x128xf32, #tpu.memory_space<vmem>>
    %dma_start3A_546 = tpu.memref_squeeze %dma_start3A_545 : memref<1x128xf32, #tpu.memory_space<vmem>> -> memref<128xf32, #tpu.memory_space<vmem>>
    %dma_start3A_547 = arith.constant 256 : i32
    %dma_start3A_548 = tpu.memref_slice %arg20[%dma_start3A_542, %dma_start3A_547] : memref<16x512xi32, #tpu.memory_space<vmem>> -> memref<1x128xi32, #tpu.memory_space<vmem>>
    %dma_start3A_549 = tpu.memref_squeeze %dma_start3A_548 : memref<1x128xi32, #tpu.memory_space<vmem>> -> memref<128xi32, #tpu.memory_space<vmem>>
    %dma_start3A_550 = arith.constant 0 : i32
    %dma_start3A_551 = tpu.memref_slice %arg16[%dma_start3A_550] : memref<100000xf32, #tpu.memory_space<hbm>> -> memref<100000xf32, #tpu.memory_space<hbm>>
    tpu.enqueue_indirect_dma source(%dma_start3A_551 : memref<100000xf32, #tpu.memory_space<hbm>>) target(%dma_start3A_546 : memref<128xf32, #tpu.memory_space<vmem>>) offsets(%dma_start3A_549 : memref<128xi32, #tpu.memory_space<vmem>>) semaphore(%arg23 : memref<!tpu.dma_semaphore, #tpu.memory_space<semaphore_mem>>)
    %dma_start3A_552 = arith.constant 13 : i32
    %dma_start3A_553 = arith.constant 13 : i32
    %dma_start3A_554 = arith.constant 384 : i32
    %dma_start3A_555 = tpu.memref_slice %arg21[%dma_start3A_553, %dma_start3A_554] : memref<16x512xf32, #tpu.memory_space<vmem>> -> memref<1x128xf32, #tpu.memory_space<vmem>>
    %dma_start3A_556 = tpu.memref_squeeze %dma_start3A_555 : memref<1x128xf32, #tpu.memory_space<vmem>> -> memref<128xf32, #tpu.memory_space<vmem>>
    %dma_start3A_557 = arith.constant 384 : i32
    %dma_start3A_558 = tpu.memref_slice %arg20[%dma_start3A_552, %dma_start3A_557] : memref<16x512xi32, #tpu.memory_space<vmem>> -> memref<1x128xi32, #tpu.memory_space<vmem>>
    %dma_start3A_559 = tpu.memref_squeeze %dma_start3A_558 : memref<1x128xi32, #tpu.memory_space<vmem>> -> memref<128xi32, #tpu.memory_space<vmem>>
    %dma_start3A_560 = arith.constant 0 : i32
    %dma_start3A_561 = tpu.memref_slice %arg16[%dma_start3A_560] : memref<100000xf32, #tpu.memory_space<hbm>> -> memref<100000xf32, #tpu.memory_space<hbm>>
    tpu.enqueue_indirect_dma source(%dma_start3A_561 : memref<100000xf32, #tpu.memory_space<hbm>>) target(%dma_start3A_556 : memref<128xf32, #tpu.memory_space<vmem>>) offsets(%dma_start3A_559 : memref<128xi32, #tpu.memory_space<vmem>>) semaphore(%arg23 : memref<!tpu.dma_semaphore, #tpu.memory_space<semaphore_mem>>)
    %dma_start3A_562 = arith.constant 14 : i32
    %dma_start3A_563 = arith.constant 14 : i32
    %dma_start3A_564 = arith.constant 0 : i32
    %dma_start3A_565 = tpu.memref_slice %arg21[%dma_start3A_563, %dma_start3A_564] : memref<16x512xf32, #tpu.memory_space<vmem>> -> memref<1x128xf32, #tpu.memory_space<vmem>>
    %dma_start3A_566 = tpu.memref_squeeze %dma_start3A_565 : memref<1x128xf32, #tpu.memory_space<vmem>> -> memref<128xf32, #tpu.memory_space<vmem>>
    %dma_start3A_567 = arith.constant 0 : i32
    %dma_start3A_568 = tpu.memref_slice %arg20[%dma_start3A_562, %dma_start3A_567] : memref<16x512xi32, #tpu.memory_space<vmem>> -> memref<1x128xi32, #tpu.memory_space<vmem>>
    %dma_start3A_569 = tpu.memref_squeeze %dma_start3A_568 : memref<1x128xi32, #tpu.memory_space<vmem>> -> memref<128xi32, #tpu.memory_space<vmem>>
    %dma_start3A_570 = arith.constant 0 : i32
    %dma_start3A_571 = tpu.memref_slice %arg17[%dma_start3A_570] : memref<100000xf32, #tpu.memory_space<hbm>> -> memref<100000xf32, #tpu.memory_space<hbm>>
    tpu.enqueue_indirect_dma source(%dma_start3A_571 : memref<100000xf32, #tpu.memory_space<hbm>>) target(%dma_start3A_566 : memref<128xf32, #tpu.memory_space<vmem>>) offsets(%dma_start3A_569 : memref<128xi32, #tpu.memory_space<vmem>>) semaphore(%arg23 : memref<!tpu.dma_semaphore, #tpu.memory_space<semaphore_mem>>)
    %dma_start3A_572 = arith.constant 14 : i32
    %dma_start3A_573 = arith.constant 14 : i32
    %dma_start3A_574 = arith.constant 128 : i32
    %dma_start3A_575 = tpu.memref_slice %arg21[%dma_start3A_573, %dma_start3A_574] : memref<16x512xf32, #tpu.memory_space<vmem>> -> memref<1x128xf32, #tpu.memory_space<vmem>>
    %dma_start3A_576 = tpu.memref_squeeze %dma_start3A_575 : memref<1x128xf32, #tpu.memory_space<vmem>> -> memref<128xf32, #tpu.memory_space<vmem>>
    %dma_start3A_577 = arith.constant 128 : i32
    %dma_start3A_578 = tpu.memref_slice %arg20[%dma_start3A_572, %dma_start3A_577] : memref<16x512xi32, #tpu.memory_space<vmem>> -> memref<1x128xi32, #tpu.memory_space<vmem>>
    %dma_start3A_579 = tpu.memref_squeeze %dma_start3A_578 : memref<1x128xi32, #tpu.memory_space<vmem>> -> memref<128xi32, #tpu.memory_space<vmem>>
    %dma_start3A_580 = arith.constant 0 : i32
    %dma_start3A_581 = tpu.memref_slice %arg17[%dma_start3A_580] : memref<100000xf32, #tpu.memory_space<hbm>> -> memref<100000xf32, #tpu.memory_space<hbm>>
    tpu.enqueue_indirect_dma source(%dma_start3A_581 : memref<100000xf32, #tpu.memory_space<hbm>>) target(%dma_start3A_576 : memref<128xf32, #tpu.memory_space<vmem>>) offsets(%dma_start3A_579 : memref<128xi32, #tpu.memory_space<vmem>>) semaphore(%arg23 : memref<!tpu.dma_semaphore, #tpu.memory_space<semaphore_mem>>)
    %dma_start3A_582 = arith.constant 14 : i32
    %dma_start3A_583 = arith.constant 14 : i32
    %dma_start3A_584 = arith.constant 256 : i32
    %dma_start3A_585 = tpu.memref_slice %arg21[%dma_start3A_583, %dma_start3A_584] : memref<16x512xf32, #tpu.memory_space<vmem>> -> memref<1x128xf32, #tpu.memory_space<vmem>>
    %dma_start3A_586 = tpu.memref_squeeze %dma_start3A_585 : memref<1x128xf32, #tpu.memory_space<vmem>> -> memref<128xf32, #tpu.memory_space<vmem>>
    %dma_start3A_587 = arith.constant 256 : i32
    %dma_start3A_588 = tpu.memref_slice %arg20[%dma_start3A_582, %dma_start3A_587] : memref<16x512xi32, #tpu.memory_space<vmem>> -> memref<1x128xi32, #tpu.memory_space<vmem>>
    %dma_start3A_589 = tpu.memref_squeeze %dma_start3A_588 : memref<1x128xi32, #tpu.memory_space<vmem>> -> memref<128xi32, #tpu.memory_space<vmem>>
    %dma_start3A_590 = arith.constant 0 : i32
    %dma_start3A_591 = tpu.memref_slice %arg17[%dma_start3A_590] : memref<100000xf32, #tpu.memory_space<hbm>> -> memref<100000xf32, #tpu.memory_space<hbm>>
    tpu.enqueue_indirect_dma source(%dma_start3A_591 : memref<100000xf32, #tpu.memory_space<hbm>>) target(%dma_start3A_586 : memref<128xf32, #tpu.memory_space<vmem>>) offsets(%dma_start3A_589 : memref<128xi32, #tpu.memory_space<vmem>>) semaphore(%arg23 : memref<!tpu.dma_semaphore, #tpu.memory_space<semaphore_mem>>)
    %dma_start3A_592 = arith.constant 14 : i32
    %dma_start3A_593 = arith.constant 14 : i32
    %dma_start3A_594 = arith.constant 384 : i32
    %dma_start3A_595 = tpu.memref_slice %arg21[%dma_start3A_593, %dma_start3A_594] : memref<16x512xf32, #tpu.memory_space<vmem>> -> memref<1x128xf32, #tpu.memory_space<vmem>>
    %dma_start3A_596 = tpu.memref_squeeze %dma_start3A_595 : memref<1x128xf32, #tpu.memory_space<vmem>> -> memref<128xf32, #tpu.memory_space<vmem>>
    %dma_start3A_597 = arith.constant 384 : i32
    %dma_start3A_598 = tpu.memref_slice %arg20[%dma_start3A_592, %dma_start3A_597] : memref<16x512xi32, #tpu.memory_space<vmem>> -> memref<1x128xi32, #tpu.memory_space<vmem>>
    %dma_start3A_599 = tpu.memref_squeeze %dma_start3A_598 : memref<1x128xi32, #tpu.memory_space<vmem>> -> memref<128xi32, #tpu.memory_space<vmem>>
    %dma_start3A_600 = arith.constant 0 : i32
    %dma_start3A_601 = tpu.memref_slice %arg17[%dma_start3A_600] : memref<100000xf32, #tpu.memory_space<hbm>> -> memref<100000xf32, #tpu.memory_space<hbm>>
    tpu.enqueue_indirect_dma source(%dma_start3A_601 : memref<100000xf32, #tpu.memory_space<hbm>>) target(%dma_start3A_596 : memref<128xf32, #tpu.memory_space<vmem>>) offsets(%dma_start3A_599 : memref<128xi32, #tpu.memory_space<vmem>>) semaphore(%arg23 : memref<!tpu.dma_semaphore, #tpu.memory_space<semaphore_mem>>)
    %dma_start3A_602 = arith.constant 15 : i32
    %dma_start3A_603 = arith.constant 15 : i32
    %dma_start3A_604 = arith.constant 0 : i32
    %dma_start3A_605 = tpu.memref_slice %arg21[%dma_start3A_603, %dma_start3A_604] : memref<16x512xf32, #tpu.memory_space<vmem>> -> memref<1x128xf32, #tpu.memory_space<vmem>>
    %dma_start3A_606 = tpu.memref_squeeze %dma_start3A_605 : memref<1x128xf32, #tpu.memory_space<vmem>> -> memref<128xf32, #tpu.memory_space<vmem>>
    %dma_start3A_607 = arith.constant 0 : i32
    %dma_start3A_608 = tpu.memref_slice %arg20[%dma_start3A_602, %dma_start3A_607] : memref<16x512xi32, #tpu.memory_space<vmem>> -> memref<1x128xi32, #tpu.memory_space<vmem>>
    %dma_start3A_609 = tpu.memref_squeeze %dma_start3A_608 : memref<1x128xi32, #tpu.memory_space<vmem>> -> memref<128xi32, #tpu.memory_space<vmem>>
    %dma_start3A_610 = arith.constant 0 : i32
    %dma_start3A_611 = tpu.memref_slice %arg18[%dma_start3A_610] : memref<100000xf32, #tpu.memory_space<hbm>> -> memref<100000xf32, #tpu.memory_space<hbm>>
    tpu.enqueue_indirect_dma source(%dma_start3A_611 : memref<100000xf32, #tpu.memory_space<hbm>>) target(%dma_start3A_606 : memref<128xf32, #tpu.memory_space<vmem>>) offsets(%dma_start3A_609 : memref<128xi32, #tpu.memory_space<vmem>>) semaphore(%arg23 : memref<!tpu.dma_semaphore, #tpu.memory_space<semaphore_mem>>)
    %dma_start3A_612 = arith.constant 15 : i32
    %dma_start3A_613 = arith.constant 15 : i32
    %dma_start3A_614 = arith.constant 128 : i32
    %dma_start3A_615 = tpu.memref_slice %arg21[%dma_start3A_613, %dma_start3A_614] : memref<16x512xf32, #tpu.memory_space<vmem>> -> memref<1x128xf32, #tpu.memory_space<vmem>>
    %dma_start3A_616 = tpu.memref_squeeze %dma_start3A_615 : memref<1x128xf32, #tpu.memory_space<vmem>> -> memref<128xf32, #tpu.memory_space<vmem>>
    %dma_start3A_617 = arith.constant 128 : i32
    %dma_start3A_618 = tpu.memref_slice %arg20[%dma_start3A_612, %dma_start3A_617] : memref<16x512xi32, #tpu.memory_space<vmem>> -> memref<1x128xi32, #tpu.memory_space<vmem>>
    %dma_start3A_619 = tpu.memref_squeeze %dma_start3A_618 : memref<1x128xi32, #tpu.memory_space<vmem>> -> memref<128xi32, #tpu.memory_space<vmem>>
    %dma_start3A_620 = arith.constant 0 : i32
    %dma_start3A_621 = tpu.memref_slice %arg18[%dma_start3A_620] : memref<100000xf32, #tpu.memory_space<hbm>> -> memref<100000xf32, #tpu.memory_space<hbm>>
    tpu.enqueue_indirect_dma source(%dma_start3A_621 : memref<100000xf32, #tpu.memory_space<hbm>>) target(%dma_start3A_616 : memref<128xf32, #tpu.memory_space<vmem>>) offsets(%dma_start3A_619 : memref<128xi32, #tpu.memory_space<vmem>>) semaphore(%arg23 : memref<!tpu.dma_semaphore, #tpu.memory_space<semaphore_mem>>)
    %dma_start3A_622 = arith.constant 15 : i32
    %dma_start3A_623 = arith.constant 15 : i32
    %dma_start3A_624 = arith.constant 256 : i32
    %dma_start3A_625 = tpu.memref_slice %arg21[%dma_start3A_623, %dma_start3A_624] : memref<16x512xf32, #tpu.memory_space<vmem>> -> memref<1x128xf32, #tpu.memory_space<vmem>>
    %dma_start3A_626 = tpu.memref_squeeze %dma_start3A_625 : memref<1x128xf32, #tpu.memory_space<vmem>> -> memref<128xf32, #tpu.memory_space<vmem>>
    %dma_start3A_627 = arith.constant 256 : i32
    %dma_start3A_628 = tpu.memref_slice %arg20[%dma_start3A_622, %dma_start3A_627] : memref<16x512xi32, #tpu.memory_space<vmem>> -> memref<1x128xi32, #tpu.memory_space<vmem>>
    %dma_start3A_629 = tpu.memref_squeeze %dma_start3A_628 : memref<1x128xi32, #tpu.memory_space<vmem>> -> memref<128xi32, #tpu.memory_space<vmem>>
    %dma_start3A_630 = arith.constant 0 : i32
    %dma_start3A_631 = tpu.memref_slice %arg18[%dma_start3A_630] : memref<100000xf32, #tpu.memory_space<hbm>> -> memref<100000xf32, #tpu.memory_space<hbm>>
    tpu.enqueue_indirect_dma source(%dma_start3A_631 : memref<100000xf32, #tpu.memory_space<hbm>>) target(%dma_start3A_626 : memref<128xf32, #tpu.memory_space<vmem>>) offsets(%dma_start3A_629 : memref<128xi32, #tpu.memory_space<vmem>>) semaphore(%arg23 : memref<!tpu.dma_semaphore, #tpu.memory_space<semaphore_mem>>)
    %dma_start3A_632 = arith.constant 15 : i32
    %dma_start3A_633 = arith.constant 15 : i32
    %dma_start3A_634 = arith.constant 384 : i32
    %dma_start3A_635 = tpu.memref_slice %arg21[%dma_start3A_633, %dma_start3A_634] : memref<16x512xf32, #tpu.memory_space<vmem>> -> memref<1x128xf32, #tpu.memory_space<vmem>>
    %dma_start3A_636 = tpu.memref_squeeze %dma_start3A_635 : memref<1x128xf32, #tpu.memory_space<vmem>> -> memref<128xf32, #tpu.memory_space<vmem>>
    %dma_start3A_637 = arith.constant 384 : i32
    %dma_start3A_638 = tpu.memref_slice %arg20[%dma_start3A_632, %dma_start3A_637] : memref<16x512xi32, #tpu.memory_space<vmem>> -> memref<1x128xi32, #tpu.memory_space<vmem>>
    %dma_start3A_639 = tpu.memref_squeeze %dma_start3A_638 : memref<1x128xi32, #tpu.memory_space<vmem>> -> memref<128xi32, #tpu.memory_space<vmem>>
    %dma_start3A_640 = arith.constant 0 : i32
    %dma_start3A_641 = tpu.memref_slice %arg18[%dma_start3A_640] : memref<100000xf32, #tpu.memory_space<hbm>> -> memref<100000xf32, #tpu.memory_space<hbm>>
    tpu.enqueue_indirect_dma source(%dma_start3A_641 : memref<100000xf32, #tpu.memory_space<hbm>>) target(%dma_start3A_636 : memref<128xf32, #tpu.memory_space<vmem>>) offsets(%dma_start3A_639 : memref<128xi32, #tpu.memory_space<vmem>>) semaphore(%arg23 : memref<!tpu.dma_semaphore, #tpu.memory_space<semaphore_mem>>)
    %dma_wait3A = arith.constant 0 : i32
    %dma_wait3A_642 = arith.constant 0 : i32
    %dma_wait3A_643 = arith.constant 0 : i32
    %dma_wait3A_644 = tpu.memref_slice %arg21[%dma_wait3A_642, %dma_wait3A_643] : memref<16x512xf32, #tpu.memory_space<vmem>> -> memref<1x128xf32, #tpu.memory_space<vmem>>
    %dma_wait3A_645 = tpu.memref_squeeze %dma_wait3A_644 : memref<1x128xf32, #tpu.memory_space<vmem>> -> memref<128xf32, #tpu.memory_space<vmem>>
    %dma_wait3A_646 = arith.constant 0 : i32
    %dma_wait3A_647 = tpu.memref_slice %arg20[%dma_wait3A, %dma_wait3A_646] : memref<16x512xi32, #tpu.memory_space<vmem>> -> memref<1x128xi32, #tpu.memory_space<vmem>>
    %dma_wait3A_648 = tpu.memref_squeeze %dma_wait3A_647 : memref<1x128xi32, #tpu.memory_space<vmem>> -> memref<128xi32, #tpu.memory_space<vmem>>
    %dma_wait3A_649 = arith.constant 0 : i32
    %dma_wait3A_650 = tpu.memref_slice %arg3[%dma_wait3A_649] : memref<100000xf32, #tpu.memory_space<hbm>> -> memref<100000xf32, #tpu.memory_space<hbm>>
    tpu.wait_indirect_dma semaphore(%arg23 : memref<!tpu.dma_semaphore, #tpu.memory_space<semaphore_mem>>) src(%dma_wait3A_650 : memref<100000xf32, #tpu.memory_space<hbm>>) dst(%dma_wait3A_645 : memref<128xf32, #tpu.memory_space<vmem>>)
    %dma_wait3A_651 = arith.constant 0 : i32
    %dma_wait3A_652 = arith.constant 0 : i32
    %dma_wait3A_653 = arith.constant 128 : i32
    %dma_wait3A_654 = tpu.memref_slice %arg21[%dma_wait3A_652, %dma_wait3A_653] : memref<16x512xf32, #tpu.memory_space<vmem>> -> memref<1x128xf32, #tpu.memory_space<vmem>>
    %dma_wait3A_655 = tpu.memref_squeeze %dma_wait3A_654 : memref<1x128xf32, #tpu.memory_space<vmem>> -> memref<128xf32, #tpu.memory_space<vmem>>
    %dma_wait3A_656 = arith.constant 128 : i32
    %dma_wait3A_657 = tpu.memref_slice %arg20[%dma_wait3A_651, %dma_wait3A_656] : memref<16x512xi32, #tpu.memory_space<vmem>> -> memref<1x128xi32, #tpu.memory_space<vmem>>
    %dma_wait3A_658 = tpu.memref_squeeze %dma_wait3A_657 : memref<1x128xi32, #tpu.memory_space<vmem>> -> memref<128xi32, #tpu.memory_space<vmem>>
    %dma_wait3A_659 = arith.constant 0 : i32
    %dma_wait3A_660 = tpu.memref_slice %arg3[%dma_wait3A_659] : memref<100000xf32, #tpu.memory_space<hbm>> -> memref<100000xf32, #tpu.memory_space<hbm>>
    tpu.wait_indirect_dma semaphore(%arg23 : memref<!tpu.dma_semaphore, #tpu.memory_space<semaphore_mem>>) src(%dma_wait3A_660 : memref<100000xf32, #tpu.memory_space<hbm>>) dst(%dma_wait3A_655 : memref<128xf32, #tpu.memory_space<vmem>>)
    %dma_wait3A_661 = arith.constant 0 : i32
    %dma_wait3A_662 = arith.constant 0 : i32
    %dma_wait3A_663 = arith.constant 256 : i32
    %dma_wait3A_664 = tpu.memref_slice %arg21[%dma_wait3A_662, %dma_wait3A_663] : memref<16x512xf32, #tpu.memory_space<vmem>> -> memref<1x128xf32, #tpu.memory_space<vmem>>
    %dma_wait3A_665 = tpu.memref_squeeze %dma_wait3A_664 : memref<1x128xf32, #tpu.memory_space<vmem>> -> memref<128xf32, #tpu.memory_space<vmem>>
    %dma_wait3A_666 = arith.constant 256 : i32
    %dma_wait3A_667 = tpu.memref_slice %arg20[%dma_wait3A_661, %dma_wait3A_666] : memref<16x512xi32, #tpu.memory_space<vmem>> -> memref<1x128xi32, #tpu.memory_space<vmem>>
    %dma_wait3A_668 = tpu.memref_squeeze %dma_wait3A_667 : memref<1x128xi32, #tpu.memory_space<vmem>> -> memref<128xi32, #tpu.memory_space<vmem>>
    %dma_wait3A_669 = arith.constant 0 : i32
    %dma_wait3A_670 = tpu.memref_slice %arg3[%dma_wait3A_669] : memref<100000xf32, #tpu.memory_space<hbm>> -> memref<100000xf32, #tpu.memory_space<hbm>>
    tpu.wait_indirect_dma semaphore(%arg23 : memref<!tpu.dma_semaphore, #tpu.memory_space<semaphore_mem>>) src(%dma_wait3A_670 : memref<100000xf32, #tpu.memory_space<hbm>>) dst(%dma_wait3A_665 : memref<128xf32, #tpu.memory_space<vmem>>)
    %dma_wait3A_671 = arith.constant 0 : i32
    %dma_wait3A_672 = arith.constant 0 : i32
    %dma_wait3A_673 = arith.constant 384 : i32
    %dma_wait3A_674 = tpu.memref_slice %arg21[%dma_wait3A_672, %dma_wait3A_673] : memref<16x512xf32, #tpu.memory_space<vmem>> -> memref<1x128xf32, #tpu.memory_space<vmem>>
    %dma_wait3A_675 = tpu.memref_squeeze %dma_wait3A_674 : memref<1x128xf32, #tpu.memory_space<vmem>> -> memref<128xf32, #tpu.memory_space<vmem>>
    %dma_wait3A_676 = arith.constant 384 : i32
    %dma_wait3A_677 = tpu.memref_slice %arg20[%dma_wait3A_671, %dma_wait3A_676] : memref<16x512xi32, #tpu.memory_space<vmem>> -> memref<1x128xi32, #tpu.memory_space<vmem>>
    %dma_wait3A_678 = tpu.memref_squeeze %dma_wait3A_677 : memref<1x128xi32, #tpu.memory_space<vmem>> -> memref<128xi32, #tpu.memory_space<vmem>>
    %dma_wait3A_679 = arith.constant 0 : i32
    %dma_wait3A_680 = tpu.memref_slice %arg3[%dma_wait3A_679] : memref<100000xf32, #tpu.memory_space<hbm>> -> memref<100000xf32, #tpu.memory_space<hbm>>
    tpu.wait_indirect_dma semaphore(%arg23 : memref<!tpu.dma_semaphore, #tpu.memory_space<semaphore_mem>>) src(%dma_wait3A_680 : memref<100000xf32, #tpu.memory_space<hbm>>) dst(%dma_wait3A_675 : memref<128xf32, #tpu.memory_space<vmem>>)
    %dma_wait3A_681 = arith.constant 1 : i32
    %dma_wait3A_682 = arith.constant 1 : i32
    %dma_wait3A_683 = arith.constant 0 : i32
    %dma_wait3A_684 = tpu.memref_slice %arg21[%dma_wait3A_682, %dma_wait3A_683] : memref<16x512xf32, #tpu.memory_space<vmem>> -> memref<1x128xf32, #tpu.memory_space<vmem>>
    %dma_wait3A_685 = tpu.memref_squeeze %dma_wait3A_684 : memref<1x128xf32, #tpu.memory_space<vmem>> -> memref<128xf32, #tpu.memory_space<vmem>>
    %dma_wait3A_686 = arith.constant 0 : i32
    %dma_wait3A_687 = tpu.memref_slice %arg20[%dma_wait3A_681, %dma_wait3A_686] : memref<16x512xi32, #tpu.memory_space<vmem>> -> memref<1x128xi32, #tpu.memory_space<vmem>>
    %dma_wait3A_688 = tpu.memref_squeeze %dma_wait3A_687 : memref<1x128xi32, #tpu.memory_space<vmem>> -> memref<128xi32, #tpu.memory_space<vmem>>
    %dma_wait3A_689 = arith.constant 0 : i32
    %dma_wait3A_690 = tpu.memref_slice %arg4[%dma_wait3A_689] : memref<100000xf32, #tpu.memory_space<hbm>> -> memref<100000xf32, #tpu.memory_space<hbm>>
    tpu.wait_indirect_dma semaphore(%arg23 : memref<!tpu.dma_semaphore, #tpu.memory_space<semaphore_mem>>) src(%dma_wait3A_690 : memref<100000xf32, #tpu.memory_space<hbm>>) dst(%dma_wait3A_685 : memref<128xf32, #tpu.memory_space<vmem>>)
    %dma_wait3A_691 = arith.constant 1 : i32
    %dma_wait3A_692 = arith.constant 1 : i32
    %dma_wait3A_693 = arith.constant 128 : i32
    %dma_wait3A_694 = tpu.memref_slice %arg21[%dma_wait3A_692, %dma_wait3A_693] : memref<16x512xf32, #tpu.memory_space<vmem>> -> memref<1x128xf32, #tpu.memory_space<vmem>>
    %dma_wait3A_695 = tpu.memref_squeeze %dma_wait3A_694 : memref<1x128xf32, #tpu.memory_space<vmem>> -> memref<128xf32, #tpu.memory_space<vmem>>
    %dma_wait3A_696 = arith.constant 128 : i32
    %dma_wait3A_697 = tpu.memref_slice %arg20[%dma_wait3A_691, %dma_wait3A_696] : memref<16x512xi32, #tpu.memory_space<vmem>> -> memref<1x128xi32, #tpu.memory_space<vmem>>
    %dma_wait3A_698 = tpu.memref_squeeze %dma_wait3A_697 : memref<1x128xi32, #tpu.memory_space<vmem>> -> memref<128xi32, #tpu.memory_space<vmem>>
    %dma_wait3A_699 = arith.constant 0 : i32
    %dma_wait3A_700 = tpu.memref_slice %arg4[%dma_wait3A_699] : memref<100000xf32, #tpu.memory_space<hbm>> -> memref<100000xf32, #tpu.memory_space<hbm>>
    tpu.wait_indirect_dma semaphore(%arg23 : memref<!tpu.dma_semaphore, #tpu.memory_space<semaphore_mem>>) src(%dma_wait3A_700 : memref<100000xf32, #tpu.memory_space<hbm>>) dst(%dma_wait3A_695 : memref<128xf32, #tpu.memory_space<vmem>>)
    %dma_wait3A_701 = arith.constant 1 : i32
    %dma_wait3A_702 = arith.constant 1 : i32
    %dma_wait3A_703 = arith.constant 256 : i32
    %dma_wait3A_704 = tpu.memref_slice %arg21[%dma_wait3A_702, %dma_wait3A_703] : memref<16x512xf32, #tpu.memory_space<vmem>> -> memref<1x128xf32, #tpu.memory_space<vmem>>
    %dma_wait3A_705 = tpu.memref_squeeze %dma_wait3A_704 : memref<1x128xf32, #tpu.memory_space<vmem>> -> memref<128xf32, #tpu.memory_space<vmem>>
    %dma_wait3A_706 = arith.constant 256 : i32
    %dma_wait3A_707 = tpu.memref_slice %arg20[%dma_wait3A_701, %dma_wait3A_706] : memref<16x512xi32, #tpu.memory_space<vmem>> -> memref<1x128xi32, #tpu.memory_space<vmem>>
    %dma_wait3A_708 = tpu.memref_squeeze %dma_wait3A_707 : memref<1x128xi32, #tpu.memory_space<vmem>> -> memref<128xi32, #tpu.memory_space<vmem>>
    %dma_wait3A_709 = arith.constant 0 : i32
    %dma_wait3A_710 = tpu.memref_slice %arg4[%dma_wait3A_709] : memref<100000xf32, #tpu.memory_space<hbm>> -> memref<100000xf32, #tpu.memory_space<hbm>>
    tpu.wait_indirect_dma semaphore(%arg23 : memref<!tpu.dma_semaphore, #tpu.memory_space<semaphore_mem>>) src(%dma_wait3A_710 : memref<100000xf32, #tpu.memory_space<hbm>>) dst(%dma_wait3A_705 : memref<128xf32, #tpu.memory_space<vmem>>)
    %dma_wait3A_711 = arith.constant 1 : i32
    %dma_wait3A_712 = arith.constant 1 : i32
    %dma_wait3A_713 = arith.constant 384 : i32
    %dma_wait3A_714 = tpu.memref_slice %arg21[%dma_wait3A_712, %dma_wait3A_713] : memref<16x512xf32, #tpu.memory_space<vmem>> -> memref<1x128xf32, #tpu.memory_space<vmem>>
    %dma_wait3A_715 = tpu.memref_squeeze %dma_wait3A_714 : memref<1x128xf32, #tpu.memory_space<vmem>> -> memref<128xf32, #tpu.memory_space<vmem>>
    %dma_wait3A_716 = arith.constant 384 : i32
    %dma_wait3A_717 = tpu.memref_slice %arg20[%dma_wait3A_711, %dma_wait3A_716] : memref<16x512xi32, #tpu.memory_space<vmem>> -> memref<1x128xi32, #tpu.memory_space<vmem>>
    %dma_wait3A_718 = tpu.memref_squeeze %dma_wait3A_717 : memref<1x128xi32, #tpu.memory_space<vmem>> -> memref<128xi32, #tpu.memory_space<vmem>>
    %dma_wait3A_719 = arith.constant 0 : i32
    %dma_wait3A_720 = tpu.memref_slice %arg4[%dma_wait3A_719] : memref<100000xf32, #tpu.memory_space<hbm>> -> memref<100000xf32, #tpu.memory_space<hbm>>
    tpu.wait_indirect_dma semaphore(%arg23 : memref<!tpu.dma_semaphore, #tpu.memory_space<semaphore_mem>>) src(%dma_wait3A_720 : memref<100000xf32, #tpu.memory_space<hbm>>) dst(%dma_wait3A_715 : memref<128xf32, #tpu.memory_space<vmem>>)
    %dma_wait3A_721 = arith.constant 2 : i32
    %dma_wait3A_722 = arith.constant 2 : i32
    %dma_wait3A_723 = arith.constant 0 : i32
    %dma_wait3A_724 = tpu.memref_slice %arg21[%dma_wait3A_722, %dma_wait3A_723] : memref<16x512xf32, #tpu.memory_space<vmem>> -> memref<1x128xf32, #tpu.memory_space<vmem>>
    %dma_wait3A_725 = tpu.memref_squeeze %dma_wait3A_724 : memref<1x128xf32, #tpu.memory_space<vmem>> -> memref<128xf32, #tpu.memory_space<vmem>>
    %dma_wait3A_726 = arith.constant 0 : i32
    %dma_wait3A_727 = tpu.memref_slice %arg20[%dma_wait3A_721, %dma_wait3A_726] : memref<16x512xi32, #tpu.memory_space<vmem>> -> memref<1x128xi32, #tpu.memory_space<vmem>>
    %dma_wait3A_728 = tpu.memref_squeeze %dma_wait3A_727 : memref<1x128xi32, #tpu.memory_space<vmem>> -> memref<128xi32, #tpu.memory_space<vmem>>
    %dma_wait3A_729 = arith.constant 0 : i32
    %dma_wait3A_730 = tpu.memref_slice %arg5[%dma_wait3A_729] : memref<100000xf32, #tpu.memory_space<hbm>> -> memref<100000xf32, #tpu.memory_space<hbm>>
    tpu.wait_indirect_dma semaphore(%arg23 : memref<!tpu.dma_semaphore, #tpu.memory_space<semaphore_mem>>) src(%dma_wait3A_730 : memref<100000xf32, #tpu.memory_space<hbm>>) dst(%dma_wait3A_725 : memref<128xf32, #tpu.memory_space<vmem>>)
    %dma_wait3A_731 = arith.constant 2 : i32
    %dma_wait3A_732 = arith.constant 2 : i32
    %dma_wait3A_733 = arith.constant 128 : i32
    %dma_wait3A_734 = tpu.memref_slice %arg21[%dma_wait3A_732, %dma_wait3A_733] : memref<16x512xf32, #tpu.memory_space<vmem>> -> memref<1x128xf32, #tpu.memory_space<vmem>>
    %dma_wait3A_735 = tpu.memref_squeeze %dma_wait3A_734 : memref<1x128xf32, #tpu.memory_space<vmem>> -> memref<128xf32, #tpu.memory_space<vmem>>
    %dma_wait3A_736 = arith.constant 128 : i32
    %dma_wait3A_737 = tpu.memref_slice %arg20[%dma_wait3A_731, %dma_wait3A_736] : memref<16x512xi32, #tpu.memory_space<vmem>> -> memref<1x128xi32, #tpu.memory_space<vmem>>
    %dma_wait3A_738 = tpu.memref_squeeze %dma_wait3A_737 : memref<1x128xi32, #tpu.memory_space<vmem>> -> memref<128xi32, #tpu.memory_space<vmem>>
    %dma_wait3A_739 = arith.constant 0 : i32
    %dma_wait3A_740 = tpu.memref_slice %arg5[%dma_wait3A_739] : memref<100000xf32, #tpu.memory_space<hbm>> -> memref<100000xf32, #tpu.memory_space<hbm>>
    tpu.wait_indirect_dma semaphore(%arg23 : memref<!tpu.dma_semaphore, #tpu.memory_space<semaphore_mem>>) src(%dma_wait3A_740 : memref<100000xf32, #tpu.memory_space<hbm>>) dst(%dma_wait3A_735 : memref<128xf32, #tpu.memory_space<vmem>>)
    %dma_wait3A_741 = arith.constant 2 : i32
    %dma_wait3A_742 = arith.constant 2 : i32
    %dma_wait3A_743 = arith.constant 256 : i32
    %dma_wait3A_744 = tpu.memref_slice %arg21[%dma_wait3A_742, %dma_wait3A_743] : memref<16x512xf32, #tpu.memory_space<vmem>> -> memref<1x128xf32, #tpu.memory_space<vmem>>
    %dma_wait3A_745 = tpu.memref_squeeze %dma_wait3A_744 : memref<1x128xf32, #tpu.memory_space<vmem>> -> memref<128xf32, #tpu.memory_space<vmem>>
    %dma_wait3A_746 = arith.constant 256 : i32
    %dma_wait3A_747 = tpu.memref_slice %arg20[%dma_wait3A_741, %dma_wait3A_746] : memref<16x512xi32, #tpu.memory_space<vmem>> -> memref<1x128xi32, #tpu.memory_space<vmem>>
    %dma_wait3A_748 = tpu.memref_squeeze %dma_wait3A_747 : memref<1x128xi32, #tpu.memory_space<vmem>> -> memref<128xi32, #tpu.memory_space<vmem>>
    %dma_wait3A_749 = arith.constant 0 : i32
    %dma_wait3A_750 = tpu.memref_slice %arg5[%dma_wait3A_749] : memref<100000xf32, #tpu.memory_space<hbm>> -> memref<100000xf32, #tpu.memory_space<hbm>>
    tpu.wait_indirect_dma semaphore(%arg23 : memref<!tpu.dma_semaphore, #tpu.memory_space<semaphore_mem>>) src(%dma_wait3A_750 : memref<100000xf32, #tpu.memory_space<hbm>>) dst(%dma_wait3A_745 : memref<128xf32, #tpu.memory_space<vmem>>)
    %dma_wait3A_751 = arith.constant 2 : i32
    %dma_wait3A_752 = arith.constant 2 : i32
    %dma_wait3A_753 = arith.constant 384 : i32
    %dma_wait3A_754 = tpu.memref_slice %arg21[%dma_wait3A_752, %dma_wait3A_753] : memref<16x512xf32, #tpu.memory_space<vmem>> -> memref<1x128xf32, #tpu.memory_space<vmem>>
    %dma_wait3A_755 = tpu.memref_squeeze %dma_wait3A_754 : memref<1x128xf32, #tpu.memory_space<vmem>> -> memref<128xf32, #tpu.memory_space<vmem>>
    %dma_wait3A_756 = arith.constant 384 : i32
    %dma_wait3A_757 = tpu.memref_slice %arg20[%dma_wait3A_751, %dma_wait3A_756] : memref<16x512xi32, #tpu.memory_space<vmem>> -> memref<1x128xi32, #tpu.memory_space<vmem>>
    %dma_wait3A_758 = tpu.memref_squeeze %dma_wait3A_757 : memref<1x128xi32, #tpu.memory_space<vmem>> -> memref<128xi32, #tpu.memory_space<vmem>>
    %dma_wait3A_759 = arith.constant 0 : i32
    %dma_wait3A_760 = tpu.memref_slice %arg5[%dma_wait3A_759] : memref<100000xf32, #tpu.memory_space<hbm>> -> memref<100000xf32, #tpu.memory_space<hbm>>
    tpu.wait_indirect_dma semaphore(%arg23 : memref<!tpu.dma_semaphore, #tpu.memory_space<semaphore_mem>>) src(%dma_wait3A_760 : memref<100000xf32, #tpu.memory_space<hbm>>) dst(%dma_wait3A_755 : memref<128xf32, #tpu.memory_space<vmem>>)
    %dma_wait3A_761 = arith.constant 3 : i32
    %dma_wait3A_762 = arith.constant 3 : i32
    %dma_wait3A_763 = arith.constant 0 : i32
    %dma_wait3A_764 = tpu.memref_slice %arg21[%dma_wait3A_762, %dma_wait3A_763] : memref<16x512xf32, #tpu.memory_space<vmem>> -> memref<1x128xf32, #tpu.memory_space<vmem>>
    %dma_wait3A_765 = tpu.memref_squeeze %dma_wait3A_764 : memref<1x128xf32, #tpu.memory_space<vmem>> -> memref<128xf32, #tpu.memory_space<vmem>>
    %dma_wait3A_766 = arith.constant 0 : i32
    %dma_wait3A_767 = tpu.memref_slice %arg20[%dma_wait3A_761, %dma_wait3A_766] : memref<16x512xi32, #tpu.memory_space<vmem>> -> memref<1x128xi32, #tpu.memory_space<vmem>>
    %dma_wait3A_768 = tpu.memref_squeeze %dma_wait3A_767 : memref<1x128xi32, #tpu.memory_space<vmem>> -> memref<128xi32, #tpu.memory_space<vmem>>
    %dma_wait3A_769 = arith.constant 0 : i32
    %dma_wait3A_770 = tpu.memref_slice %arg6[%dma_wait3A_769] : memref<100000xf32, #tpu.memory_space<hbm>> -> memref<100000xf32, #tpu.memory_space<hbm>>
    tpu.wait_indirect_dma semaphore(%arg23 : memref<!tpu.dma_semaphore, #tpu.memory_space<semaphore_mem>>) src(%dma_wait3A_770 : memref<100000xf32, #tpu.memory_space<hbm>>) dst(%dma_wait3A_765 : memref<128xf32, #tpu.memory_space<vmem>>)
    %dma_wait3A_771 = arith.constant 3 : i32
    %dma_wait3A_772 = arith.constant 3 : i32
    %dma_wait3A_773 = arith.constant 128 : i32
    %dma_wait3A_774 = tpu.memref_slice %arg21[%dma_wait3A_772, %dma_wait3A_773] : memref<16x512xf32, #tpu.memory_space<vmem>> -> memref<1x128xf32, #tpu.memory_space<vmem>>
    %dma_wait3A_775 = tpu.memref_squeeze %dma_wait3A_774 : memref<1x128xf32, #tpu.memory_space<vmem>> -> memref<128xf32, #tpu.memory_space<vmem>>
    %dma_wait3A_776 = arith.constant 128 : i32
    %dma_wait3A_777 = tpu.memref_slice %arg20[%dma_wait3A_771, %dma_wait3A_776] : memref<16x512xi32, #tpu.memory_space<vmem>> -> memref<1x128xi32, #tpu.memory_space<vmem>>
    %dma_wait3A_778 = tpu.memref_squeeze %dma_wait3A_777 : memref<1x128xi32, #tpu.memory_space<vmem>> -> memref<128xi32, #tpu.memory_space<vmem>>
    %dma_wait3A_779 = arith.constant 0 : i32
    %dma_wait3A_780 = tpu.memref_slice %arg6[%dma_wait3A_779] : memref<100000xf32, #tpu.memory_space<hbm>> -> memref<100000xf32, #tpu.memory_space<hbm>>
    tpu.wait_indirect_dma semaphore(%arg23 : memref<!tpu.dma_semaphore, #tpu.memory_space<semaphore_mem>>) src(%dma_wait3A_780 : memref<100000xf32, #tpu.memory_space<hbm>>) dst(%dma_wait3A_775 : memref<128xf32, #tpu.memory_space<vmem>>)
    %dma_wait3A_781 = arith.constant 3 : i32
    %dma_wait3A_782 = arith.constant 3 : i32
    %dma_wait3A_783 = arith.constant 256 : i32
    %dma_wait3A_784 = tpu.memref_slice %arg21[%dma_wait3A_782, %dma_wait3A_783] : memref<16x512xf32, #tpu.memory_space<vmem>> -> memref<1x128xf32, #tpu.memory_space<vmem>>
    %dma_wait3A_785 = tpu.memref_squeeze %dma_wait3A_784 : memref<1x128xf32, #tpu.memory_space<vmem>> -> memref<128xf32, #tpu.memory_space<vmem>>
    %dma_wait3A_786 = arith.constant 256 : i32
    %dma_wait3A_787 = tpu.memref_slice %arg20[%dma_wait3A_781, %dma_wait3A_786] : memref<16x512xi32, #tpu.memory_space<vmem>> -> memref<1x128xi32, #tpu.memory_space<vmem>>
    %dma_wait3A_788 = tpu.memref_squeeze %dma_wait3A_787 : memref<1x128xi32, #tpu.memory_space<vmem>> -> memref<128xi32, #tpu.memory_space<vmem>>
    %dma_wait3A_789 = arith.constant 0 : i32
    %dma_wait3A_790 = tpu.memref_slice %arg6[%dma_wait3A_789] : memref<100000xf32, #tpu.memory_space<hbm>> -> memref<100000xf32, #tpu.memory_space<hbm>>
    tpu.wait_indirect_dma semaphore(%arg23 : memref<!tpu.dma_semaphore, #tpu.memory_space<semaphore_mem>>) src(%dma_wait3A_790 : memref<100000xf32, #tpu.memory_space<hbm>>) dst(%dma_wait3A_785 : memref<128xf32, #tpu.memory_space<vmem>>)
    %dma_wait3A_791 = arith.constant 3 : i32
    %dma_wait3A_792 = arith.constant 3 : i32
    %dma_wait3A_793 = arith.constant 384 : i32
    %dma_wait3A_794 = tpu.memref_slice %arg21[%dma_wait3A_792, %dma_wait3A_793] : memref<16x512xf32, #tpu.memory_space<vmem>> -> memref<1x128xf32, #tpu.memory_space<vmem>>
    %dma_wait3A_795 = tpu.memref_squeeze %dma_wait3A_794 : memref<1x128xf32, #tpu.memory_space<vmem>> -> memref<128xf32, #tpu.memory_space<vmem>>
    %dma_wait3A_796 = arith.constant 384 : i32
    %dma_wait3A_797 = tpu.memref_slice %arg20[%dma_wait3A_791, %dma_wait3A_796] : memref<16x512xi32, #tpu.memory_space<vmem>> -> memref<1x128xi32, #tpu.memory_space<vmem>>
    %dma_wait3A_798 = tpu.memref_squeeze %dma_wait3A_797 : memref<1x128xi32, #tpu.memory_space<vmem>> -> memref<128xi32, #tpu.memory_space<vmem>>
    %dma_wait3A_799 = arith.constant 0 : i32
    %dma_wait3A_800 = tpu.memref_slice %arg6[%dma_wait3A_799] : memref<100000xf32, #tpu.memory_space<hbm>> -> memref<100000xf32, #tpu.memory_space<hbm>>
    tpu.wait_indirect_dma semaphore(%arg23 : memref<!tpu.dma_semaphore, #tpu.memory_space<semaphore_mem>>) src(%dma_wait3A_800 : memref<100000xf32, #tpu.memory_space<hbm>>) dst(%dma_wait3A_795 : memref<128xf32, #tpu.memory_space<vmem>>)
    %dma_wait3A_801 = arith.constant 4 : i32
    %dma_wait3A_802 = arith.constant 4 : i32
    %dma_wait3A_803 = arith.constant 0 : i32
    %dma_wait3A_804 = tpu.memref_slice %arg21[%dma_wait3A_802, %dma_wait3A_803] : memref<16x512xf32, #tpu.memory_space<vmem>> -> memref<1x128xf32, #tpu.memory_space<vmem>>
    %dma_wait3A_805 = tpu.memref_squeeze %dma_wait3A_804 : memref<1x128xf32, #tpu.memory_space<vmem>> -> memref<128xf32, #tpu.memory_space<vmem>>
    %dma_wait3A_806 = arith.constant 0 : i32
    %dma_wait3A_807 = tpu.memref_slice %arg20[%dma_wait3A_801, %dma_wait3A_806] : memref<16x512xi32, #tpu.memory_space<vmem>> -> memref<1x128xi32, #tpu.memory_space<vmem>>
    %dma_wait3A_808 = tpu.memref_squeeze %dma_wait3A_807 : memref<1x128xi32, #tpu.memory_space<vmem>> -> memref<128xi32, #tpu.memory_space<vmem>>
    %dma_wait3A_809 = arith.constant 0 : i32
    %dma_wait3A_810 = tpu.memref_slice %arg7[%dma_wait3A_809] : memref<100000xf32, #tpu.memory_space<hbm>> -> memref<100000xf32, #tpu.memory_space<hbm>>
    tpu.wait_indirect_dma semaphore(%arg23 : memref<!tpu.dma_semaphore, #tpu.memory_space<semaphore_mem>>) src(%dma_wait3A_810 : memref<100000xf32, #tpu.memory_space<hbm>>) dst(%dma_wait3A_805 : memref<128xf32, #tpu.memory_space<vmem>>)
    %dma_wait3A_811 = arith.constant 4 : i32
    %dma_wait3A_812 = arith.constant 4 : i32
    %dma_wait3A_813 = arith.constant 128 : i32
    %dma_wait3A_814 = tpu.memref_slice %arg21[%dma_wait3A_812, %dma_wait3A_813] : memref<16x512xf32, #tpu.memory_space<vmem>> -> memref<1x128xf32, #tpu.memory_space<vmem>>
    %dma_wait3A_815 = tpu.memref_squeeze %dma_wait3A_814 : memref<1x128xf32, #tpu.memory_space<vmem>> -> memref<128xf32, #tpu.memory_space<vmem>>
    %dma_wait3A_816 = arith.constant 128 : i32
    %dma_wait3A_817 = tpu.memref_slice %arg20[%dma_wait3A_811, %dma_wait3A_816] : memref<16x512xi32, #tpu.memory_space<vmem>> -> memref<1x128xi32, #tpu.memory_space<vmem>>
    %dma_wait3A_818 = tpu.memref_squeeze %dma_wait3A_817 : memref<1x128xi32, #tpu.memory_space<vmem>> -> memref<128xi32, #tpu.memory_space<vmem>>
    %dma_wait3A_819 = arith.constant 0 : i32
    %dma_wait3A_820 = tpu.memref_slice %arg7[%dma_wait3A_819] : memref<100000xf32, #tpu.memory_space<hbm>> -> memref<100000xf32, #tpu.memory_space<hbm>>
    tpu.wait_indirect_dma semaphore(%arg23 : memref<!tpu.dma_semaphore, #tpu.memory_space<semaphore_mem>>) src(%dma_wait3A_820 : memref<100000xf32, #tpu.memory_space<hbm>>) dst(%dma_wait3A_815 : memref<128xf32, #tpu.memory_space<vmem>>)
    %dma_wait3A_821 = arith.constant 4 : i32
    %dma_wait3A_822 = arith.constant 4 : i32
    %dma_wait3A_823 = arith.constant 256 : i32
    %dma_wait3A_824 = tpu.memref_slice %arg21[%dma_wait3A_822, %dma_wait3A_823] : memref<16x512xf32, #tpu.memory_space<vmem>> -> memref<1x128xf32, #tpu.memory_space<vmem>>
    %dma_wait3A_825 = tpu.memref_squeeze %dma_wait3A_824 : memref<1x128xf32, #tpu.memory_space<vmem>> -> memref<128xf32, #tpu.memory_space<vmem>>
    %dma_wait3A_826 = arith.constant 256 : i32
    %dma_wait3A_827 = tpu.memref_slice %arg20[%dma_wait3A_821, %dma_wait3A_826] : memref<16x512xi32, #tpu.memory_space<vmem>> -> memref<1x128xi32, #tpu.memory_space<vmem>>
    %dma_wait3A_828 = tpu.memref_squeeze %dma_wait3A_827 : memref<1x128xi32, #tpu.memory_space<vmem>> -> memref<128xi32, #tpu.memory_space<vmem>>
    %dma_wait3A_829 = arith.constant 0 : i32
    %dma_wait3A_830 = tpu.memref_slice %arg7[%dma_wait3A_829] : memref<100000xf32, #tpu.memory_space<hbm>> -> memref<100000xf32, #tpu.memory_space<hbm>>
    tpu.wait_indirect_dma semaphore(%arg23 : memref<!tpu.dma_semaphore, #tpu.memory_space<semaphore_mem>>) src(%dma_wait3A_830 : memref<100000xf32, #tpu.memory_space<hbm>>) dst(%dma_wait3A_825 : memref<128xf32, #tpu.memory_space<vmem>>)
    %dma_wait3A_831 = arith.constant 4 : i32
    %dma_wait3A_832 = arith.constant 4 : i32
    %dma_wait3A_833 = arith.constant 384 : i32
    %dma_wait3A_834 = tpu.memref_slice %arg21[%dma_wait3A_832, %dma_wait3A_833] : memref<16x512xf32, #tpu.memory_space<vmem>> -> memref<1x128xf32, #tpu.memory_space<vmem>>
    %dma_wait3A_835 = tpu.memref_squeeze %dma_wait3A_834 : memref<1x128xf32, #tpu.memory_space<vmem>> -> memref<128xf32, #tpu.memory_space<vmem>>
    %dma_wait3A_836 = arith.constant 384 : i32
    %dma_wait3A_837 = tpu.memref_slice %arg20[%dma_wait3A_831, %dma_wait3A_836] : memref<16x512xi32, #tpu.memory_space<vmem>> -> memref<1x128xi32, #tpu.memory_space<vmem>>
    %dma_wait3A_838 = tpu.memref_squeeze %dma_wait3A_837 : memref<1x128xi32, #tpu.memory_space<vmem>> -> memref<128xi32, #tpu.memory_space<vmem>>
    %dma_wait3A_839 = arith.constant 0 : i32
    %dma_wait3A_840 = tpu.memref_slice %arg7[%dma_wait3A_839] : memref<100000xf32, #tpu.memory_space<hbm>> -> memref<100000xf32, #tpu.memory_space<hbm>>
    tpu.wait_indirect_dma semaphore(%arg23 : memref<!tpu.dma_semaphore, #tpu.memory_space<semaphore_mem>>) src(%dma_wait3A_840 : memref<100000xf32, #tpu.memory_space<hbm>>) dst(%dma_wait3A_835 : memref<128xf32, #tpu.memory_space<vmem>>)
    %dma_wait3A_841 = arith.constant 5 : i32
    %dma_wait3A_842 = arith.constant 5 : i32
    %dma_wait3A_843 = arith.constant 0 : i32
    %dma_wait3A_844 = tpu.memref_slice %arg21[%dma_wait3A_842, %dma_wait3A_843] : memref<16x512xf32, #tpu.memory_space<vmem>> -> memref<1x128xf32, #tpu.memory_space<vmem>>
    %dma_wait3A_845 = tpu.memref_squeeze %dma_wait3A_844 : memref<1x128xf32, #tpu.memory_space<vmem>> -> memref<128xf32, #tpu.memory_space<vmem>>
    %dma_wait3A_846 = arith.constant 0 : i32
    %dma_wait3A_847 = tpu.memref_slice %arg20[%dma_wait3A_841, %dma_wait3A_846] : memref<16x512xi32, #tpu.memory_space<vmem>> -> memref<1x128xi32, #tpu.memory_space<vmem>>
    %dma_wait3A_848 = tpu.memref_squeeze %dma_wait3A_847 : memref<1x128xi32, #tpu.memory_space<vmem>> -> memref<128xi32, #tpu.memory_space<vmem>>
    %dma_wait3A_849 = arith.constant 0 : i32
    %dma_wait3A_850 = tpu.memref_slice %arg8[%dma_wait3A_849] : memref<100000xf32, #tpu.memory_space<hbm>> -> memref<100000xf32, #tpu.memory_space<hbm>>
    tpu.wait_indirect_dma semaphore(%arg23 : memref<!tpu.dma_semaphore, #tpu.memory_space<semaphore_mem>>) src(%dma_wait3A_850 : memref<100000xf32, #tpu.memory_space<hbm>>) dst(%dma_wait3A_845 : memref<128xf32, #tpu.memory_space<vmem>>)
    %dma_wait3A_851 = arith.constant 5 : i32
    %dma_wait3A_852 = arith.constant 5 : i32
    %dma_wait3A_853 = arith.constant 128 : i32
    %dma_wait3A_854 = tpu.memref_slice %arg21[%dma_wait3A_852, %dma_wait3A_853] : memref<16x512xf32, #tpu.memory_space<vmem>> -> memref<1x128xf32, #tpu.memory_space<vmem>>
    %dma_wait3A_855 = tpu.memref_squeeze %dma_wait3A_854 : memref<1x128xf32, #tpu.memory_space<vmem>> -> memref<128xf32, #tpu.memory_space<vmem>>
    %dma_wait3A_856 = arith.constant 128 : i32
    %dma_wait3A_857 = tpu.memref_slice %arg20[%dma_wait3A_851, %dma_wait3A_856] : memref<16x512xi32, #tpu.memory_space<vmem>> -> memref<1x128xi32, #tpu.memory_space<vmem>>
    %dma_wait3A_858 = tpu.memref_squeeze %dma_wait3A_857 : memref<1x128xi32, #tpu.memory_space<vmem>> -> memref<128xi32, #tpu.memory_space<vmem>>
    %dma_wait3A_859 = arith.constant 0 : i32
    %dma_wait3A_860 = tpu.memref_slice %arg8[%dma_wait3A_859] : memref<100000xf32, #tpu.memory_space<hbm>> -> memref<100000xf32, #tpu.memory_space<hbm>>
    tpu.wait_indirect_dma semaphore(%arg23 : memref<!tpu.dma_semaphore, #tpu.memory_space<semaphore_mem>>) src(%dma_wait3A_860 : memref<100000xf32, #tpu.memory_space<hbm>>) dst(%dma_wait3A_855 : memref<128xf32, #tpu.memory_space<vmem>>)
    %dma_wait3A_861 = arith.constant 5 : i32
    %dma_wait3A_862 = arith.constant 5 : i32
    %dma_wait3A_863 = arith.constant 256 : i32
    %dma_wait3A_864 = tpu.memref_slice %arg21[%dma_wait3A_862, %dma_wait3A_863] : memref<16x512xf32, #tpu.memory_space<vmem>> -> memref<1x128xf32, #tpu.memory_space<vmem>>
    %dma_wait3A_865 = tpu.memref_squeeze %dma_wait3A_864 : memref<1x128xf32, #tpu.memory_space<vmem>> -> memref<128xf32, #tpu.memory_space<vmem>>
    %dma_wait3A_866 = arith.constant 256 : i32
    %dma_wait3A_867 = tpu.memref_slice %arg20[%dma_wait3A_861, %dma_wait3A_866] : memref<16x512xi32, #tpu.memory_space<vmem>> -> memref<1x128xi32, #tpu.memory_space<vmem>>
    %dma_wait3A_868 = tpu.memref_squeeze %dma_wait3A_867 : memref<1x128xi32, #tpu.memory_space<vmem>> -> memref<128xi32, #tpu.memory_space<vmem>>
    %dma_wait3A_869 = arith.constant 0 : i32
    %dma_wait3A_870 = tpu.memref_slice %arg8[%dma_wait3A_869] : memref<100000xf32, #tpu.memory_space<hbm>> -> memref<100000xf32, #tpu.memory_space<hbm>>
    tpu.wait_indirect_dma semaphore(%arg23 : memref<!tpu.dma_semaphore, #tpu.memory_space<semaphore_mem>>) src(%dma_wait3A_870 : memref<100000xf32, #tpu.memory_space<hbm>>) dst(%dma_wait3A_865 : memref<128xf32, #tpu.memory_space<vmem>>)
    %dma_wait3A_871 = arith.constant 5 : i32
    %dma_wait3A_872 = arith.constant 5 : i32
    %dma_wait3A_873 = arith.constant 384 : i32
    %dma_wait3A_874 = tpu.memref_slice %arg21[%dma_wait3A_872, %dma_wait3A_873] : memref<16x512xf32, #tpu.memory_space<vmem>> -> memref<1x128xf32, #tpu.memory_space<vmem>>
    %dma_wait3A_875 = tpu.memref_squeeze %dma_wait3A_874 : memref<1x128xf32, #tpu.memory_space<vmem>> -> memref<128xf32, #tpu.memory_space<vmem>>
    %dma_wait3A_876 = arith.constant 384 : i32
    %dma_wait3A_877 = tpu.memref_slice %arg20[%dma_wait3A_871, %dma_wait3A_876] : memref<16x512xi32, #tpu.memory_space<vmem>> -> memref<1x128xi32, #tpu.memory_space<vmem>>
    %dma_wait3A_878 = tpu.memref_squeeze %dma_wait3A_877 : memref<1x128xi32, #tpu.memory_space<vmem>> -> memref<128xi32, #tpu.memory_space<vmem>>
    %dma_wait3A_879 = arith.constant 0 : i32
    %dma_wait3A_880 = tpu.memref_slice %arg8[%dma_wait3A_879] : memref<100000xf32, #tpu.memory_space<hbm>> -> memref<100000xf32, #tpu.memory_space<hbm>>
    tpu.wait_indirect_dma semaphore(%arg23 : memref<!tpu.dma_semaphore, #tpu.memory_space<semaphore_mem>>) src(%dma_wait3A_880 : memref<100000xf32, #tpu.memory_space<hbm>>) dst(%dma_wait3A_875 : memref<128xf32, #tpu.memory_space<vmem>>)
    %dma_wait3A_881 = arith.constant 6 : i32
    %dma_wait3A_882 = arith.constant 6 : i32
    %dma_wait3A_883 = arith.constant 0 : i32
    %dma_wait3A_884 = tpu.memref_slice %arg21[%dma_wait3A_882, %dma_wait3A_883] : memref<16x512xf32, #tpu.memory_space<vmem>> -> memref<1x128xf32, #tpu.memory_space<vmem>>
    %dma_wait3A_885 = tpu.memref_squeeze %dma_wait3A_884 : memref<1x128xf32, #tpu.memory_space<vmem>> -> memref<128xf32, #tpu.memory_space<vmem>>
    %dma_wait3A_886 = arith.constant 0 : i32
    %dma_wait3A_887 = tpu.memref_slice %arg20[%dma_wait3A_881, %dma_wait3A_886] : memref<16x512xi32, #tpu.memory_space<vmem>> -> memref<1x128xi32, #tpu.memory_space<vmem>>
    %dma_wait3A_888 = tpu.memref_squeeze %dma_wait3A_887 : memref<1x128xi32, #tpu.memory_space<vmem>> -> memref<128xi32, #tpu.memory_space<vmem>>
    %dma_wait3A_889 = arith.constant 0 : i32
    %dma_wait3A_890 = tpu.memref_slice %arg9[%dma_wait3A_889] : memref<100000xf32, #tpu.memory_space<hbm>> -> memref<100000xf32, #tpu.memory_space<hbm>>
    tpu.wait_indirect_dma semaphore(%arg23 : memref<!tpu.dma_semaphore, #tpu.memory_space<semaphore_mem>>) src(%dma_wait3A_890 : memref<100000xf32, #tpu.memory_space<hbm>>) dst(%dma_wait3A_885 : memref<128xf32, #tpu.memory_space<vmem>>)
    %dma_wait3A_891 = arith.constant 6 : i32
    %dma_wait3A_892 = arith.constant 6 : i32
    %dma_wait3A_893 = arith.constant 128 : i32
    %dma_wait3A_894 = tpu.memref_slice %arg21[%dma_wait3A_892, %dma_wait3A_893] : memref<16x512xf32, #tpu.memory_space<vmem>> -> memref<1x128xf32, #tpu.memory_space<vmem>>
    %dma_wait3A_895 = tpu.memref_squeeze %dma_wait3A_894 : memref<1x128xf32, #tpu.memory_space<vmem>> -> memref<128xf32, #tpu.memory_space<vmem>>
    %dma_wait3A_896 = arith.constant 128 : i32
    %dma_wait3A_897 = tpu.memref_slice %arg20[%dma_wait3A_891, %dma_wait3A_896] : memref<16x512xi32, #tpu.memory_space<vmem>> -> memref<1x128xi32, #tpu.memory_space<vmem>>
    %dma_wait3A_898 = tpu.memref_squeeze %dma_wait3A_897 : memref<1x128xi32, #tpu.memory_space<vmem>> -> memref<128xi32, #tpu.memory_space<vmem>>
    %dma_wait3A_899 = arith.constant 0 : i32
    %dma_wait3A_900 = tpu.memref_slice %arg9[%dma_wait3A_899] : memref<100000xf32, #tpu.memory_space<hbm>> -> memref<100000xf32, #tpu.memory_space<hbm>>
    tpu.wait_indirect_dma semaphore(%arg23 : memref<!tpu.dma_semaphore, #tpu.memory_space<semaphore_mem>>) src(%dma_wait3A_900 : memref<100000xf32, #tpu.memory_space<hbm>>) dst(%dma_wait3A_895 : memref<128xf32, #tpu.memory_space<vmem>>)
    %dma_wait3A_901 = arith.constant 6 : i32
    %dma_wait3A_902 = arith.constant 6 : i32
    %dma_wait3A_903 = arith.constant 256 : i32
    %dma_wait3A_904 = tpu.memref_slice %arg21[%dma_wait3A_902, %dma_wait3A_903] : memref<16x512xf32, #tpu.memory_space<vmem>> -> memref<1x128xf32, #tpu.memory_space<vmem>>
    %dma_wait3A_905 = tpu.memref_squeeze %dma_wait3A_904 : memref<1x128xf32, #tpu.memory_space<vmem>> -> memref<128xf32, #tpu.memory_space<vmem>>
    %dma_wait3A_906 = arith.constant 256 : i32
    %dma_wait3A_907 = tpu.memref_slice %arg20[%dma_wait3A_901, %dma_wait3A_906] : memref<16x512xi32, #tpu.memory_space<vmem>> -> memref<1x128xi32, #tpu.memory_space<vmem>>
    %dma_wait3A_908 = tpu.memref_squeeze %dma_wait3A_907 : memref<1x128xi32, #tpu.memory_space<vmem>> -> memref<128xi32, #tpu.memory_space<vmem>>
    %dma_wait3A_909 = arith.constant 0 : i32
    %dma_wait3A_910 = tpu.memref_slice %arg9[%dma_wait3A_909] : memref<100000xf32, #tpu.memory_space<hbm>> -> memref<100000xf32, #tpu.memory_space<hbm>>
    tpu.wait_indirect_dma semaphore(%arg23 : memref<!tpu.dma_semaphore, #tpu.memory_space<semaphore_mem>>) src(%dma_wait3A_910 : memref<100000xf32, #tpu.memory_space<hbm>>) dst(%dma_wait3A_905 : memref<128xf32, #tpu.memory_space<vmem>>)
    %dma_wait3A_911 = arith.constant 6 : i32
    %dma_wait3A_912 = arith.constant 6 : i32
    %dma_wait3A_913 = arith.constant 384 : i32
    %dma_wait3A_914 = tpu.memref_slice %arg21[%dma_wait3A_912, %dma_wait3A_913] : memref<16x512xf32, #tpu.memory_space<vmem>> -> memref<1x128xf32, #tpu.memory_space<vmem>>
    %dma_wait3A_915 = tpu.memref_squeeze %dma_wait3A_914 : memref<1x128xf32, #tpu.memory_space<vmem>> -> memref<128xf32, #tpu.memory_space<vmem>>
    %dma_wait3A_916 = arith.constant 384 : i32
    %dma_wait3A_917 = tpu.memref_slice %arg20[%dma_wait3A_911, %dma_wait3A_916] : memref<16x512xi32, #tpu.memory_space<vmem>> -> memref<1x128xi32, #tpu.memory_space<vmem>>
    %dma_wait3A_918 = tpu.memref_squeeze %dma_wait3A_917 : memref<1x128xi32, #tpu.memory_space<vmem>> -> memref<128xi32, #tpu.memory_space<vmem>>
    %dma_wait3A_919 = arith.constant 0 : i32
    %dma_wait3A_920 = tpu.memref_slice %arg9[%dma_wait3A_919] : memref<100000xf32, #tpu.memory_space<hbm>> -> memref<100000xf32, #tpu.memory_space<hbm>>
    tpu.wait_indirect_dma semaphore(%arg23 : memref<!tpu.dma_semaphore, #tpu.memory_space<semaphore_mem>>) src(%dma_wait3A_920 : memref<100000xf32, #tpu.memory_space<hbm>>) dst(%dma_wait3A_915 : memref<128xf32, #tpu.memory_space<vmem>>)
    %dma_wait3A_921 = arith.constant 7 : i32
    %dma_wait3A_922 = arith.constant 7 : i32
    %dma_wait3A_923 = arith.constant 0 : i32
    %dma_wait3A_924 = tpu.memref_slice %arg21[%dma_wait3A_922, %dma_wait3A_923] : memref<16x512xf32, #tpu.memory_space<vmem>> -> memref<1x128xf32, #tpu.memory_space<vmem>>
    %dma_wait3A_925 = tpu.memref_squeeze %dma_wait3A_924 : memref<1x128xf32, #tpu.memory_space<vmem>> -> memref<128xf32, #tpu.memory_space<vmem>>
    %dma_wait3A_926 = arith.constant 0 : i32
    %dma_wait3A_927 = tpu.memref_slice %arg20[%dma_wait3A_921, %dma_wait3A_926] : memref<16x512xi32, #tpu.memory_space<vmem>> -> memref<1x128xi32, #tpu.memory_space<vmem>>
    %dma_wait3A_928 = tpu.memref_squeeze %dma_wait3A_927 : memref<1x128xi32, #tpu.memory_space<vmem>> -> memref<128xi32, #tpu.memory_space<vmem>>
    %dma_wait3A_929 = arith.constant 0 : i32
    %dma_wait3A_930 = tpu.memref_slice %arg10[%dma_wait3A_929] : memref<100000xf32, #tpu.memory_space<hbm>> -> memref<100000xf32, #tpu.memory_space<hbm>>
    tpu.wait_indirect_dma semaphore(%arg23 : memref<!tpu.dma_semaphore, #tpu.memory_space<semaphore_mem>>) src(%dma_wait3A_930 : memref<100000xf32, #tpu.memory_space<hbm>>) dst(%dma_wait3A_925 : memref<128xf32, #tpu.memory_space<vmem>>)
    %dma_wait3A_931 = arith.constant 7 : i32
    %dma_wait3A_932 = arith.constant 7 : i32
    %dma_wait3A_933 = arith.constant 128 : i32
    %dma_wait3A_934 = tpu.memref_slice %arg21[%dma_wait3A_932, %dma_wait3A_933] : memref<16x512xf32, #tpu.memory_space<vmem>> -> memref<1x128xf32, #tpu.memory_space<vmem>>
    %dma_wait3A_935 = tpu.memref_squeeze %dma_wait3A_934 : memref<1x128xf32, #tpu.memory_space<vmem>> -> memref<128xf32, #tpu.memory_space<vmem>>
    %dma_wait3A_936 = arith.constant 128 : i32
    %dma_wait3A_937 = tpu.memref_slice %arg20[%dma_wait3A_931, %dma_wait3A_936] : memref<16x512xi32, #tpu.memory_space<vmem>> -> memref<1x128xi32, #tpu.memory_space<vmem>>
    %dma_wait3A_938 = tpu.memref_squeeze %dma_wait3A_937 : memref<1x128xi32, #tpu.memory_space<vmem>> -> memref<128xi32, #tpu.memory_space<vmem>>
    %dma_wait3A_939 = arith.constant 0 : i32
    %dma_wait3A_940 = tpu.memref_slice %arg10[%dma_wait3A_939] : memref<100000xf32, #tpu.memory_space<hbm>> -> memref<100000xf32, #tpu.memory_space<hbm>>
    tpu.wait_indirect_dma semaphore(%arg23 : memref<!tpu.dma_semaphore, #tpu.memory_space<semaphore_mem>>) src(%dma_wait3A_940 : memref<100000xf32, #tpu.memory_space<hbm>>) dst(%dma_wait3A_935 : memref<128xf32, #tpu.memory_space<vmem>>)
    %dma_wait3A_941 = arith.constant 7 : i32
    %dma_wait3A_942 = arith.constant 7 : i32
    %dma_wait3A_943 = arith.constant 256 : i32
    %dma_wait3A_944 = tpu.memref_slice %arg21[%dma_wait3A_942, %dma_wait3A_943] : memref<16x512xf32, #tpu.memory_space<vmem>> -> memref<1x128xf32, #tpu.memory_space<vmem>>
    %dma_wait3A_945 = tpu.memref_squeeze %dma_wait3A_944 : memref<1x128xf32, #tpu.memory_space<vmem>> -> memref<128xf32, #tpu.memory_space<vmem>>
    %dma_wait3A_946 = arith.constant 256 : i32
    %dma_wait3A_947 = tpu.memref_slice %arg20[%dma_wait3A_941, %dma_wait3A_946] : memref<16x512xi32, #tpu.memory_space<vmem>> -> memref<1x128xi32, #tpu.memory_space<vmem>>
    %dma_wait3A_948 = tpu.memref_squeeze %dma_wait3A_947 : memref<1x128xi32, #tpu.memory_space<vmem>> -> memref<128xi32, #tpu.memory_space<vmem>>
    %dma_wait3A_949 = arith.constant 0 : i32
    %dma_wait3A_950 = tpu.memref_slice %arg10[%dma_wait3A_949] : memref<100000xf32, #tpu.memory_space<hbm>> -> memref<100000xf32, #tpu.memory_space<hbm>>
    tpu.wait_indirect_dma semaphore(%arg23 : memref<!tpu.dma_semaphore, #tpu.memory_space<semaphore_mem>>) src(%dma_wait3A_950 : memref<100000xf32, #tpu.memory_space<hbm>>) dst(%dma_wait3A_945 : memref<128xf32, #tpu.memory_space<vmem>>)
    %dma_wait3A_951 = arith.constant 7 : i32
    %dma_wait3A_952 = arith.constant 7 : i32
    %dma_wait3A_953 = arith.constant 384 : i32
    %dma_wait3A_954 = tpu.memref_slice %arg21[%dma_wait3A_952, %dma_wait3A_953] : memref<16x512xf32, #tpu.memory_space<vmem>> -> memref<1x128xf32, #tpu.memory_space<vmem>>
    %dma_wait3A_955 = tpu.memref_squeeze %dma_wait3A_954 : memref<1x128xf32, #tpu.memory_space<vmem>> -> memref<128xf32, #tpu.memory_space<vmem>>
    %dma_wait3A_956 = arith.constant 384 : i32
    %dma_wait3A_957 = tpu.memref_slice %arg20[%dma_wait3A_951, %dma_wait3A_956] : memref<16x512xi32, #tpu.memory_space<vmem>> -> memref<1x128xi32, #tpu.memory_space<vmem>>
    %dma_wait3A_958 = tpu.memref_squeeze %dma_wait3A_957 : memref<1x128xi32, #tpu.memory_space<vmem>> -> memref<128xi32, #tpu.memory_space<vmem>>
    %dma_wait3A_959 = arith.constant 0 : i32
    %dma_wait3A_960 = tpu.memref_slice %arg10[%dma_wait3A_959] : memref<100000xf32, #tpu.memory_space<hbm>> -> memref<100000xf32, #tpu.memory_space<hbm>>
    tpu.wait_indirect_dma semaphore(%arg23 : memref<!tpu.dma_semaphore, #tpu.memory_space<semaphore_mem>>) src(%dma_wait3A_960 : memref<100000xf32, #tpu.memory_space<hbm>>) dst(%dma_wait3A_955 : memref<128xf32, #tpu.memory_space<vmem>>)
    %dma_wait3A_961 = arith.constant 8 : i32
    %dma_wait3A_962 = arith.constant 8 : i32
    %dma_wait3A_963 = arith.constant 0 : i32
    %dma_wait3A_964 = tpu.memref_slice %arg21[%dma_wait3A_962, %dma_wait3A_963] : memref<16x512xf32, #tpu.memory_space<vmem>> -> memref<1x128xf32, #tpu.memory_space<vmem>>
    %dma_wait3A_965 = tpu.memref_squeeze %dma_wait3A_964 : memref<1x128xf32, #tpu.memory_space<vmem>> -> memref<128xf32, #tpu.memory_space<vmem>>
    %dma_wait3A_966 = arith.constant 0 : i32
    %dma_wait3A_967 = tpu.memref_slice %arg20[%dma_wait3A_961, %dma_wait3A_966] : memref<16x512xi32, #tpu.memory_space<vmem>> -> memref<1x128xi32, #tpu.memory_space<vmem>>
    %dma_wait3A_968 = tpu.memref_squeeze %dma_wait3A_967 : memref<1x128xi32, #tpu.memory_space<vmem>> -> memref<128xi32, #tpu.memory_space<vmem>>
    %dma_wait3A_969 = arith.constant 0 : i32
    %dma_wait3A_970 = tpu.memref_slice %arg11[%dma_wait3A_969] : memref<100000xf32, #tpu.memory_space<hbm>> -> memref<100000xf32, #tpu.memory_space<hbm>>
    tpu.wait_indirect_dma semaphore(%arg23 : memref<!tpu.dma_semaphore, #tpu.memory_space<semaphore_mem>>) src(%dma_wait3A_970 : memref<100000xf32, #tpu.memory_space<hbm>>) dst(%dma_wait3A_965 : memref<128xf32, #tpu.memory_space<vmem>>)
    %dma_wait3A_971 = arith.constant 8 : i32
    %dma_wait3A_972 = arith.constant 8 : i32
    %dma_wait3A_973 = arith.constant 128 : i32
    %dma_wait3A_974 = tpu.memref_slice %arg21[%dma_wait3A_972, %dma_wait3A_973] : memref<16x512xf32, #tpu.memory_space<vmem>> -> memref<1x128xf32, #tpu.memory_space<vmem>>
    %dma_wait3A_975 = tpu.memref_squeeze %dma_wait3A_974 : memref<1x128xf32, #tpu.memory_space<vmem>> -> memref<128xf32, #tpu.memory_space<vmem>>
    %dma_wait3A_976 = arith.constant 128 : i32
    %dma_wait3A_977 = tpu.memref_slice %arg20[%dma_wait3A_971, %dma_wait3A_976] : memref<16x512xi32, #tpu.memory_space<vmem>> -> memref<1x128xi32, #tpu.memory_space<vmem>>
    %dma_wait3A_978 = tpu.memref_squeeze %dma_wait3A_977 : memref<1x128xi32, #tpu.memory_space<vmem>> -> memref<128xi32, #tpu.memory_space<vmem>>
    %dma_wait3A_979 = arith.constant 0 : i32
    %dma_wait3A_980 = tpu.memref_slice %arg11[%dma_wait3A_979] : memref<100000xf32, #tpu.memory_space<hbm>> -> memref<100000xf32, #tpu.memory_space<hbm>>
    tpu.wait_indirect_dma semaphore(%arg23 : memref<!tpu.dma_semaphore, #tpu.memory_space<semaphore_mem>>) src(%dma_wait3A_980 : memref<100000xf32, #tpu.memory_space<hbm>>) dst(%dma_wait3A_975 : memref<128xf32, #tpu.memory_space<vmem>>)
    %dma_wait3A_981 = arith.constant 8 : i32
    %dma_wait3A_982 = arith.constant 8 : i32
    %dma_wait3A_983 = arith.constant 256 : i32
    %dma_wait3A_984 = tpu.memref_slice %arg21[%dma_wait3A_982, %dma_wait3A_983] : memref<16x512xf32, #tpu.memory_space<vmem>> -> memref<1x128xf32, #tpu.memory_space<vmem>>
    %dma_wait3A_985 = tpu.memref_squeeze %dma_wait3A_984 : memref<1x128xf32, #tpu.memory_space<vmem>> -> memref<128xf32, #tpu.memory_space<vmem>>
    %dma_wait3A_986 = arith.constant 256 : i32
    %dma_wait3A_987 = tpu.memref_slice %arg20[%dma_wait3A_981, %dma_wait3A_986] : memref<16x512xi32, #tpu.memory_space<vmem>> -> memref<1x128xi32, #tpu.memory_space<vmem>>
    %dma_wait3A_988 = tpu.memref_squeeze %dma_wait3A_987 : memref<1x128xi32, #tpu.memory_space<vmem>> -> memref<128xi32, #tpu.memory_space<vmem>>
    %dma_wait3A_989 = arith.constant 0 : i32
    %dma_wait3A_990 = tpu.memref_slice %arg11[%dma_wait3A_989] : memref<100000xf32, #tpu.memory_space<hbm>> -> memref<100000xf32, #tpu.memory_space<hbm>>
    tpu.wait_indirect_dma semaphore(%arg23 : memref<!tpu.dma_semaphore, #tpu.memory_space<semaphore_mem>>) src(%dma_wait3A_990 : memref<100000xf32, #tpu.memory_space<hbm>>) dst(%dma_wait3A_985 : memref<128xf32, #tpu.memory_space<vmem>>)
    %dma_wait3A_991 = arith.constant 8 : i32
    %dma_wait3A_992 = arith.constant 8 : i32
    %dma_wait3A_993 = arith.constant 384 : i32
    %dma_wait3A_994 = tpu.memref_slice %arg21[%dma_wait3A_992, %dma_wait3A_993] : memref<16x512xf32, #tpu.memory_space<vmem>> -> memref<1x128xf32, #tpu.memory_space<vmem>>
    %dma_wait3A_995 = tpu.memref_squeeze %dma_wait3A_994 : memref<1x128xf32, #tpu.memory_space<vmem>> -> memref<128xf32, #tpu.memory_space<vmem>>
    %dma_wait3A_996 = arith.constant 384 : i32
    %dma_wait3A_997 = tpu.memref_slice %arg20[%dma_wait3A_991, %dma_wait3A_996] : memref<16x512xi32, #tpu.memory_space<vmem>> -> memref<1x128xi32, #tpu.memory_space<vmem>>
    %dma_wait3A_998 = tpu.memref_squeeze %dma_wait3A_997 : memref<1x128xi32, #tpu.memory_space<vmem>> -> memref<128xi32, #tpu.memory_space<vmem>>
    %dma_wait3A_999 = arith.constant 0 : i32
    %dma_wait3A_1000 = tpu.memref_slice %arg11[%dma_wait3A_999] : memref<100000xf32, #tpu.memory_space<hbm>> -> memref<100000xf32, #tpu.memory_space<hbm>>
    tpu.wait_indirect_dma semaphore(%arg23 : memref<!tpu.dma_semaphore, #tpu.memory_space<semaphore_mem>>) src(%dma_wait3A_1000 : memref<100000xf32, #tpu.memory_space<hbm>>) dst(%dma_wait3A_995 : memref<128xf32, #tpu.memory_space<vmem>>)
    %dma_wait3A_1001 = arith.constant 9 : i32
    %dma_wait3A_1002 = arith.constant 9 : i32
    %dma_wait3A_1003 = arith.constant 0 : i32
    %dma_wait3A_1004 = tpu.memref_slice %arg21[%dma_wait3A_1002, %dma_wait3A_1003] : memref<16x512xf32, #tpu.memory_space<vmem>> -> memref<1x128xf32, #tpu.memory_space<vmem>>
    %dma_wait3A_1005 = tpu.memref_squeeze %dma_wait3A_1004 : memref<1x128xf32, #tpu.memory_space<vmem>> -> memref<128xf32, #tpu.memory_space<vmem>>
    %dma_wait3A_1006 = arith.constant 0 : i32
    %dma_wait3A_1007 = tpu.memref_slice %arg20[%dma_wait3A_1001, %dma_wait3A_1006] : memref<16x512xi32, #tpu.memory_space<vmem>> -> memref<1x128xi32, #tpu.memory_space<vmem>>
    %dma_wait3A_1008 = tpu.memref_squeeze %dma_wait3A_1007 : memref<1x128xi32, #tpu.memory_space<vmem>> -> memref<128xi32, #tpu.memory_space<vmem>>
    %dma_wait3A_1009 = arith.constant 0 : i32
    %dma_wait3A_1010 = tpu.memref_slice %arg12[%dma_wait3A_1009] : memref<100000xf32, #tpu.memory_space<hbm>> -> memref<100000xf32, #tpu.memory_space<hbm>>
    tpu.wait_indirect_dma semaphore(%arg23 : memref<!tpu.dma_semaphore, #tpu.memory_space<semaphore_mem>>) src(%dma_wait3A_1010 : memref<100000xf32, #tpu.memory_space<hbm>>) dst(%dma_wait3A_1005 : memref<128xf32, #tpu.memory_space<vmem>>)
    %dma_wait3A_1011 = arith.constant 9 : i32
    %dma_wait3A_1012 = arith.constant 9 : i32
    %dma_wait3A_1013 = arith.constant 128 : i32
    %dma_wait3A_1014 = tpu.memref_slice %arg21[%dma_wait3A_1012, %dma_wait3A_1013] : memref<16x512xf32, #tpu.memory_space<vmem>> -> memref<1x128xf32, #tpu.memory_space<vmem>>
    %dma_wait3A_1015 = tpu.memref_squeeze %dma_wait3A_1014 : memref<1x128xf32, #tpu.memory_space<vmem>> -> memref<128xf32, #tpu.memory_space<vmem>>
    %dma_wait3A_1016 = arith.constant 128 : i32
    %dma_wait3A_1017 = tpu.memref_slice %arg20[%dma_wait3A_1011, %dma_wait3A_1016] : memref<16x512xi32, #tpu.memory_space<vmem>> -> memref<1x128xi32, #tpu.memory_space<vmem>>
    %dma_wait3A_1018 = tpu.memref_squeeze %dma_wait3A_1017 : memref<1x128xi32, #tpu.memory_space<vmem>> -> memref<128xi32, #tpu.memory_space<vmem>>
    %dma_wait3A_1019 = arith.constant 0 : i32
    %dma_wait3A_1020 = tpu.memref_slice %arg12[%dma_wait3A_1019] : memref<100000xf32, #tpu.memory_space<hbm>> -> memref<100000xf32, #tpu.memory_space<hbm>>
    tpu.wait_indirect_dma semaphore(%arg23 : memref<!tpu.dma_semaphore, #tpu.memory_space<semaphore_mem>>) src(%dma_wait3A_1020 : memref<100000xf32, #tpu.memory_space<hbm>>) dst(%dma_wait3A_1015 : memref<128xf32, #tpu.memory_space<vmem>>)
    %dma_wait3A_1021 = arith.constant 9 : i32
    %dma_wait3A_1022 = arith.constant 9 : i32
    %dma_wait3A_1023 = arith.constant 256 : i32
    %dma_wait3A_1024 = tpu.memref_slice %arg21[%dma_wait3A_1022, %dma_wait3A_1023] : memref<16x512xf32, #tpu.memory_space<vmem>> -> memref<1x128xf32, #tpu.memory_space<vmem>>
    %dma_wait3A_1025 = tpu.memref_squeeze %dma_wait3A_1024 : memref<1x128xf32, #tpu.memory_space<vmem>> -> memref<128xf32, #tpu.memory_space<vmem>>
    %dma_wait3A_1026 = arith.constant 256 : i32
    %dma_wait3A_1027 = tpu.memref_slice %arg20[%dma_wait3A_1021, %dma_wait3A_1026] : memref<16x512xi32, #tpu.memory_space<vmem>> -> memref<1x128xi32, #tpu.memory_space<vmem>>
    %dma_wait3A_1028 = tpu.memref_squeeze %dma_wait3A_1027 : memref<1x128xi32, #tpu.memory_space<vmem>> -> memref<128xi32, #tpu.memory_space<vmem>>
    %dma_wait3A_1029 = arith.constant 0 : i32
    %dma_wait3A_1030 = tpu.memref_slice %arg12[%dma_wait3A_1029] : memref<100000xf32, #tpu.memory_space<hbm>> -> memref<100000xf32, #tpu.memory_space<hbm>>
    tpu.wait_indirect_dma semaphore(%arg23 : memref<!tpu.dma_semaphore, #tpu.memory_space<semaphore_mem>>) src(%dma_wait3A_1030 : memref<100000xf32, #tpu.memory_space<hbm>>) dst(%dma_wait3A_1025 : memref<128xf32, #tpu.memory_space<vmem>>)
    %dma_wait3A_1031 = arith.constant 9 : i32
    %dma_wait3A_1032 = arith.constant 9 : i32
    %dma_wait3A_1033 = arith.constant 384 : i32
    %dma_wait3A_1034 = tpu.memref_slice %arg21[%dma_wait3A_1032, %dma_wait3A_1033] : memref<16x512xf32, #tpu.memory_space<vmem>> -> memref<1x128xf32, #tpu.memory_space<vmem>>
    %dma_wait3A_1035 = tpu.memref_squeeze %dma_wait3A_1034 : memref<1x128xf32, #tpu.memory_space<vmem>> -> memref<128xf32, #tpu.memory_space<vmem>>
    %dma_wait3A_1036 = arith.constant 384 : i32
    %dma_wait3A_1037 = tpu.memref_slice %arg20[%dma_wait3A_1031, %dma_wait3A_1036] : memref<16x512xi32, #tpu.memory_space<vmem>> -> memref<1x128xi32, #tpu.memory_space<vmem>>
    %dma_wait3A_1038 = tpu.memref_squeeze %dma_wait3A_1037 : memref<1x128xi32, #tpu.memory_space<vmem>> -> memref<128xi32, #tpu.memory_space<vmem>>
    %dma_wait3A_1039 = arith.constant 0 : i32
    %dma_wait3A_1040 = tpu.memref_slice %arg12[%dma_wait3A_1039] : memref<100000xf32, #tpu.memory_space<hbm>> -> memref<100000xf32, #tpu.memory_space<hbm>>
    tpu.wait_indirect_dma semaphore(%arg23 : memref<!tpu.dma_semaphore, #tpu.memory_space<semaphore_mem>>) src(%dma_wait3A_1040 : memref<100000xf32, #tpu.memory_space<hbm>>) dst(%dma_wait3A_1035 : memref<128xf32, #tpu.memory_space<vmem>>)
    %dma_wait3A_1041 = arith.constant 10 : i32
    %dma_wait3A_1042 = arith.constant 10 : i32
    %dma_wait3A_1043 = arith.constant 0 : i32
    %dma_wait3A_1044 = tpu.memref_slice %arg21[%dma_wait3A_1042, %dma_wait3A_1043] : memref<16x512xf32, #tpu.memory_space<vmem>> -> memref<1x128xf32, #tpu.memory_space<vmem>>
    %dma_wait3A_1045 = tpu.memref_squeeze %dma_wait3A_1044 : memref<1x128xf32, #tpu.memory_space<vmem>> -> memref<128xf32, #tpu.memory_space<vmem>>
    %dma_wait3A_1046 = arith.constant 0 : i32
    %dma_wait3A_1047 = tpu.memref_slice %arg20[%dma_wait3A_1041, %dma_wait3A_1046] : memref<16x512xi32, #tpu.memory_space<vmem>> -> memref<1x128xi32, #tpu.memory_space<vmem>>
    %dma_wait3A_1048 = tpu.memref_squeeze %dma_wait3A_1047 : memref<1x128xi32, #tpu.memory_space<vmem>> -> memref<128xi32, #tpu.memory_space<vmem>>
    %dma_wait3A_1049 = arith.constant 0 : i32
    %dma_wait3A_1050 = tpu.memref_slice %arg13[%dma_wait3A_1049] : memref<100000xf32, #tpu.memory_space<hbm>> -> memref<100000xf32, #tpu.memory_space<hbm>>
    tpu.wait_indirect_dma semaphore(%arg23 : memref<!tpu.dma_semaphore, #tpu.memory_space<semaphore_mem>>) src(%dma_wait3A_1050 : memref<100000xf32, #tpu.memory_space<hbm>>) dst(%dma_wait3A_1045 : memref<128xf32, #tpu.memory_space<vmem>>)
    %dma_wait3A_1051 = arith.constant 10 : i32
    %dma_wait3A_1052 = arith.constant 10 : i32
    %dma_wait3A_1053 = arith.constant 128 : i32
    %dma_wait3A_1054 = tpu.memref_slice %arg21[%dma_wait3A_1052, %dma_wait3A_1053] : memref<16x512xf32, #tpu.memory_space<vmem>> -> memref<1x128xf32, #tpu.memory_space<vmem>>
    %dma_wait3A_1055 = tpu.memref_squeeze %dma_wait3A_1054 : memref<1x128xf32, #tpu.memory_space<vmem>> -> memref<128xf32, #tpu.memory_space<vmem>>
    %dma_wait3A_1056 = arith.constant 128 : i32
    %dma_wait3A_1057 = tpu.memref_slice %arg20[%dma_wait3A_1051, %dma_wait3A_1056] : memref<16x512xi32, #tpu.memory_space<vmem>> -> memref<1x128xi32, #tpu.memory_space<vmem>>
    %dma_wait3A_1058 = tpu.memref_squeeze %dma_wait3A_1057 : memref<1x128xi32, #tpu.memory_space<vmem>> -> memref<128xi32, #tpu.memory_space<vmem>>
    %dma_wait3A_1059 = arith.constant 0 : i32
    %dma_wait3A_1060 = tpu.memref_slice %arg13[%dma_wait3A_1059] : memref<100000xf32, #tpu.memory_space<hbm>> -> memref<100000xf32, #tpu.memory_space<hbm>>
    tpu.wait_indirect_dma semaphore(%arg23 : memref<!tpu.dma_semaphore, #tpu.memory_space<semaphore_mem>>) src(%dma_wait3A_1060 : memref<100000xf32, #tpu.memory_space<hbm>>) dst(%dma_wait3A_1055 : memref<128xf32, #tpu.memory_space<vmem>>)
    %dma_wait3A_1061 = arith.constant 10 : i32
    %dma_wait3A_1062 = arith.constant 10 : i32
    %dma_wait3A_1063 = arith.constant 256 : i32
    %dma_wait3A_1064 = tpu.memref_slice %arg21[%dma_wait3A_1062, %dma_wait3A_1063] : memref<16x512xf32, #tpu.memory_space<vmem>> -> memref<1x128xf32, #tpu.memory_space<vmem>>
    %dma_wait3A_1065 = tpu.memref_squeeze %dma_wait3A_1064 : memref<1x128xf32, #tpu.memory_space<vmem>> -> memref<128xf32, #tpu.memory_space<vmem>>
    %dma_wait3A_1066 = arith.constant 256 : i32
    %dma_wait3A_1067 = tpu.memref_slice %arg20[%dma_wait3A_1061, %dma_wait3A_1066] : memref<16x512xi32, #tpu.memory_space<vmem>> -> memref<1x128xi32, #tpu.memory_space<vmem>>
    %dma_wait3A_1068 = tpu.memref_squeeze %dma_wait3A_1067 : memref<1x128xi32, #tpu.memory_space<vmem>> -> memref<128xi32, #tpu.memory_space<vmem>>
    %dma_wait3A_1069 = arith.constant 0 : i32
    %dma_wait3A_1070 = tpu.memref_slice %arg13[%dma_wait3A_1069] : memref<100000xf32, #tpu.memory_space<hbm>> -> memref<100000xf32, #tpu.memory_space<hbm>>
    tpu.wait_indirect_dma semaphore(%arg23 : memref<!tpu.dma_semaphore, #tpu.memory_space<semaphore_mem>>) src(%dma_wait3A_1070 : memref<100000xf32, #tpu.memory_space<hbm>>) dst(%dma_wait3A_1065 : memref<128xf32, #tpu.memory_space<vmem>>)
    %dma_wait3A_1071 = arith.constant 10 : i32
    %dma_wait3A_1072 = arith.constant 10 : i32
    %dma_wait3A_1073 = arith.constant 384 : i32
    %dma_wait3A_1074 = tpu.memref_slice %arg21[%dma_wait3A_1072, %dma_wait3A_1073] : memref<16x512xf32, #tpu.memory_space<vmem>> -> memref<1x128xf32, #tpu.memory_space<vmem>>
    %dma_wait3A_1075 = tpu.memref_squeeze %dma_wait3A_1074 : memref<1x128xf32, #tpu.memory_space<vmem>> -> memref<128xf32, #tpu.memory_space<vmem>>
    %dma_wait3A_1076 = arith.constant 384 : i32
    %dma_wait3A_1077 = tpu.memref_slice %arg20[%dma_wait3A_1071, %dma_wait3A_1076] : memref<16x512xi32, #tpu.memory_space<vmem>> -> memref<1x128xi32, #tpu.memory_space<vmem>>
    %dma_wait3A_1078 = tpu.memref_squeeze %dma_wait3A_1077 : memref<1x128xi32, #tpu.memory_space<vmem>> -> memref<128xi32, #tpu.memory_space<vmem>>
    %dma_wait3A_1079 = arith.constant 0 : i32
    %dma_wait3A_1080 = tpu.memref_slice %arg13[%dma_wait3A_1079] : memref<100000xf32, #tpu.memory_space<hbm>> -> memref<100000xf32, #tpu.memory_space<hbm>>
    tpu.wait_indirect_dma semaphore(%arg23 : memref<!tpu.dma_semaphore, #tpu.memory_space<semaphore_mem>>) src(%dma_wait3A_1080 : memref<100000xf32, #tpu.memory_space<hbm>>) dst(%dma_wait3A_1075 : memref<128xf32, #tpu.memory_space<vmem>>)
    %dma_wait3A_1081 = arith.constant 11 : i32
    %dma_wait3A_1082 = arith.constant 11 : i32
    %dma_wait3A_1083 = arith.constant 0 : i32
    %dma_wait3A_1084 = tpu.memref_slice %arg21[%dma_wait3A_1082, %dma_wait3A_1083] : memref<16x512xf32, #tpu.memory_space<vmem>> -> memref<1x128xf32, #tpu.memory_space<vmem>>
    %dma_wait3A_1085 = tpu.memref_squeeze %dma_wait3A_1084 : memref<1x128xf32, #tpu.memory_space<vmem>> -> memref<128xf32, #tpu.memory_space<vmem>>
    %dma_wait3A_1086 = arith.constant 0 : i32
    %dma_wait3A_1087 = tpu.memref_slice %arg20[%dma_wait3A_1081, %dma_wait3A_1086] : memref<16x512xi32, #tpu.memory_space<vmem>> -> memref<1x128xi32, #tpu.memory_space<vmem>>
    %dma_wait3A_1088 = tpu.memref_squeeze %dma_wait3A_1087 : memref<1x128xi32, #tpu.memory_space<vmem>> -> memref<128xi32, #tpu.memory_space<vmem>>
    %dma_wait3A_1089 = arith.constant 0 : i32
    %dma_wait3A_1090 = tpu.memref_slice %arg14[%dma_wait3A_1089] : memref<100000xf32, #tpu.memory_space<hbm>> -> memref<100000xf32, #tpu.memory_space<hbm>>
    tpu.wait_indirect_dma semaphore(%arg23 : memref<!tpu.dma_semaphore, #tpu.memory_space<semaphore_mem>>) src(%dma_wait3A_1090 : memref<100000xf32, #tpu.memory_space<hbm>>) dst(%dma_wait3A_1085 : memref<128xf32, #tpu.memory_space<vmem>>)
    %dma_wait3A_1091 = arith.constant 11 : i32
    %dma_wait3A_1092 = arith.constant 11 : i32
    %dma_wait3A_1093 = arith.constant 128 : i32
    %dma_wait3A_1094 = tpu.memref_slice %arg21[%dma_wait3A_1092, %dma_wait3A_1093] : memref<16x512xf32, #tpu.memory_space<vmem>> -> memref<1x128xf32, #tpu.memory_space<vmem>>
    %dma_wait3A_1095 = tpu.memref_squeeze %dma_wait3A_1094 : memref<1x128xf32, #tpu.memory_space<vmem>> -> memref<128xf32, #tpu.memory_space<vmem>>
    %dma_wait3A_1096 = arith.constant 128 : i32
    %dma_wait3A_1097 = tpu.memref_slice %arg20[%dma_wait3A_1091, %dma_wait3A_1096] : memref<16x512xi32, #tpu.memory_space<vmem>> -> memref<1x128xi32, #tpu.memory_space<vmem>>
    %dma_wait3A_1098 = tpu.memref_squeeze %dma_wait3A_1097 : memref<1x128xi32, #tpu.memory_space<vmem>> -> memref<128xi32, #tpu.memory_space<vmem>>
    %dma_wait3A_1099 = arith.constant 0 : i32
    %dma_wait3A_1100 = tpu.memref_slice %arg14[%dma_wait3A_1099] : memref<100000xf32, #tpu.memory_space<hbm>> -> memref<100000xf32, #tpu.memory_space<hbm>>
    tpu.wait_indirect_dma semaphore(%arg23 : memref<!tpu.dma_semaphore, #tpu.memory_space<semaphore_mem>>) src(%dma_wait3A_1100 : memref<100000xf32, #tpu.memory_space<hbm>>) dst(%dma_wait3A_1095 : memref<128xf32, #tpu.memory_space<vmem>>)
    %dma_wait3A_1101 = arith.constant 11 : i32
    %dma_wait3A_1102 = arith.constant 11 : i32
    %dma_wait3A_1103 = arith.constant 256 : i32
    %dma_wait3A_1104 = tpu.memref_slice %arg21[%dma_wait3A_1102, %dma_wait3A_1103] : memref<16x512xf32, #tpu.memory_space<vmem>> -> memref<1x128xf32, #tpu.memory_space<vmem>>
    %dma_wait3A_1105 = tpu.memref_squeeze %dma_wait3A_1104 : memref<1x128xf32, #tpu.memory_space<vmem>> -> memref<128xf32, #tpu.memory_space<vmem>>
    %dma_wait3A_1106 = arith.constant 256 : i32
    %dma_wait3A_1107 = tpu.memref_slice %arg20[%dma_wait3A_1101, %dma_wait3A_1106] : memref<16x512xi32, #tpu.memory_space<vmem>> -> memref<1x128xi32, #tpu.memory_space<vmem>>
    %dma_wait3A_1108 = tpu.memref_squeeze %dma_wait3A_1107 : memref<1x128xi32, #tpu.memory_space<vmem>> -> memref<128xi32, #tpu.memory_space<vmem>>
    %dma_wait3A_1109 = arith.constant 0 : i32
    %dma_wait3A_1110 = tpu.memref_slice %arg14[%dma_wait3A_1109] : memref<100000xf32, #tpu.memory_space<hbm>> -> memref<100000xf32, #tpu.memory_space<hbm>>
    tpu.wait_indirect_dma semaphore(%arg23 : memref<!tpu.dma_semaphore, #tpu.memory_space<semaphore_mem>>) src(%dma_wait3A_1110 : memref<100000xf32, #tpu.memory_space<hbm>>) dst(%dma_wait3A_1105 : memref<128xf32, #tpu.memory_space<vmem>>)
    %dma_wait3A_1111 = arith.constant 11 : i32
    %dma_wait3A_1112 = arith.constant 11 : i32
    %dma_wait3A_1113 = arith.constant 384 : i32
    %dma_wait3A_1114 = tpu.memref_slice %arg21[%dma_wait3A_1112, %dma_wait3A_1113] : memref<16x512xf32, #tpu.memory_space<vmem>> -> memref<1x128xf32, #tpu.memory_space<vmem>>
    %dma_wait3A_1115 = tpu.memref_squeeze %dma_wait3A_1114 : memref<1x128xf32, #tpu.memory_space<vmem>> -> memref<128xf32, #tpu.memory_space<vmem>>
    %dma_wait3A_1116 = arith.constant 384 : i32
    %dma_wait3A_1117 = tpu.memref_slice %arg20[%dma_wait3A_1111, %dma_wait3A_1116] : memref<16x512xi32, #tpu.memory_space<vmem>> -> memref<1x128xi32, #tpu.memory_space<vmem>>
    %dma_wait3A_1118 = tpu.memref_squeeze %dma_wait3A_1117 : memref<1x128xi32, #tpu.memory_space<vmem>> -> memref<128xi32, #tpu.memory_space<vmem>>
    %dma_wait3A_1119 = arith.constant 0 : i32
    %dma_wait3A_1120 = tpu.memref_slice %arg14[%dma_wait3A_1119] : memref<100000xf32, #tpu.memory_space<hbm>> -> memref<100000xf32, #tpu.memory_space<hbm>>
    tpu.wait_indirect_dma semaphore(%arg23 : memref<!tpu.dma_semaphore, #tpu.memory_space<semaphore_mem>>) src(%dma_wait3A_1120 : memref<100000xf32, #tpu.memory_space<hbm>>) dst(%dma_wait3A_1115 : memref<128xf32, #tpu.memory_space<vmem>>)
    %dma_wait3A_1121 = arith.constant 12 : i32
    %dma_wait3A_1122 = arith.constant 12 : i32
    %dma_wait3A_1123 = arith.constant 0 : i32
    %dma_wait3A_1124 = tpu.memref_slice %arg21[%dma_wait3A_1122, %dma_wait3A_1123] : memref<16x512xf32, #tpu.memory_space<vmem>> -> memref<1x128xf32, #tpu.memory_space<vmem>>
    %dma_wait3A_1125 = tpu.memref_squeeze %dma_wait3A_1124 : memref<1x128xf32, #tpu.memory_space<vmem>> -> memref<128xf32, #tpu.memory_space<vmem>>
    %dma_wait3A_1126 = arith.constant 0 : i32
    %dma_wait3A_1127 = tpu.memref_slice %arg20[%dma_wait3A_1121, %dma_wait3A_1126] : memref<16x512xi32, #tpu.memory_space<vmem>> -> memref<1x128xi32, #tpu.memory_space<vmem>>
    %dma_wait3A_1128 = tpu.memref_squeeze %dma_wait3A_1127 : memref<1x128xi32, #tpu.memory_space<vmem>> -> memref<128xi32, #tpu.memory_space<vmem>>
    %dma_wait3A_1129 = arith.constant 0 : i32
    %dma_wait3A_1130 = tpu.memref_slice %arg15[%dma_wait3A_1129] : memref<100000xf32, #tpu.memory_space<hbm>> -> memref<100000xf32, #tpu.memory_space<hbm>>
    tpu.wait_indirect_dma semaphore(%arg23 : memref<!tpu.dma_semaphore, #tpu.memory_space<semaphore_mem>>) src(%dma_wait3A_1130 : memref<100000xf32, #tpu.memory_space<hbm>>) dst(%dma_wait3A_1125 : memref<128xf32, #tpu.memory_space<vmem>>)
    %dma_wait3A_1131 = arith.constant 12 : i32
    %dma_wait3A_1132 = arith.constant 12 : i32
    %dma_wait3A_1133 = arith.constant 128 : i32
    %dma_wait3A_1134 = tpu.memref_slice %arg21[%dma_wait3A_1132, %dma_wait3A_1133] : memref<16x512xf32, #tpu.memory_space<vmem>> -> memref<1x128xf32, #tpu.memory_space<vmem>>
    %dma_wait3A_1135 = tpu.memref_squeeze %dma_wait3A_1134 : memref<1x128xf32, #tpu.memory_space<vmem>> -> memref<128xf32, #tpu.memory_space<vmem>>
    %dma_wait3A_1136 = arith.constant 128 : i32
    %dma_wait3A_1137 = tpu.memref_slice %arg20[%dma_wait3A_1131, %dma_wait3A_1136] : memref<16x512xi32, #tpu.memory_space<vmem>> -> memref<1x128xi32, #tpu.memory_space<vmem>>
    %dma_wait3A_1138 = tpu.memref_squeeze %dma_wait3A_1137 : memref<1x128xi32, #tpu.memory_space<vmem>> -> memref<128xi32, #tpu.memory_space<vmem>>
    %dma_wait3A_1139 = arith.constant 0 : i32
    %dma_wait3A_1140 = tpu.memref_slice %arg15[%dma_wait3A_1139] : memref<100000xf32, #tpu.memory_space<hbm>> -> memref<100000xf32, #tpu.memory_space<hbm>>
    tpu.wait_indirect_dma semaphore(%arg23 : memref<!tpu.dma_semaphore, #tpu.memory_space<semaphore_mem>>) src(%dma_wait3A_1140 : memref<100000xf32, #tpu.memory_space<hbm>>) dst(%dma_wait3A_1135 : memref<128xf32, #tpu.memory_space<vmem>>)
    %dma_wait3A_1141 = arith.constant 12 : i32
    %dma_wait3A_1142 = arith.constant 12 : i32
    %dma_wait3A_1143 = arith.constant 256 : i32
    %dma_wait3A_1144 = tpu.memref_slice %arg21[%dma_wait3A_1142, %dma_wait3A_1143] : memref<16x512xf32, #tpu.memory_space<vmem>> -> memref<1x128xf32, #tpu.memory_space<vmem>>
    %dma_wait3A_1145 = tpu.memref_squeeze %dma_wait3A_1144 : memref<1x128xf32, #tpu.memory_space<vmem>> -> memref<128xf32, #tpu.memory_space<vmem>>
    %dma_wait3A_1146 = arith.constant 256 : i32
    %dma_wait3A_1147 = tpu.memref_slice %arg20[%dma_wait3A_1141, %dma_wait3A_1146] : memref<16x512xi32, #tpu.memory_space<vmem>> -> memref<1x128xi32, #tpu.memory_space<vmem>>
    %dma_wait3A_1148 = tpu.memref_squeeze %dma_wait3A_1147 : memref<1x128xi32, #tpu.memory_space<vmem>> -> memref<128xi32, #tpu.memory_space<vmem>>
    %dma_wait3A_1149 = arith.constant 0 : i32
    %dma_wait3A_1150 = tpu.memref_slice %arg15[%dma_wait3A_1149] : memref<100000xf32, #tpu.memory_space<hbm>> -> memref<100000xf32, #tpu.memory_space<hbm>>
    tpu.wait_indirect_dma semaphore(%arg23 : memref<!tpu.dma_semaphore, #tpu.memory_space<semaphore_mem>>) src(%dma_wait3A_1150 : memref<100000xf32, #tpu.memory_space<hbm>>) dst(%dma_wait3A_1145 : memref<128xf32, #tpu.memory_space<vmem>>)
    %dma_wait3A_1151 = arith.constant 12 : i32
    %dma_wait3A_1152 = arith.constant 12 : i32
    %dma_wait3A_1153 = arith.constant 384 : i32
    %dma_wait3A_1154 = tpu.memref_slice %arg21[%dma_wait3A_1152, %dma_wait3A_1153] : memref<16x512xf32, #tpu.memory_space<vmem>> -> memref<1x128xf32, #tpu.memory_space<vmem>>
    %dma_wait3A_1155 = tpu.memref_squeeze %dma_wait3A_1154 : memref<1x128xf32, #tpu.memory_space<vmem>> -> memref<128xf32, #tpu.memory_space<vmem>>
    %dma_wait3A_1156 = arith.constant 384 : i32
    %dma_wait3A_1157 = tpu.memref_slice %arg20[%dma_wait3A_1151, %dma_wait3A_1156] : memref<16x512xi32, #tpu.memory_space<vmem>> -> memref<1x128xi32, #tpu.memory_space<vmem>>
    %dma_wait3A_1158 = tpu.memref_squeeze %dma_wait3A_1157 : memref<1x128xi32, #tpu.memory_space<vmem>> -> memref<128xi32, #tpu.memory_space<vmem>>
    %dma_wait3A_1159 = arith.constant 0 : i32
    %dma_wait3A_1160 = tpu.memref_slice %arg15[%dma_wait3A_1159] : memref<100000xf32, #tpu.memory_space<hbm>> -> memref<100000xf32, #tpu.memory_space<hbm>>
    tpu.wait_indirect_dma semaphore(%arg23 : memref<!tpu.dma_semaphore, #tpu.memory_space<semaphore_mem>>) src(%dma_wait3A_1160 : memref<100000xf32, #tpu.memory_space<hbm>>) dst(%dma_wait3A_1155 : memref<128xf32, #tpu.memory_space<vmem>>)
    %dma_wait3A_1161 = arith.constant 13 : i32
    %dma_wait3A_1162 = arith.constant 13 : i32
    %dma_wait3A_1163 = arith.constant 0 : i32
    %dma_wait3A_1164 = tpu.memref_slice %arg21[%dma_wait3A_1162, %dma_wait3A_1163] : memref<16x512xf32, #tpu.memory_space<vmem>> -> memref<1x128xf32, #tpu.memory_space<vmem>>
    %dma_wait3A_1165 = tpu.memref_squeeze %dma_wait3A_1164 : memref<1x128xf32, #tpu.memory_space<vmem>> -> memref<128xf32, #tpu.memory_space<vmem>>
    %dma_wait3A_1166 = arith.constant 0 : i32
    %dma_wait3A_1167 = tpu.memref_slice %arg20[%dma_wait3A_1161, %dma_wait3A_1166] : memref<16x512xi32, #tpu.memory_space<vmem>> -> memref<1x128xi32, #tpu.memory_space<vmem>>
    %dma_wait3A_1168 = tpu.memref_squeeze %dma_wait3A_1167 : memref<1x128xi32, #tpu.memory_space<vmem>> -> memref<128xi32, #tpu.memory_space<vmem>>
    %dma_wait3A_1169 = arith.constant 0 : i32
    %dma_wait3A_1170 = tpu.memref_slice %arg16[%dma_wait3A_1169] : memref<100000xf32, #tpu.memory_space<hbm>> -> memref<100000xf32, #tpu.memory_space<hbm>>
    tpu.wait_indirect_dma semaphore(%arg23 : memref<!tpu.dma_semaphore, #tpu.memory_space<semaphore_mem>>) src(%dma_wait3A_1170 : memref<100000xf32, #tpu.memory_space<hbm>>) dst(%dma_wait3A_1165 : memref<128xf32, #tpu.memory_space<vmem>>)
    %dma_wait3A_1171 = arith.constant 13 : i32
    %dma_wait3A_1172 = arith.constant 13 : i32
    %dma_wait3A_1173 = arith.constant 128 : i32
    %dma_wait3A_1174 = tpu.memref_slice %arg21[%dma_wait3A_1172, %dma_wait3A_1173] : memref<16x512xf32, #tpu.memory_space<vmem>> -> memref<1x128xf32, #tpu.memory_space<vmem>>
    %dma_wait3A_1175 = tpu.memref_squeeze %dma_wait3A_1174 : memref<1x128xf32, #tpu.memory_space<vmem>> -> memref<128xf32, #tpu.memory_space<vmem>>
    %dma_wait3A_1176 = arith.constant 128 : i32
    %dma_wait3A_1177 = tpu.memref_slice %arg20[%dma_wait3A_1171, %dma_wait3A_1176] : memref<16x512xi32, #tpu.memory_space<vmem>> -> memref<1x128xi32, #tpu.memory_space<vmem>>
    %dma_wait3A_1178 = tpu.memref_squeeze %dma_wait3A_1177 : memref<1x128xi32, #tpu.memory_space<vmem>> -> memref<128xi32, #tpu.memory_space<vmem>>
    %dma_wait3A_1179 = arith.constant 0 : i32
    %dma_wait3A_1180 = tpu.memref_slice %arg16[%dma_wait3A_1179] : memref<100000xf32, #tpu.memory_space<hbm>> -> memref<100000xf32, #tpu.memory_space<hbm>>
    tpu.wait_indirect_dma semaphore(%arg23 : memref<!tpu.dma_semaphore, #tpu.memory_space<semaphore_mem>>) src(%dma_wait3A_1180 : memref<100000xf32, #tpu.memory_space<hbm>>) dst(%dma_wait3A_1175 : memref<128xf32, #tpu.memory_space<vmem>>)
    %dma_wait3A_1181 = arith.constant 13 : i32
    %dma_wait3A_1182 = arith.constant 13 : i32
    %dma_wait3A_1183 = arith.constant 256 : i32
    %dma_wait3A_1184 = tpu.memref_slice %arg21[%dma_wait3A_1182, %dma_wait3A_1183] : memref<16x512xf32, #tpu.memory_space<vmem>> -> memref<1x128xf32, #tpu.memory_space<vmem>>
    %dma_wait3A_1185 = tpu.memref_squeeze %dma_wait3A_1184 : memref<1x128xf32, #tpu.memory_space<vmem>> -> memref<128xf32, #tpu.memory_space<vmem>>
    %dma_wait3A_1186 = arith.constant 256 : i32
    %dma_wait3A_1187 = tpu.memref_slice %arg20[%dma_wait3A_1181, %dma_wait3A_1186] : memref<16x512xi32, #tpu.memory_space<vmem>> -> memref<1x128xi32, #tpu.memory_space<vmem>>
    %dma_wait3A_1188 = tpu.memref_squeeze %dma_wait3A_1187 : memref<1x128xi32, #tpu.memory_space<vmem>> -> memref<128xi32, #tpu.memory_space<vmem>>
    %dma_wait3A_1189 = arith.constant 0 : i32
    %dma_wait3A_1190 = tpu.memref_slice %arg16[%dma_wait3A_1189] : memref<100000xf32, #tpu.memory_space<hbm>> -> memref<100000xf32, #tpu.memory_space<hbm>>
    tpu.wait_indirect_dma semaphore(%arg23 : memref<!tpu.dma_semaphore, #tpu.memory_space<semaphore_mem>>) src(%dma_wait3A_1190 : memref<100000xf32, #tpu.memory_space<hbm>>) dst(%dma_wait3A_1185 : memref<128xf32, #tpu.memory_space<vmem>>)
    %dma_wait3A_1191 = arith.constant 13 : i32
    %dma_wait3A_1192 = arith.constant 13 : i32
    %dma_wait3A_1193 = arith.constant 384 : i32
    %dma_wait3A_1194 = tpu.memref_slice %arg21[%dma_wait3A_1192, %dma_wait3A_1193] : memref<16x512xf32, #tpu.memory_space<vmem>> -> memref<1x128xf32, #tpu.memory_space<vmem>>
    %dma_wait3A_1195 = tpu.memref_squeeze %dma_wait3A_1194 : memref<1x128xf32, #tpu.memory_space<vmem>> -> memref<128xf32, #tpu.memory_space<vmem>>
    %dma_wait3A_1196 = arith.constant 384 : i32
    %dma_wait3A_1197 = tpu.memref_slice %arg20[%dma_wait3A_1191, %dma_wait3A_1196] : memref<16x512xi32, #tpu.memory_space<vmem>> -> memref<1x128xi32, #tpu.memory_space<vmem>>
    %dma_wait3A_1198 = tpu.memref_squeeze %dma_wait3A_1197 : memref<1x128xi32, #tpu.memory_space<vmem>> -> memref<128xi32, #tpu.memory_space<vmem>>
    %dma_wait3A_1199 = arith.constant 0 : i32
    %dma_wait3A_1200 = tpu.memref_slice %arg16[%dma_wait3A_1199] : memref<100000xf32, #tpu.memory_space<hbm>> -> memref<100000xf32, #tpu.memory_space<hbm>>
    tpu.wait_indirect_dma semaphore(%arg23 : memref<!tpu.dma_semaphore, #tpu.memory_space<semaphore_mem>>) src(%dma_wait3A_1200 : memref<100000xf32, #tpu.memory_space<hbm>>) dst(%dma_wait3A_1195 : memref<128xf32, #tpu.memory_space<vmem>>)
    %dma_wait3A_1201 = arith.constant 14 : i32
    %dma_wait3A_1202 = arith.constant 14 : i32
    %dma_wait3A_1203 = arith.constant 0 : i32
    %dma_wait3A_1204 = tpu.memref_slice %arg21[%dma_wait3A_1202, %dma_wait3A_1203] : memref<16x512xf32, #tpu.memory_space<vmem>> -> memref<1x128xf32, #tpu.memory_space<vmem>>
    %dma_wait3A_1205 = tpu.memref_squeeze %dma_wait3A_1204 : memref<1x128xf32, #tpu.memory_space<vmem>> -> memref<128xf32, #tpu.memory_space<vmem>>
    %dma_wait3A_1206 = arith.constant 0 : i32
    %dma_wait3A_1207 = tpu.memref_slice %arg20[%dma_wait3A_1201, %dma_wait3A_1206] : memref<16x512xi32, #tpu.memory_space<vmem>> -> memref<1x128xi32, #tpu.memory_space<vmem>>
    %dma_wait3A_1208 = tpu.memref_squeeze %dma_wait3A_1207 : memref<1x128xi32, #tpu.memory_space<vmem>> -> memref<128xi32, #tpu.memory_space<vmem>>
    %dma_wait3A_1209 = arith.constant 0 : i32
    %dma_wait3A_1210 = tpu.memref_slice %arg17[%dma_wait3A_1209] : memref<100000xf32, #tpu.memory_space<hbm>> -> memref<100000xf32, #tpu.memory_space<hbm>>
    tpu.wait_indirect_dma semaphore(%arg23 : memref<!tpu.dma_semaphore, #tpu.memory_space<semaphore_mem>>) src(%dma_wait3A_1210 : memref<100000xf32, #tpu.memory_space<hbm>>) dst(%dma_wait3A_1205 : memref<128xf32, #tpu.memory_space<vmem>>)
    %dma_wait3A_1211 = arith.constant 14 : i32
    %dma_wait3A_1212 = arith.constant 14 : i32
    %dma_wait3A_1213 = arith.constant 128 : i32
    %dma_wait3A_1214 = tpu.memref_slice %arg21[%dma_wait3A_1212, %dma_wait3A_1213] : memref<16x512xf32, #tpu.memory_space<vmem>> -> memref<1x128xf32, #tpu.memory_space<vmem>>
    %dma_wait3A_1215 = tpu.memref_squeeze %dma_wait3A_1214 : memref<1x128xf32, #tpu.memory_space<vmem>> -> memref<128xf32, #tpu.memory_space<vmem>>
    %dma_wait3A_1216 = arith.constant 128 : i32
    %dma_wait3A_1217 = tpu.memref_slice %arg20[%dma_wait3A_1211, %dma_wait3A_1216] : memref<16x512xi32, #tpu.memory_space<vmem>> -> memref<1x128xi32, #tpu.memory_space<vmem>>
    %dma_wait3A_1218 = tpu.memref_squeeze %dma_wait3A_1217 : memref<1x128xi32, #tpu.memory_space<vmem>> -> memref<128xi32, #tpu.memory_space<vmem>>
    %dma_wait3A_1219 = arith.constant 0 : i32
    %dma_wait3A_1220 = tpu.memref_slice %arg17[%dma_wait3A_1219] : memref<100000xf32, #tpu.memory_space<hbm>> -> memref<100000xf32, #tpu.memory_space<hbm>>
    tpu.wait_indirect_dma semaphore(%arg23 : memref<!tpu.dma_semaphore, #tpu.memory_space<semaphore_mem>>) src(%dma_wait3A_1220 : memref<100000xf32, #tpu.memory_space<hbm>>) dst(%dma_wait3A_1215 : memref<128xf32, #tpu.memory_space<vmem>>)
    %dma_wait3A_1221 = arith.constant 14 : i32
    %dma_wait3A_1222 = arith.constant 14 : i32
    %dma_wait3A_1223 = arith.constant 256 : i32
    %dma_wait3A_1224 = tpu.memref_slice %arg21[%dma_wait3A_1222, %dma_wait3A_1223] : memref<16x512xf32, #tpu.memory_space<vmem>> -> memref<1x128xf32, #tpu.memory_space<vmem>>
    %dma_wait3A_1225 = tpu.memref_squeeze %dma_wait3A_1224 : memref<1x128xf32, #tpu.memory_space<vmem>> -> memref<128xf32, #tpu.memory_space<vmem>>
    %dma_wait3A_1226 = arith.constant 256 : i32
    %dma_wait3A_1227 = tpu.memref_slice %arg20[%dma_wait3A_1221, %dma_wait3A_1226] : memref<16x512xi32, #tpu.memory_space<vmem>> -> memref<1x128xi32, #tpu.memory_space<vmem>>
    %dma_wait3A_1228 = tpu.memref_squeeze %dma_wait3A_1227 : memref<1x128xi32, #tpu.memory_space<vmem>> -> memref<128xi32, #tpu.memory_space<vmem>>
    %dma_wait3A_1229 = arith.constant 0 : i32
    %dma_wait3A_1230 = tpu.memref_slice %arg17[%dma_wait3A_1229] : memref<100000xf32, #tpu.memory_space<hbm>> -> memref<100000xf32, #tpu.memory_space<hbm>>
    tpu.wait_indirect_dma semaphore(%arg23 : memref<!tpu.dma_semaphore, #tpu.memory_space<semaphore_mem>>) src(%dma_wait3A_1230 : memref<100000xf32, #tpu.memory_space<hbm>>) dst(%dma_wait3A_1225 : memref<128xf32, #tpu.memory_space<vmem>>)
    %dma_wait3A_1231 = arith.constant 14 : i32
    %dma_wait3A_1232 = arith.constant 14 : i32
    %dma_wait3A_1233 = arith.constant 384 : i32
    %dma_wait3A_1234 = tpu.memref_slice %arg21[%dma_wait3A_1232, %dma_wait3A_1233] : memref<16x512xf32, #tpu.memory_space<vmem>> -> memref<1x128xf32, #tpu.memory_space<vmem>>
    %dma_wait3A_1235 = tpu.memref_squeeze %dma_wait3A_1234 : memref<1x128xf32, #tpu.memory_space<vmem>> -> memref<128xf32, #tpu.memory_space<vmem>>
    %dma_wait3A_1236 = arith.constant 384 : i32
    %dma_wait3A_1237 = tpu.memref_slice %arg20[%dma_wait3A_1231, %dma_wait3A_1236] : memref<16x512xi32, #tpu.memory_space<vmem>> -> memref<1x128xi32, #tpu.memory_space<vmem>>
    %dma_wait3A_1238 = tpu.memref_squeeze %dma_wait3A_1237 : memref<1x128xi32, #tpu.memory_space<vmem>> -> memref<128xi32, #tpu.memory_space<vmem>>
    %dma_wait3A_1239 = arith.constant 0 : i32
    %dma_wait3A_1240 = tpu.memref_slice %arg17[%dma_wait3A_1239] : memref<100000xf32, #tpu.memory_space<hbm>> -> memref<100000xf32, #tpu.memory_space<hbm>>
    tpu.wait_indirect_dma semaphore(%arg23 : memref<!tpu.dma_semaphore, #tpu.memory_space<semaphore_mem>>) src(%dma_wait3A_1240 : memref<100000xf32, #tpu.memory_space<hbm>>) dst(%dma_wait3A_1235 : memref<128xf32, #tpu.memory_space<vmem>>)
    %dma_wait3A_1241 = arith.constant 15 : i32
    %dma_wait3A_1242 = arith.constant 15 : i32
    %dma_wait3A_1243 = arith.constant 0 : i32
    %dma_wait3A_1244 = tpu.memref_slice %arg21[%dma_wait3A_1242, %dma_wait3A_1243] : memref<16x512xf32, #tpu.memory_space<vmem>> -> memref<1x128xf32, #tpu.memory_space<vmem>>
    %dma_wait3A_1245 = tpu.memref_squeeze %dma_wait3A_1244 : memref<1x128xf32, #tpu.memory_space<vmem>> -> memref<128xf32, #tpu.memory_space<vmem>>
    %dma_wait3A_1246 = arith.constant 0 : i32
    %dma_wait3A_1247 = tpu.memref_slice %arg20[%dma_wait3A_1241, %dma_wait3A_1246] : memref<16x512xi32, #tpu.memory_space<vmem>> -> memref<1x128xi32, #tpu.memory_space<vmem>>
    %dma_wait3A_1248 = tpu.memref_squeeze %dma_wait3A_1247 : memref<1x128xi32, #tpu.memory_space<vmem>> -> memref<128xi32, #tpu.memory_space<vmem>>
    %dma_wait3A_1249 = arith.constant 0 : i32
    %dma_wait3A_1250 = tpu.memref_slice %arg18[%dma_wait3A_1249] : memref<100000xf32, #tpu.memory_space<hbm>> -> memref<100000xf32, #tpu.memory_space<hbm>>
    tpu.wait_indirect_dma semaphore(%arg23 : memref<!tpu.dma_semaphore, #tpu.memory_space<semaphore_mem>>) src(%dma_wait3A_1250 : memref<100000xf32, #tpu.memory_space<hbm>>) dst(%dma_wait3A_1245 : memref<128xf32, #tpu.memory_space<vmem>>)
    %dma_wait3A_1251 = arith.constant 15 : i32
    %dma_wait3A_1252 = arith.constant 15 : i32
    %dma_wait3A_1253 = arith.constant 128 : i32
    %dma_wait3A_1254 = tpu.memref_slice %arg21[%dma_wait3A_1252, %dma_wait3A_1253] : memref<16x512xf32, #tpu.memory_space<vmem>> -> memref<1x128xf32, #tpu.memory_space<vmem>>
    %dma_wait3A_1255 = tpu.memref_squeeze %dma_wait3A_1254 : memref<1x128xf32, #tpu.memory_space<vmem>> -> memref<128xf32, #tpu.memory_space<vmem>>
    %dma_wait3A_1256 = arith.constant 128 : i32
    %dma_wait3A_1257 = tpu.memref_slice %arg20[%dma_wait3A_1251, %dma_wait3A_1256] : memref<16x512xi32, #tpu.memory_space<vmem>> -> memref<1x128xi32, #tpu.memory_space<vmem>>
    %dma_wait3A_1258 = tpu.memref_squeeze %dma_wait3A_1257 : memref<1x128xi32, #tpu.memory_space<vmem>> -> memref<128xi32, #tpu.memory_space<vmem>>
    %dma_wait3A_1259 = arith.constant 0 : i32
    %dma_wait3A_1260 = tpu.memref_slice %arg18[%dma_wait3A_1259] : memref<100000xf32, #tpu.memory_space<hbm>> -> memref<100000xf32, #tpu.memory_space<hbm>>
    tpu.wait_indirect_dma semaphore(%arg23 : memref<!tpu.dma_semaphore, #tpu.memory_space<semaphore_mem>>) src(%dma_wait3A_1260 : memref<100000xf32, #tpu.memory_space<hbm>>) dst(%dma_wait3A_1255 : memref<128xf32, #tpu.memory_space<vmem>>)
    %dma_wait3A_1261 = arith.constant 15 : i32
    %dma_wait3A_1262 = arith.constant 15 : i32
    %dma_wait3A_1263 = arith.constant 256 : i32
    %dma_wait3A_1264 = tpu.memref_slice %arg21[%dma_wait3A_1262, %dma_wait3A_1263] : memref<16x512xf32, #tpu.memory_space<vmem>> -> memref<1x128xf32, #tpu.memory_space<vmem>>
    %dma_wait3A_1265 = tpu.memref_squeeze %dma_wait3A_1264 : memref<1x128xf32, #tpu.memory_space<vmem>> -> memref<128xf32, #tpu.memory_space<vmem>>
    %dma_wait3A_1266 = arith.constant 256 : i32
    %dma_wait3A_1267 = tpu.memref_slice %arg20[%dma_wait3A_1261, %dma_wait3A_1266] : memref<16x512xi32, #tpu.memory_space<vmem>> -> memref<1x128xi32, #tpu.memory_space<vmem>>
    %dma_wait3A_1268 = tpu.memref_squeeze %dma_wait3A_1267 : memref<1x128xi32, #tpu.memory_space<vmem>> -> memref<128xi32, #tpu.memory_space<vmem>>
    %dma_wait3A_1269 = arith.constant 0 : i32
    %dma_wait3A_1270 = tpu.memref_slice %arg18[%dma_wait3A_1269] : memref<100000xf32, #tpu.memory_space<hbm>> -> memref<100000xf32, #tpu.memory_space<hbm>>
    tpu.wait_indirect_dma semaphore(%arg23 : memref<!tpu.dma_semaphore, #tpu.memory_space<semaphore_mem>>) src(%dma_wait3A_1270 : memref<100000xf32, #tpu.memory_space<hbm>>) dst(%dma_wait3A_1265 : memref<128xf32, #tpu.memory_space<vmem>>)
    %dma_wait3A_1271 = arith.constant 15 : i32
    %dma_wait3A_1272 = arith.constant 15 : i32
    %dma_wait3A_1273 = arith.constant 384 : i32
    %dma_wait3A_1274 = tpu.memref_slice %arg21[%dma_wait3A_1272, %dma_wait3A_1273] : memref<16x512xf32, #tpu.memory_space<vmem>> -> memref<1x128xf32, #tpu.memory_space<vmem>>
    %dma_wait3A_1275 = tpu.memref_squeeze %dma_wait3A_1274 : memref<1x128xf32, #tpu.memory_space<vmem>> -> memref<128xf32, #tpu.memory_space<vmem>>
    %dma_wait3A_1276 = arith.constant 384 : i32
    %dma_wait3A_1277 = tpu.memref_slice %arg20[%dma_wait3A_1271, %dma_wait3A_1276] : memref<16x512xi32, #tpu.memory_space<vmem>> -> memref<1x128xi32, #tpu.memory_space<vmem>>
    %dma_wait3A_1278 = tpu.memref_squeeze %dma_wait3A_1277 : memref<1x128xi32, #tpu.memory_space<vmem>> -> memref<128xi32, #tpu.memory_space<vmem>>
    %dma_wait3A_1279 = arith.constant 0 : i32
    %dma_wait3A_1280 = tpu.memref_slice %arg18[%dma_wait3A_1279] : memref<100000xf32, #tpu.memory_space<hbm>> -> memref<100000xf32, #tpu.memory_space<hbm>>
    tpu.wait_indirect_dma semaphore(%arg23 : memref<!tpu.dma_semaphore, #tpu.memory_space<semaphore_mem>>) src(%dma_wait3A_1280 : memref<100000xf32, #tpu.memory_space<hbm>>) dst(%dma_wait3A_1275 : memref<128xf32, #tpu.memory_space<vmem>>)
    %scan3A = arith.constant 0 : i32
    %scan3A_1281 = arith.constant 0 : i32
    %scan3A_1282 = arith.constant 32 : i32
    %scan3A_1283 = arith.addi %scan3A_1281, %scan3A_1282 : i32
    %scan3A_1284 = arith.constant 1 : i32
    %scan3A_1285 = scf.for %scan3A_1287 = %scan3A_1281 to %scan3A_1283 step %scan3A_1284 iter_args(%scan3A_1288 = %scan3A) -> (i32)  : i32 {
      %mul3A_1289 = arith.constant 16 : i32
      %mul3A_1290 = arith.muli %scan3A_1287, %mul3A_1289 : i32
      %get3A = arith.constant 0 : i32
      %get3A_1291 = arith.index_cast %get3A : i32 to index
      %get3A_1292 = arith.index_cast %mul3A_1290 : i32 to index
      %get3A_1293 = tpu.vector_load %arg21[%get3A_1291, %get3A_1292] {strides = array<i32>} : memref<16x512xf32, #tpu.memory_space<vmem>>, vector<1x16xf32>,
      %get3A_1294 = vector.shape_cast %get3A_1293 : vector<1x16xf32> to vector<16xf32>
      %get3A_1295 = arith.constant 1 : i32
      %get3A_1296 = arith.index_cast %get3A_1295 : i32 to index
      %get3A_1297 = arith.index_cast %mul3A_1290 : i32 to index
      %get3A_1298 = tpu.vector_load %arg21[%get3A_1296, %get3A_1297] {strides = array<i32>} : memref<16x512xf32, #tpu.memory_space<vmem>>, vector<1x16xf32>,
      %get3A_1299 = vector.shape_cast %get3A_1298 : vector<1x16xf32> to vector<16xf32>
      %add3A_1300 = arith.addf %get3A_1294, %get3A_1299 : vector<16xf32>
      %get3A_1301 = arith.constant 2 : i32
      %get3A_1302 = arith.index_cast %get3A_1301 : i32 to index
      %get3A_1303 = arith.index_cast %mul3A_1290 : i32 to index
      %get3A_1304 = tpu.vector_load %arg21[%get3A_1302, %get3A_1303] {strides = array<i32>} : memref<16x512xf32, #tpu.memory_space<vmem>>, vector<1x16xf32>,
      %get3A_1305 = vector.shape_cast %get3A_1304 : vector<1x16xf32> to vector<16xf32>
      %add3A_1306 = arith.addf %add3A_1300, %get3A_1305 : vector<16xf32>
      %get3A_1307 = arith.constant 3 : i32
      %get3A_1308 = arith.index_cast %get3A_1307 : i32 to index
      %get3A_1309 = arith.index_cast %mul3A_1290 : i32 to index
      %get3A_1310 = tpu.vector_load %arg21[%get3A_1308, %get3A_1309] {strides = array<i32>} : memref<16x512xf32, #tpu.memory_space<vmem>>, vector<1x16xf32>,
      %get3A_1311 = vector.shape_cast %get3A_1310 : vector<1x16xf32> to vector<16xf32>
      %add3A_1312 = arith.addf %add3A_1306, %get3A_1311 : vector<16xf32>
      %get3A_1313 = arith.constant 4 : i32
      %get3A_1314 = arith.index_cast %get3A_1313 : i32 to index
      %get3A_1315 = arith.index_cast %mul3A_1290 : i32 to index
      %get3A_1316 = tpu.vector_load %arg21[%get3A_1314, %get3A_1315] {strides = array<i32>} : memref<16x512xf32, #tpu.memory_space<vmem>>, vector<1x16xf32>,
      %get3A_1317 = vector.shape_cast %get3A_1316 : vector<1x16xf32> to vector<16xf32>
      %add3A_1318 = arith.addf %add3A_1312, %get3A_1317 : vector<16xf32>
      %get3A_1319 = arith.constant 5 : i32
      %get3A_1320 = arith.index_cast %get3A_1319 : i32 to index
      %get3A_1321 = arith.index_cast %mul3A_1290 : i32 to index
      %get3A_1322 = tpu.vector_load %arg21[%get3A_1320, %get3A_1321] {strides = array<i32>} : memref<16x512xf32, #tpu.memory_space<vmem>>, vector<1x16xf32>,
      %get3A_1323 = vector.shape_cast %get3A_1322 : vector<1x16xf32> to vector<16xf32>
      %add3A_1324 = arith.addf %add3A_1318, %get3A_1323 : vector<16xf32>
      %get3A_1325 = arith.constant 6 : i32
      %get3A_1326 = arith.index_cast %get3A_1325 : i32 to index
      %get3A_1327 = arith.index_cast %mul3A_1290 : i32 to index
      %get3A_1328 = tpu.vector_load %arg21[%get3A_1326, %get3A_1327] {strides = array<i32>} : memref<16x512xf32, #tpu.memory_space<vmem>>, vector<1x16xf32>,
      %get3A_1329 = vector.shape_cast %get3A_1328 : vector<1x16xf32> to vector<16xf32>
      %add3A_1330 = arith.addf %add3A_1324, %get3A_1329 : vector<16xf32>
      %get3A_1331 = arith.constant 7 : i32
      %get3A_1332 = arith.index_cast %get3A_1331 : i32 to index
      %get3A_1333 = arith.index_cast %mul3A_1290 : i32 to index
      %get3A_1334 = tpu.vector_load %arg21[%get3A_1332, %get3A_1333] {strides = array<i32>} : memref<16x512xf32, #tpu.memory_space<vmem>>, vector<1x16xf32>,
      %get3A_1335 = vector.shape_cast %get3A_1334 : vector<1x16xf32> to vector<16xf32>
      %add3A_1336 = arith.addf %add3A_1330, %get3A_1335 : vector<16xf32>
      %get3A_1337 = arith.constant 8 : i32
      %get3A_1338 = arith.index_cast %get3A_1337 : i32 to index
      %get3A_1339 = arith.index_cast %mul3A_1290 : i32 to index
      %get3A_1340 = tpu.vector_load %arg21[%get3A_1338, %get3A_1339] {strides = array<i32>} : memref<16x512xf32, #tpu.memory_space<vmem>>, vector<1x16xf32>,
      %get3A_1341 = vector.shape_cast %get3A_1340 : vector<1x16xf32> to vector<16xf32>
      %add3A_1342 = arith.addf %add3A_1336, %get3A_1341 : vector<16xf32>
      %get3A_1343 = arith.constant 9 : i32
      %get3A_1344 = arith.index_cast %get3A_1343 : i32 to index
      %get3A_1345 = arith.index_cast %mul3A_1290 : i32 to index
      %get3A_1346 = tpu.vector_load %arg21[%get3A_1344, %get3A_1345] {strides = array<i32>} : memref<16x512xf32, #tpu.memory_space<vmem>>, vector<1x16xf32>,
      %get3A_1347 = vector.shape_cast %get3A_1346 : vector<1x16xf32> to vector<16xf32>
      %add3A_1348 = arith.addf %add3A_1342, %get3A_1347 : vector<16xf32>
      %get3A_1349 = arith.constant 10 : i32
      %get3A_1350 = arith.index_cast %get3A_1349 : i32 to index
      %get3A_1351 = arith.index_cast %mul3A_1290 : i32 to index
      %get3A_1352 = tpu.vector_load %arg21[%get3A_1350, %get3A_1351] {strides = array<i32>} : memref<16x512xf32, #tpu.memory_space<vmem>>, vector<1x16xf32>,
      %get3A_1353 = vector.shape_cast %get3A_1352 : vector<1x16xf32> to vector<16xf32>
      %add3A_1354 = arith.addf %add3A_1348, %get3A_1353 : vector<16xf32>
      %get3A_1355 = arith.constant 11 : i32
      %get3A_1356 = arith.index_cast %get3A_1355 : i32 to index
      %get3A_1357 = arith.index_cast %mul3A_1290 : i32 to index
      %get3A_1358 = tpu.vector_load %arg21[%get3A_1356, %get3A_1357] {strides = array<i32>} : memref<16x512xf32, #tpu.memory_space<vmem>>, vector<1x16xf32>,
      %get3A_1359 = vector.shape_cast %get3A_1358 : vector<1x16xf32> to vector<16xf32>
      %add3A_1360 = arith.addf %add3A_1354, %get3A_1359 : vector<16xf32>
      %get3A_1361 = arith.constant 12 : i32
      %get3A_1362 = arith.index_cast %get3A_1361 : i32 to index
      %get3A_1363 = arith.index_cast %mul3A_1290 : i32 to index
      %get3A_1364 = tpu.vector_load %arg21[%get3A_1362, %get3A_1363] {strides = array<i32>} : memref<16x512xf32, #tpu.memory_space<vmem>>, vector<1x16xf32>,
      %get3A_1365 = vector.shape_cast %get3A_1364 : vector<1x16xf32> to vector<16xf32>
      %add3A_1366 = arith.addf %add3A_1360, %get3A_1365 : vector<16xf32>
      %get3A_1367 = arith.constant 13 : i32
      %get3A_1368 = arith.index_cast %get3A_1367 : i32 to index
      %get3A_1369 = arith.index_cast %mul3A_1290 : i32 to index
      %get3A_1370 = tpu.vector_load %arg21[%get3A_1368, %get3A_1369] {strides = array<i32>} : memref<16x512xf32, #tpu.memory_space<vmem>>, vector<1x16xf32>,
      %get3A_1371 = vector.shape_cast %get3A_1370 : vector<1x16xf32> to vector<16xf32>
      %add3A_1372 = arith.addf %add3A_1366, %get3A_1371 : vector<16xf32>
      %get3A_1373 = arith.constant 14 : i32
      %get3A_1374 = arith.index_cast %get3A_1373 : i32 to index
      %get3A_1375 = arith.index_cast %mul3A_1290 : i32 to index
      %get3A_1376 = tpu.vector_load %arg21[%get3A_1374, %get3A_1375] {strides = array<i32>} : memref<16x512xf32, #tpu.memory_space<vmem>>, vector<1x16xf32>,
      %get3A_1377 = vector.shape_cast %get3A_1376 : vector<1x16xf32> to vector<16xf32>
      %add3A_1378 = arith.addf %add3A_1372, %get3A_1377 : vector<16xf32>
      %get3A_1379 = arith.constant 15 : i32
      %get3A_1380 = arith.index_cast %get3A_1379 : i32 to index
      %get3A_1381 = arith.index_cast %mul3A_1290 : i32 to index
      %get3A_1382 = tpu.vector_load %arg21[%get3A_1380, %get3A_1381] {strides = array<i32>} : memref<16x512xf32, #tpu.memory_space<vmem>>, vector<1x16xf32>,
      %get3A_1383 = vector.shape_cast %get3A_1382 : vector<1x16xf32> to vector<16xf32>
      %add3A_1384 = arith.addf %add3A_1378, %get3A_1383 : vector<16xf32>
      %swap3A = arith.index_cast %mul3A_1290 : i32 to index
      %swap3A_1385 = tpu.vector_load %arg22[%swap3A] {strides = array<i32>} : memref<512xf32, #tpu.memory_space<vmem>>, vector<16xf32>,
      %swap3A_1386 = vector.shape_cast %swap3A_1385 : vector<16xf32> to vector<16xf32>
      %swap3A_1387 = vector.shape_cast %add3A_1384 : vector<16xf32> to vector<16xf32>
      tpu.vector_store %arg22[%swap3A], %swap3A_1387 {strides = array<i32>} : memref<512xf32, #tpu.memory_space<vmem>>, vector<16xf32>,
      %scan3A_1388 = arith.constant 0 : i32
      scf.yield %scan3A_1388 : i32
    }
    %scan3A_1286 = arith.constant 32 : i32
    "tpu.region"() ({
      %run_scoped3A = tpu.sem_alloc : memref<!tpu.dma_semaphore, #tpu.memory_space<semaphore_mem>>
      %dma_start3A_1287 = tpu.memref_slice %arg19[%mul3A_2] : memref<16384xf32, #tpu.memory_space<hbm>> -> memref<512xf32, #tpu.memory_space<hbm>>
      %dma_start3A_1288 = tpu.memref_slice %arg19[%mul3A_2] : memref<16384xf32, #tpu.memory_space<hbm>> -> memref<512xf32, #tpu.memory_space<hbm>>
      tpu.enqueue_dma source(%arg22 : memref<512xf32, #tpu.memory_space<vmem>>) target(%dma_start3A_1288 : memref<512xf32, #tpu.memory_space<hbm>>) target_semaphore(%run_scoped3A : memref<!tpu.dma_semaphore, #tpu.memory_space<semaphore_mem>>)
      %dma_wait3A_1289 = tpu.memref_slice %arg19[%mul3A_2] : memref<16384xf32, #tpu.memory_space<hbm>> -> memref<512xf32, #tpu.memory_space<hbm>>
      %dma_wait3A_1290 = tpu.memref_slice %arg19[%mul3A_2] : memref<16384xf32, #tpu.memory_space<hbm>> -> memref<512xf32, #tpu.memory_space<hbm>>
      tpu.wait_dma2 semaphore(%run_scoped3A : memref<!tpu.dma_semaphore, #tpu.memory_space<semaphore_mem>>) src(%arg22 : memref<512xf32, #tpu.memory_space<vmem>>) dst(%dma_wait3A_1290 : memref<512xf32, #tpu.memory_space<hbm>>)
      tpu.yield
    }) : () -> ()
    return
  }
}

module attributes {stable_mosaic.version = 14 : i64} {
  func.func @body(%arg0: i32, %arg1: memref<2048x128xf32, #tpu.memory_space<vmem>>, %arg2: memref<128x1xf32, #tpu.memory_space<vmem>>, %arg3: memref<1xf32, #tpu.memory_space<vmem>>, %arg4: memref<2048xf32, #tpu.memory_space<vmem>>) attributes {dimension_semantics = [#tpu.dimension_semantics<arbitrary>], iteration_bounds = array<i64: 8>, scalar_prefetch = 0 : i64, scratch_operands = 0 : i64, tpu.core_type = #tpu.core_type<tc>, window_params = [{transform_indices = @transform_0, window_bounds = array<i64: 2048, 128>}, {pipeline_mode = #tpu.pipeline_mode<synchronous>, transform_indices = @transform_1, window_bounds = array<i64: 128, 1>}, {pipeline_mode = #tpu.pipeline_mode<synchronous>, transform_indices = @transform_2, window_bounds = array<i64: 1>}, {transform_indices = @transform_3, window_bounds = array<i64: 2048>}]} {
    %get3A = arith.constant 0 : index
    %get3A_0 = arith.constant 0 : index
    %get3A_1 = vector.load %arg1[%get3A, %get3A_0] : memref<2048x128xf32, #tpu.memory_space<vmem>>, vector<2048x128xf32>
    %get3A_2 = arith.constant 0 : index
    %get3A_3 = arith.constant 0 : index
    %get3A_4 = vector.load %arg2[%get3A_2, %get3A_3] : memref<128x1xf32, #tpu.memory_space<vmem>>, vector<128x1xf32>
    %dot_general3A = arith.constant dense<0.000000e+00> : vector<2048x1xf32>
    %dot_general3A_5 = tpu.matmul %get3A_1, %get3A_4, %dot_general3A {dimension_numbers = #tpu.dot_dimension_numbers<[1], [0], [0], [1], [0, 0, 1, 1], [], []>, transpose_lhs_hint = false} : vector<2048x128xf32>, vector<128x1xf32>, vector<2048x1xf32> -> vector<2048x1xf32>
    %reshape3A = vector.shape_cast %dot_general3A_5 : vector<2048x1xf32> to vector<2048xf32>
    %get3A_6 = arith.constant 0 : index
    %get3A_7 = vector.load %arg3[%get3A_6] : memref<1xf32, #tpu.memory_space<vmem>>, vector<1xf32>
    %get3A_8 = vector.extract %get3A_7[0] : f32 from vector<1xf32>
    %add3A = vector.broadcast %get3A_8 : f32 to vector<2048xf32>
    %add3A_9 = arith.addf %reshape3A, %add3A : vector<2048xf32>
    %swap3A = arith.constant 0 : index
    %swap3A_10 = vector.load %arg4[%swap3A] : memref<2048xf32, #tpu.memory_space<vmem>>, vector<2048xf32>
    tpu.vector_store %arg4[%swap3A], %add3A_9 {strides = array<i32>} : memref<2048xf32, #tpu.memory_space<vmem>>, vector<2048xf32>,
    return
  }
  func.func @transform_0(%arg0: i32) -> (i32, i32) {
    %c0_i32 = arith.constant 0 : i32
    %c0_i32_0 = arith.constant 0 : i32
    return %arg0, %c0_i32 : i32, i32
  }
  func.func @transform_1(%arg0: i32) -> (i32, i32) {
    %c0_i32 = arith.constant 0 : i32
    %c0_i32_0 = arith.constant 0 : i32
    %c0_i32_1 = arith.constant 0 : i32
    return %c0_i32, %c0_i32_0 : i32, i32
  }
  func.func @transform_2(%arg0: i32) -> i32 {
    %c0_i32 = arith.constant 0 : i32
    %c0_i32_0 = arith.constant 0 : i32
    return %c0_i32 : i32
  }
  func.func @transform_3(%arg0: i32) -> i32 {
    %c0_i32 = arith.constant 0 : i32
    return %arg0 : i32
  }
}

</mosaic_0001>

<sc_bundles>
// kernel: kernel.5.cloned.1.call-start
scs
__scs_entry_jumppad:
0x0: {  	(pc) =	sbr.rel $0x88, $3  }
0x1: {  	(tag) =	ssettag $0x0;
	lr =	simm.s32 $0x1  }
0x2: {  	[smem:$0x3F9C] =	sst lr;
	_ =	strace $0xD0000000  }
0x3: {  	_ = 	snop  }
0x4: {  	_ = 	snop  }
0x5: {  	_ = 	snop  }
0x6: {  	_ = 	snop  }
0x7: {  	_ = 	snop  }
__scs_overlays_trampoline_lowered:
0x8: {  	[smem:$0x3FAB] =	sst s0  }
0x9: {  	[smem:$0x3FAC] =	sst s1  }
0xa: {  	[smem:$0x3FAD] =	sst s2  }
0xb: {  	[smem:$0x3FAE] =	sst s3  }
0xc: {  	[smem:$0x3FAF] =	sst s4  }
0xd: {  	[smem:$0x3FB0] =	sst s5  }
0xe: {  	[smem:$0x3FB1] =	sst s6  }
0xf: {  	[smem:$0x3FB2] =	sst s7  }
0x10: {  	[smem:$0x3FB3] =	sst s8  }
0x11: {  	[smem:$0x3FB4] =	sst s9;
	s0 =	simm.s32 @!p0 $0x0  }
0x12: {  	s1 =	sld [smem:$0x3F9A];
	s0 =	simm.s32 @p0 $0x1  }
0x13: {  	[smem:$0x3FB5] =	sst s0;
	s0 =	simm.s32 @!p1 $0x0  }
0x14: {  	s2 =	sld [smem:$0x3F99];
	s0 =	simm.s32 @p1 $0x1  }
0x15: {  	[smem:$0x3FB6] =	sst s0;
	s0 =	simm.s32 @!p2 $0x0  }
0x16: {  	s3 =	sld [smem:$0x3FDB];
	s0 =	simm.s32 @p2 $0x1  }
0x17: {  	s4 =	simm.s32 $0x1BF5;
	[smem:$0x3FB8] =	sst s0  }
0x18: {  	s0 =	sld [smem:$0x3F9B];
	_ =	swait.ge [sflag:s4], $0x0  }
0x19: {  	s7 =	sld [smem:$0x3F9C]  }
0x1a: {  	s8 =	sadd.s32 $0xFFFFE003, lr  }
0x1b: {  	s9 =	sadd.s32 $0xFFFFFEF7, lr;
	s5 =	simm.s32 $0xFFFFFFFF;
	p2 =	slt.u32 s8, $0xFFFFF086  }
0x1c: {  	p1 =	slt.u32 s9, $0xF7A;
	s5 =	simm.s32 @!p2 $0x0  }
0x1d: {  	s5 =	simm.s32 @p1 $0x1;
	p0 =	seq.s32 s7, s2  }
0x1e: {  	s7 =	smul.u32 @!p0 $0xF7A, s2;
	p2 =	seq.s32 @!p0 s5, $0x0  }
0x1f: {  	s9 =	smul.u32 $0xF7A, s1;
	s8 =	simm.s32 @!p0 $0x1BF5;
	p2 =	por !p2, p0  }
0x20: {  	[sflag:s8] =	ssyncset.s32 @!p0 $0xFFFFF086;
	s6 =	sadd.s32 @!p0 s3, s7;
	s7 =	simm.s32 @!p0 $0x108  }
0x21: {  	s3 =	sadd.s32 s3, s9;
	s6 =	sadd.s32 @!p0 $0x88, s6;
	s7 =	simm.s32 @p2 $0x1082  }
0x22: {  	[simem:s7], [sflag:s8] =	dma.local @!p0 [hbm:s6], $0xF7A  }
0x23: {  	s9 =	sor.u32 $0xD0000000, s2;
	s6 =	simm.s32 $0x108;
	_ =	swait.ge @!p0 [sflag:s8], $0x0  }
0x24: {  	s3 =	sadd.s32 $0x88, s3;
	s6 =	simm.s32 @!p1 $0x1082;
	[sflag:s4] =	ssyncset.s32 $0xFFFFF086  }
0x25: {  	[simem:s6], [sflag:s4] =	dma.local [hbm:s3], $0xF7A  }
0x26: {  	[smem:$0x3F9C] =	sst s1;
	(tag) =	ssettag s2;
	_ =	strace s9  }
0x27: {  	s1 =	sld [smem:$0x3FAC]  }
0x28: {  	s2 =	sld [smem:$0x3FAD]  }
0x29: {  	s4 =	sld [smem:$0x3FAF]  }
0x2a: {  	p0 =	seq.s32 s5, $0x0;
	s5 =	sld [smem:$0x3FB0]  }
0x2b: {  	s6 =	sld [smem:$0x3FB1]  }
0x2c: {  	s7 =	sld [smem:$0x3FB2]  }
0x2d: {  	s3 =	simm.s32 $0x108;
	s8 =	sld [smem:$0x3FB3]  }
0x2e: {  	s3 =	simm.s32 @!p0 $0x1082;
	s9 =	sld [smem:$0x3FB4]  }
0x2f: {  	lr =	sadd.s32 s0, s3;
	s0 =	sld [smem:$0x3FAB]  }
0x30: {  	s3 =	sld [smem:$0x3FAE]  }
0x31: {  	[smem:$0x3FB7] =	sst s10  }
0x32: {  	s10 =	sld [smem:$0x3FB5];
	_ =	sdelay $0x3  }
0x33: {  	p0 =	seq.s32 s10, $0x1;
	s10 =	sld [smem:$0x3FB7];
	_ =	sdelay $0x3  }
0x34: {  	[smem:$0x3FB7] =	sst s10  }
0x35: {  	s10 =	sld [smem:$0x3FB6];
	_ =	sdelay $0x3  }
0x36: {  	p1 =	seq.s32 s10, $0x1;
	s10 =	sld [smem:$0x3FB7];
	_ =	sdelay $0x3  }
0x37: {  	[smem:$0x3FB7] =	sst s10  }
0x38: {  	s10 =	sld [smem:$0x3FB8]  }
0x39: {  	_ = 	snop;
	(pc) =	sbr.ind lr, $3  }
0x3a: {  	_ = 	snop  }
0x3b: {  	_ = 	snop  }
0x3c: {  	p2 =	seq.s32 s10, $0x1;
	s10 =	sld [smem:$0x3FB7]  }
0x3d: {  	_ =	shalt  }
0x3e: {  	_ =	shalt  }
0x3f: {  	_ =	shalt  }
0x40: {  	_ =	shalt  }
0x41: {  	_ =	shalt  }
0x42: {  	_ =	shalt  }
0x43: {  	_ =	shalt  }
0x44: {  	_ =	shalt  }
0x45: {  	_ =	shalt  }
0x46: {  	_ =	shalt  }
0x47: {  	_ =	shalt  }
0x48: {  	_ =	shalt  }
0x49: {  	_ =	shalt  }
0x4a: {  	_ =	shalt  }
0x4b: {  	_ =	shalt  }
0x4c: {  	_ =	shalt  }
0x4d: {  	_ =	shalt  }
0x4e: {  	_ =	shalt  }
0x4f: {  	_ =	shalt  }
0x50: {  	_ =	shalt  }
0x51: {  	_ =	shalt  }
0x52: {  	_ =	shalt  }
0x53: {  	_ =	shalt  }
0x54: {  	_ =	shalt  }
0x55: {  	_ =	shalt  }
0x56: {  	_ =	shalt  }
0x57: {  	_ =	shalt  }
0x58: {  	_ =	shalt  }
0x59: {  	_ =	shalt  }
0x5a: {  	_ =	shalt  }
0x5b: {  	_ =	shalt  }
0x5c: {  	_ =	shalt  }
0x5d: {  	_ =	shalt  }
0x5e: {  	_ =	shalt  }
0x5f: {  	_ =	shalt  }
0x60: {  	_ =	shalt  }
0x61: {  	_ =	shalt  }
0x62: {  	_ =	shalt  }
0x63: {  	_ =	shalt  }
0x64: {  	_ =	shalt  }
0x65: {  	_ =	shalt  }
0x66: {  	_ =	shalt  }
0x67: {  	_ =	shalt  }
0x68: {  	_ =	shalt  }
0x69: {  	_ =	shalt  }
0x6a: {  	_ =	shalt  }
0x6b: {  	_ =	shalt  }
0x6c: {  	_ =	shalt  }
0x6d: {  	_ =	shalt  }
0x6e: {  	_ =	shalt  }
0x6f: {  	_ =	shalt  }
0x70: {  	_ =	shalt  }
0x71: {  	_ =	shalt  }
0x72: {  	_ =	shalt  }
0x73: {  	_ =	shalt  }
0x74: {  	_ =	shalt  }
0x75: {  	_ =	shalt  }
0x76: {  	_ =	shalt  }
0x77: {  	_ =	shalt  }
0x78: {  	_ =	shalt  }
0x79: {  	_ =	shalt  }
0x7a: {  	_ =	shalt  }
0x7b: {  	_ =	shalt  }
0x7c: {  	_ =	shalt  }
0x7d: {  	_ =	shalt  }
0x7e: {  	_ =	shalt  }
0x7f: {  	_ =	shalt  }
0x80: {  	_ =	shalt  }
0x81: {  	_ =	shalt  }
0x82: {  	_ =	shalt  }
0x83: {  	_ =	shalt  }
0x84: {  	_ =	shalt  }
0x85: {  	_ =	shalt  }
0x86: {  	_ =	shalt  }
0x87: {  	_ =	shalt  }
.Lfunc_end0:
.L_simem_size_0:
called_computation_lowered:
.L_overlay_start_0:
0x88: {  	s2 =	sld [smem:$0x3FD9]  }
0x89: {  	s3 =	sld [smem:$0x3FFE];
	_ =	sdelay $0x1  }
0x8a: {  	s1 =	srdreg.scid  }
0x8b: {  	s0 =	sand.u32 $0x1, s1  }
0x8c: {  	s17 =	sshll.u32 s0, $0xA;
	s2 =	sadd.s32 s3, s2  }
0x8d: {  	s2 =	sadd.s32 s2, s17  }
0x8e: {  	[smem:$0x3FC3] =	sst s2  }
0x8f: {  	_ = 	snop  }
0x90: {  	s4 =	sld [smem:$0x3FC8]  }
0x91: {  	s18 =	sld [smem:$0x3FD0];
	(tm) =	ssettm $0x1  }
0x92: {  	s19 =	sld [smem:$0x3FFB];
	_ =	sdelay $0x3  }
0x93: {  	_ =	strace s19  }
0x94: {  	s2 =	sld [smem:$0x3FFC];
	_ =	sdelay $0x3  }
0x95: {  	_ =	strace s2  }
0x96: {  	s2 =	sld [smem:$0x3FFD];
	_ =	sdelay $0x3  }
0x97: {  	_ =	strace s2  }
0x98: {  	_ =	strace $0x8FFFFFFF  }
0x99: {  	s20 =	sld [smem:$0x3FDB];
	_ =	sdelay $0x1  }
0x9a: {  	s5 =	simm.s32 $_scs_section_size  }
0x9b: {  	s6 =	simm.s32 $_size__tile_overlayer_lowered;
	s7 =	simm.s32 $_tile_overlayer_lowered  }
0x9c: {  	s8 =	simm.s32 $0x1BFF;
	s21 =	sshll.u32 s7, $0x1;
	s5 =	sadd.s32 s5, s20  }
0x9d: {  	s22 =	simm.s32 $0x0;
	s6 =	sshll.u32 s6, $0x1;
	s7 =	sadd.s32 s21, s5  }
0x9e: {  	[timem:s22], [sflag:s8] =	dma.local [hbm:s7], s6  }
0x9f: {  	_ =	swait.ge [sflag:s8], s6  }
0xa0: {  	s6 =	ssub.s32 $0x0, s6;
	[sflag:s8] =	ssyncset.done $0x0  }
0xa1: {  	[sflag:s8] =	ssyncadd.s32 s6;
	_ =	sdelay $0x1  }
0xa2: {  	s23 =	simm.s32 $0x1B8B  }
0xa3: {  	_ =	swait.ge [sflag:s23], $0x1  }
0xa4: {  	[sflag:s23] =	ssyncset.done $0x0  }
0xa5: {  	[sflag:s23] =	ssyncadd.s32 $0xFFFFFFFF  }
0xa6: {  	s6 =	sld [smem:$0x0]  }
0xa7: {  	s7 =	sand.u32 $0xFFFFFFFE, s1  }
0xa8: {  	p0 =	sne.s32 s1, s7  }
0xa9: {  	s7 =	sshll.u32 @p0 s7, $0xE  }
0xaa: {  	s7 =	sadd.s32 @p0 $0x11B8D, s7;
	s8 =	sshll.u32 @p0 s6, $0x11  }
0xab: {  	s7 =	sor.u32 @p0 s8, s7  }
0xac: {  	[sflag:s7] =	ssyncadd.remote.s32 @p0 $0x1;
	_ =	sdelay $0x1  }
0xad: {  	s7 =	simm.s32 @p0 $0x1B8D  }
0xae: {  	_ =	swait.eq @p0 [sflag:s7], $0x1  }
0xaf: {  	[sflag:s7] =	ssyncadd.s32 @p0 $0xFFFFFFFF  }
0xb0: {  	s8 =	sshll.u32 @!p0 s1, $0xE  }
0xb1: {  	s8 =	sor.u32 @!p0 $0x4000, s8;
	s7 =	simm.s32 @!p0 $0x1B8D  }
0xb2: {  	s6 =	sshll.u32 @!p0 s6, $0x11;
	s8 =	sadd.s32 @!p0 $0x11B8D, s8;
	_ =	swait.eq @!p0 [sflag:s7], $0x1  }
0xb3: {  	s6 =	sor.u32 @!p0 s6, s8;
	[sflag:s7] =	ssyncadd.s32 @!p0 $0xFFFFFFFF  }
0xb4: {  	s25 =	simm.s32 $0x1B8E;
	s24 =	sld [smem:$0x3FFE];
	[sflag:s6] =	ssyncadd.remote.s32 @!p0 $0x1  }
0xb5: {  	s26 =	simm.s32 $execute0_lowered;
	[smem:$0x3FD2] =	sst s25  }
0xb6: {  	s7 =	sshll.u32 s26, $0x1;
	_ =	strace $0x80000049;
	[dreg:$0x1] =	wrdreg $0xFFFFFFFF  }
0xb7: {  	s28 =	simm.s32 $_size_execute0_lowered;
	s5 =	sadd.s32 s5, s7;
	[dreg:$0x0] =	wrdreg $0x0  }
0xb8: {  	s7 =	sshll.u32 s28, $0x1;
	[dreg:$0x2] =	wrdreg s5  }
0xb9: {  	[dreg:$0x3] =	wrdreg s7  }
0xba: {  	[dreg:$0x4] =	wrdreg $0xC0  }
0xbb: {  	_ =	task [dreg:s22], $0x5FFFF  }
0xbc: {  	[dreg:$0x1] =	wrdreg $0xFFFFFFFF  }
0xbd: {  	[dreg:$0x0] =	wrdreg $0x60  }
0xbe: {  	[dreg:$0x2] =	wrdreg s4  }
0xbf: {  	[dreg:$0x3] =	wrdreg s24  }
0xc0: {  	[dreg:$0x4] =	wrdreg s18  }
0xc1: {  	[dreg:$0x5] =	wrdreg $0x9  }
0xc2: {  	_ =	task.clear_ibuf [dreg:s22], $0x6FFFF;
	_ =	strace $0x90000049  }
0xc3: {  	s29 =	simm.s32 $0x9;
	_ =	strace $0x8000004B  }
0xc4: {  	_ =	swait.ge [sflag:s29], $0x1  }
0xc5: {  	[sflag:s29] =	ssyncadd.s32 $0xFFFFFFFF  }
0xc6: {  	_ =	strace $0x9000004B  }
0xc7: {  	_ =	sfence  }
0xc8: {  	s30 =	sld [smem:$0x0];
	_ =	sdelay $0x2  }
0xc9: {  	s31 =	sshll.u32 s1, $0xD;
	s1 =	sshrl.u32 s1, $0x2  }
0xca: {  	s4 =	sand.u32 $0x4000, s31;
	s1 =	sadd.s32 s1, s30  }
0xcb: {  	s0 =	sor.u32 s4, s0;
	s1 =	sshll.u32 s1, $0x11  }
0xcc: {  	s0 =	sor.u32 s1, s0  }
0xcd: {  	s0 =	sadd.s32 $0x8F2B, s0  }
0xce: {  	[sflag:s0] =	ssyncadd.remote.s32 $0x1  }
0xcf: {  	_ =	sfence.sel $0xFFFF  }
0xd0: {  	[dreg:$0x0] =	wrdreg $0xFFFFFFFF;
	(pc) =	sbr.abs _section_cstart, $3  }
0xd1: {  	[dreg:$0x1] =	wrdreg $0xFFFFFFFF  }
0xd2: {  	_ =	task.clear_ibuf [dreg:s22], $0x2FFFF;
	_ =	strace $0x9FFFFFFF  }
0xd3: {  	(tm) =	ssettm $0x7FFFFFFF  }
tec
execute0_lowered:
.L_overlay_start_1:
0x0: {  	(tag) =	ssettag $0x1  }
0x1: {  	s0 =	rddreg [dreg:$0x0]  }
0x2: {  	s13 =	rddreg [dreg:$0x1]  }
0x3: {  	s20 =	rddreg [dreg:$0x2];
	s1 =	simm.s32 $0x0;
	s17 =	srdreg.scid  }
0x4: {  	s18 =	stileid.u32;
	s24 =	simm.s32 $0x2;
	s25 =	simm.s32 $0x80  }
0x5: {  	s23 =	simm.s32 $0x0;
	[smem:$0x7FF] =	sst s1;
	s2 =	sadd.s32 $0x4EA00, s13  }
0x6: {  	s3 =	sadd.s32 $0x4B800, s13;
	s4 =	sadd.s32 $0x48600, s13;
	s5 =	sadd.s32 $0x45400, s13  }
0x7: {  	s6 =	sadd.s32 $0x42200, s13;
	s7 =	sadd.s32 $0x3F000, s13;
	s8 =	sadd.s32 $0x3BE00, s13  }
0x8: {  	s9 =	sadd.s32 $0x38400, s13;
	s10 =	sadd.s32 $0x35200, s13;
	s11 =	sadd.s32 $0x32000, s13  }
0x9: {  	s12 =	sadd.s32 $0x2EE00, s13;
	s14 =	sadd.s32 $0x2BC00, s13;
	s15 =	sadd.s32 $0x28A00, s13  }
0xa: {  	s16 =	sadd.s32 $0x25800, s13;
	s17 =	sand.u32 $0x1, s17;
	s18 =	sshll.u32 s18, $0xA  }
0xb: {  	_ =	strace $0x8000004A;
	s19 =	ssub.s32 $0x2, s17;
	s21 =	sshll.u32 s17, $0x9  }
0xc: {  	s17 =	sadd.s32 $0x22600, s13;
	s22 =	sshrl.u32 s19, $0x1;
	s21 =	sor.u32 s21, s18  }
0xd: {  	s18 =	sadd.s32 $0x1F400, s13;
	s13 =	simm.s32 $0x4000;
	s30 =	ssub.s32 s19, s22  }
0xe: {  	s31 =	sshrl.u32 s21, $0x3;
	s19 =	sadd.s32 s0, s21;
	s22 =	simm.s32 $0x1000  }
0xf: {  	s0 =	simm.s32 $0x1;
	s20 =	sadd.s32 s20, s31;
	s21 =	smax.u32 s30, $0x1  }
.LBB2_1:
0x10: {  	s26 =	simm.s32 $0x20000  }
0x11: {  	[tilespmem:s1], [sflag:$0x2] =	stream.strided.gather [hbm4b:s19+s22], $0x2000, s26, s22, $0x38;
	[tilespmem:$0x4200] =	vst v63  }
0x12: {  	_ =	swait.ge [sflag:s24], $0x2000  }
0x13: {  	[sflag:s24] =	ssyncset.done $0x0  }
0x14: {  	s31 =	simm.s32 $0x2000;
	[sflag:s24] =	ssyncadd.s32 $0xFFFFE000  }
0x15: {  	[tilespmem:s31], [sflag:$0x1] =	stream.indirect.gather [hbm4b:s2+s25], $0x1, s1, s25, $0xb8;
	[tilespmem:$0x4200] =	vst v63  }
0x16: {  	s28 =	simm.s32 $0x2400;
	s31 =	simm.s32 $0x400  }
0x17: {  	[tilespmem:s28], [sflag:$0x1] =	stream.indirect.gather [hbm4b:s2+s25], $0x1, s31, s25, $0xb8;
	[tilespmem:$0x4200] =	vst v63  }
0x18: {  	s31 =	simm.s32 $0x800;
	s28 =	simm.s32 $0x2800  }
0x19: {  	[tilespmem:s28], [sflag:$0x1] =	stream.indirect.gather [hbm4b:s2+s25], $0x1, s31, s25, $0xb8;
	[tilespmem:$0x4200] =	vst v63  }
0x1a: {  	s31 =	simm.s32 $0xC00;
	s28 =	simm.s32 $0x2C00  }
0x1b: {  	[tilespmem:s28], [sflag:$0x1] =	stream.indirect.gather [hbm4b:s2+s25], $0x1, s31, s25, $0xb8;
	[tilespmem:$0x4200] =	vst v63  }
0x1c: {  	s31 =	simm.s32 $0x2080  }
0x1d: {  	[tilespmem:s31], [sflag:$0x1] =	stream.indirect.gather [hbm4b:s3+s25], $0x1, s25, s25, $0xb8;
	[tilespmem:$0x4200] =	vst v63  }
0x1e: {  	s28 =	simm.s32 $0x2480;
	s31 =	simm.s32 $0x480  }
0x1f: {  	[tilespmem:s28], [sflag:$0x1] =	stream.indirect.gather [hbm4b:s3+s25], $0x1, s31, s25, $0xb8;
	[tilespmem:$0x4200] =	vst v63  }
0x20: {  	s31 =	simm.s32 $0x880;
	s28 =	simm.s32 $0x2880  }
0x21: {  	[tilespmem:s28], [sflag:$0x1] =	stream.indirect.gather [hbm4b:s3+s25], $0x1, s31, s25, $0xb8;
	[tilespmem:$0x4200] =	vst v63  }
0x22: {  	s31 =	simm.s32 $0xC80;
	s28 =	simm.s32 $0x2C80  }
0x23: {  	[tilespmem:s28], [sflag:$0x1] =	stream.indirect.gather [hbm4b:s3+s25], $0x1, s31, s25, $0xb8;
	[tilespmem:$0x4200] =	vst v63  }
0x24: {  	s31 =	simm.s32 $0x100;
	s28 =	simm.s32 $0x2100  }
0x25: {  	[tilespmem:s28], [sflag:$0x1] =	stream.indirect.gather [hbm4b:s4+s25], $0x1, s31, s25, $0xb8;
	[tilespmem:$0x4200] =	vst v63  }
0x26: {  	s31 =	simm.s32 $0x500;
	s28 =	simm.s32 $0x2500  }
0x27: {  	[tilespmem:s28], [sflag:$0x1] =	stream.indirect.gather [hbm4b:s4+s25], $0x1, s31, s25, $0xb8;
	[tilespmem:$0x4200] =	vst v63  }
0x28: {  	s31 =	simm.s32 $0x900;
	s28 =	simm.s32 $0x2900  }
0x29: {  	[tilespmem:s28], [sflag:$0x1] =	stream.indirect.gather [hbm4b:s4+s25], $0x1, s31, s25, $0xb8;
	[tilespmem:$0x4200] =	vst v63  }
0x2a: {  	s31 =	simm.s32 $0xD00;
	s28 =	simm.s32 $0x2D00  }
0x2b: {  	[tilespmem:s28], [sflag:$0x1] =	stream.indirect.gather [hbm4b:s4+s25], $0x1, s31, s25, $0xb8;
	[tilespmem:$0x4200] =	vst v63  }
0x2c: {  	s31 =	simm.s32 $0x180;
	s28 =	simm.s32 $0x2180  }
0x2d: {  	[tilespmem:s28], [sflag:$0x1] =	stream.indirect.gather [hbm4b:s5+s25], $0x1, s31, s25, $0xb8;
	[tilespmem:$0x4200] =	vst v63  }
0x2e: {  	s31 =	simm.s32 $0x580;
	s28 =	simm.s32 $0x2580  }
0x2f: {  	[tilespmem:s28], [sflag:$0x1] =	stream.indirect.gather [hbm4b:s5+s25], $0x1, s31, s25, $0xb8;
	[tilespmem:$0x4200] =	vst v63  }
0x30: {  	s31 =	simm.s32 $0x980;
	s28 =	simm.s32 $0x2980  }
0x31: {  	[tilespmem:s28], [sflag:$0x1] =	stream.indirect.gather [hbm4b:s5+s25], $0x1, s31, s25, $0xb8;
	[tilespmem:$0x4200] =	vst v63  }
0x32: {  	s31 =	simm.s32 $0xD80;
	s28 =	simm.s32 $0x2D80  }
0x33: {  	[tilespmem:s28], [sflag:$0x1] =	stream.indirect.gather [hbm4b:s5+s25], $0x1, s31, s25, $0xb8;
	[tilespmem:$0x4200] =	vst v63  }
0x34: {  	s31 =	simm.s32 $0x200;
	s28 =	simm.s32 $0x2200  }
0x35: {  	[tilespmem:s28], [sflag:$0x1] =	stream.indirect.gather [hbm4b:s6+s25], $0x1, s31, s25, $0xb8;
	[tilespmem:$0x4200] =	vst v63  }
0x36: {  	s31 =	simm.s32 $0x600;
	s28 =	simm.s32 $0x2600  }
0x37: {  	[tilespmem:s28], [sflag:$0x1] =	stream.indirect.gather [hbm4b:s6+s25], $0x1, s31, s25, $0xb8;
	[tilespmem:$0x4200] =	vst v63  }
0x38: {  	s31 =	simm.s32 $0xA00;
	s28 =	simm.s32 $0x2A00  }
0x39: {  	[tilespmem:s28], [sflag:$0x1] =	stream.indirect.gather [hbm4b:s6+s25], $0x1, s31, s25, $0xb8;
	[tilespmem:$0x4200] =	vst v63  }
0x3a: {  	s31 =	simm.s32 $0xE00;
	s28 =	simm.s32 $0x2E00  }
0x3b: {  	[tilespmem:s28], [sflag:$0x1] =	stream.indirect.gather [hbm4b:s6+s25], $0x1, s31, s25, $0xb8;
	[tilespmem:$0x4200] =	vst v63  }
0x3c: {  	s31 =	simm.s32 $0x280;
	s28 =	simm.s32 $0x2280  }
0x3d: {  	[tilespmem:s28], [sflag:$0x1] =	stream.indirect.gather [hbm4b:s7+s25], $0x1, s31, s25, $0xb8;
	[tilespmem:$0x4200] =	vst v63  }
0x3e: {  	s31 =	simm.s32 $0x680;
	s28 =	simm.s32 $0x2680  }
0x3f: {  	[tilespmem:s28], [sflag:$0x1] =	stream.indirect.gather [hbm4b:s7+s25], $0x1, s31, s25, $0xb8;
	[tilespmem:$0x4200] =	vst v63  }
0x40: {  	s31 =	simm.s32 $0xA80;
	s28 =	simm.s32 $0x2A80  }
0x41: {  	[tilespmem:s28], [sflag:$0x1] =	stream.indirect.gather [hbm4b:s7+s25], $0x1, s31, s25, $0xb8;
	[tilespmem:$0x4200] =	vst v63  }
0x42: {  	s31 =	simm.s32 $0xE80;
	s28 =	simm.s32 $0x2E80  }
0x43: {  	[tilespmem:s28], [sflag:$0x1] =	stream.indirect.gather [hbm4b:s7+s25], $0x1, s31, s25, $0xb8;
	[tilespmem:$0x4200] =	vst v63  }
0x44: {  	s31 =	simm.s32 $0x300;
	s28 =	simm.s32 $0x2300  }
0x45: {  	[tilespmem:s28], [sflag:$0x1] =	stream.indirect.gather [hbm4b:s8+s25], $0x1, s31, s25, $0xb8;
	[tilespmem:$0x4200] =	vst v63  }
0x46: {  	s31 =	simm.s32 $0x700;
	s28 =	simm.s32 $0x2700  }
0x47: {  	[tilespmem:s28], [sflag:$0x1] =	stream.indirect.gather [hbm4b:s8+s25], $0x1, s31, s25, $0xb8;
	[tilespmem:$0x4200] =	vst v63  }
0x48: {  	s31 =	simm.s32 $0xB00;
	s28 =	simm.s32 $0x2B00  }
0x49: {  	[tilespmem:s28], [sflag:$0x1] =	stream.indirect.gather [hbm4b:s8+s25], $0x1, s31, s25, $0xb8;
	[tilespmem:$0x4200] =	vst v63  }
0x4a: {  	s31 =	simm.s32 $0xF00;
	s28 =	simm.s32 $0x2F00  }
0x4b: {  	[tilespmem:s28], [sflag:$0x1] =	stream.indirect.gather [hbm4b:s8+s25], $0x1, s31, s25, $0xb8;
	[tilespmem:$0x4200] =	vst v63  }
0x4c: {  	s31 =	simm.s32 $0x380;
	s28 =	simm.s32 $0x2380  }
0x4d: {  	[tilespmem:s28], [sflag:$0x1] =	stream.indirect.gather [hbm4b:s9+s25], $0x1, s31, s25, $0xb8;
	[tilespmem:$0x4200] =	vst v63  }
0x4e: {  	s31 =	simm.s32 $0x780;
	s28 =	simm.s32 $0x2780  }
0x4f: {  	[tilespmem:s28], [sflag:$0x1] =	stream.indirect.gather [hbm4b:s9+s25], $0x1, s31, s25, $0xb8;
	[tilespmem:$0x4200] =	vst v63  }
0x50: {  	s31 =	simm.s32 $0xB80;
	s28 =	simm.s32 $0x2B80  }
0x51: {  	[tilespmem:s28], [sflag:$0x1] =	stream.indirect.gather [hbm4b:s9+s25], $0x1, s31, s25, $0xb8;
	[tilespmem:$0x4200] =	vst v63  }
0x52: {  	s31 =	simm.s32 $0xF80;
	s28 =	simm.s32 $0x2F80  }
0x53: {  	[tilespmem:s28], [sflag:$0x1] =	stream.indirect.gather [hbm4b:s9+s25], $0x1, s31, s25, $0xb8;
	[tilespmem:$0x4200] =	vst v63  }
0x54: {  	s31 =	simm.s32 $0x3000  }
0x55: {  	[tilespmem:s31], [sflag:$0x1] =	stream.indirect.gather [hbm4b:s10+s25], $0x1, s22, s25, $0xb8;
	[tilespmem:$0x4200] =	vst v63  }
0x56: {  	s28 =	simm.s32 $0x3400;
	s31 =	simm.s32 $0x1400  }
0x57: {  	[tilespmem:s28], [sflag:$0x1] =	stream.indirect.gather [hbm4b:s10+s25], $0x1, s31, s25, $0xb8;
	[tilespmem:$0x4200] =	vst v63  }
0x58: {  	s31 =	simm.s32 $0x1800;
	s28 =	simm.s32 $0x3800  }
0x59: {  	[tilespmem:s28], [sflag:$0x1] =	stream.indirect.gather [hbm4b:s10+s25], $0x1, s31, s25, $0xb8;
	[tilespmem:$0x4200] =	vst v63  }
0x5a: {  	s31 =	simm.s32 $0x1C00;
	s28 =	simm.s32 $0x3C00  }
0x5b: {  	[tilespmem:s28], [sflag:$0x1] =	stream.indirect.gather [hbm4b:s10+s25], $0x1, s31, s25, $0xb8;
	[tilespmem:$0x4200] =	vst v63  }
0x5c: {  	s31 =	simm.s32 $0x1080;
	s28 =	simm.s32 $0x3080  }
0x5d: {  	[tilespmem:s28], [sflag:$0x1] =	stream.indirect.gather [hbm4b:s11+s25], $0x1, s31, s25, $0xb8;
	[tilespmem:$0x4200] =	vst v63  }
0x5e: {  	s31 =	simm.s32 $0x1480;
	s28 =	simm.s32 $0x3480  }
0x5f: {  	[tilespmem:s28], [sflag:$0x1] =	stream.indirect.gather [hbm4b:s11+s25], $0x1, s31, s25, $0xb8;
	[tilespmem:$0x4200] =	vst v63  }
0x60: {  	s31 =	simm.s32 $0x1880;
	s28 =	simm.s32 $0x3880  }
0x61: {  	[tilespmem:s28], [sflag:$0x1] =	stream.indirect.gather [hbm4b:s11+s25], $0x1, s31, s25, $0xb8;
	[tilespmem:$0x4200] =	vst v63  }
0x62: {  	s31 =	simm.s32 $0x1C80;
	s28 =	simm.s32 $0x3C80  }
0x63: {  	[tilespmem:s28], [sflag:$0x1] =	stream.indirect.gather [hbm4b:s11+s25], $0x1, s31, s25, $0xb8;
	[tilespmem:$0x4200] =	vst v63  }
0x64: {  	s31 =	simm.s32 $0x1100;
	s28 =	simm.s32 $0x3100  }
0x65: {  	[tilespmem:s28], [sflag:$0x1] =	stream.indirect.gather [hbm4b:s12+s25], $0x1, s31, s25, $0xb8;
	[tilespmem:$0x4200] =	vst v63  }
0x66: {  	s31 =	simm.s32 $0x1500;
	s28 =	simm.s32 $0x3500  }
0x67: {  	[tilespmem:s28], [sflag:$0x1] =	stream.indirect.gather [hbm4b:s12+s25], $0x1, s31, s25, $0xb8;
	[tilespmem:$0x4200] =	vst v63  }
0x68: {  	s31 =	simm.s32 $0x1900;
	s28 =	simm.s32 $0x3900  }
0x69: {  	[tilespmem:s28], [sflag:$0x1] =	stream.indirect.gather [hbm4b:s12+s25], $0x1, s31, s25, $0xb8;
	[tilespmem:$0x4200] =	vst v63  }
0x6a: {  	s31 =	simm.s32 $0x1D00;
	s28 =	simm.s32 $0x3D00  }
0x6b: {  	[tilespmem:s28], [sflag:$0x1] =	stream.indirect.gather [hbm4b:s12+s25], $0x1, s31, s25, $0xb8;
	[tilespmem:$0x4200] =	vst v63  }
0x6c: {  	s31 =	simm.s32 $0x1180;
	s28 =	simm.s32 $0x3180  }
0x6d: {  	[tilespmem:s28], [sflag:$0x1] =	stream.indirect.gather [hbm4b:s14+s25], $0x1, s31, s25, $0xb8;
	[tilespmem:$0x4200] =	vst v63  }
0x6e: {  	s31 =	simm.s32 $0x1580;
	s28 =	simm.s32 $0x3580  }
0x6f: {  	[tilespmem:s28], [sflag:$0x1] =	stream.indirect.gather [hbm4b:s14+s25], $0x1, s31, s25, $0xb8;
	[tilespmem:$0x4200] =	vst v63  }
0x70: {  	s31 =	simm.s32 $0x1980;
	s28 =	simm.s32 $0x3980  }
0x71: {  	[tilespmem:s28], [sflag:$0x1] =	stream.indirect.gather [hbm4b:s14+s25], $0x1, s31, s25, $0xb8;
	[tilespmem:$0x4200] =	vst v63  }
0x72: {  	s31 =	simm.s32 $0x1D80;
	s28 =	simm.s32 $0x3D80  }
0x73: {  	[tilespmem:s28], [sflag:$0x1] =	stream.indirect.gather [hbm4b:s14+s25], $0x1, s31, s25, $0xb8;
	[tilespmem:$0x4200] =	vst v63  }
0x74: {  	s31 =	simm.s32 $0x1200;
	s28 =	simm.s32 $0x3200  }
0x75: {  	[tilespmem:s28], [sflag:$0x1] =	stream.indirect.gather [hbm4b:s15+s25], $0x1, s31, s25, $0xb8;
	[tilespmem:$0x4200] =	vst v63  }
0x76: {  	s31 =	simm.s32 $0x1600;
	s28 =	simm.s32 $0x3600  }
0x77: {  	[tilespmem:s28], [sflag:$0x1] =	stream.indirect.gather [hbm4b:s15+s25], $0x1, s31, s25, $0xb8;
	[tilespmem:$0x4200] =	vst v63  }
0x78: {  	s31 =	simm.s32 $0x1A00;
	s28 =	simm.s32 $0x3A00  }
0x79: {  	[tilespmem:s28], [sflag:$0x1] =	stream.indirect.gather [hbm4b:s15+s25], $0x1, s31, s25, $0xb8;
	[tilespmem:$0x4200] =	vst v63  }
0x7a: {  	s31 =	simm.s32 $0x1E00;
	s28 =	simm.s32 $0x3E00  }
0x7b: {  	[tilespmem:s28], [sflag:$0x1] =	stream.indirect.gather [hbm4b:s15+s25], $0x1, s31, s25, $0xb8;
	[tilespmem:$0x4200] =	vst v63  }
0x7c: {  	s31 =	simm.s32 $0x1280;
	s28 =	simm.s32 $0x3280  }
0x7d: {  	[tilespmem:s28], [sflag:$0x1] =	stream.indirect.gather [hbm4b:s16+s25], $0x1, s31, s25, $0xb8;
	[tilespmem:$0x4200] =	vst v63  }
0x7e: {  	s31 =	simm.s32 $0x1680;
	s28 =	simm.s32 $0x3680  }
0x7f: {  	[tilespmem:s28], [sflag:$0x1] =	stream.indirect.gather [hbm4b:s16+s25], $0x1, s31, s25, $0xb8;
	[tilespmem:$0x4200] =	vst v63  }
0x80: {  	s31 =	simm.s32 $0x1A80;
	s28 =	simm.s32 $0x3A80  }
0x81: {  	[tilespmem:s28], [sflag:$0x1] =	stream.indirect.gather [hbm4b:s16+s25], $0x1, s31, s25, $0xb8;
	[tilespmem:$0x4200] =	vst v63  }
0x82: {  	s31 =	simm.s32 $0x1E80;
	s28 =	simm.s32 $0x3E80  }
0x83: {  	[tilespmem:s28], [sflag:$0x1] =	stream.indirect.gather [hbm4b:s16+s25], $0x1, s31, s25, $0xb8;
	[tilespmem:$0x4200] =	vst v63  }
0x84: {  	s31 =	simm.s32 $0x1300;
	s28 =	simm.s32 $0x3300  }
0x85: {  	[tilespmem:s28], [sflag:$0x1] =	stream.indirect.gather [hbm4b:s17+s25], $0x1, s31, s25, $0xb8;
	[tilespmem:$0x4200] =	vst v63  }
0x86: {  	s31 =	simm.s32 $0x1700;
	s28 =	simm.s32 $0x3700  }
0x87: {  	[tilespmem:s28], [sflag:$0x1] =	stream.indirect.gather [hbm4b:s17+s25], $0x1, s31, s25, $0xb8;
	[tilespmem:$0x4200] =	vst v63  }
0x88: {  	s31 =	simm.s32 $0x1B00;
	s28 =	simm.s32 $0x3B00  }
0x89: {  	[tilespmem:s28], [sflag:$0x1] =	stream.indirect.gather [hbm4b:s17+s25], $0x1, s31, s25, $0xb8;
	[tilespmem:$0x4200] =	vst v63  }
0x8a: {  	s31 =	simm.s32 $0x1F00;
	s28 =	simm.s32 $0x3F00  }
0x8b: {  	[tilespmem:s28], [sflag:$0x1] =	stream.indirect.gather [hbm4b:s17+s25], $0x1, s31, s25, $0xb8;
	[tilespmem:$0x4200] =	vst v63  }
0x8c: {  	s31 =	simm.s32 $0x1380;
	s28 =	simm.s32 $0x3380  }
0x8d: {  	[tilespmem:s28], [sflag:$0x1] =	stream.indirect.gather [hbm4b:s18+s25], $0x1, s31, s25, $0xb8;
	[tilespmem:$0x4200] =	vst v63  }
0x8e: {  	s31 =	simm.s32 $0x1780;
	s28 =	simm.s32 $0x3780  }
0x8f: {  	[tilespmem:s28], [sflag:$0x1] =	stream.indirect.gather [hbm4b:s18+s25], $0x1, s31, s25, $0xb8;
	[tilespmem:$0x4200] =	vst v63  }
0x90: {  	s31 =	simm.s32 $0x1B80;
	s28 =	simm.s32 $0x3B80  }
0x91: {  	[tilespmem:s28], [sflag:$0x1] =	stream.indirect.gather [hbm4b:s18+s25], $0x1, s31, s25, $0xb8;
	[tilespmem:$0x4200] =	vst v63  }
0x92: {  	s31 =	simm.s32 $0x1F80;
	s28 =	simm.s32 $0x3F80  }
0x93: {  	[tilespmem:s28], [sflag:$0x1] =	stream.indirect.gather [hbm4b:s18+s25], $0x1, s31, s25, $0xb8;
	[tilespmem:$0x4200] =	vst v63  }
0x94: {  	_ =	swait.ge [sflag:s0], $0x80  }
0x95: {  	[sflag:s0] =	ssyncset.done $0x0  }
0x96: {  	[sflag:s0] =	ssyncadd.s32 $0xFFFFFF80  }
0x97: {  	_ =	swait.ge [sflag:s0], $0x80  }
0x98: {  	[sflag:s0] =	ssyncset.done $0x0  }
0x99: {  	[sflag:s0] =	ssyncadd.s32 $0xFFFFFF80  }
0x9a: {  	_ =	swait.ge [sflag:s0], $0x80  }
0x9b: {  	[sflag:s0] =	ssyncset.done $0x0  }
0x9c: {  	[sflag:s0] =	ssyncadd.s32 $0xFFFFFF80  }
0x9d: {  	_ =	swait.ge [sflag:s0], $0x80  }
0x9e: {  	[sflag:s0] =	ssyncset.done $0x0  }
0x9f: {  	[sflag:s0] =	ssyncadd.s32 $0xFFFFFF80  }
0xa0: {  	_ =	swait.ge [sflag:s0], $0x80  }
0xa1: {  	[sflag:s0] =	ssyncset.done $0x0  }
0xa2: {  	[sflag:s0] =	ssyncadd.s32 $0xFFFFFF80  }
0xa3: {  	_ =	swait.ge [sflag:s0], $0x80  }
0xa4: {  	[sflag:s0] =	ssyncset.done $0x0  }
0xa5: {  	[sflag:s0] =	ssyncadd.s32 $0xFFFFFF80  }
0xa6: {  	_ =	swait.ge [sflag:s0], $0x80  }
0xa7: {  	[sflag:s0] =	ssyncset.done $0x0  }
0xa8: {  	[sflag:s0] =	ssyncadd.s32 $0xFFFFFF80  }
0xa9: {  	_ =	swait.ge [sflag:s0], $0x80  }
0xaa: {  	[sflag:s0] =	ssyncset.done $0x0  }
0xab: {  	[sflag:s0] =	ssyncadd.s32 $0xFFFFFF80  }
0xac: {  	_ =	swait.ge [sflag:s0], $0x80  }
0xad: {  	[sflag:s0] =	ssyncset.done $0x0  }
0xae: {  	[sflag:s0] =	ssyncadd.s32 $0xFFFFFF80  }
0xaf: {  	_ =	swait.ge [sflag:s0], $0x80  }
0xb0: {  	[sflag:s0] =	ssyncset.done $0x0  }
0xb1: {  	[sflag:s0] =	ssyncadd.s32 $0xFFFFFF80  }
0xb2: {  	_ =	swait.ge [sflag:s0], $0x80  }
0xb3: {  	[sflag:s0] =	ssyncset.done $0x0  }
0xb4: {  	[sflag:s0] =	ssyncadd.s32 $0xFFFFFF80  }
0xb5: {  	_ =	swait.ge [sflag:s0], $0x80  }
0xb6: {  	[sflag:s0] =	ssyncset.done $0x0  }
0xb7: {  	[sflag:s0] =	ssyncadd.s32 $0xFFFFFF80  }
0xb8: {  	_ =	swait.ge [sflag:s0], $0x80  }
0xb9: {  	[sflag:s0] =	ssyncset.done $0x0  }
0xba: {  	[sflag:s0] =	ssyncadd.s32 $0xFFFFFF80  }
0xbb: {  	_ =	swait.ge [sflag:s0], $0x80  }
0xbc: {  	[sflag:s0] =	ssyncset.done $0x0  }
0xbd: {  	[sflag:s0] =	ssyncadd.s32 $0xFFFFFF80  }
0xbe: {  	_ =	swait.ge [sflag:s0], $0x80  }
0xbf: {  	[sflag:s0] =	ssyncset.done $0x0  }
0xc0: {  	[sflag:s0] =	ssyncadd.s32 $0xFFFFFF80  }
0xc1: {  	_ =	swait.ge [sflag:s0], $0x80  }
0xc2: {  	[sflag:s0] =	ssyncset.done $0x0  }
0xc3: {  	[sflag:s0] =	ssyncadd.s32 $0xFFFFFF80  }
0xc4: {  	_ =	swait.ge [sflag:s0], $0x80  }
0xc5: {  	[sflag:s0] =	ssyncset.done $0x0  }
0xc6: {  	[sflag:s0] =	ssyncadd.s32 $0xFFFFFF80  }
0xc7: {  	_ =	swait.ge [sflag:s0], $0x80  }
0xc8: {  	[sflag:s0] =	ssyncset.done $0x0  }
0xc9: {  	[sflag:s0] =	ssyncadd.s32 $0xFFFFFF80  }
0xca: {  	_ =	swait.ge [sflag:s0], $0x80  }
0xcb: {  	[sflag:s0] =	ssyncset.done $0x0  }
0xcc: {  	[sflag:s0] =	ssyncadd.s32 $0xFFFFFF80  }
0xcd: {  	_ =	swait.ge [sflag:s0], $0x80  }
0xce: {  	[sflag:s0] =	ssyncset.done $0x0  }
0xcf: {  	[sflag:s0] =	ssyncadd.s32 $0xFFFFFF80  }
0xd0: {  	_ =	swait.ge [sflag:s0], $0x80  }
0xd1: {  	[sflag:s0] =	ssyncset.done $0x0  }
0xd2: {  	[sflag:s0] =	ssyncadd.s32 $0xFFFFFF80  }
0xd3: {  	_ =	swait.ge [sflag:s0], $0x80  }
0xd4: {  	[sflag:s0] =	ssyncset.done $0x0  }
0xd5: {  	[sflag:s0] =	ssyncadd.s32 $0xFFFFFF80  }
0xd6: {  	_ =	swait.ge [sflag:s0], $0x80  }
0xd7: {  	[sflag:s0] =	ssyncset.done $0x0  }
0xd8: {  	[sflag:s0] =	ssyncadd.s32 $0xFFFFFF80  }
0xd9: {  	_ =	swait.ge [sflag:s0], $0x80  }
0xda: {  	[sflag:s0] =	ssyncset.done $0x0  }
0xdb: {  	[sflag:s0] =	ssyncadd.s32 $0xFFFFFF80  }
0xdc: {  	_ =	swait.ge [sflag:s0], $0x80  }
0xdd: {  	[sflag:s0] =	ssyncset.done $0x0  }
0xde: {  	[sflag:s0] =	ssyncadd.s32 $0xFFFFFF80  }
0xdf: {  	_ =	swait.ge [sflag:s0], $0x80  }
0xe0: {  	[sflag:s0] =	ssyncset.done $0x0  }
0xe1: {  	[sflag:s0] =	ssyncadd.s32 $0xFFFFFF80  }
0xe2: {  	_ =	swait.ge [sflag:s0], $0x80  }
0xe3: {  	[sflag:s0] =	ssyncset.done $0x0  }
0xe4: {  	[sflag:s0] =	ssyncadd.s32 $0xFFFFFF80  }
0xe5: {  	_ =	swait.ge [sflag:s0], $0x80  }
0xe6: {  	[sflag:s0] =	ssyncset.done $0x0  }
0xe7: {  	[sflag:s0] =	ssyncadd.s32 $0xFFFFFF80  }
0xe8: {  	_ =	swait.ge [sflag:s0], $0x80  }
0xe9: {  	[sflag:s0] =	ssyncset.done $0x0  }
0xea: {  	[sflag:s0] =	ssyncadd.s32 $0xFFFFFF80  }
0xeb: {  	_ =	swait.ge [sflag:s0], $0x80  }
0xec: {  	[sflag:s0] =	ssyncset.done $0x0  }
0xed: {  	[sflag:s0] =	ssyncadd.s32 $0xFFFFFF80  }
0xee: {  	_ =	swait.ge [sflag:s0], $0x80  }
0xef: {  	[sflag:s0] =	ssyncset.done $0x0  }
0xf0: {  	[sflag:s0] =	ssyncadd.s32 $0xFFFFFF80  }
0xf1: {  	_ =	swait.ge [sflag:s0], $0x80  }
0xf2: {  	[sflag:s0] =	ssyncset.done $0x0  }
0xf3: {  	[sflag:s0] =	ssyncadd.s32 $0xFFFFFF80  }
0xf4: {  	_ =	swait.ge [sflag:s0], $0x80  }
0xf5: {  	[sflag:s0] =	ssyncset.done $0x0  }
0xf6: {  	[sflag:s0] =	ssyncadd.s32 $0xFFFFFF80  }
0xf7: {  	_ =	swait.ge [sflag:s0], $0x80  }
0xf8: {  	[sflag:s0] =	ssyncset.done $0x0  }
0xf9: {  	[sflag:s0] =	ssyncadd.s32 $0xFFFFFF80  }
0xfa: {  	_ =	swait.ge [sflag:s0], $0x80  }
0xfb: {  	[sflag:s0] =	ssyncset.done $0x0  }
0xfc: {  	[sflag:s0] =	ssyncadd.s32 $0xFFFFFF80  }
0xfd: {  	_ =	swait.ge [sflag:s0], $0x80  }
0xfe: {  	[sflag:s0] =	ssyncset.done $0x0  }
0xff: {  	[sflag:s0] =	ssyncadd.s32 $0xFFFFFF80  }
0x100: {  	_ =	swait.ge [sflag:s0], $0x80  }
0x101: {  	[sflag:s0] =	ssyncset.done $0x0  }
0x102: {  	[sflag:s0] =	ssyncadd.s32 $0xFFFFFF80  }
0x103: {  	_ =	swait.ge [sflag:s0], $0x80  }
0x104: {  	[sflag:s0] =	ssyncset.done $0x0  }
0x105: {  	[sflag:s0] =	ssyncadd.s32 $0xFFFFFF80  }
0x106: {  	_ =	swait.ge [sflag:s0], $0x80  }
0x107: {  	[sflag:s0] =	ssyncset.done $0x0  }
0x108: {  	[sflag:s0] =	ssyncadd.s32 $0xFFFFFF80  }
0x109: {  	_ =	swait.ge [sflag:s0], $0x80  }
0x10a: {  	[sflag:s0] =	ssyncset.done $0x0  }
0x10b: {  	[sflag:s0] =	ssyncadd.s32 $0xFFFFFF80  }
0x10c: {  	_ =	swait.ge [sflag:s0], $0x80  }
0x10d: {  	[sflag:s0] =	ssyncset.done $0x0  }
0x10e: {  	[sflag:s0] =	ssyncadd.s32 $0xFFFFFF80  }
0x10f: {  	_ =	swait.ge [sflag:s0], $0x80  }
0x110: {  	[sflag:s0] =	ssyncset.done $0x0  }
0x111: {  	[sflag:s0] =	ssyncadd.s32 $0xFFFFFF80  }
0x112: {  	_ =	swait.ge [sflag:s0], $0x80  }
0x113: {  	[sflag:s0] =	ssyncset.done $0x0  }
0x114: {  	[sflag:s0] =	ssyncadd.s32 $0xFFFFFF80  }
0x115: {  	_ =	swait.ge [sflag:s0], $0x80  }
0x116: {  	[sflag:s0] =	ssyncset.done $0x0  }
0x117: {  	[sflag:s0] =	ssyncadd.s32 $0xFFFFFF80  }
0x118: {  	_ =	swait.ge [sflag:s0], $0x80  }
0x119: {  	[sflag:s0] =	ssyncset.done $0x0  }
0x11a: {  	[sflag:s0] =	ssyncadd.s32 $0xFFFFFF80  }
0x11b: {  	_ =	swait.ge [sflag:s0], $0x80  }
0x11c: {  	[sflag:s0] =	ssyncset.done $0x0  }
0x11d: {  	[sflag:s0] =	ssyncadd.s32 $0xFFFFFF80  }
0x11e: {  	_ =	swait.ge [sflag:s0], $0x80  }
0x11f: {  	[sflag:s0] =	ssyncset.done $0x0  }
0x120: {  	[sflag:s0] =	ssyncadd.s32 $0xFFFFFF80  }
0x121: {  	_ =	swait.ge [sflag:s0], $0x80  }
0x122: {  	[sflag:s0] =	ssyncset.done $0x0  }
0x123: {  	[sflag:s0] =	ssyncadd.s32 $0xFFFFFF80  }
0x124: {  	_ =	swait.ge [sflag:s0], $0x80  }
0x125: {  	[sflag:s0] =	ssyncset.done $0x0  }
0x126: {  	[sflag:s0] =	ssyncadd.s32 $0xFFFFFF80  }
0x127: {  	_ =	swait.ge [sflag:s0], $0x80  }
0x128: {  	[sflag:s0] =	ssyncset.done $0x0  }
0x129: {  	[sflag:s0] =	ssyncadd.s32 $0xFFFFFF80  }
0x12a: {  	_ =	swait.ge [sflag:s0], $0x80  }
0x12b: {  	[sflag:s0] =	ssyncset.done $0x0  }
0x12c: {  	[sflag:s0] =	ssyncadd.s32 $0xFFFFFF80  }
0x12d: {  	_ =	swait.ge [sflag:s0], $0x80  }
0x12e: {  	[sflag:s0] =	ssyncset.done $0x0  }
0x12f: {  	[sflag:s0] =	ssyncadd.s32 $0xFFFFFF80  }
0x130: {  	_ =	swait.ge [sflag:s0], $0x80  }
0x131: {  	[sflag:s0] =	ssyncset.done $0x0  }
0x132: {  	[sflag:s0] =	ssyncadd.s32 $0xFFFFFF80  }
0x133: {  	_ =	swait.ge [sflag:s0], $0x80  }
0x134: {  	[sflag:s0] =	ssyncset.done $0x0  }
0x135: {  	[sflag:s0] =	ssyncadd.s32 $0xFFFFFF80  }
0x136: {  	_ =	swait.ge [sflag:s0], $0x80  }
0x137: {  	[sflag:s0] =	ssyncset.done $0x0  }
0x138: {  	[sflag:s0] =	ssyncadd.s32 $0xFFFFFF80  }
0x139: {  	_ =	swait.ge [sflag:s0], $0x80  }
0x13a: {  	[sflag:s0] =	ssyncset.done $0x0  }
0x13b: {  	[sflag:s0] =	ssyncadd.s32 $0xFFFFFF80  }
0x13c: {  	_ =	swait.ge [sflag:s0], $0x80  }
0x13d: {  	[sflag:s0] =	ssyncset.done $0x0  }
0x13e: {  	[sflag:s0] =	ssyncadd.s32 $0xFFFFFF80  }
0x13f: {  	_ =	swait.ge [sflag:s0], $0x80  }
0x140: {  	[sflag:s0] =	ssyncset.done $0x0  }
0x141: {  	[sflag:s0] =	ssyncadd.s32 $0xFFFFFF80  }
0x142: {  	_ =	swait.ge [sflag:s0], $0x80  }
0x143: {  	[sflag:s0] =	ssyncset.done $0x0  }
0x144: {  	[sflag:s0] =	ssyncadd.s32 $0xFFFFFF80  }
0x145: {  	_ =	swait.ge [sflag:s0], $0x80  }
0x146: {  	[sflag:s0] =	ssyncset.done $0x0  }
0x147: {  	[sflag:s0] =	ssyncadd.s32 $0xFFFFFF80  }
0x148: {  	_ =	swait.ge [sflag:s0], $0x80  }
0x149: {  	[sflag:s0] =	ssyncset.done $0x0  }
0x14a: {  	[sflag:s0] =	ssyncadd.s32 $0xFFFFFF80  }
0x14b: {  	_ =	swait.ge [sflag:s0], $0x80  }
0x14c: {  	[sflag:s0] =	ssyncset.done $0x0  }
0x14d: {  	[sflag:s0] =	ssyncadd.s32 $0xFFFFFF80  }
0x14e: {  	_ =	swait.ge [sflag:s0], $0x80  }
0x14f: {  	[sflag:s0] =	ssyncset.done $0x0  }
0x150: {  	[sflag:s0] =	ssyncadd.s32 $0xFFFFFF80  }
0x151: {  	_ =	swait.ge [sflag:s0], $0x80  }
0x152: {  	s31 =	sand.u32 $0x70, s1;
	s28 =	sand.u32 $0xC00, s1;
	[sflag:s0] =	ssyncset.done $0x0  }
0x153: {  	s26 =	sor.u32 s31, s28;
	[sflag:s0] =	ssyncadd.s32 $0xFFFFFF80  }
0x154: {  	v0 =	vld [tilespmem:s26+$0x2080]  }
0x155: {  	v1 =	vld [tilespmem:s26+$0x2000];
	_ =	sdelay $0x1  }
0x156: {  	v2 =	vld [tilespmem:s26+$0x2100];
	_ =	sdelay $0x1  }
0x157: {  	v3 =	vld [tilespmem:s26+$0x2180]  }
0x158: {  	v0 =	vadd.f32 v0, v1  }
0x159: {  	v52 =	vld [tilespmem:s26+$0x2200]  }
0x15a: {  	v0 =	vadd.f32 v2, v0  }
0x15b: {  	v53 =	vld [tilespmem:s26+$0x2280]  }
0x15c: {  	v0 =	vadd.f32 v3, v0  }
0x15d: {  	v54 =	vld [tilespmem:s26+$0x2300]  }
0x15e: {  	v0 =	vadd.f32 v52, v0  }
0x15f: {  	v55 =	vld [tilespmem:s26+$0x2380]  }
0x160: {  	v0 =	vadd.f32 v53, v0  }
0x161: {  	v56 =	vld [tilespmem:s26+$0x3000]  }
0x162: {  	v0 =	vadd.f32 v54, v0  }
0x163: {  	v57 =	vld [tilespmem:s26+$0x3080]  }
0x164: {  	v0 =	vadd.f32 v55, v0  }
0x165: {  	v58 =	vld [tilespmem:s26+$0x3100]  }
0x166: {  	v0 =	vadd.f32 v56, v0  }
0x167: {  	v59 =	vld [tilespmem:s26+$0x3180]  }
0x168: {  	v0 =	vadd.f32 v57, v0  }
0x169: {  	v60 =	vld [tilespmem:s26+$0x3200]  }
0x16a: {  	v0 =	vadd.f32 v58, v0  }
0x16b: {  	v61 =	vld [tilespmem:s26+$0x3280]  }
0x16c: {  	v0 =	vadd.f32 v59, v0  }
0x16d: {  	v62 =	vld [tilespmem:s26+$0x3300]  }
0x16e: {  	v0 =	vadd.f32 v60, v0  }
0x16f: {  	v63 =	vld [tilespmem:s26+$0x3380]  }
0x170: {  	v0 =	vadd.f32 v61, v0;
	_ =	sdelay $0x1  }
0x171: {  	v0 =	vadd.f32 v62, v0;
	_ =	sdelay $0x1  }
0x172: {  	s29 =	simm.s32 $0x80;
	s31 =	simm.s32 $0x10;
	v0 =	vadd.f32 v63, v0  }
0x173: {  	s28 =	sand.u32 $0xC00, s29;
	s26 =	sand.u32 $0x70, s31  }
0x174: {  	s30 =	simm.s32 $0x20;
	s28 =	sor.u32 s26, s28;
	s26 =	simm.s32 $0x4000;
	[tilespmem:s13+$0x0] =	vst v0  }
.LBB2_2:
0x175: {  	p0 =	sne.s32 s30, $0x1F0;
	v0 =	vld [tilespmem:s28+$0x2080]  }
0x176: {  	v1 =	vld [tilespmem:s28+$0x2000];
	_ =	sdelay $0x1  }
0x177: {  	v2 =	vld [tilespmem:s28+$0x2100];
	_ =	sdelay $0x1  }
0x178: {  	v3 =	vld [tilespmem:s28+$0x2180]  }
0x179: {  	v0 =	vadd.f32 v0, v1  }
0x17a: {  	v1 =	vld [tilespmem:s28+$0x2200]  }
0x17b: {  	v0 =	vadd.f32 v2, v0  }
0x17c: {  	v2 =	vld [tilespmem:s28+$0x2280]  }
0x17d: {  	v0 =	vadd.f32 v3, v0  }
0x17e: {  	v3 =	vld [tilespmem:s28+$0x2300]  }
0x17f: {  	v0 =	vadd.f32 v1, v0  }
0x180: {  	v1 =	vld [tilespmem:s28+$0x2380]  }
0x181: {  	v0 =	vadd.f32 v2, v0  }
0x182: {  	v2 =	vld [tilespmem:s28+$0x3000]  }
0x183: {  	v0 =	vadd.f32 v3, v0  }
0x184: {  	v3 =	vld [tilespmem:s28+$0x3080]  }
0x185: {  	v0 =	vadd.f32 v1, v0  }
0x186: {  	v1 =	vld [tilespmem:s28+$0x3100]  }
0x187: {  	v0 =	vadd.f32 v2, v0  }
0x188: {  	v2 =	vld [tilespmem:s28+$0x3180]  }
0x189: {  	v0 =	vadd.f32 v3, v0  }
0x18a: {  	v3 =	vld [tilespmem:s28+$0x3200]  }
0x18b: {  	v0 =	vadd.f32 v1, v0  }
0x18c: {  	v1 =	vld [tilespmem:s28+$0x3280]  }
0x18d: {  	v0 =	vadd.f32 v2, v0  }
0x18e: {  	v2 =	vld [tilespmem:s28+$0x3300]  }
0x18f: {  	v0 =	vadd.f32 v3, v0  }
0x190: {  	v3 =	vld [tilespmem:s28+$0x3380]  }
0x191: {  	v0 =	vadd.f32 v1, v0;
	_ =	sdelay $0x1  }
.Ltmp0:
0x192: {  	v0 =	vadd.f32 v2, v0;
	(pc) =	sbr.rel @p0 .LBB2_2-.Ltmp0, $4  }
0x193: {  	_ = 	snop  }
0x194: {  	s29 =	sadd.s32 $0x80, s29;
	v0 =	vadd.f32 v3, v0  }
0x195: {  	s26 =	sadd.s32 $0x10, s26;
	s31 =	sand.u32 $0xC00, s29;
	s28 =	sand.u32 $0x70, s30  }
0x196: {  	s30 =	sadd.s32 $0x10, s30;
	s28 =	sor.u32 s28, s31;
	[tilespmem:s26+$0x0] =	vst v0  }
0x197: {  	v0 =	vld [tilespmem:s28+$0x2080]  }
0x198: {  	v1 =	vld [tilespmem:s28+$0x2000];
	_ =	sdelay $0x1  }
0x199: {  	v2 =	vld [tilespmem:s28+$0x2100];
	_ =	sdelay $0x1  }
0x19a: {  	v3 =	vld [tilespmem:s28+$0x2180]  }
0x19b: {  	v0 =	vadd.f32 v0, v1  }
0x19c: {  	v52 =	vld [tilespmem:s28+$0x2200]  }
0x19d: {  	v0 =	vadd.f32 v2, v0  }
0x19e: {  	v53 =	vld [tilespmem:s28+$0x2280]  }
0x19f: {  	v0 =	vadd.f32 v3, v0  }
0x1a0: {  	v54 =	vld [tilespmem:s28+$0x2300]  }
0x1a1: {  	v0 =	vadd.f32 v52, v0  }
0x1a2: {  	v55 =	vld [tilespmem:s28+$0x2380]  }
0x1a3: {  	v0 =	vadd.f32 v53, v0  }
0x1a4: {  	v56 =	vld [tilespmem:s28+$0x3000]  }
0x1a5: {  	v0 =	vadd.f32 v54, v0  }
0x1a6: {  	v57 =	vld [tilespmem:s28+$0x3080]  }
0x1a7: {  	v0 =	vadd.f32 v55, v0  }
0x1a8: {  	v58 =	vld [tilespmem:s28+$0x3100]  }
0x1a9: {  	v0 =	vadd.f32 v56, v0  }
0x1aa: {  	v59 =	vld [tilespmem:s28+$0x3180]  }
0x1ab: {  	v0 =	vadd.f32 v57, v0  }
0x1ac: {  	v60 =	vld [tilespmem:s28+$0x3200]  }
0x1ad: {  	v0 =	vadd.f32 v58, v0  }
0x1ae: {  	v61 =	vld [tilespmem:s28+$0x3280]  }
0x1af: {  	v0 =	vadd.f32 v59, v0  }
0x1b0: {  	v62 =	vld [tilespmem:s28+$0x3300]  }
0x1b1: {  	v0 =	vadd.f32 v60, v0  }
0x1b2: {  	v63 =	vld [tilespmem:s28+$0x3380]  }
0x1b3: {  	v0 =	vadd.f32 v61, v0;
	_ =	sdelay $0x1  }
0x1b4: {  	v0 =	vadd.f32 v62, v0;
	_ =	sdelay $0x1  }
0x1b5: {  	s23 =	sadd.s32 $0x1, s23;
	v0 =	vadd.f32 v63, v0  }
0x1b6: {  	s26 =	sadd.s32 $0x10, s26;
	p0 =	sne.s32 s23, s21  }
.Ltmp1:
0x1b7: {  	[tilespmem:s26+$0x0] =	vst v0;
	(pc) =	sbr.rel @p0 .LBB2_1-.Ltmp1, $4  }
0x1b8: {  	[hbm4b:s20+s1] =	stream.linear.scatter [tilespmem:s13], [sflag:$0x2], $0x200, $0x38;
	[tilespmem:$0x4200] =	vst v63  }
0x1b9: {  	_ =	swait.ge [sflag:s24], $0x200  }
0x1ba: {  	[sflag:s24] =	ssyncset.done $0x0  }
0x1bb: {  	[sflag:s24] =	ssyncadd.s32 $0xFFFFFE00  }
0x1bc: {  	_ =	sfence.sel $0x180000  }
0x1bd: {  	[bflag:$0x0] =	sbarrier.arrive $0xFFFF  }
0x1be: {  	_ =	strace $0x9000004A  }
0x1bf: {  	s0 =	stileid.u32;
	[bflag:$0x2] =	sbarrier.arrive $0xFFFF  }
0x1c0: {  	p0 =	sne.s32 s0, $0x0;
	s0 =	rddreg [dreg:$0x3]  }
0x1c1: {  	s0 =	sadd.s32 @!p0 $0x100000, s0  }
0x1c2: {  	[sflag:s0] =	ssyncadd.tile.s32 @!p0 $0x1;
	_ =	shalt  }
.Lfunc_end2:
_tile_overlayer_lowered:
.L_overlay_start_2:
0x1c3: {  	(tag) =	ssettag $0x2  }
0x1c4: {  	s0 =	rddreg [dreg:$0x0];
	s2 =	stileid.u32  }
0x1c5: {  	s1 =	rddreg [dreg:$0x1];
	p0 =	sne.s32 s2, $0x0  }
0x1c6: {  	s3 =	rddreg [dreg:$0x2];
	[bflag:$0x3] =	sbarrier.arrive $0xFFFF;
	s2 =	simm.s32 @!p0 $0x1C02  }
0x1c7: {  	[timem:s3], [sflag:s2] =	dma.local @!p0 [hbm:s0], s1  }
0x1c8: {  	s0 =	simm.s32 @!p0 $0x2  }
0x1c9: {  	_ =	swait.ge @!p0 [sflag:s0], s1  }
0x1ca: {  	s1 =	ssub.s32 @!p0 $0x0, s1;
	[sflag:s0] =	ssyncset.done @!p0 $0x0  }
0x1cb: {  	[sflag:s0] =	ssyncadd.s32 @!p0 s1  }
0x1cc: {  	[bflag:$0x3] =	sbarrier.arrive $0xFFFF  }
0x1cd: {  	_ =	shalt  }

// kernel: kernel.8.cloned.1.call-start
scs
__scs_entry_jumppad:
0x0: {  	(pc) =	sbr.rel $0x88, $3  }
0x1: {  	(tag) =	ssettag $0x0;
	lr =	simm.s32 $0x1  }
0x2: {  	[smem:$0x3F9C] =	sst lr;
	_ =	strace $0xD0000000  }
0x3: {  	_ = 	snop  }
0x4: {  	_ = 	snop  }
0x5: {  	_ = 	snop  }
0x6: {  	_ = 	snop  }
0x7: {  	_ = 	snop  }
__scs_overlays_trampoline_lowered:
0x8: {  	[smem:$0x3FAB] =	sst s0  }
0x9: {  	[smem:$0x3FAC] =	sst s1  }
0xa: {  	[smem:$0x3FAD] =	sst s2  }
0xb: {  	[smem:$0x3FAE] =	sst s3  }
0xc: {  	[smem:$0x3FAF] =	sst s4  }
0xd: {  	[smem:$0x3FB0] =	sst s5  }
0xe: {  	[smem:$0x3FB1] =	sst s6  }
0xf: {  	[smem:$0x3FB2] =	sst s7  }
0x10: {  	[smem:$0x3FB3] =	sst s8  }
0x11: {  	[smem:$0x3FB4] =	sst s9;
	s0 =	simm.s32 @!p0 $0x0  }
0x12: {  	s1 =	sld [smem:$0x3F9A];
	s0 =	simm.s32 @p0 $0x1  }
0x13: {  	[smem:$0x3FB5] =	sst s0;
	s0 =	simm.s32 @!p1 $0x0  }
0x14: {  	s2 =	sld [smem:$0x3F99];
	s0 =	simm.s32 @p1 $0x1  }
0x15: {  	[smem:$0x3FB6] =	sst s0;
	s0 =	simm.s32 @!p2 $0x0  }
0x16: {  	s3 =	sld [smem:$0x3FDB];
	s0 =	simm.s32 @p2 $0x1  }
0x17: {  	s4 =	simm.s32 $0x1BF5;
	[smem:$0x3FB8] =	sst s0  }
0x18: {  	s0 =	sld [smem:$0x3F9B];
	_ =	swait.ge [sflag:s4], $0x0  }
0x19: {  	s7 =	sld [smem:$0x3F9C]  }
0x1a: {  	s8 =	sadd.s32 $0xFFFFE003, lr  }
0x1b: {  	s9 =	sadd.s32 $0xFFFFFEF7, lr;
	s5 =	simm.s32 $0xFFFFFFFF;
	p2 =	slt.u32 s8, $0xFFFFF086  }
0x1c: {  	p1 =	slt.u32 s9, $0xF7A;
	s5 =	simm.s32 @!p2 $0x0  }
0x1d: {  	s5 =	simm.s32 @p1 $0x1;
	p0 =	seq.s32 s7, s2  }
0x1e: {  	s7 =	smul.u32 @!p0 $0xF7A, s2;
	p2 =	seq.s32 @!p0 s5, $0x0  }
0x1f: {  	s9 =	smul.u32 $0xF7A, s1;
	s8 =	simm.s32 @!p0 $0x1BF5;
	p2 =	por !p2, p0  }
0x20: {  	[sflag:s8] =	ssyncset.s32 @!p0 $0xFFFFF086;
	s6 =	sadd.s32 @!p0 s3, s7;
	s7 =	simm.s32 @!p0 $0x108  }
0x21: {  	s3 =	sadd.s32 s3, s9;
	s6 =	sadd.s32 @!p0 $0x88, s6;
	s7 =	simm.s32 @p2 $0x1082  }
0x22: {  	[simem:s7], [sflag:s8] =	dma.local @!p0 [hbm:s6], $0xF7A  }
0x23: {  	s9 =	sor.u32 $0xD0000000, s2;
	s6 =	simm.s32 $0x108;
	_ =	swait.ge @!p0 [sflag:s8], $0x0  }
0x24: {  	s3 =	sadd.s32 $0x88, s3;
	s6 =	simm.s32 @!p1 $0x1082;
	[sflag:s4] =	ssyncset.s32 $0xFFFFF086  }
0x25: {  	[simem:s6], [sflag:s4] =	dma.local [hbm:s3], $0xF7A  }
0x26: {  	[smem:$0x3F9C] =	sst s1;
	(tag) =	ssettag s2;
	_ =	strace s9  }
0x27: {  	s1 =	sld [smem:$0x3FAC]  }
0x28: {  	s2 =	sld [smem:$0x3FAD]  }
0x29: {  	s4 =	sld [smem:$0x3FAF]  }
0x2a: {  	p0 =	seq.s32 s5, $0x0;
	s5 =	sld [smem:$0x3FB0]  }
0x2b: {  	s6 =	sld [smem:$0x3FB1]  }
0x2c: {  	s7 =	sld [smem:$0x3FB2]  }
0x2d: {  	s3 =	simm.s32 $0x108;
	s8 =	sld [smem:$0x3FB3]  }
0x2e: {  	s3 =	simm.s32 @!p0 $0x1082;
	s9 =	sld [smem:$0x3FB4]  }
0x2f: {  	lr =	sadd.s32 s0, s3;
	s0 =	sld [smem:$0x3FAB]  }
0x30: {  	s3 =	sld [smem:$0x3FAE]  }
0x31: {  	[smem:$0x3FB7] =	sst s10  }
0x32: {  	s10 =	sld [smem:$0x3FB5];
	_ =	sdelay $0x3  }
0x33: {  	p0 =	seq.s32 s10, $0x1;
	s10 =	sld [smem:$0x3FB7];
	_ =	sdelay $0x3  }
0x34: {  	[smem:$0x3FB7] =	sst s10  }
0x35: {  	s10 =	sld [smem:$0x3FB6];
	_ =	sdelay $0x3  }
0x36: {  	p1 =	seq.s32 s10, $0x1;
	s10 =	sld [smem:$0x3FB7];
	_ =	sdelay $0x3  }
0x37: {  	[smem:$0x3FB7] =	sst s10  }
0x38: {  	s10 =	sld [smem:$0x3FB8]  }
0x39: {  	_ = 	snop;
	(pc) =	sbr.ind lr, $3  }
0x3a: {  	_ = 	snop  }
0x3b: {  	_ = 	snop  }
0x3c: {  	p2 =	seq.s32 s10, $0x1;
	s10 =	sld [smem:$0x3FB7]  }
0x3d: {  	_ =	shalt  }
0x3e: {  	_ =	shalt  }
0x3f: {  	_ =	shalt  }
0x40: {  	_ =	shalt  }
0x41: {  	_ =	shalt  }
0x42: {  	_ =	shalt  }
0x43: {  	_ =	shalt  }
0x44: {  	_ =	shalt  }
0x45: {  	_ =	shalt  }
0x46: {  	_ =	shalt  }
0x47: {  	_ =	shalt  }
0x48: {  	_ =	shalt  }
0x49: {  	_ =	shalt  }
0x4a: {  	_ =	shalt  }
0x4b: {  	_ =	shalt  }
0x4c: {  	_ =	shalt  }
0x4d: {  	_ =	shalt  }
0x4e: {  	_ =	shalt  }
0x4f: {  	_ =	shalt  }
0x50: {  	_ =	shalt  }
0x51: {  	_ =	shalt  }
0x52: {  	_ =	shalt  }
0x53: {  	_ =	shalt  }
0x54: {  	_ =	shalt  }
0x55: {  	_ =	shalt  }
0x56: {  	_ =	shalt  }
0x57: {  	_ =	shalt  }
0x58: {  	_ =	shalt  }
0x59: {  	_ =	shalt  }
0x5a: {  	_ =	shalt  }
0x5b: {  	_ =	shalt  }
0x5c: {  	_ =	shalt  }
0x5d: {  	_ =	shalt  }
0x5e: {  	_ =	shalt  }
0x5f: {  	_ =	shalt  }
0x60: {  	_ =	shalt  }
0x61: {  	_ =	shalt  }
0x62: {  	_ =	shalt  }
0x63: {  	_ =	shalt  }
0x64: {  	_ =	shalt  }
0x65: {  	_ =	shalt  }
0x66: {  	_ =	shalt  }
0x67: {  	_ =	shalt  }
0x68: {  	_ =	shalt  }
0x69: {  	_ =	shalt  }
0x6a: {  	_ =	shalt  }
0x6b: {  	_ =	shalt  }
0x6c: {  	_ =	shalt  }
0x6d: {  	_ =	shalt  }
0x6e: {  	_ =	shalt  }
0x6f: {  	_ =	shalt  }
0x70: {  	_ =	shalt  }
0x71: {  	_ =	shalt  }
0x72: {  	_ =	shalt  }
0x73: {  	_ =	shalt  }
0x74: {  	_ =	shalt  }
0x75: {  	_ =	shalt  }
0x76: {  	_ =	shalt  }
0x77: {  	_ =	shalt  }
0x78: {  	_ =	shalt  }
0x79: {  	_ =	shalt  }
0x7a: {  	_ =	shalt  }
0x7b: {  	_ =	shalt  }
0x7c: {  	_ =	shalt  }
0x7d: {  	_ =	shalt  }
0x7e: {  	_ =	shalt  }
0x7f: {  	_ =	shalt  }
0x80: {  	_ =	shalt  }
0x81: {  	_ =	shalt  }
0x82: {  	_ =	shalt  }
0x83: {  	_ =	shalt  }
0x84: {  	_ =	shalt  }
0x85: {  	_ =	shalt  }
0x86: {  	_ =	shalt  }
0x87: {  	_ =	shalt  }
.Lfunc_end0:
.L_simem_size_0:
called_computation.1_lowered:
.L_overlay_start_0:
0x88: {  	s2 =	sld [smem:$0x3FD9]  }
0x89: {  	s3 =	sld [smem:$0x3FFE];
	_ =	sdelay $0x1  }
0x8a: {  	s1 =	srdreg.scid  }
0x8b: {  	s0 =	sand.u32 $0x1, s1  }
0x8c: {  	s17 =	sshll.u32 s0, $0xA;
	s2 =	sadd.s32 s3, s2  }
0x8d: {  	s2 =	sadd.s32 s2, s17  }
0x8e: {  	[smem:$0x3FC3] =	sst s2  }
0x8f: {  	_ = 	snop  }
0x90: {  	s2 =	sld [smem:$0x3FC8];
	(tm) =	ssettm $0x1  }
0x91: {  	s18 =	sld [smem:$0x3FFB];
	_ =	sdelay $0x3  }
0x92: {  	_ =	strace s18  }
0x93: {  	s3 =	sld [smem:$0x3FFC];
	_ =	sdelay $0x3  }
0x94: {  	_ =	strace s3  }
0x95: {  	s3 =	sld [smem:$0x3FFD];
	_ =	sdelay $0x3  }
0x96: {  	_ =	strace s3  }
0x97: {  	_ =	strace $0x8FFFFFFF  }
0x98: {  	s19 =	sld [smem:$0x3FDB];
	_ =	sdelay $0x1  }
0x99: {  	s4 =	simm.s32 $_scs_section_size  }
0x9a: {  	s5 =	simm.s32 $_size__tile_overlayer_lowered;
	s6 =	simm.s32 $_tile_overlayer_lowered  }
0x9b: {  	s22 =	simm.s32 $0x1BFF;
	s21 =	sshll.u32 s6, $0x1;
	s3 =	sadd.s32 s4, s19  }
0x9c: {  	s7 =	simm.s32 $0x0;
	s20 =	sshll.u32 s5, $0x1;
	s5 =	sadd.s32 s21, s3  }
0x9d: {  	[timem:s7], [sflag:s22] =	dma.local [hbm:s5], s20  }
0x9e: {  	_ =	swait.ge [sflag:s22], s20  }
0x9f: {  	s4 =	ssub.s32 $0x0, s20;
	[sflag:s22] =	ssyncset.done $0x0  }
0xa0: {  	[sflag:s22] =	ssyncadd.s32 s4;
	_ =	sdelay $0x1  }
0xa1: {  	s23 =	simm.s32 $0x1B8B  }
0xa2: {  	_ =	swait.ge [sflag:s23], $0x1  }
0xa3: {  	[sflag:s23] =	ssyncset.done $0x0  }
0xa4: {  	s25 =	simm.s32 $0x1B8E;
	s24 =	sld [smem:$0x3FFE];
	[sflag:s23] =	ssyncadd.s32 $0xFFFFFFFF  }
0xa5: {  	s26 =	simm.s32 $execute0_lowered;
	[smem:$0x3FD2] =	sst s25  }
0xa6: {  	s5 =	sshll.u32 s26, $0x1;
	_ =	strace $0x80000046;
	[dreg:$0x1] =	wrdreg $0xFFFFFFFF  }
0xa7: {  	s28 =	simm.s32 $_size_execute0_lowered;
	s3 =	sadd.s32 s3, s5;
	[dreg:$0x0] =	wrdreg $0x0  }
0xa8: {  	s5 =	sshll.u32 s28, $0x1;
	[dreg:$0x2] =	wrdreg s3  }
0xa9: {  	[dreg:$0x3] =	wrdreg s5  }
0xaa: {  	[dreg:$0x4] =	wrdreg $0xC0  }
0xab: {  	_ =	task [dreg:s7], $0x5FFFF  }
0xac: {  	[dreg:$0x1] =	wrdreg $0xFFFFFFFF  }
0xad: {  	[dreg:$0x0] =	wrdreg $0x60  }
0xae: {  	[dreg:$0x2] =	wrdreg s2  }
0xaf: {  	[dreg:$0x3] =	wrdreg s24  }
0xb0: {  	[dreg:$0x4] =	wrdreg $0xA  }
0xb1: {  	_ =	task.clear_ibuf [dreg:s7], $0x5FFFF;
	_ =	strace $0x90000046  }
0xb2: {  	s29 =	simm.s32 $0xA;
	_ =	strace $0x80000048  }
0xb3: {  	_ =	swait.ge [sflag:s29], $0x1  }
0xb4: {  	[sflag:s29] =	ssyncadd.s32 $0xFFFFFFFF  }
0xb5: {  	_ =	strace $0x90000048  }
0xb6: {  	_ =	sfence  }
0xb7: {  	s30 =	sld [smem:$0x0];
	_ =	sdelay $0x2  }
0xb8: {  	s31 =	sshll.u32 s1, $0xD;
	s1 =	sshrl.u32 s1, $0x2  }
0xb9: {  	s3 =	sand.u32 $0x4000, s31;
	s1 =	sadd.s32 s1, s30  }
0xba: {  	s0 =	sor.u32 s3, s0;
	s1 =	sshll.u32 s1, $0x11  }
0xbb: {  	s0 =	sor.u32 s1, s0  }
0xbc: {  	s0 =	sadd.s32 $0x8F2B, s0  }
0xbd: {  	[sflag:s0] =	ssyncadd.remote.s32 $0x1  }
0xbe: {  	_ =	sfence.sel $0xFFFF  }
0xbf: {  	[dreg:$0x0] =	wrdreg $0xFFFFFFFF;
	(pc) =	sbr.abs _section_cstart, $3  }
0xc0: {  	[dreg:$0x1] =	wrdreg $0xFFFFFFFF  }
0xc1: {  	_ =	task.clear_ibuf [dreg:s7], $0x2FFFF;
	_ =	strace $0x9FFFFFFF  }
0xc2: {  	(tm) =	ssettm $0x7FFFFFFF  }
0xc3: {  	_ =	shalt  }
tec
execute0_lowered:
.L_overlay_start_1:
0x0: {  	(tag) =	ssettag $0x1  }
0x1: {  	s0 =	rddreg [dreg:$0x0]  }
0x2: {  	s1 =	rddreg [dreg:$0x1]  }
0x3: {  	s2 =	simm.s32 $0x0;
	s6 =	srdreg.scid;
	s11 =	stileid.u32  }
0x4: {  	s16 =	simm.s32 $0x1000;
	s18 =	simm.s32 $0x2;
	s19 =	simm.s32 $0x80  }
0x5: {  	s21 =	simm.s32 $0x1480;
	s22 =	simm.s32 $0x3480;
	s23 =	simm.s32 $0x1880  }
0x6: {  	s24 =	simm.s32 $0x3880;
	s25 =	simm.s32 $0x1C80;
	s26 =	simm.s32 $0x3C80  }
0x7: {  	s28 =	simm.s32 $0x1;
	s29 =	simm.s32 $0x4000;
	s30 =	simm.s32 $0x0  }
0x8: {  	[smem:$0x7FF] =	sst s2;
	s3 =	sadd.s32 $0x1C200, s1;
	s4 =	sadd.s32 $0x19000, s1  }
0x9: {  	s5 =	sadd.s32 $0x15E00, s1;
	s7 =	sadd.s32 $0x12C00, s1;
	s8 =	sadd.s32 $0xFA00, s1  }
0xa: {  	s9 =	sadd.s32 $0xC800, s1;
	s6 =	sand.u32 $0x1, s6;
	s10 =	sadd.s32 $0x9600, s1  }
0xb: {  	s12 =	sshll.u32 s11, $0xA;
	s11 =	sadd.s32 $0x6400, s1;
	s13 =	sshll.u32 s6, $0x9  }
0xc: {  	_ =	strace $0x80000047;
	s6 =	ssub.s32 $0x2, s6;
	s13 =	sor.u32 s13, s12  }
0xd: {  	s12 =	sadd.s32 $0x3200, s1;
	s15 =	sshrl.u32 s6, $0x1;
	s14 =	sshrl.u32 s13, $0x3  }
0xe: {  	s6 =	ssub.s32 s6, s15;
	s0 =	sadd.s32 s13, s0;
	s14 =	sadd.s32 s14, s1  }
0xf: {  	s13 =	sadd.s32 $0x8000, s0;
	s15 =	smax.u32 s6, $0x1;
	s14 =	sadd.s32 $0x3B600, s14  }
.LBB2_1:
0x10: {  	s0 =	simm.s32 $0x20000  }
0x11: {  	[tilespmem:s2], [sflag:$0x2] =	stream.strided.gather [hbm4b:s13+s16], $0x2000, s0, s16, $0x38;
	[tilespmem:$0x4200] =	vst v63  }
0x12: {  	_ =	swait.ge [sflag:s18], $0x2000  }
0x13: {  	[sflag:s18] =	ssyncset.done $0x0  }
0x14: {  	s17 =	simm.s32 $0x2000;
	[sflag:s18] =	ssyncadd.s32 $0xFFFFE000  }
0x15: {  	[tilespmem:s17], [sflag:$0x1] =	stream.indirect.gather [hbm4b:s3+s19], $0x1, s2, s19, $0xb8;
	[tilespmem:$0x4200] =	vst v63  }
0x16: {  	s20 =	simm.s32 $0x400;
	s6 =	simm.s32 $0x2400  }
0x17: {  	[tilespmem:s6], [sflag:$0x1] =	stream.indirect.gather [hbm4b:s3+s19], $0x1, s20, s19, $0xb8;
	[tilespmem:$0x4200] =	vst v63  }
0x18: {  	s17 =	simm.s32 $0x800;
	s20 =	simm.s32 $0x2800  }
0x19: {  	[tilespmem:s20], [sflag:$0x1] =	stream.indirect.gather [hbm4b:s3+s19], $0x1, s17, s19, $0xb8;
	[tilespmem:$0x4200] =	vst v63  }
0x1a: {  	s17 =	simm.s32 $0xC00;
	s20 =	simm.s32 $0x2C00  }
0x1b: {  	[tilespmem:s20], [sflag:$0x1] =	stream.indirect.gather [hbm4b:s3+s19], $0x1, s17, s19, $0xb8;
	[tilespmem:$0x4200] =	vst v63  }
0x1c: {  	s6 =	simm.s32 $0x2080  }
0x1d: {  	[tilespmem:s6], [sflag:$0x1] =	stream.indirect.gather [hbm4b:s4+s19], $0x1, s19, s19, $0xb8;
	[tilespmem:$0x4200] =	vst v63  }
0x1e: {  	s17 =	simm.s32 $0x480;
	s20 =	simm.s32 $0x2480  }
0x1f: {  	[tilespmem:s20], [sflag:$0x1] =	stream.indirect.gather [hbm4b:s4+s19], $0x1, s17, s19, $0xb8;
	[tilespmem:$0x4200] =	vst v63  }
0x20: {  	s17 =	simm.s32 $0x880;
	s20 =	simm.s32 $0x2880  }
0x21: {  	[tilespmem:s20], [sflag:$0x1] =	stream.indirect.gather [hbm4b:s4+s19], $0x1, s17, s19, $0xb8;
	[tilespmem:$0x4200] =	vst v63  }
0x22: {  	s17 =	simm.s32 $0xC80;
	s20 =	simm.s32 $0x2C80  }
0x23: {  	[tilespmem:s20], [sflag:$0x1] =	stream.indirect.gather [hbm4b:s4+s19], $0x1, s17, s19, $0xb8;
	[tilespmem:$0x4200] =	vst v63  }
0x24: {  	s17 =	simm.s32 $0x100;
	s20 =	simm.s32 $0x2100  }
0x25: {  	[tilespmem:s20], [sflag:$0x1] =	stream.indirect.gather [hbm4b:s5+s19], $0x1, s17, s19, $0xb8;
	[tilespmem:$0x4200] =	vst v63  }
0x26: {  	s17 =	simm.s32 $0x500;
	s20 =	simm.s32 $0x2500  }
0x27: {  	[tilespmem:s20], [sflag:$0x1] =	stream.indirect.gather [hbm4b:s5+s19], $0x1, s17, s19, $0xb8;
	[tilespmem:$0x4200] =	vst v63  }
0x28: {  	s17 =	simm.s32 $0x900;
	s20 =	simm.s32 $0x2900  }
0x29: {  	[tilespmem:s20], [sflag:$0x1] =	stream.indirect.gather [hbm4b:s5+s19], $0x1, s17, s19, $0xb8;
	[tilespmem:$0x4200] =	vst v63  }
0x2a: {  	s17 =	simm.s32 $0xD00;
	s20 =	simm.s32 $0x2D00  }
0x2b: {  	[tilespmem:s20], [sflag:$0x1] =	stream.indirect.gather [hbm4b:s5+s19], $0x1, s17, s19, $0xb8;
	[tilespmem:$0x4200] =	vst v63  }
0x2c: {  	s17 =	simm.s32 $0x180;
	s20 =	simm.s32 $0x2180  }
0x2d: {  	[tilespmem:s20], [sflag:$0x1] =	stream.indirect.gather [hbm4b:s7+s19], $0x1, s17, s19, $0xb8;
	[tilespmem:$0x4200] =	vst v63  }
0x2e: {  	s17 =	simm.s32 $0x580;
	s20 =	simm.s32 $0x2580  }
0x2f: {  	[tilespmem:s20], [sflag:$0x1] =	stream.indirect.gather [hbm4b:s7+s19], $0x1, s17, s19, $0xb8;
	[tilespmem:$0x4200] =	vst v63  }
0x30: {  	s17 =	simm.s32 $0x980;
	s20 =	simm.s32 $0x2980  }
0x31: {  	[tilespmem:s20], [sflag:$0x1] =	stream.indirect.gather [hbm4b:s7+s19], $0x1, s17, s19, $0xb8;
	[tilespmem:$0x4200] =	vst v63  }
0x32: {  	s17 =	simm.s32 $0xD80;
	s20 =	simm.s32 $0x2D80  }
0x33: {  	[tilespmem:s20], [sflag:$0x1] =	stream.indirect.gather [hbm4b:s7+s19], $0x1, s17, s19, $0xb8;
	[tilespmem:$0x4200] =	vst v63  }
0x34: {  	s17 =	simm.s32 $0x200;
	s20 =	simm.s32 $0x2200  }
0x35: {  	[tilespmem:s20], [sflag:$0x1] =	stream.indirect.gather [hbm4b:s8+s19], $0x1, s17, s19, $0xb8;
	[tilespmem:$0x4200] =	vst v63  }
0x36: {  	s17 =	simm.s32 $0x600;
	s20 =	simm.s32 $0x2600  }
0x37: {  	[tilespmem:s20], [sflag:$0x1] =	stream.indirect.gather [hbm4b:s8+s19], $0x1, s17, s19, $0xb8;
	[tilespmem:$0x4200] =	vst v63  }
0x38: {  	s17 =	simm.s32 $0xA00;
	s20 =	simm.s32 $0x2A00  }
0x39: {  	[tilespmem:s20], [sflag:$0x1] =	stream.indirect.gather [hbm4b:s8+s19], $0x1, s17, s19, $0xb8;
	[tilespmem:$0x4200] =	vst v63  }
0x3a: {  	s17 =	simm.s32 $0xE00;
	s20 =	simm.s32 $0x2E00  }
0x3b: {  	[tilespmem:s20], [sflag:$0x1] =	stream.indirect.gather [hbm4b:s8+s19], $0x1, s17, s19, $0xb8;
	[tilespmem:$0x4200] =	vst v63  }
0x3c: {  	s17 =	simm.s32 $0x280;
	s20 =	simm.s32 $0x2280  }
0x3d: {  	[tilespmem:s20], [sflag:$0x1] =	stream.indirect.gather [hbm4b:s9+s19], $0x1, s17, s19, $0xb8;
	[tilespmem:$0x4200] =	vst v63  }
0x3e: {  	s17 =	simm.s32 $0x680;
	s20 =	simm.s32 $0x2680  }
0x3f: {  	[tilespmem:s20], [sflag:$0x1] =	stream.indirect.gather [hbm4b:s9+s19], $0x1, s17, s19, $0xb8;
	[tilespmem:$0x4200] =	vst v63  }
0x40: {  	s17 =	simm.s32 $0xA80;
	s20 =	simm.s32 $0x2A80  }
0x41: {  	[tilespmem:s20], [sflag:$0x1] =	stream.indirect.gather [hbm4b:s9+s19], $0x1, s17, s19, $0xb8;
	[tilespmem:$0x4200] =	vst v63  }
0x42: {  	s17 =	simm.s32 $0xE80;
	s20 =	simm.s32 $0x2E80  }
0x43: {  	[tilespmem:s20], [sflag:$0x1] =	stream.indirect.gather [hbm4b:s9+s19], $0x1, s17, s19, $0xb8;
	[tilespmem:$0x4200] =	vst v63  }
0x44: {  	s17 =	simm.s32 $0x300;
	s20 =	simm.s32 $0x2300  }
0x45: {  	[tilespmem:s20], [sflag:$0x1] =	stream.indirect.gather [hbm4b:s10+s19], $0x1, s17, s19, $0xb8;
	[tilespmem:$0x4200] =	vst v63  }
0x46: {  	s17 =	simm.s32 $0x700;
	s20 =	simm.s32 $0x2700  }
0x47: {  	[tilespmem:s20], [sflag:$0x1] =	stream.indirect.gather [hbm4b:s10+s19], $0x1, s17, s19, $0xb8;
	[tilespmem:$0x4200] =	vst v63  }
0x48: {  	s17 =	simm.s32 $0xB00;
	s20 =	simm.s32 $0x2B00  }
0x49: {  	[tilespmem:s20], [sflag:$0x1] =	stream.indirect.gather [hbm4b:s10+s19], $0x1, s17, s19, $0xb8;
	[tilespmem:$0x4200] =	vst v63  }
0x4a: {  	s17 =	simm.s32 $0xF00;
	s20 =	simm.s32 $0x2F00  }
0x4b: {  	[tilespmem:s20], [sflag:$0x1] =	stream.indirect.gather [hbm4b:s10+s19], $0x1, s17, s19, $0xb8;
	[tilespmem:$0x4200] =	vst v63  }
0x4c: {  	s17 =	simm.s32 $0x380;
	s20 =	simm.s32 $0x2380  }
0x4d: {  	[tilespmem:s20], [sflag:$0x1] =	stream.indirect.gather [hbm4b:s11+s19], $0x1, s17, s19, $0xb8;
	[tilespmem:$0x4200] =	vst v63  }
0x4e: {  	s17 =	simm.s32 $0x780;
	s20 =	simm.s32 $0x2780  }
0x4f: {  	[tilespmem:s20], [sflag:$0x1] =	stream.indirect.gather [hbm4b:s11+s19], $0x1, s17, s19, $0xb8;
	[tilespmem:$0x4200] =	vst v63  }
0x50: {  	s17 =	simm.s32 $0xB80;
	s20 =	simm.s32 $0x2B80  }
0x51: {  	[tilespmem:s20], [sflag:$0x1] =	stream.indirect.gather [hbm4b:s11+s19], $0x1, s17, s19, $0xb8;
	[tilespmem:$0x4200] =	vst v63  }
0x52: {  	s17 =	simm.s32 $0xF80;
	s20 =	simm.s32 $0x2F80  }
0x53: {  	[tilespmem:s20], [sflag:$0x1] =	stream.indirect.gather [hbm4b:s11+s19], $0x1, s17, s19, $0xb8;
	[tilespmem:$0x4200] =	vst v63  }
0x54: {  	s6 =	simm.s32 $0x3000  }
0x55: {  	[tilespmem:s6], [sflag:$0x1] =	stream.indirect.gather [hbm4b:s12+s19], $0x1, s16, s19, $0xb8;
	[tilespmem:$0x4200] =	vst v63  }
0x56: {  	s17 =	simm.s32 $0x1400;
	s20 =	simm.s32 $0x3400  }
0x57: {  	[tilespmem:s20], [sflag:$0x1] =	stream.indirect.gather [hbm4b:s12+s19], $0x1, s17, s19, $0xb8;
	[tilespmem:$0x4200] =	vst v63  }
0x58: {  	s17 =	simm.s32 $0x1800;
	s20 =	simm.s32 $0x3800  }
0x59: {  	[tilespmem:s20], [sflag:$0x1] =	stream.indirect.gather [hbm4b:s12+s19], $0x1, s17, s19, $0xb8;
	[tilespmem:$0x4200] =	vst v63  }
0x5a: {  	s17 =	simm.s32 $0x1C00;
	s20 =	simm.s32 $0x3C00  }
0x5b: {  	[tilespmem:s20], [sflag:$0x1] =	stream.indirect.gather [hbm4b:s12+s19], $0x1, s17, s19, $0xb8;
	[tilespmem:$0x4200] =	vst v63  }
0x5c: {  	s17 =	simm.s32 $0x1080;
	s20 =	simm.s32 $0x3080  }
0x5d: {  	[tilespmem:s20], [sflag:$0x1] =	stream.indirect.gather [hbm4b:s1+s19], $0x1, s17, s19, $0xb8;
	[tilespmem:$0x4200] =	vst v63  }
0x5e: {  	_ = 	snop  }
0x5f: {  	[tilespmem:s22], [sflag:$0x1] =	stream.indirect.gather [hbm4b:s1+s19], $0x1, s21, s19, $0xb8;
	[tilespmem:$0x4200] =	vst v63  }
0x60: {  	_ = 	snop  }
0x61: {  	[tilespmem:s24], [sflag:$0x1] =	stream.indirect.gather [hbm4b:s1+s19], $0x1, s23, s19, $0xb8;
	[tilespmem:$0x4200] =	vst v63  }
0x62: {  	_ = 	snop  }
0x63: {  	[tilespmem:s26], [sflag:$0x1] =	stream.indirect.gather [hbm4b:s1+s19], $0x1, s25, s19, $0xb8;
	[tilespmem:$0x4200] =	vst v63  }
0x64: {  	_ =	swait.ge [sflag:s28], $0x80  }
0x65: {  	[sflag:s28] =	ssyncset.done $0x0  }
0x66: {  	[sflag:s28] =	ssyncadd.s32 $0xFFFFFF80  }
0x67: {  	_ =	swait.ge [sflag:s28], $0x80  }
0x68: {  	[sflag:s28] =	ssyncset.done $0x0  }
0x69: {  	[sflag:s28] =	ssyncadd.s32 $0xFFFFFF80  }
0x6a: {  	_ =	swait.ge [sflag:s28], $0x80  }
0x6b: {  	[sflag:s28] =	ssyncset.done $0x0  }
0x6c: {  	[sflag:s28] =	ssyncadd.s32 $0xFFFFFF80  }
0x6d: {  	_ =	swait.ge [sflag:s28], $0x80  }
0x6e: {  	[sflag:s28] =	ssyncset.done $0x0  }
0x6f: {  	[sflag:s28] =	ssyncadd.s32 $0xFFFFFF80  }
0x70: {  	_ =	swait.ge [sflag:s28], $0x80  }
0x71: {  	[sflag:s28] =	ssyncset.done $0x0  }
0x72: {  	[sflag:s28] =	ssyncadd.s32 $0xFFFFFF80  }
0x73: {  	_ =	swait.ge [sflag:s28], $0x80  }
0x74: {  	[sflag:s28] =	ssyncset.done $0x0  }
0x75: {  	[sflag:s28] =	ssyncadd.s32 $0xFFFFFF80  }
0x76: {  	_ =	swait.ge [sflag:s28], $0x80  }
0x77: {  	[sflag:s28] =	ssyncset.done $0x0  }
0x78: {  	[sflag:s28] =	ssyncadd.s32 $0xFFFFFF80  }
0x79: {  	_ =	swait.ge [sflag:s28], $0x80  }
0x7a: {  	[sflag:s28] =	ssyncset.done $0x0  }
0x7b: {  	[sflag:s28] =	ssyncadd.s32 $0xFFFFFF80  }
0x7c: {  	_ =	swait.ge [sflag:s28], $0x80  }
0x7d: {  	[sflag:s28] =	ssyncset.done $0x0  }
0x7e: {  	[sflag:s28] =	ssyncadd.s32 $0xFFFFFF80  }
0x7f: {  	_ =	swait.ge [sflag:s28], $0x80  }
0x80: {  	[sflag:s28] =	ssyncset.done $0x0  }
0x81: {  	[sflag:s28] =	ssyncadd.s32 $0xFFFFFF80  }
0x82: {  	_ =	swait.ge [sflag:s28], $0x80  }
0x83: {  	[sflag:s28] =	ssyncset.done $0x0  }
0x84: {  	[sflag:s28] =	ssyncadd.s32 $0xFFFFFF80  }
0x85: {  	_ =	swait.ge [sflag:s28], $0x80  }
0x86: {  	[sflag:s28] =	ssyncset.done $0x0  }
0x87: {  	[sflag:s28] =	ssyncadd.s32 $0xFFFFFF80  }
0x88: {  	_ =	swait.ge [sflag:s28], $0x80  }
0x89: {  	[sflag:s28] =	ssyncset.done $0x0  }
0x8a: {  	[sflag:s28] =	ssyncadd.s32 $0xFFFFFF80  }
0x8b: {  	_ =	swait.ge [sflag:s28], $0x80  }
0x8c: {  	[sflag:s28] =	ssyncset.done $0x0  }
0x8d: {  	[sflag:s28] =	ssyncadd.s32 $0xFFFFFF80  }
0x8e: {  	_ =	swait.ge [sflag:s28], $0x80  }
0x8f: {  	[sflag:s28] =	ssyncset.done $0x0  }
0x90: {  	[sflag:s28] =	ssyncadd.s32 $0xFFFFFF80  }
0x91: {  	_ =	swait.ge [sflag:s28], $0x80  }
0x92: {  	[sflag:s28] =	ssyncset.done $0x0  }
0x93: {  	[sflag:s28] =	ssyncadd.s32 $0xFFFFFF80  }
0x94: {  	_ =	swait.ge [sflag:s28], $0x80  }
0x95: {  	[sflag:s28] =	ssyncset.done $0x0  }
0x96: {  	[sflag:s28] =	ssyncadd.s32 $0xFFFFFF80  }
0x97: {  	_ =	swait.ge [sflag:s28], $0x80  }
0x98: {  	[sflag:s28] =	ssyncset.done $0x0  }
0x99: {  	[sflag:s28] =	ssyncadd.s32 $0xFFFFFF80  }
0x9a: {  	_ =	swait.ge [sflag:s28], $0x80  }
0x9b: {  	[sflag:s28] =	ssyncset.done $0x0  }
0x9c: {  	[sflag:s28] =	ssyncadd.s32 $0xFFFFFF80  }
0x9d: {  	_ =	swait.ge [sflag:s28], $0x80  }
0x9e: {  	[sflag:s28] =	ssyncset.done $0x0  }
0x9f: {  	[sflag:s28] =	ssyncadd.s32 $0xFFFFFF80  }
0xa0: {  	_ =	swait.ge [sflag:s28], $0x80  }
0xa1: {  	[sflag:s28] =	ssyncset.done $0x0  }
0xa2: {  	[sflag:s28] =	ssyncadd.s32 $0xFFFFFF80  }
0xa3: {  	_ =	swait.ge [sflag:s28], $0x80  }
0xa4: {  	[sflag:s28] =	ssyncset.done $0x0  }
0xa5: {  	[sflag:s28] =	ssyncadd.s32 $0xFFFFFF80  }
0xa6: {  	_ =	swait.ge [sflag:s28], $0x80  }
0xa7: {  	[sflag:s28] =	ssyncset.done $0x0  }
0xa8: {  	[sflag:s28] =	ssyncadd.s32 $0xFFFFFF80  }
0xa9: {  	_ =	swait.ge [sflag:s28], $0x80  }
0xaa: {  	[sflag:s28] =	ssyncset.done $0x0  }
0xab: {  	[sflag:s28] =	ssyncadd.s32 $0xFFFFFF80  }
0xac: {  	_ =	swait.ge [sflag:s28], $0x80  }
0xad: {  	[sflag:s28] =	ssyncset.done $0x0  }
0xae: {  	[sflag:s28] =	ssyncadd.s32 $0xFFFFFF80  }
0xaf: {  	_ =	swait.ge [sflag:s28], $0x80  }
0xb0: {  	[sflag:s28] =	ssyncset.done $0x0  }
0xb1: {  	[sflag:s28] =	ssyncadd.s32 $0xFFFFFF80  }
0xb2: {  	_ =	swait.ge [sflag:s28], $0x80  }
0xb3: {  	[sflag:s28] =	ssyncset.done $0x0  }
0xb4: {  	[sflag:s28] =	ssyncadd.s32 $0xFFFFFF80  }
0xb5: {  	_ =	swait.ge [sflag:s28], $0x80  }
0xb6: {  	[sflag:s28] =	ssyncset.done $0x0  }
0xb7: {  	[sflag:s28] =	ssyncadd.s32 $0xFFFFFF80  }
0xb8: {  	_ =	swait.ge [sflag:s28], $0x80  }
0xb9: {  	[sflag:s28] =	ssyncset.done $0x0  }
0xba: {  	[sflag:s28] =	ssyncadd.s32 $0xFFFFFF80  }
0xbb: {  	_ =	swait.ge [sflag:s28], $0x80  }
0xbc: {  	[sflag:s28] =	ssyncset.done $0x0  }
0xbd: {  	[sflag:s28] =	ssyncadd.s32 $0xFFFFFF80  }
0xbe: {  	_ =	swait.ge [sflag:s28], $0x80  }
0xbf: {  	[sflag:s28] =	ssyncset.done $0x0  }
0xc0: {  	[sflag:s28] =	ssyncadd.s32 $0xFFFFFF80  }
0xc1: {  	_ =	swait.ge [sflag:s28], $0x80  }
0xc2: {  	[sflag:s28] =	ssyncset.done $0x0  }
0xc3: {  	[sflag:s28] =	ssyncadd.s32 $0xFFFFFF80  }
0xc4: {  	_ =	swait.ge [sflag:s28], $0x80  }
0xc5: {  	[sflag:s28] =	ssyncset.done $0x0  }
0xc6: {  	[sflag:s28] =	ssyncadd.s32 $0xFFFFFF80  }
0xc7: {  	_ =	swait.ge [sflag:s28], $0x80  }
0xc8: {  	[sflag:s28] =	ssyncset.done $0x0  }
0xc9: {  	[sflag:s28] =	ssyncadd.s32 $0xFFFFFF80  }
0xca: {  	_ =	swait.ge [sflag:s28], $0x80  }
0xcb: {  	[sflag:s28] =	ssyncset.done $0x0  }
0xcc: {  	[sflag:s28] =	ssyncadd.s32 $0xFFFFFF80  }
0xcd: {  	_ =	swait.ge [sflag:s28], $0x80  }
0xce: {  	[sflag:s28] =	ssyncset.done $0x0  }
0xcf: {  	[sflag:s28] =	ssyncadd.s32 $0xFFFFFF80  }
0xd0: {  	_ =	swait.ge [sflag:s28], $0x80  }
0xd1: {  	[sflag:s28] =	ssyncset.done $0x0  }
0xd2: {  	[sflag:s28] =	ssyncadd.s32 $0xFFFFFF80  }
0xd3: {  	_ =	swait.ge [sflag:s28], $0x80  }
0xd4: {  	[sflag:s28] =	ssyncset.done $0x0  }
0xd5: {  	[sflag:s28] =	ssyncadd.s32 $0xFFFFFF80  }
0xd6: {  	_ =	swait.ge [sflag:s28], $0x80  }
0xd7: {  	[sflag:s28] =	ssyncset.done $0x0  }
0xd8: {  	[sflag:s28] =	ssyncadd.s32 $0xFFFFFF80  }
0xd9: {  	_ =	swait.ge [sflag:s28], $0x80  }
0xda: {  	s6 =	sand.u32 $0x70, s2;
	s17 =	sand.u32 $0xC00, s2;
	[sflag:s28] =	ssyncset.done $0x0  }
0xdb: {  	s0 =	sor.u32 s6, s17;
	[sflag:s28] =	ssyncadd.s32 $0xFFFFFF80  }
0xdc: {  	v0 =	vld [tilespmem:s0+$0x2080]  }
0xdd: {  	v1 =	vld [tilespmem:s0+$0x2000];
	_ =	sdelay $0x1  }
0xde: {  	v2 =	vld [tilespmem:s0+$0x2100];
	_ =	sdelay $0x1  }
0xdf: {  	v3 =	vld [tilespmem:s0+$0x2180]  }
0xe0: {  	v0 =	vadd.f32 v0, v1  }
0xe1: {  	v58 =	vld [tilespmem:s0+$0x2200]  }
0xe2: {  	v0 =	vadd.f32 v2, v0  }
0xe3: {  	v59 =	vld [tilespmem:s0+$0x2280]  }
0xe4: {  	v0 =	vadd.f32 v3, v0  }
0xe5: {  	v60 =	vld [tilespmem:s0+$0x2300]  }
0xe6: {  	v0 =	vadd.f32 v58, v0  }
0xe7: {  	v61 =	vld [tilespmem:s0+$0x2380]  }
0xe8: {  	v0 =	vadd.f32 v59, v0  }
0xe9: {  	v62 =	vld [tilespmem:s0+$0x3000]  }
0xea: {  	v0 =	vadd.f32 v60, v0  }
0xeb: {  	v63 =	vld [tilespmem:s0+$0x3080]  }
0xec: {  	v0 =	vadd.f32 v61, v0;
	_ =	sdelay $0x1  }
0xed: {  	v0 =	vadd.f32 v62, v0;
	_ =	sdelay $0x1  }
0xee: {  	s20 =	simm.s32 $0x10;
	s0 =	simm.s32 $0x80;
	v0 =	vadd.f32 v63, v0  }
0xef: {  	s6 =	sand.u32 $0x70, s20;
	s17 =	sand.u32 $0xC00, s0  }
0xf0: {  	s31 =	simm.s32 $0x4000;
	s6 =	sor.u32 s6, s17;
	s17 =	simm.s32 $0x20;
	[tilespmem:s29+$0x0] =	vst v0  }
.LBB2_2:
0xf1: {  	p0 =	sne.s32 s17, $0x1F0;
	v0 =	vld [tilespmem:s6+$0x2080]  }
0xf2: {  	v1 =	vld [tilespmem:s6+$0x2000];
	_ =	sdelay $0x1  }
0xf3: {  	v2 =	vld [tilespmem:s6+$0x2100];
	_ =	sdelay $0x1  }
0xf4: {  	v3 =	vld [tilespmem:s6+$0x2180]  }
0xf5: {  	v0 =	vadd.f32 v0, v1  }
0xf6: {  	v1 =	vld [tilespmem:s6+$0x2200]  }
0xf7: {  	v0 =	vadd.f32 v2, v0  }
0xf8: {  	v2 =	vld [tilespmem:s6+$0x2280]  }
0xf9: {  	v0 =	vadd.f32 v3, v0  }
0xfa: {  	v3 =	vld [tilespmem:s6+$0x2300]  }
0xfb: {  	v0 =	vadd.f32 v1, v0  }
0xfc: {  	v1 =	vld [tilespmem:s6+$0x2380]  }
0xfd: {  	v0 =	vadd.f32 v2, v0  }
0xfe: {  	v2 =	vld [tilespmem:s6+$0x3000]  }
0xff: {  	v0 =	vadd.f32 v3, v0  }
0x100: {  	v3 =	vld [tilespmem:s6+$0x3080]  }
0x101: {  	v0 =	vadd.f32 v1, v0;
	_ =	sdelay $0x1  }
.Ltmp0:
0x102: {  	v0 =	vadd.f32 v2, v0;
	(pc) =	sbr.rel @p0 .LBB2_2-.Ltmp0, $4  }
0x103: {  	_ = 	snop  }
0x104: {  	s0 =	sadd.s32 $0x80, s0;
	v0 =	vadd.f32 v3, v0  }
0x105: {  	s31 =	sadd.s32 $0x10, s31;
	s20 =	sand.u32 $0xC00, s0;
	s6 =	sand.u32 $0x70, s17  }
0x106: {  	s17 =	sadd.s32 $0x10, s17;
	s6 =	sor.u32 s6, s20;
	[tilespmem:s31+$0x0] =	vst v0  }
0x107: {  	v0 =	vld [tilespmem:s6+$0x2080]  }
0x108: {  	v1 =	vld [tilespmem:s6+$0x2000];
	_ =	sdelay $0x1  }
0x109: {  	v2 =	vld [tilespmem:s6+$0x2100];
	_ =	sdelay $0x1  }
0x10a: {  	v3 =	vld [tilespmem:s6+$0x2180]  }
0x10b: {  	v0 =	vadd.f32 v0, v1  }
0x10c: {  	v58 =	vld [tilespmem:s6+$0x2200]  }
0x10d: {  	v0 =	vadd.f32 v2, v0  }
0x10e: {  	v59 =	vld [tilespmem:s6+$0x2280]  }
0x10f: {  	v0 =	vadd.f32 v3, v0  }
0x110: {  	v60 =	vld [tilespmem:s6+$0x2300]  }
0x111: {  	v0 =	vadd.f32 v58, v0  }
0x112: {  	v61 =	vld [tilespmem:s6+$0x2380]  }
0x113: {  	v0 =	vadd.f32 v59, v0  }
0x114: {  	v62 =	vld [tilespmem:s6+$0x3000]  }
0x115: {  	v0 =	vadd.f32 v60, v0  }
0x116: {  	v63 =	vld [tilespmem:s6+$0x3080]  }
0x117: {  	v0 =	vadd.f32 v61, v0;
	_ =	sdelay $0x1  }
0x118: {  	v0 =	vadd.f32 v62, v0;
	_ =	sdelay $0x1  }
0x119: {  	s30 =	sadd.s32 $0x1, s30;
	v0 =	vadd.f32 v63, v0  }
0x11a: {  	s0 =	sadd.s32 $0x10, s31;
	p0 =	sne.s32 s30, s15  }
.Ltmp1:
0x11b: {  	[tilespmem:s0+$0x0] =	vst v0;
	(pc) =	sbr.rel @p0 .LBB2_1-.Ltmp1, $4  }
0x11c: {  	[hbm4b:s14+s2] =	stream.linear.scatter [tilespmem:s29], [sflag:$0x2], $0x200, $0x38;
	[tilespmem:$0x4200] =	vst v63  }
0x11d: {  	_ =	swait.ge [sflag:s18], $0x200  }
0x11e: {  	[sflag:s18] =	ssyncset.done $0x0  }
0x11f: {  	[sflag:s18] =	ssyncadd.s32 $0xFFFFFE00  }
0x120: {  	_ =	sfence.sel $0x180000  }
0x121: {  	[bflag:$0x0] =	sbarrier.arrive $0xFFFF  }
0x122: {  	_ =	strace $0x90000047  }
0x123: {  	s0 =	stileid.u32;
	[bflag:$0x2] =	sbarrier.arrive $0xFFFF  }
0x124: {  	p0 =	sne.s32 s0, $0x0;
	s0 =	rddreg [dreg:$0x2]  }
0x125: {  	s0 =	sadd.s32 @!p0 $0x100000, s0  }
0x126: {  	[sflag:s0] =	ssyncadd.tile.s32 @!p0 $0x1;
	_ =	shalt  }
.Lfunc_end2:
_tile_overlayer_lowered:
.L_overlay_start_2:
0x127: {  	(tag) =	ssettag $0x2  }
0x128: {  	s0 =	rddreg [dreg:$0x0];
	s2 =	stileid.u32  }
0x129: {  	s1 =	rddreg [dreg:$0x1];
	p0 =	sne.s32 s2, $0x0  }
0x12a: {  	s3 =	rddreg [dreg:$0x2];
	[bflag:$0x3] =	sbarrier.arrive $0xFFFF;
	s2 =	simm.s32 @!p0 $0x1C02  }
0x12b: {  	[timem:s3], [sflag:s2] =	dma.local @!p0 [hbm:s0], s1  }
0x12c: {  	s0 =	simm.s32 @!p0 $0x2  }
0x12d: {  	_ =	swait.ge @!p0 [sflag:s0], s1  }
0x12e: {  	s1 =	ssub.s32 @!p0 $0x0, s1;
	[sflag:s0] =	ssyncset.done @!p0 $0x0  }
0x12f: {  	[sflag:s0] =	ssyncadd.s32 @!p0 s1  }
0x130: {  	[bflag:$0x3] =	sbarrier.arrive $0xFFFF  }
0x131: {  	_ =	shalt  }

</sc_bundles>
